<compile_context>
chip_gen: v7x
topology: tpu7x:2x2x1
jax: 0.10.2.dev20260603
libtpu: 0.0.44.dev20260713+nightly
codegen_flags: <defaults>
</compile_context>

<pallas_src>
import functools

import jax
import jax.numpy as jnp
from jax import lax
from jax.experimental import pallas as pl
from jax.experimental.pallas import tpu as pltpu
from jax.experimental.pallas import tpu_sc as plsc

_NUM_SP = 2048
_TEMP = 1.0
_EPS = 1e-08
_C = 19

_NC = 2
_NS = 16
_NW = _NC * _NS
_L = 16

_R = 2
_CHUNK = 4096
_ACCROWS = _NUM_SP + 1
_ACCSIZE = _L * _ACCROWS


def _softmax_idx_body(x_ref, sp_ref, sm_ref, prob_ref, idx_ref):
    x = x_ref[0] * (1.0 / _TEMP)
    m = jnp.max(x, axis=0, keepdims=True)
    e = jnp.exp(x - m)
    s = jnp.sum(e, axis=0, keepdims=True)
    prob_ref[0] = e / s
    idx_ref[0, 0] = jnp.where(sm_ref[0, 0] != 0, sp_ref[0, 0], _NUM_SP)


def _softmax_call(x3, sp3, sm3, pb):
    n, c, p = x3.shape
    nblk = p // pb
    grid = (n, nblk)
    return pl.pallas_call(
        _softmax_idx_body,
        grid=grid,
        in_specs=[
            pl.BlockSpec((1, c, pb), lambda i, j: (i, 0, j)),
            pl.BlockSpec((1, 1, pb), lambda i, j, _nb=nblk: (i * _nb + j, 0, 0)),
            pl.BlockSpec((1, 1, pb), lambda i, j, _nb=nblk: (i * _nb + j, 0, 0)),
        ],
        out_specs=[
            pl.BlockSpec((1, c, pb), lambda i, j: (i, 0, j)),
            pl.BlockSpec((1, 1, pb), lambda i, j, _nb=nblk: (i * _nb + j, 0, 0)),
        ],
        out_shape=[
            jax.ShapeDtypeStruct((n, c, p), jnp.float32),
            jax.ShapeDtypeStruct((n * nblk, 1, pb), jnp.int32),
        ],
    )(x3, sp3, sm3)


def _scatter_max_call(probs, idxm):
    n, c, p = probs.shape
    half = p // _R
    nchunk = half // _CHUNK
    units = n * c * _R
    rounds = (units + _NW - 1) // _NW
    mesh = plsc.VectorSubcoreMesh(core_axis_name="c", subcore_axis_name="s")

    @functools.partial(
        pl.kernel,
        mesh=mesh,
        compiler_params=pltpu.CompilerParams(needs_layout_passes=False),
        out_type=jax.ShapeDtypeStruct((n, c, _R, _NUM_SP), jnp.float32),
        scratch_types=[
            pltpu.VMEM((2, _CHUNK), jnp.float32),
            pltpu.VMEM((2, _CHUNK), jnp.int32),
            pltpu.VMEM((_ACCSIZE,), jnp.float32),
            pltpu.VMEM((_ACCSIZE,), jnp.float32),
            pltpu.VMEM((_ACCSIZE,), jnp.float32),
            pltpu.VMEM((_NUM_SP,), jnp.float32),
            pltpu.SemaphoreType.DMA,
            pltpu.SemaphoreType.DMA,
        ],
    )
    def _sc(probs_hbm, idx_hbm, out_hbm, pbuf, ibuf, acc0, acc1, acc2, obuf, psem, isem):
        wid = lax.axis_index("s") * _NC + lax.axis_index("c")
        lane = lax.iota(jnp.int32, _L) * _ACCROWS
        zero16 = jnp.zeros((_L,), jnp.float32)
        for k in range(rounds):
            u = wid + k * _NW

            @pl.when(u < units)
            def _():
                img = u // (c * _R)
                rem = u % (c * _R)
                ch = rem // _R
                r = rem % _R
                p0 = r * half

                def zbody(j, carry):
                    acc0[pl.ds(j * _L, _L)] = zero16
                    acc1[pl.ds(j * _L, _L)] = zero16
                    acc2[pl.ds(j * _L, _L)] = zero16
                    return carry

                lax.fori_loop(0, _ACCROWS, zbody, 0)

                def start_dma(t, buf):
                    off = p0 + t * _CHUNK
                    pltpu.async_copy(
                        probs_hbm.at[img, ch, pl.ds(off, _CHUNK)], pbuf.at[buf], psem
                    )
                    pltpu.async_copy(idx_hbm.at[img, pl.ds(off, _CHUNK)], ibuf.at[buf], isem)

                def wait_dma(buf):
                    pltpu.make_async_copy(
                        probs_hbm.at[img, ch, pl.ds(0, _CHUNK)], pbuf.at[buf], psem
                    ).wait()
                    pltpu.make_async_copy(
                        idx_hbm.at[img, pl.ds(0, _CHUNK)], ibuf.at[buf], isem
                    ).wait()

                start_dma(0, 0)

                def cbody(t, carry):
                    cur = lax.rem(t, 2)
                    wait_dma(cur)

                    @pl.when(t + 1 < nchunk)
                    def _():
                        start_dma(t + 1, 1 - cur)

                    def vbody(v, inner):
                        a0 = ibuf[cur, pl.ds(3 * v * _L, _L)] + lane
                        old0 = plsc.load_gather(acc0, [a0])
                        a1 = ibuf[cur, pl.ds((3 * v + 1) * _L, _L)] + lane
                        old1 = plsc.load_gather(acc1, [a1])
                        a2 = ibuf[cur, pl.ds((3 * v + 2) * _L, _L)] + lane
                        old2 = plsc.load_gather(acc2, [a2])
                        plsc.store_scatter(
                            acc0, [a0], jnp.maximum(old0, pbuf[cur, pl.ds(3 * v * _L, _L)])
                        )
                        plsc.store_scatter(
                            acc1,
                            [a1],
                            jnp.maximum(old1, pbuf[cur, pl.ds((3 * v + 1) * _L, _L)]),
                        )
                        plsc.store_scatter(
                            acc2,
                            [a2],
                            jnp.maximum(old2, pbuf[cur, pl.ds((3 * v + 2) * _L, _L)]),
                        )
                        return inner

                    nfull = _CHUNK // _L // 3
                    lax.fori_loop(0, nfull, vbody, 0)
                    for w in range(3 * nfull, _CHUNK // _L):
                        aw = ibuf[cur, pl.ds(w * _L, _L)] + lane
                        oldw = plsc.load_gather(acc0, [aw])
                        plsc.store_scatter(
                            acc0, [aw], jnp.maximum(oldw, pbuf[cur, pl.ds(w * _L, _L)])
                        )
                    return carry

                lax.fori_loop(0, nchunk, cbody, 0)

                def rbody(b, carry):
                    base = b * _L
                    mx = jnp.maximum(
                        jnp.maximum(acc0[pl.ds(base, _L)], acc1[pl.ds(base, _L)]),
                        acc2[pl.ds(base, _L)],
                    )
                    for l in range(1, _L):
                        mx = jnp.maximum(mx, acc0[pl.ds(l * _ACCROWS + base, _L)])
                        mx = jnp.maximum(mx, acc1[pl.ds(l * _ACCROWS + base, _L)])
                        mx = jnp.maximum(mx, acc2[pl.ds(l * _ACCROWS + base, _L)])
                    obuf[pl.ds(base, _L)] = mx
                    return carry

                lax.fori_loop(0, _NUM_SP // _L, rbody, 0)
                pltpu.sync_copy(obuf, out_hbm.at[img, ch, r])

    return _sc(probs, idxm)


def _ce_body(part_ref, trg_ref, out_ref):
    total = jnp.float32(0.0)
    cnt = jnp.float32(0.0)
    for i in range(part_ref.shape[0]):
        pm = part_ref[i, :, 0]
        for r in range(1, _R):
            pm = jnp.maximum(pm, part_ref[i, :, r])
        trg = trg_ref[i][:, :_C]
        rowmask = jnp.any(trg != 0, axis=1)
        top = pm.T * trg * rowmask[:, None].astype(jnp.float32)
        nz = top > 0
        cnt = cnt + jnp.sum(nz.astype(jnp.float32))
        total = total + jnp.sum(jnp.where(nz, -jnp.log(top + _EPS), 0.0))
    out_ref[0, 0] = total / (cnt + 1.0)


def _ce_call(partials, targets):
    return pl.pallas_call(
        _ce_body,
        out_specs=pl.BlockSpec(memory_space=pltpu.SMEM),
        out_shape=jax.ShapeDtypeStruct((1, 1), jnp.float32),
    )(partials, targets)


def kernel(inputs, targets, superpixels, spmasks):
    n, c, h, w = inputs.shape
    p = h * w
    pb = 32768
    nblk = p // pb
    x3 = inputs.reshape(n, c, p)
    sp3 = superpixels.astype(jnp.int32).reshape(n * nblk, 1, pb)
    sm3 = spmasks.astype(jnp.int32).reshape(n * nblk, 1, pb)
    probs, idxm = _softmax_call(x3, sp3, sm3, pb)
    partials = _scatter_max_call(probs, idxm.reshape(n, p))
    loss = _ce_call(partials, targets)
    return loss[0, 0]

# --- scband reference (transcript-rebuilt; emitter-appended) ---
"""Pipeline reference for scband-group-multi-label-ce-12128987644154 (READ-ONLY COPY).

The authoritative reference and input builder live on the scoring server;
editing this copy changes nothing except your own understanding.
"""

import jax, jax.numpy as jnp
import numpy as np

NUM_SUPERPIXEL = 2048
TEMP = 1.0
EPS = 1e-08


def setup_inputs(seed: int = 0) -> dict:
    key = jax.random.key(seed)
    k1, k2, k3, k4 = jax.random.split(key, 4)
    inputs = jax.random.normal(k1, (4, 19, 512, 512), dtype=jnp.float32)
    targets = jax.random.randint(k2, (4, 2048, 20), 0, 2).astype(jnp.float32)
    superpixels = jax.random.randint(k3, (4, 512, 512), 0, NUM_SUPERPIXEL).astype(jnp.int32)
    spmasks = (jax.random.randint(k4, (4, 512, 512), 0, 2) > 0)
    return {"inputs": inputs, "targets": targets, "superpixels": superpixels, "spmasks": spmasks}


def reference(inputs, targets, superpixels, spmasks):
    N, C, H, W = inputs.shape
    outputs = jax.nn.softmax(inputs / TEMP, axis=1)
    outputs = jnp.transpose(outputs, (0, 2, 3, 1)).reshape(N, -1, C)
    sp = superpixels.reshape(N, -1)
    sm = spmasks.reshape(N, -1)
    # torch.any over float multi-hot -> nonzero test
    empty_trg_mask = jnp.any(targets[..., :-1] != 0, axis=2)
    loss = jnp.float32(0.0)
    num_valid = jnp.int32(1)
    for i in range(N):
        # route invalid pixels to a dummy segment that is dropped
        idx = jnp.where(sm[i], sp[i], NUM_SUPERPIXEL)
        seg_max = jax.ops.segment_max(outputs[i], idx, num_segments=NUM_SUPERPIXEL + 1)[:NUM_SUPERPIXEL]
        # torch_scatter leaves empty segments at 0; jax gives -inf for empty
        seg_max = jnp.where(jnp.isfinite(seg_max), seg_max, 0.0)
        trg = targets[i][..., :-1]
        row_mask = empty_trg_mask[i][:, None]
        top_one_preds = seg_max * trg * row_mask
        nz = top_one_preds > 0
        num_valid = num_valid + nz.sum().astype(jnp.int32)
        loss = loss + jnp.where(nz, -jnp.log(top_one_preds + EPS), 0.0).sum()
    return loss / num_valid.astype(jnp.float32)

if __name__ == "__main__":
    import jax
    _d = setup_inputs()
    print(jax.jit(kernel)(*tuple(_d.values())))

</pallas_src>

<mosaic_0001>
#map = affine_map<(d0, d1) -> (0, 0, 0)>
#map1 = affine_map<(d0, d1) -> (0, 0)>
#map2 = affine_map<(d0, d1) -> (0, 0, 0, 0)>
module attributes {stable_mosaic.version = 14 : i64} {
  func.func @_sc(%arg0: i32, %arg1: i32, %arg2: memref<4x19x262144xf32, #tpu.memory_space<hbm>>, %arg3: memref<4x262144xi32, #tpu.memory_space<hbm>>, %arg4: memref<4x19x2x2048xf32, #tpu.memory_space<hbm>>, %arg5: memref<2x4096xf32, #tpu.memory_space<vmem>>, %arg6: memref<2x4096xi32, #tpu.memory_space<vmem>>, %arg7: memref<32784xf32, #tpu.memory_space<vmem>>, %arg8: memref<32784xf32, #tpu.memory_space<vmem>>, %arg9: memref<32784xf32, #tpu.memory_space<vmem>>, %arg10: memref<2048xf32, #tpu.memory_space<vmem>>, %arg11: memref<!tpu.dma_semaphore, #tpu.memory_space<semaphore_mem>>, %arg12: memref<!tpu.dma_semaphore, #tpu.memory_space<semaphore_mem>>) attributes {dimension_semantics = [#tpu.dimension_semantics<core_parallel>, #tpu.dimension_semantics<subcore_parallel>], iteration_bounds = array<i64: 2, 16>, scalar_prefetch = 0 : i64, scratch_operands = 8 : i64, tpu.core_type = #tpu.core_type<sc_vector_subcore>, window_params = [{transform_indices = #map}, {transform_indices = #map1}, {transform_indices = #map2}]} {
    %mul3A = arith.constant 2 : i32
    %mul3A_0 = arith.muli %arg1, %mul3A : i32
    %add3A = arith.addi %mul3A_0, %arg0 : i32
    %iota3A = tpu.iota {dimensions = array<i32: 0>} : vector<16xi32>
    %mul3A_1 = arith.constant 2049 : i32
    %mul3A_2 = vector.broadcast %mul3A_1 : i32 to vector<16xi32>
    %mul3A_3 = arith.muli %iota3A, %mul3A_2 : vector<16xi32>
    %broadcast_in_dim3A = arith.constant 0.000000e+00 : f32
    %broadcast_in_dim3A_4 = vector.broadcast %broadcast_in_dim3A : f32 to vector<16xf32>
    %add3A_5 = arith.constant 0 : i32
    %add3A_6 = arith.addi %add3A, %add3A_5 : i32
    %lt3A = arith.constant 152 : i32
    %lt3A_7 = arith.cmpi slt, %add3A_6, %lt3A : i32
    %convert_element_type3A = arith.extui %lt3A_7 : i1 to i32
    %cond3A = arith.constant 0 : i32
    %cond3A_8 = arith.cmpi ne, %convert_element_type3A, %cond3A : i32
    scf.if %cond3A_8 {
      %jit3A = arith.constant 38 : i32
      %div3A = arith.divsi %add3A_6, %jit3A : i32
      %sign3A = arith.constant 0 : i32
      %sign3A_37 = arith.cmpi sgt, %add3A_6, %sign3A : i32
      %sign3A_38 = arith.extui %sign3A_37 : i1 to i32
      %sign3A_39 = arith.constant 0 : i32
      %sign3A_40 = arith.cmpi slt, %add3A_6, %sign3A_39 : i32
      %sign3A_41 = arith.extui %sign3A_40 : i1 to i32
      %sign3A_42 = arith.subi %sign3A_38, %sign3A_41 : i32
      %sign3A_43 = arith.constant 0 : i32
      %sign3A_44 = arith.cmpi sgt, %jit3A, %sign3A_43 : i32
      %sign3A_45 = arith.extui %sign3A_44 : i1 to i32
      %sign3A_46 = arith.constant 0 : i32
      %sign3A_47 = arith.cmpi slt, %jit3A, %sign3A_46 : i32
      %sign3A_48 = arith.extui %sign3A_47 : i1 to i32
      %sign3A_49 = arith.subi %sign3A_45, %sign3A_48 : i32
      %ne3A = arith.cmpi ne, %sign3A_42, %sign3A_49 : i32
      %rem3A = arith.remsi %add3A_6, %jit3A : i32
      %ne3A_50 = arith.constant 0 : i32
      %ne3A_51 = arith.cmpi ne, %rem3A, %ne3A_50 : i32
      %and3A = arith.andi %ne3A, %ne3A_51 : i1
      %sub3A = arith.constant 1 : i32
      %sub3A_52 = arith.subi %div3A, %sub3A : i32
      %select_n3A = arith.select %and3A, %sub3A_52, %div3A : i32
      %jit3A_53 = arith.constant 38 : i32
      %eq3A = arith.constant 0 : i32
      %eq3A_54 = arith.cmpi eq, %jit3A_53, %eq3A : i32
      %jit3A_55 = arith.constant 1 : i32
      %select_n3A_56 = arith.select %eq3A_54, %jit3A_55, %jit3A_53 : i32
      %rem3A_57 = arith.remsi %add3A_6, %select_n3A_56 : i32
      %ne3A_58 = arith.constant 0 : i32
      %ne3A_59 = arith.cmpi ne, %rem3A_57, %ne3A_58 : i32
      %lt3A_60 = arith.constant 0 : i32
      %lt3A_61 = arith.cmpi slt, %rem3A_57, %lt3A_60 : i32
      %lt3A_62 = arith.constant 0 : i32
      %lt3A_63 = arith.cmpi slt, %select_n3A_56, %lt3A_62 : i32
      %ne3A_64 = arith.xori %lt3A_61, %lt3A_63 : i1
      %and3A_65 = arith.andi %ne3A_64, %ne3A_59 : i1
      %add3A_66 = arith.addi %rem3A_57, %select_n3A_56 : i32
      %select_n3A_67 = arith.select %and3A_65, %add3A_66, %rem3A_57 : i32
      %jit3A_68 = arith.constant 2 : i32
      %div3A_69 = arith.divsi %select_n3A_67, %jit3A_68 : i32
      %sign3A_70 = arith.constant 0 : i32
      %sign3A_71 = arith.cmpi sgt, %select_n3A_67, %sign3A_70 : i32
      %sign3A_72 = arith.extui %sign3A_71 : i1 to i32
      %sign3A_73 = arith.constant 0 : i32
      %sign3A_74 = arith.cmpi slt, %select_n3A_67, %sign3A_73 : i32
      %sign3A_75 = arith.extui %sign3A_74 : i1 to i32
      %sign3A_76 = arith.subi %sign3A_72, %sign3A_75 : i32
      %sign3A_77 = arith.constant 0 : i32
      %sign3A_78 = arith.cmpi sgt, %jit3A_68, %sign3A_77 : i32
      %sign3A_79 = arith.extui %sign3A_78 : i1 to i32
      %sign3A_80 = arith.constant 0 : i32
      %sign3A_81 = arith.cmpi slt, %jit3A_68, %sign3A_80 : i32
      %sign3A_82 = arith.extui %sign3A_81 : i1 to i32
      %sign3A_83 = arith.subi %sign3A_79, %sign3A_82 : i32
      %ne3A_84 = arith.cmpi ne, %sign3A_76, %sign3A_83 : i32
      %rem3A_85 = arith.remsi %select_n3A_67, %jit3A_68 : i32
      %ne3A_86 = arith.constant 0 : i32
      %ne3A_87 = arith.cmpi ne, %rem3A_85, %ne3A_86 : i32
      %and3A_88 = arith.andi %ne3A_84, %ne3A_87 : i1
      %sub3A_89 = arith.constant 1 : i32
      %sub3A_90 = arith.subi %div3A_69, %sub3A_89 : i32
      %select_n3A_91 = arith.select %and3A_88, %sub3A_90, %div3A_69 : i32
      %jit3A_92 = arith.constant 2 : i32
      %eq3A_93 = arith.constant 0 : i32
      %eq3A_94 = arith.cmpi eq, %jit3A_92, %eq3A_93 : i32
      %jit3A_95 = arith.constant 1 : i32
      %select_n3A_96 = arith.select %eq3A_94, %jit3A_95, %jit3A_92 : i32
      %rem3A_97 = arith.remsi %select_n3A_67, %select_n3A_96 : i32
      %ne3A_98 = arith.constant 0 : i32
      %ne3A_99 = arith.cmpi ne, %rem3A_97, %ne3A_98 : i32
      %lt3A_100 = arith.constant 0 : i32
      %lt3A_101 = arith.cmpi slt, %rem3A_97, %lt3A_100 : i32
      %lt3A_102 = arith.constant 0 : i32
      %lt3A_103 = arith.cmpi slt, %select_n3A_96, %lt3A_102 : i32
      %ne3A_104 = arith.xori %lt3A_101, %lt3A_103 : i1
      %and3A_105 = arith.andi %ne3A_104, %ne3A_99 : i1
      %add3A_106 = arith.addi %rem3A_97, %select_n3A_96 : i32
      %select_n3A_107 = arith.select %and3A_105, %add3A_106, %rem3A_97 : i32
      %mul3A_108 = arith.constant 131072 : i32
      %mul3A_109 = arith.muli %select_n3A_107, %mul3A_108 : i32
      %scan3A = arith.constant 0 : i32
      %scan3A_110 = arith.constant 0 : i32
      %scan3A_111 = arith.constant 2049 : i32
      %scan3A_112 = arith.addi %scan3A_110, %scan3A_111 : i32
      %scan3A_113 = arith.constant 1 : i32
      scf.for %scan3A_150 = %scan3A_110 to %scan3A_112 step %scan3A_113  : i32 {
        %mul3A_151 = arith.constant 16 : i32
        %mul3A_152 = arith.muli %scan3A_150, %mul3A_151 : i32
        %swap3A = arith.index_cast %mul3A_152 : i32 to index
        %swap3A_153 = tpu.vector_load %arg7[%swap3A] {strides = array<i32>} : memref<32784xf32, #tpu.memory_space<vmem>>, vector<16xf32>,
        tpu.vector_store %arg7[%swap3A], %broadcast_in_dim3A_4 {strides = array<i32>} : memref<32784xf32, #tpu.memory_space<vmem>>, vector<16xf32>,
        %mul3A_154 = arith.constant 16 : i32
        %mul3A_155 = arith.muli %scan3A_150, %mul3A_154 : i32
        %swap3A_156 = arith.index_cast %mul3A_155 : i32 to index
        %swap3A_157 = tpu.vector_load %arg8[%swap3A_156] {strides = array<i32>} : memref<32784xf32, #tpu.memory_space<vmem>>, vector<16xf32>,
        tpu.vector_store %arg8[%swap3A_156], %broadcast_in_dim3A_4 {strides = array<i32>} : memref<32784xf32, #tpu.memory_space<vmem>>, vector<16xf32>,
        %mul3A_158 = arith.constant 16 : i32
        %mul3A_159 = arith.muli %scan3A_150, %mul3A_158 : i32
        %swap3A_160 = arith.index_cast %mul3A_159 : i32 to index
        %swap3A_161 = tpu.vector_load %arg9[%swap3A_160] {strides = array<i32>} : memref<32784xf32, #tpu.memory_space<vmem>>, vector<16xf32>,
        tpu.vector_store %arg9[%swap3A_160], %broadcast_in_dim3A_4 {strides = array<i32>} : memref<32784xf32, #tpu.memory_space<vmem>>, vector<16xf32>,
      }
      %scan3A_114 = arith.constant 2049 : i32
      %add3A_115 = arith.constant 0 : i32
      %add3A_116 = arith.addi %mul3A_109, %add3A_115 : i32
      %dma_start3A = arith.constant 0 : i32
      %dma_start3A_117 = arith.constant 0 : i32
      %dma_start3A_118 = tpu.memref_slice %arg5[%dma_start3A, %dma_start3A_117] : memref<2x4096xf32, #tpu.memory_space<vmem>> -> memref<1x4096xf32, #tpu.memory_space<vmem>>
      %dma_start3A_119 = tpu.memref_squeeze %dma_start3A_118 : memref<1x4096xf32, #tpu.memory_space<vmem>> -> memref<4096xf32, #tpu.memory_space<vmem>>
      %dma_start3A_120 = tpu.memref_slice %arg2[%select_n3A, %select_n3A_91, %add3A_116] : memref<4x19x262144xf32, #tpu.memory_space<hbm>> -> memref<1x1x4096xf32, #tpu.memory_space<hbm>>
      %dma_start3A_121 = tpu.memref_squeeze %dma_start3A_120 : memref<1x1x4096xf32, #tpu.memory_space<hbm>> -> memref<4096xf32, #tpu.memory_space<hbm>>
      %dma_start3A_122 = arith.constant 0 : i32
      %dma_start3A_123 = tpu.memref_slice %arg5[%dma_start3A, %dma_start3A_122] : memref<2x4096xf32, #tpu.memory_space<vmem>> -> memref<1x4096xf32, #tpu.memory_space<vmem>>
      %dma_start3A_124 = tpu.memref_squeeze %dma_start3A_123 : memref<1x4096xf32, #tpu.memory_space<vmem>> -> memref<4096xf32, #tpu.memory_space<vmem>>
      %dma_start3A_125 = tpu.memref_slice %arg2[%select_n3A, %select_n3A_91, %add3A_116] : memref<4x19x262144xf32, #tpu.memory_space<hbm>> -> memref<1x1x4096xf32, #tpu.memory_space<hbm>>
      %dma_start3A_126 = tpu.memref_squeeze %dma_start3A_125 : memref<1x1x4096xf32, #tpu.memory_space<hbm>> -> memref<4096xf32, #tpu.memory_space<hbm>>
      tpu.enqueue_dma source(%dma_start3A_126 : memref<4096xf32, #tpu.memory_space<hbm>>) target(%dma_start3A_124 : memref<4096xf32, #tpu.memory_space<vmem>>) target_semaphore(%arg11 : memref<!tpu.dma_semaphore, #tpu.memory_space<semaphore_mem>>)
      %dma_start3A_127 = arith.constant 0 : i32
      %dma_start3A_128 = arith.constant 0 : i32
      %dma_start3A_129 = tpu.memref_slice %arg6[%dma_start3A_127, %dma_start3A_128] : memref<2x4096xi32, #tpu.memory_space<vmem>> -> memref<1x4096xi32, #tpu.memory_space<vmem>>
      %dma_start3A_130 = tpu.memref_squeeze %dma_start3A_129 : memref<1x4096xi32, #tpu.memory_space<vmem>> -> memref<4096xi32, #tpu.memory_space<vmem>>
      %dma_start3A_131 = tpu.memref_slice %arg3[%select_n3A, %add3A_116] : memref<4x262144xi32, #tpu.memory_space<hbm>> -> memref<1x4096xi32, #tpu.memory_space<hbm>>
      %dma_start3A_132 = tpu.memref_squeeze %dma_start3A_131 : memref<1x4096xi32, #tpu.memory_space<hbm>> -> memref<4096xi32, #tpu.memory_space<hbm>>
      %dma_start3A_133 = arith.constant 0 : i32
      %dma_start3A_134 = tpu.memref_slice %arg6[%dma_start3A_127, %dma_start3A_133] : memref<2x4096xi32, #tpu.memory_space<vmem>> -> memref<1x4096xi32, #tpu.memory_space<vmem>>
      %dma_start3A_135 = tpu.memref_squeeze %dma_start3A_134 : memref<1x4096xi32, #tpu.memory_space<vmem>> -> memref<4096xi32, #tpu.memory_space<vmem>>
      %dma_start3A_136 = tpu.memref_slice %arg3[%select_n3A, %add3A_116] : memref<4x262144xi32, #tpu.memory_space<hbm>> -> memref<1x4096xi32, #tpu.memory_space<hbm>>
      %dma_start3A_137 = tpu.memref_squeeze %dma_start3A_136 : memref<1x4096xi32, #tpu.memory_space<hbm>> -> memref<4096xi32, #tpu.memory_space<hbm>>
      tpu.enqueue_dma source(%dma_start3A_137 : memref<4096xi32, #tpu.memory_space<hbm>>) target(%dma_start3A_135 : memref<4096xi32, #tpu.memory_space<vmem>>) target_semaphore(%arg12 : memref<!tpu.dma_semaphore, #tpu.memory_space<semaphore_mem>>)
      %scan3A_138 = arith.constant 0 : i32
      %scan3A_139 = arith.constant 0 : i32
      %scan3A_140 = arith.constant 32 : i32
      %scan3A_141 = arith.addi %scan3A_139, %scan3A_140 : i32
      %scan3A_142 = arith.constant 1 : i32
      scf.for %scan3A_150 = %scan3A_139 to %scan3A_141 step %scan3A_142  : i32 {
        %rem3A_151 = arith.constant 2 : i32
        %rem3A_152 = arith.remsi %scan3A_150, %rem3A_151 : i32
        %dma_wait3A = arith.constant 0 : i32
        %dma_wait3A_153 = tpu.memref_slice %arg5[%rem3A_152, %dma_wait3A] : memref<2x4096xf32, #tpu.memory_space<vmem>> -> memref<1x4096xf32, #tpu.memory_space<vmem>>
        %dma_wait3A_154 = tpu.memref_squeeze %dma_wait3A_153 : memref<1x4096xf32, #tpu.memory_space<vmem>> -> memref<4096xf32, #tpu.memory_space<vmem>>
        %dma_wait3A_155 = arith.constant 0 : i32
        %dma_wait3A_156 = tpu.memref_slice %arg2[%select_n3A, %select_n3A_91, %dma_wait3A_155] : memref<4x19x262144xf32, #tpu.memory_space<hbm>> -> memref<1x1x4096xf32, #tpu.memory_space<hbm>>
        %dma_wait3A_157 = tpu.memref_squeeze %dma_wait3A_156 : memref<1x1x4096xf32, #tpu.memory_space<hbm>> -> memref<4096xf32, #tpu.memory_space<hbm>>
        %dma_wait3A_158 = arith.constant 0 : i32
        %dma_wait3A_159 = tpu.memref_slice %arg5[%rem3A_152, %dma_wait3A_158] : memref<2x4096xf32, #tpu.memory_space<vmem>> -> memref<1x4096xf32, #tpu.memory_space<vmem>>
        %dma_wait3A_160 = tpu.memref_squeeze %dma_wait3A_159 : memref<1x4096xf32, #tpu.memory_space<vmem>> -> memref<4096xf32, #tpu.memory_space<vmem>>
        %dma_wait3A_161 = arith.constant 0 : i32
        %dma_wait3A_162 = tpu.memref_slice %arg2[%select_n3A, %select_n3A_91, %dma_wait3A_161] : memref<4x19x262144xf32, #tpu.memory_space<hbm>> -> memref<1x1x4096xf32, #tpu.memory_space<hbm>>
        %dma_wait3A_163 = tpu.memref_squeeze %dma_wait3A_162 : memref<1x1x4096xf32, #tpu.memory_space<hbm>> -> memref<4096xf32, #tpu.memory_space<hbm>>
        tpu.wait_dma2 semaphore(%arg11 : memref<!tpu.dma_semaphore, #tpu.memory_space<semaphore_mem>>) src(%dma_wait3A_163 : memref<4096xf32, #tpu.memory_space<hbm>>) dst(%dma_wait3A_160 : memref<4096xf32, #tpu.memory_space<vmem>>)
        %dma_wait3A_164 = arith.constant 0 : i32
        %dma_wait3A_165 = tpu.memref_slice %arg6[%rem3A_152, %dma_wait3A_164] : memref<2x4096xi32, #tpu.memory_space<vmem>> -> memref<1x4096xi32, #tpu.memory_space<vmem>>
        %dma_wait3A_166 = tpu.memref_squeeze %dma_wait3A_165 : memref<1x4096xi32, #tpu.memory_space<vmem>> -> memref<4096xi32, #tpu.memory_space<vmem>>
        %dma_wait3A_167 = arith.constant 0 : i32
        %dma_wait3A_168 = tpu.memref_slice %arg3[%select_n3A, %dma_wait3A_167] : memref<4x262144xi32, #tpu.memory_space<hbm>> -> memref<1x4096xi32, #tpu.memory_space<hbm>>
        %dma_wait3A_169 = tpu.memref_squeeze %dma_wait3A_168 : memref<1x4096xi32, #tpu.memory_space<hbm>> -> memref<4096xi32, #tpu.memory_space<hbm>>
        %dma_wait3A_170 = arith.constant 0 : i32
        %dma_wait3A_171 = tpu.memref_slice %arg6[%rem3A_152, %dma_wait3A_170] : memref<2x4096xi32, #tpu.memory_space<vmem>> -> memref<1x4096xi32, #tpu.memory_space<vmem>>
        %dma_wait3A_172 = tpu.memref_squeeze %dma_wait3A_171 : memref<1x4096xi32, #tpu.memory_space<vmem>> -> memref<4096xi32, #tpu.memory_space<vmem>>
        %dma_wait3A_173 = arith.constant 0 : i32
        %dma_wait3A_174 = tpu.memref_slice %arg3[%select_n3A, %dma_wait3A_173] : memref<4x262144xi32, #tpu.memory_space<hbm>> -> memref<1x4096xi32, #tpu.memory_space<hbm>>
        %dma_wait3A_175 = tpu.memref_squeeze %dma_wait3A_174 : memref<1x4096xi32, #tpu.memory_space<hbm>> -> memref<4096xi32, #tpu.memory_space<hbm>>
        tpu.wait_dma2 semaphore(%arg12 : memref<!tpu.dma_semaphore, #tpu.memory_space<semaphore_mem>>) src(%dma_wait3A_175 : memref<4096xi32, #tpu.memory_space<hbm>>) dst(%dma_wait3A_172 : memref<4096xi32, #tpu.memory_space<vmem>>)
        %add3A_176 = arith.constant 1 : i32
        %add3A_177 = arith.addi %scan3A_150, %add3A_176 : i32
        %lt3A_178 = arith.constant 32 : i32
        %lt3A_179 = arith.cmpi slt, %add3A_177, %lt3A_178 : i32
        %convert_element_type3A_180 = arith.extui %lt3A_179 : i1 to i32
        %cond3A_181 = arith.constant 0 : i32
        %cond3A_182 = arith.cmpi ne, %convert_element_type3A_180, %cond3A_181 : i32
        scf.if %cond3A_182 {
          %add3A_195 = arith.constant 1 : i32
          %add3A_196 = arith.addi %scan3A_150, %add3A_195 : i32
          %sub3A_197 = arith.constant 1 : i32
          %sub3A_198 = arith.subi %sub3A_197, %rem3A_152 : i32
          %mul3A_199 = arith.constant 4096 : i32
          %mul3A_200 = arith.muli %add3A_196, %mul3A_199 : i32
          %add3A_201 = arith.addi %mul3A_109, %mul3A_200 : i32
          %dma_start3A_202 = arith.constant 0 : i32
          %dma_start3A_203 = tpu.memref_slice %arg5[%sub3A_198, %dma_start3A_202] : memref<2x4096xf32, #tpu.memory_space<vmem>> -> memref<1x4096xf32, #tpu.memory_space<vmem>>
          %dma_start3A_204 = tpu.memref_squeeze %dma_start3A_203 : memref<1x4096xf32, #tpu.memory_space<vmem>> -> memref<4096xf32, #tpu.memory_space<vmem>>
          %dma_start3A_205 = tpu.memref_slice %arg2[%select_n3A, %select_n3A_91, %add3A_201] : memref<4x19x262144xf32, #tpu.memory_space<hbm>> -> memref<1x1x4096xf32, #tpu.memory_space<hbm>>
          %dma_start3A_206 = tpu.memref_squeeze %dma_start3A_205 : memref<1x1x4096xf32, #tpu.memory_space<hbm>> -> memref<4096xf32, #tpu.memory_space<hbm>>
          %dma_start3A_207 = arith.constant 0 : i32
          %dma_start3A_208 = tpu.memref_slice %arg5[%sub3A_198, %dma_start3A_207] : memref<2x4096xf32, #tpu.memory_space<vmem>> -> memref<1x4096xf32, #tpu.memory_space<vmem>>
          %dma_start3A_209 = tpu.memref_squeeze %dma_start3A_208 : memref<1x4096xf32, #tpu.memory_space<vmem>> -> memref<4096xf32, #tpu.memory_space<vmem>>
          %dma_start3A_210 = tpu.memref_slice %arg2[%select_n3A, %select_n3A_91, %add3A_201] : memref<4x19x262144xf32, #tpu.memory_space<hbm>> -> memref<1x1x4096xf32, #tpu.memory_space<hbm>>
          %dma_start3A_211 = tpu.memref_squeeze %dma_start3A_210 : memref<1x1x4096xf32, #tpu.memory_space<hbm>> -> memref<4096xf32, #tpu.memory_space<hbm>>
          tpu.enqueue_dma source(%dma_start3A_211 : memref<4096xf32, #tpu.memory_space<hbm>>) target(%dma_start3A_209 : memref<4096xf32, #tpu.memory_space<vmem>>) target_semaphore(%arg11 : memref<!tpu.dma_semaphore, #tpu.memory_space<semaphore_mem>>)
          %dma_start3A_212 = arith.constant 0 : i32
          %dma_start3A_213 = tpu.memref_slice %arg6[%sub3A_198, %dma_start3A_212] : memref<2x4096xi32, #tpu.memory_space<vmem>> -> memref<1x4096xi32, #tpu.memory_space<vmem>>
          %dma_start3A_214 = tpu.memref_squeeze %dma_start3A_213 : memref<1x4096xi32, #tpu.memory_space<vmem>> -> memref<4096xi32, #tpu.memory_space<vmem>>
          %dma_start3A_215 = tpu.memref_slice %arg3[%select_n3A, %add3A_201] : memref<4x262144xi32, #tpu.memory_space<hbm>> -> memref<1x4096xi32, #tpu.memory_space<hbm>>
          %dma_start3A_216 = tpu.memref_squeeze %dma_start3A_215 : memref<1x4096xi32, #tpu.memory_space<hbm>> -> memref<4096xi32, #tpu.memory_space<hbm>>
          %dma_start3A_217 = arith.constant 0 : i32
          %dma_start3A_218 = tpu.memref_slice %arg6[%sub3A_198, %dma_start3A_217] : memref<2x4096xi32, #tpu.memory_space<vmem>> -> memref<1x4096xi32, #tpu.memory_space<vmem>>
          %dma_start3A_219 = tpu.memref_squeeze %dma_start3A_218 : memref<1x4096xi32, #tpu.memory_space<vmem>> -> memref<4096xi32, #tpu.memory_space<vmem>>
          %dma_start3A_220 = tpu.memref_slice %arg3[%select_n3A, %add3A_201] : memref<4x262144xi32, #tpu.memory_space<hbm>> -> memref<1x4096xi32, #tpu.memory_space<hbm>>
          %dma_start3A_221 = tpu.memref_squeeze %dma_start3A_220 : memref<1x4096xi32, #tpu.memory_space<hbm>> -> memref<4096xi32, #tpu.memory_space<hbm>>
          tpu.enqueue_dma source(%dma_start3A_221 : memref<4096xi32, #tpu.memory_space<hbm>>) target(%dma_start3A_219 : memref<4096xi32, #tpu.memory_space<vmem>>) target_semaphore(%arg12 : memref<!tpu.dma_semaphore, #tpu.memory_space<semaphore_mem>>)
        } else {
        }
        %scan3A_183 = arith.constant 0 : i32
        %scan3A_184 = arith.constant 0 : i32
        %scan3A_185 = arith.constant 85 : i32
        %scan3A_186 = arith.addi %scan3A_184, %scan3A_185 : i32
        %scan3A_187 = arith.constant 1 : i32
        scf.for %scan3A_195 = %scan3A_184 to %scan3A_186 step %scan3A_187  : i32 {
          %mul3A_196 = arith.constant 3 : i32
          %mul3A_197 = arith.muli %mul3A_196, %scan3A_195 : i32
          %mul3A_198 = arith.constant 16 : i32
          %mul3A_199 = arith.muli %mul3A_197, %mul3A_198 : i32
          %get3A_200 = arith.index_cast %rem3A_152 : i32 to index
          %get3A_201 = arith.index_cast %mul3A_199 : i32 to index
          %get3A_202 = tpu.vector_load %arg6[%get3A_200, %get3A_201] {strides = array<i32>} : memref<2x4096xi32, #tpu.memory_space<vmem>>, vector<16xi32>,
          %add3A_203 = arith.addi %get3A_202, %mul3A_3 : vector<16xi32>
          %gather3A_204 = tpu.vector_load_idx %arg7[%add3A_203] : memref<32784xf32, #tpu.memory_space<vmem>>[vector<16xi32>], vector<16xf32>,
          %mul3A_205 = arith.constant 3 : i32
          %mul3A_206 = arith.muli %mul3A_205, %scan3A_195 : i32
          %add3A_207 = arith.constant 1 : i32
          %add3A_208 = arith.addi %mul3A_206, %add3A_207 : i32
          %mul3A_209 = arith.constant 16 : i32
          %mul3A_210 = arith.muli %add3A_208, %mul3A_209 : i32
          %get3A_211 = arith.index_cast %rem3A_152 : i32 to index
          %get3A_212 = arith.index_cast %mul3A_210 : i32 to index
          %get3A_213 = tpu.vector_load %arg6[%get3A_211, %get3A_212] {strides = array<i32>} : memref<2x4096xi32, #tpu.memory_space<vmem>>, vector<16xi32>,
          %add3A_214 = arith.addi %get3A_213, %mul3A_3 : vector<16xi32>
          %gather3A_215 = tpu.vector_load_idx %arg8[%add3A_214] : memref<32784xf32, #tpu.memory_space<vmem>>[vector<16xi32>], vector<16xf32>,
          %mul3A_216 = arith.constant 3 : i32
          %mul3A_217 = arith.muli %mul3A_216, %scan3A_195 : i32
          %add3A_218 = arith.constant 2 : i32
          %add3A_219 = arith.addi %mul3A_217, %add3A_218 : i32
          %mul3A_220 = arith.constant 16 : i32
          %mul3A_221 = arith.muli %add3A_219, %mul3A_220 : i32
          %get3A_222 = arith.index_cast %rem3A_152 : i32 to index
          %get3A_223 = arith.index_cast %mul3A_221 : i32 to index
          %get3A_224 = tpu.vector_load %arg6[%get3A_222, %get3A_223] {strides = array<i32>} : memref<2x4096xi32, #tpu.memory_space<vmem>>, vector<16xi32>,
          %add3A_225 = arith.addi %get3A_224, %mul3A_3 : vector<16xi32>
          %gather3A_226 = tpu.vector_load_idx %arg9[%add3A_225] : memref<32784xf32, #tpu.memory_space<vmem>>[vector<16xi32>], vector<16xf32>,
          %mul3A_227 = arith.constant 3 : i32
          %mul3A_228 = arith.muli %mul3A_227, %scan3A_195 : i32
          %mul3A_229 = arith.constant 16 : i32
          %mul3A_230 = arith.muli %mul3A_228, %mul3A_229 : i32
          %get3A_231 = arith.index_cast %rem3A_152 : i32 to index
          %get3A_232 = arith.index_cast %mul3A_230 : i32 to index
          %get3A_233 = tpu.vector_load %arg5[%get3A_231, %get3A_232] {strides = array<i32>} : memref<2x4096xf32, #tpu.memory_space<vmem>>, vector<16xf32>,
          %max3A_234 = arith.maximumf %gather3A_204, %get3A_233 : vector<16xf32>
          tpu.vector_store_idx %arg7[%add3A_203], %max3A_234 : memref<32784xf32, #tpu.memory_space<vmem>>[vector<16xi32>], vector<16xf32>,
          %mul3A_235 = arith.constant 3 : i32
          %mul3A_236 = arith.muli %mul3A_235, %scan3A_195 : i32
          %add3A_237 = arith.constant 1 : i32
          %add3A_238 = arith.addi %mul3A_236, %add3A_237 : i32
          %mul3A_239 = arith.constant 16 : i32
          %mul3A_240 = arith.muli %add3A_238, %mul3A_239 : i32
          %get3A_241 = arith.index_cast %rem3A_152 : i32 to index
          %get3A_242 = arith.index_cast %mul3A_240 : i32 to index
          %get3A_243 = tpu.vector_load %arg5[%get3A_241, %get3A_242] {strides = array<i32>} : memref<2x4096xf32, #tpu.memory_space<vmem>>, vector<16xf32>,
          %max3A_244 = arith.maximumf %gather3A_215, %get3A_243 : vector<16xf32>
          tpu.vector_store_idx %arg8[%add3A_214], %max3A_244 : memref<32784xf32, #tpu.memory_space<vmem>>[vector<16xi32>], vector<16xf32>,
          %mul3A_245 = arith.constant 3 : i32
          %mul3A_246 = arith.muli %mul3A_245, %scan3A_195 : i32
          %add3A_247 = arith.constant 2 : i32
          %add3A_248 = arith.addi %mul3A_246, %add3A_247 : i32
          %mul3A_249 = arith.constant 16 : i32
          %mul3A_250 = arith.muli %add3A_248, %mul3A_249 : i32
          %get3A_251 = arith.index_cast %rem3A_152 : i32 to index
          %get3A_252 = arith.index_cast %mul3A_250 : i32 to index
          %get3A_253 = tpu.vector_load %arg5[%get3A_251, %get3A_252] {strides = array<i32>} : memref<2x4096xf32, #tpu.memory_space<vmem>>, vector<16xf32>,
          %max3A_254 = arith.maximumf %gather3A_226, %get3A_253 : vector<16xf32>
          tpu.vector_store_idx %arg9[%add3A_225], %max3A_254 : memref<32784xf32, #tpu.memory_space<vmem>>[vector<16xi32>], vector<16xf32>,
        }
        %scan3A_188 = arith.constant 85 : i32
        %get3A = arith.index_cast %rem3A_152 : i32 to index
        %get3A_189 = arith.constant 4080 : index
        %get3A_190 = tpu.vector_load %arg6[%get3A, %get3A_189] {strides = array<i32>} : memref<2x4096xi32, #tpu.memory_space<vmem>>, vector<16xi32>,
        %add3A_191 = arith.addi %get3A_190, %mul3A_3 : vector<16xi32>
        %gather3A = tpu.vector_load_idx %arg7[%add3A_191] : memref<32784xf32, #tpu.memory_space<vmem>>[vector<16xi32>], vector<16xf32>,
        %get3A_192 = arith.index_cast %rem3A_152 : i32 to index
        %get3A_193 = arith.constant 4080 : index
        %get3A_194 = tpu.vector_load %arg5[%get3A_192, %get3A_193] {strides = array<i32>} : memref<2x4096xf32, #tpu.memory_space<vmem>>, vector<16xf32>,
        %max3A = arith.maximumf %gather3A, %get3A_194 : vector<16xf32>
        tpu.vector_store_idx %arg7[%add3A_191], %max3A : memref<32784xf32, #tpu.memory_space<vmem>>[vector<16xi32>], vector<16xf32>,
      }
      %scan3A_143 = arith.constant 32 : i32
      %scan3A_144 = arith.constant 0 : i32
      %scan3A_145 = arith.constant 0 : i32
      %scan3A_146 = arith.constant 128 : i32
      %scan3A_147 = arith.addi %scan3A_145, %scan3A_146 : i32
      %scan3A_148 = arith.constant 1 : i32
      scf.for %scan3A_150 = %scan3A_145 to %scan3A_147 step %scan3A_148  : i32 {
        %mul3A_151 = arith.constant 16 : i32
        %mul3A_152 = arith.muli %scan3A_150, %mul3A_151 : i32
        %get3A = arith.index_cast %mul3A_152 : i32 to index
        %get3A_153 = tpu.vector_load %arg7[%get3A] {strides = array<i32>} : memref<32784xf32, #tpu.memory_space<vmem>>, vector<16xf32>,
        %get3A_154 = arith.index_cast %mul3A_152 : i32 to index
        %get3A_155 = tpu.vector_load %arg8[%get3A_154] {strides = array<i32>} : memref<32784xf32, #tpu.memory_space<vmem>>, vector<16xf32>,
        %max3A = arith.maximumf %get3A_153, %get3A_155 : vector<16xf32>
        %get3A_156 = arith.index_cast %mul3A_152 : i32 to index
        %get3A_157 = tpu.vector_load %arg9[%get3A_156] {strides = array<i32>} : memref<32784xf32, #tpu.memory_space<vmem>>, vector<16xf32>,
        %max3A_158 = arith.maximumf %max3A, %get3A_157 : vector<16xf32>
        %add3A_159 = arith.constant 2049 : i32
        %add3A_160 = arith.addi %add3A_159, %mul3A_152 : i32
        %get3A_161 = arith.index_cast %add3A_160 : i32 to index
        %get3A_162 = tpu.vector_load %arg7[%get3A_161] {strides = array<i32>} : memref<32784xf32, #tpu.memory_space<vmem>>, vector<16xf32>,
        %max3A_163 = arith.maximumf %max3A_158, %get3A_162 : vector<16xf32>
        %add3A_164 = arith.constant 2049 : i32
        %add3A_165 = arith.addi %add3A_164, %mul3A_152 : i32
        %get3A_166 = arith.index_cast %add3A_165 : i32 to index
        %get3A_167 = tpu.vector_load %arg8[%get3A_166] {strides = array<i32>} : memref<32784xf32, #tpu.memory_space<vmem>>, vector<16xf32>,
        %max3A_168 = arith.maximumf %max3A_163, %get3A_167 : vector<16xf32>
        %add3A_169 = arith.constant 2049 : i32
        %add3A_170 = arith.addi %add3A_169, %mul3A_152 : i32
        %get3A_171 = arith.index_cast %add3A_170 : i32 to index
        %get3A_172 = tpu.vector_load %arg9[%get3A_171] {strides = array<i32>} : memref<32784xf32, #tpu.memory_space<vmem>>, vector<16xf32>,
        %max3A_173 = arith.maximumf %max3A_168, %get3A_172 : vector<16xf32>
        %add3A_174 = arith.constant 4098 : i32
        %add3A_175 = arith.addi %add3A_174, %mul3A_152 : i32
        %get3A_176 = arith.index_cast %add3A_175 : i32 to index
        %get3A_177 = tpu.vector_load %arg7[%get3A_176] {strides = array<i32>} : memref<32784xf32, #tpu.memory_space<vmem>>, vector<16xf32>,
        %max3A_178 = arith.maximumf %max3A_173, %get3A_177 : vector<16xf32>
        %add3A_179 = arith.constant 4098 : i32
        %add3A_180 = arith.addi %add3A_179, %mul3A_152 : i32
        %get3A_181 = arith.index_cast %add3A_180 : i32 to index
        %get3A_182 = tpu.vector_load %arg8[%get3A_181] {strides = array<i32>} : memref<32784xf32, #tpu.memory_space<vmem>>, vector<16xf32>,
        %max3A_183 = arith.maximumf %max3A_178, %get3A_182 : vector<16xf32>
        %add3A_184 = arith.constant 4098 : i32
        %add3A_185 = arith.addi %add3A_184, %mul3A_152 : i32
        %get3A_186 = arith.index_cast %add3A_185 : i32 to index
        %get3A_187 = tpu.vector_load %arg9[%get3A_186] {strides = array<i32>} : memref<32784xf32, #tpu.memory_space<vmem>>, vector<16xf32>,
        %max3A_188 = arith.maximumf %max3A_183, %get3A_187 : vector<16xf32>
        %add3A_189 = arith.constant 6147 : i32
        %add3A_190 = arith.addi %add3A_189, %mul3A_152 : i32
        %get3A_191 = arith.index_cast %add3A_190 : i32 to index
        %get3A_192 = tpu.vector_load %arg7[%get3A_191] {strides = array<i32>} : memref<32784xf32, #tpu.memory_space<vmem>>, vector<16xf32>,
        %max3A_193 = arith.maximumf %max3A_188, %get3A_192 : vector<16xf32>
        %add3A_194 = arith.constant 6147 : i32
        %add3A_195 = arith.addi %add3A_194, %mul3A_152 : i32
        %get3A_196 = arith.index_cast %add3A_195 : i32 to index
        %get3A_197 = tpu.vector_load %arg8[%get3A_196] {strides = array<i32>} : memref<32784xf32, #tpu.memory_space<vmem>>, vector<16xf32>,
        %max3A_198 = arith.maximumf %max3A_193, %get3A_197 : vector<16xf32>
        %add3A_199 = arith.constant 6147 : i32
        %add3A_200 = arith.addi %add3A_199, %mul3A_152 : i32
        %get3A_201 = arith.index_cast %add3A_200 : i32 to index
        %get3A_202 = tpu.vector_load %arg9[%get3A_201] {strides = array<i32>} : memref<32784xf32, #tpu.memory_space<vmem>>, vector<16xf32>,
        %max3A_203 = arith.maximumf %max3A_198, %get3A_202 : vector<16xf32>
        %add3A_204 = arith.constant 8196 : i32
        %add3A_205 = arith.addi %add3A_204, %mul3A_152 : i32
        %get3A_206 = arith.index_cast %add3A_205 : i32 to index
        %get3A_207 = tpu.vector_load %arg7[%get3A_206] {strides = array<i32>} : memref<32784xf32, #tpu.memory_space<vmem>>, vector<16xf32>,
        %max3A_208 = arith.maximumf %max3A_203, %get3A_207 : vector<16xf32>
        %add3A_209 = arith.constant 8196 : i32
        %add3A_210 = arith.addi %add3A_209, %mul3A_152 : i32
        %get3A_211 = arith.index_cast %add3A_210 : i32 to index
        %get3A_212 = tpu.vector_load %arg8[%get3A_211] {strides = array<i32>} : memref<32784xf32, #tpu.memory_space<vmem>>, vector<16xf32>,
        %max3A_213 = arith.maximumf %max3A_208, %get3A_212 : vector<16xf32>
        %add3A_214 = arith.constant 8196 : i32
        %add3A_215 = arith.addi %add3A_214, %mul3A_152 : i32
        %get3A_216 = arith.index_cast %add3A_215 : i32 to index
        %get3A_217 = tpu.vector_load %arg9[%get3A_216] {strides = array<i32>} : memref<32784xf32, #tpu.memory_space<vmem>>, vector<16xf32>,
        %max3A_218 = arith.maximumf %max3A_213, %get3A_217 : vector<16xf32>
        %add3A_219 = arith.constant 10245 : i32
        %add3A_220 = arith.addi %add3A_219, %mul3A_152 : i32
        %get3A_221 = arith.index_cast %add3A_220 : i32 to index
        %get3A_222 = tpu.vector_load %arg7[%get3A_221] {strides = array<i32>} : memref<32784xf32, #tpu.memory_space<vmem>>, vector<16xf32>,
        %max3A_223 = arith.maximumf %max3A_218, %get3A_222 : vector<16xf32>
        %add3A_224 = arith.constant 10245 : i32
        %add3A_225 = arith.addi %add3A_224, %mul3A_152 : i32
        %get3A_226 = arith.index_cast %add3A_225 : i32 to index
        %get3A_227 = tpu.vector_load %arg8[%get3A_226] {strides = array<i32>} : memref<32784xf32, #tpu.memory_space<vmem>>, vector<16xf32>,
        %max3A_228 = arith.maximumf %max3A_223, %get3A_227 : vector<16xf32>
        %add3A_229 = arith.constant 10245 : i32
        %add3A_230 = arith.addi %add3A_229, %mul3A_152 : i32
        %get3A_231 = arith.index_cast %add3A_230 : i32 to index
        %get3A_232 = tpu.vector_load %arg9[%get3A_231] {strides = array<i32>} : memref<32784xf32, #tpu.memory_space<vmem>>, vector<16xf32>,
        %max3A_233 = arith.maximumf %max3A_228, %get3A_232 : vector<16xf32>
        %add3A_234 = arith.constant 12294 : i32
        %add3A_235 = arith.addi %add3A_234, %mul3A_152 : i32
        %get3A_236 = arith.index_cast %add3A_235 : i32 to index
        %get3A_237 = tpu.vector_load %arg7[%get3A_236] {strides = array<i32>} : memref<32784xf32, #tpu.memory_space<vmem>>, vector<16xf32>,
        %max3A_238 = arith.maximumf %max3A_233, %get3A_237 : vector<16xf32>
        %add3A_239 = arith.constant 12294 : i32
        %add3A_240 = arith.addi %add3A_239, %mul3A_152 : i32
        %get3A_241 = arith.index_cast %add3A_240 : i32 to index
        %get3A_242 = tpu.vector_load %arg8[%get3A_241] {strides = array<i32>} : memref<32784xf32, #tpu.memory_space<vmem>>, vector<16xf32>,
        %max3A_243 = arith.maximumf %max3A_238, %get3A_242 : vector<16xf32>
        %add3A_244 = arith.constant 12294 : i32
        %add3A_245 = arith.addi %add3A_244, %mul3A_152 : i32
        %get3A_246 = arith.index_cast %add3A_245 : i32 to index
        %get3A_247 = tpu.vector_load %arg9[%get3A_246] {strides = array<i32>} : memref<32784xf32, #tpu.memory_space<vmem>>, vector<16xf32>,
        %max3A_248 = arith.maximumf %max3A_243, %get3A_247 : vector<16xf32>
        %add3A_249 = arith.constant 14343 : i32
        %add3A_250 = arith.addi %add3A_249, %mul3A_152 : i32
        %get3A_251 = arith.index_cast %add3A_250 : i32 to index
        %get3A_252 = tpu.vector_load %arg7[%get3A_251] {strides = array<i32>} : memref<32784xf32, #tpu.memory_space<vmem>>, vector<16xf32>,
        %max3A_253 = arith.maximumf %max3A_248, %get3A_252 : vector<16xf32>
        %add3A_254 = arith.constant 14343 : i32
        %add3A_255 = arith.addi %add3A_254, %mul3A_152 : i32
        %get3A_256 = arith.index_cast %add3A_255 : i32 to index
        %get3A_257 = tpu.vector_load %arg8[%get3A_256] {strides = array<i32>} : memref<32784xf32, #tpu.memory_space<vmem>>, vector<16xf32>,
        %max3A_258 = arith.maximumf %max3A_253, %get3A_257 : vector<16xf32>
        %add3A_259 = arith.constant 14343 : i32
        %add3A_260 = arith.addi %add3A_259, %mul3A_152 : i32
        %get3A_261 = arith.index_cast %add3A_260 : i32 to index
        %get3A_262 = tpu.vector_load %arg9[%get3A_261] {strides = array<i32>} : memref<32784xf32, #tpu.memory_space<vmem>>, vector<16xf32>,
        %max3A_263 = arith.maximumf %max3A_258, %get3A_262 : vector<16xf32>
        %add3A_264 = arith.constant 16392 : i32
        %add3A_265 = arith.addi %add3A_264, %mul3A_152 : i32
        %get3A_266 = arith.index_cast %add3A_265 : i32 to index
        %get3A_267 = tpu.vector_load %arg7[%get3A_266] {strides = array<i32>} : memref<32784xf32, #tpu.memory_space<vmem>>, vector<16xf32>,
        %max3A_268 = arith.maximumf %max3A_263, %get3A_267 : vector<16xf32>
        %add3A_269 = arith.constant 16392 : i32
        %add3A_270 = arith.addi %add3A_269, %mul3A_152 : i32
        %get3A_271 = arith.index_cast %add3A_270 : i32 to index
        %get3A_272 = tpu.vector_load %arg8[%get3A_271] {strides = array<i32>} : memref<32784xf32, #tpu.memory_space<vmem>>, vector<16xf32>,
        %max3A_273 = arith.maximumf %max3A_268, %get3A_272 : vector<16xf32>
        %add3A_274 = arith.constant 16392 : i32
        %add3A_275 = arith.addi %add3A_274, %mul3A_152 : i32
        %get3A_276 = arith.index_cast %add3A_275 : i32 to index
        %get3A_277 = tpu.vector_load %arg9[%get3A_276] {strides = array<i32>} : memref<32784xf32, #tpu.memory_space<vmem>>, vector<16xf32>,
        %max3A_278 = arith.maximumf %max3A_273, %get3A_277 : vector<16xf32>
        %add3A_279 = arith.constant 18441 : i32
        %add3A_280 = arith.addi %add3A_279, %mul3A_152 : i32
        %get3A_281 = arith.index_cast %add3A_280 : i32 to index
        %get3A_282 = tpu.vector_load %arg7[%get3A_281] {strides = array<i32>} : memref<32784xf32, #tpu.memory_space<vmem>>, vector<16xf32>,
        %max3A_283 = arith.maximumf %max3A_278, %get3A_282 : vector<16xf32>
        %add3A_284 = arith.constant 18441 : i32
        %add3A_285 = arith.addi %add3A_284, %mul3A_152 : i32
        %get3A_286 = arith.index_cast %add3A_285 : i32 to index
        %get3A_287 = tpu.vector_load %arg8[%get3A_286] {strides = array<i32>} : memref<32784xf32, #tpu.memory_space<vmem>>, vector<16xf32>,
        %max3A_288 = arith.maximumf %max3A_283, %get3A_287 : vector<16xf32>
        %add3A_289 = arith.constant 18441 : i32
        %add3A_290 = arith.addi %add3A_289, %mul3A_152 : i32
        %get3A_291 = arith.index_cast %add3A_290 : i32 to index
        %get3A_292 = tpu.vector_load %arg9[%get3A_291] {strides = array<i32>} : memref<32784xf32, #tpu.memory_space<vmem>>, vector<16xf32>,
        %max3A_293 = arith.maximumf %max3A_288, %get3A_292 : vector<16xf32>
        %add3A_294 = arith.constant 20490 : i32
        %add3A_295 = arith.addi %add3A_294, %mul3A_152 : i32
        %get3A_296 = arith.index_cast %add3A_295 : i32 to index
        %get3A_297 = tpu.vector_load %arg7[%get3A_296] {strides = array<i32>} : memref<32784xf32, #tpu.memory_space<vmem>>, vector<16xf32>,
        %max3A_298 = arith.maximumf %max3A_293, %get3A_297 : vector<16xf32>
        %add3A_299 = arith.constant 20490 : i32
        %add3A_300 = arith.addi %add3A_299, %mul3A_152 : i32
        %get3A_301 = arith.index_cast %add3A_300 : i32 to index
        %get3A_302 = tpu.vector_load %arg8[%get3A_301] {strides = array<i32>} : memref<32784xf32, #tpu.memory_space<vmem>>, vector<16xf32>,
        %max3A_303 = arith.maximumf %max3A_298, %get3A_302 : vector<16xf32>
        %add3A_304 = arith.constant 20490 : i32
        %add3A_305 = arith.addi %add3A_304, %mul3A_152 : i32
        %get3A_306 = arith.index_cast %add3A_305 : i32 to index
        %get3A_307 = tpu.vector_load %arg9[%get3A_306] {strides = array<i32>} : memref<32784xf32, #tpu.memory_space<vmem>>, vector<16xf32>,
        %max3A_308 = arith.maximumf %max3A_303, %get3A_307 : vector<16xf32>
        %add3A_309 = arith.constant 22539 : i32
        %add3A_310 = arith.addi %add3A_309, %mul3A_152 : i32
        %get3A_311 = arith.index_cast %add3A_310 : i32 to index
        %get3A_312 = tpu.vector_load %arg7[%get3A_311] {strides = array<i32>} : memref<32784xf32, #tpu.memory_space<vmem>>, vector<16xf32>,
        %max3A_313 = arith.maximumf %max3A_308, %get3A_312 : vector<16xf32>
        %add3A_314 = arith.constant 22539 : i32
        %add3A_315 = arith.addi %add3A_314, %mul3A_152 : i32
        %get3A_316 = arith.index_cast %add3A_315 : i32 to index
        %get3A_317 = tpu.vector_load %arg8[%get3A_316] {strides = array<i32>} : memref<32784xf32, #tpu.memory_space<vmem>>, vector<16xf32>,
        %max3A_318 = arith.maximumf %max3A_313, %get3A_317 : vector<16xf32>
        %add3A_319 = arith.constant 22539 : i32
        %add3A_320 = arith.addi %add3A_319, %mul3A_152 : i32
        %get3A_321 = arith.index_cast %add3A_320 : i32 to index
        %get3A_322 = tpu.vector_load %arg9[%get3A_321] {strides = array<i32>} : memref<32784xf32, #tpu.memory_space<vmem>>, vector<16xf32>,
        %max3A_323 = arith.maximumf %max3A_318, %get3A_322 : vector<16xf32>
        %add3A_324 = arith.constant 24588 : i32
        %add3A_325 = arith.addi %add3A_324, %mul3A_152 : i32
        %get3A_326 = arith.index_cast %add3A_325 : i32 to index
        %get3A_327 = tpu.vector_load %arg7[%get3A_326] {strides = array<i32>} : memref<32784xf32, #tpu.memory_space<vmem>>, vector<16xf32>,
        %max3A_328 = arith.maximumf %max3A_323, %get3A_327 : vector<16xf32>
        %add3A_329 = arith.constant 24588 : i32
        %add3A_330 = arith.addi %add3A_329, %mul3A_152 : i32
        %get3A_331 = arith.index_cast %add3A_330 : i32 to index
        %get3A_332 = tpu.vector_load %arg8[%get3A_331] {strides = array<i32>} : memref<32784xf32, #tpu.memory_space<vmem>>, vector<16xf32>,
        %max3A_333 = arith.maximumf %max3A_328, %get3A_332 : vector<16xf32>
        %add3A_334 = arith.constant 24588 : i32
        %add3A_335 = arith.addi %add3A_334, %mul3A_152 : i32
        %get3A_336 = arith.index_cast %add3A_335 : i32 to index
        %get3A_337 = tpu.vector_load %arg9[%get3A_336] {strides = array<i32>} : memref<32784xf32, #tpu.memory_space<vmem>>, vector<16xf32>,
        %max3A_338 = arith.maximumf %max3A_333, %get3A_337 : vector<16xf32>
        %add3A_339 = arith.constant 26637 : i32
        %add3A_340 = arith.addi %add3A_339, %mul3A_152 : i32
        %get3A_341 = arith.index_cast %add3A_340 : i32 to index
        %get3A_342 = tpu.vector_load %arg7[%get3A_341] {strides = array<i32>} : memref<32784xf32, #tpu.memory_space<vmem>>, vector<16xf32>,
        %max3A_343 = arith.maximumf %max3A_338, %get3A_342 : vector<16xf32>
        %add3A_344 = arith.constant 26637 : i32
        %add3A_345 = arith.addi %add3A_344, %mul3A_152 : i32
        %get3A_346 = arith.index_cast %add3A_345 : i32 to index
        %get3A_347 = tpu.vector_load %arg8[%get3A_346] {strides = array<i32>} : memref<32784xf32, #tpu.memory_space<vmem>>, vector<16xf32>,
        %max3A_348 = arith.maximumf %max3A_343, %get3A_347 : vector<16xf32>
        %add3A_349 = arith.constant 26637 : i32
        %add3A_350 = arith.addi %add3A_349, %mul3A_152 : i32
        %get3A_351 = arith.index_cast %add3A_350 : i32 to index
        %get3A_352 = tpu.vector_load %arg9[%get3A_351] {strides = array<i32>} : memref<32784xf32, #tpu.memory_space<vmem>>, vector<16xf32>,
        %max3A_353 = arith.maximumf %max3A_348, %get3A_352 : vector<16xf32>
        %add3A_354 = arith.constant 28686 : i32
        %add3A_355 = arith.addi %add3A_354, %mul3A_152 : i32
        %get3A_356 = arith.index_cast %add3A_355 : i32 to index
        %get3A_357 = tpu.vector_load %arg7[%get3A_356] {strides = array<i32>} : memref<32784xf32, #tpu.memory_space<vmem>>, vector<16xf32>,
        %max3A_358 = arith.maximumf %max3A_353, %get3A_357 : vector<16xf32>
        %add3A_359 = arith.constant 28686 : i32
        %add3A_360 = arith.addi %add3A_359, %mul3A_152 : i32
        %get3A_361 = arith.index_cast %add3A_360 : i32 to index
        %get3A_362 = tpu.vector_load %arg8[%get3A_361] {strides = array<i32>} : memref<32784xf32, #tpu.memory_space<vmem>>, vector<16xf32>,
        %max3A_363 = arith.maximumf %max3A_358, %get3A_362 : vector<16xf32>
        %add3A_364 = arith.constant 28686 : i32
        %add3A_365 = arith.addi %add3A_364, %mul3A_152 : i32
        %get3A_366 = arith.index_cast %add3A_365 : i32 to index
        %get3A_367 = tpu.vector_load %arg9[%get3A_366] {strides = array<i32>} : memref<32784xf32, #tpu.memory_space<vmem>>, vector<16xf32>,
        %max3A_368 = arith.maximumf %max3A_363, %get3A_367 : vector<16xf32>
        %add3A_369 = arith.constant 30735 : i32
        %add3A_370 = arith.addi %add3A_369, %mul3A_152 : i32
        %get3A_371 = arith.index_cast %add3A_370 : i32 to index
        %get3A_372 = tpu.vector_load %arg7[%get3A_371] {strides = array<i32>} : memref<32784xf32, #tpu.memory_space<vmem>>, vector<16xf32>,
        %max3A_373 = arith.maximumf %max3A_368, %get3A_372 : vector<16xf32>
        %add3A_374 = arith.constant 30735 : i32
        %add3A_375 = arith.addi %add3A_374, %mul3A_152 : i32
        %get3A_376 = arith.index_cast %add3A_375 : i32 to index
        %get3A_377 = tpu.vector_load %arg8[%get3A_376] {strides = array<i32>} : memref<32784xf32, #tpu.memory_space<vmem>>, vector<16xf32>,
        %max3A_378 = arith.maximumf %max3A_373, %get3A_377 : vector<16xf32>
        %add3A_379 = arith.constant 30735 : i32
        %add3A_380 = arith.addi %add3A_379, %mul3A_152 : i32
        %get3A_381 = arith.index_cast %add3A_380 : i32 to index
        %get3A_382 = tpu.vector_load %arg9[%get3A_381] {strides = array<i32>} : memref<32784xf32, #tpu.memory_space<vmem>>, vector<16xf32>,
        %max3A_383 = arith.maximumf %max3A_378, %get3A_382 : vector<16xf32>
        %swap3A = arith.index_cast %mul3A_152 : i32 to index
        %swap3A_384 = tpu.vector_load %arg10[%swap3A] {strides = array<i32>} : memref<2048xf32, #tpu.memory_space<vmem>>, vector<16xf32>,
        tpu.vector_store %arg10[%swap3A], %max3A_383 {strides = array<i32>} : memref<2048xf32, #tpu.memory_space<vmem>>, vector<16xf32>,
      }
      %scan3A_149 = arith.constant 128 : i32
      "tpu.region"() ({
        %run_scoped3A = tpu.sem_alloc : memref<!tpu.dma_semaphore, #tpu.memory_space<semaphore_mem>>
        %dma_start3A_150 = arith.constant 0 : i32
        %dma_start3A_151 = tpu.memref_slice %arg4[%select_n3A, %select_n3A_91, %select_n3A_107, %dma_start3A_150] : memref<4x19x2x2048xf32, #tpu.memory_space<hbm>> -> memref<1x1x1x2048xf32, #tpu.memory_space<hbm>>
        %dma_start3A_152 = tpu.memref_squeeze %dma_start3A_151 : memref<1x1x1x2048xf32, #tpu.memory_space<hbm>> -> memref<2048xf32, #tpu.memory_space<hbm>>
        %dma_start3A_153 = arith.constant 0 : i32
        %dma_start3A_154 = tpu.memref_slice %arg4[%select_n3A, %select_n3A_91, %select_n3A_107, %dma_start3A_153] : memref<4x19x2x2048xf32, #tpu.memory_space<hbm>> -> memref<1x1x1x2048xf32, #tpu.memory_space<hbm>>
        %dma_start3A_155 = tpu.memref_squeeze %dma_start3A_154 : memref<1x1x1x2048xf32, #tpu.memory_space<hbm>> -> memref<2048xf32, #tpu.memory_space<hbm>>
        tpu.enqueue_dma source(%arg10 : memref<2048xf32, #tpu.memory_space<vmem>>) target(%dma_start3A_155 : memref<2048xf32, #tpu.memory_space<hbm>>) target_semaphore(%run_scoped3A : memref<!tpu.dma_semaphore, #tpu.memory_space<semaphore_mem>>)
        %dma_wait3A = arith.constant 0 : i32
        %dma_wait3A_156 = tpu.memref_slice %arg4[%select_n3A, %select_n3A_91, %select_n3A_107, %dma_wait3A] : memref<4x19x2x2048xf32, #tpu.memory_space<hbm>> -> memref<1x1x1x2048xf32, #tpu.memory_space<hbm>>
        %dma_wait3A_157 = tpu.memref_squeeze %dma_wait3A_156 : memref<1x1x1x2048xf32, #tpu.memory_space<hbm>> -> memref<2048xf32, #tpu.memory_space<hbm>>
        %dma_wait3A_158 = arith.constant 0 : i32
        %dma_wait3A_159 = tpu.memref_slice %arg4[%select_n3A, %select_n3A_91, %select_n3A_107, %dma_wait3A_158] : memref<4x19x2x2048xf32, #tpu.memory_space<hbm>> -> memref<1x1x1x2048xf32, #tpu.memory_space<hbm>>
        %dma_wait3A_160 = tpu.memref_squeeze %dma_wait3A_159 : memref<1x1x1x2048xf32, #tpu.memory_space<hbm>> -> memref<2048xf32, #tpu.memory_space<hbm>>
        tpu.wait_dma2 semaphore(%run_scoped3A : memref<!tpu.dma_semaphore, #tpu.memory_space<semaphore_mem>>) src(%arg10 : memref<2048xf32, #tpu.memory_space<vmem>>) dst(%dma_wait3A_160 : memref<2048xf32, #tpu.memory_space<hbm>>)
        tpu.yield
      }) : () -> ()
    } else {
    }
    %add3A_9 = arith.constant 32 : i32
    %add3A_10 = arith.addi %add3A, %add3A_9 : i32
    %lt3A_11 = arith.constant 152 : i32
    %lt3A_12 = arith.cmpi slt, %add3A_10, %lt3A_11 : i32
    %convert_element_type3A_13 = arith.extui %lt3A_12 : i1 to i32
    %cond3A_14 = arith.constant 0 : i32
    %cond3A_15 = arith.cmpi ne, %convert_element_type3A_13, %cond3A_14 : i32
    scf.if %cond3A_15 {
      %jit3A = arith.constant 38 : i32
      %div3A = arith.divsi %add3A_10, %jit3A : i32
      %sign3A = arith.constant 0 : i32
      %sign3A_37 = arith.cmpi sgt, %add3A_10, %sign3A : i32
      %sign3A_38 = arith.extui %sign3A_37 : i1 to i32
      %sign3A_39 = arith.constant 0 : i32
      %sign3A_40 = arith.cmpi slt, %add3A_10, %sign3A_39 : i32
      %sign3A_41 = arith.extui %sign3A_40 : i1 to i32
      %sign3A_42 = arith.subi %sign3A_38, %sign3A_41 : i32
      %sign3A_43 = arith.constant 0 : i32
      %sign3A_44 = arith.cmpi sgt, %jit3A, %sign3A_43 : i32
      %sign3A_45 = arith.extui %sign3A_44 : i1 to i32
      %sign3A_46 = arith.constant 0 : i32
      %sign3A_47 = arith.cmpi slt, %jit3A, %sign3A_46 : i32
      %sign3A_48 = arith.extui %sign3A_47 : i1 to i32
      %sign3A_49 = arith.subi %sign3A_45, %sign3A_48 : i32
      %ne3A = arith.cmpi ne, %sign3A_42, %sign3A_49 : i32
      %rem3A = arith.remsi %add3A_10, %jit3A : i32
      %ne3A_50 = arith.constant 0 : i32
      %ne3A_51 = arith.cmpi ne, %rem3A, %ne3A_50 : i32
      %and3A = arith.andi %ne3A, %ne3A_51 : i1
      %sub3A = arith.constant 1 : i32
      %sub3A_52 = arith.subi %div3A, %sub3A : i32
      %select_n3A = arith.select %and3A, %sub3A_52, %div3A : i32
      %jit3A_53 = arith.constant 38 : i32
      %eq3A = arith.constant 0 : i32
      %eq3A_54 = arith.cmpi eq, %jit3A_53, %eq3A : i32
      %jit3A_55 = arith.constant 1 : i32
      %select_n3A_56 = arith.select %eq3A_54, %jit3A_55, %jit3A_53 : i32
      %rem3A_57 = arith.remsi %add3A_10, %select_n3A_56 : i32
      %ne3A_58 = arith.constant 0 : i32
      %ne3A_59 = arith.cmpi ne, %rem3A_57, %ne3A_58 : i32
      %lt3A_60 = arith.constant 0 : i32
      %lt3A_61 = arith.cmpi slt, %rem3A_57, %lt3A_60 : i32
      %lt3A_62 = arith.constant 0 : i32
      %lt3A_63 = arith.cmpi slt, %select_n3A_56, %lt3A_62 : i32
      %ne3A_64 = arith.xori %lt3A_61, %lt3A_63 : i1
      %and3A_65 = arith.andi %ne3A_64, %ne3A_59 : i1
      %add3A_66 = arith.addi %rem3A_57, %select_n3A_56 : i32
      %select_n3A_67 = arith.select %and3A_65, %add3A_66, %rem3A_57 : i32
      %jit3A_68 = arith.constant 2 : i32
      %div3A_69 = arith.divsi %select_n3A_67, %jit3A_68 : i32
      %sign3A_70 = arith.constant 0 : i32
      %sign3A_71 = arith.cmpi sgt, %select_n3A_67, %sign3A_70 : i32
      %sign3A_72 = arith.extui %sign3A_71 : i1 to i32
      %sign3A_73 = arith.constant 0 : i32
      %sign3A_74 = arith.cmpi slt, %select_n3A_67, %sign3A_73 : i32
      %sign3A_75 = arith.extui %sign3A_74 : i1 to i32
      %sign3A_76 = arith.subi %sign3A_72, %sign3A_75 : i32
      %sign3A_77 = arith.constant 0 : i32
      %sign3A_78 = arith.cmpi sgt, %jit3A_68, %sign3A_77 : i32
      %sign3A_79 = arith.extui %sign3A_78 : i1 to i32
      %sign3A_80 = arith.constant 0 : i32
      %sign3A_81 = arith.cmpi slt, %jit3A_68, %sign3A_80 : i32
      %sign3A_82 = arith.extui %sign3A_81 : i1 to i32
      %sign3A_83 = arith.subi %sign3A_79, %sign3A_82 : i32
      %ne3A_84 = arith.cmpi ne, %sign3A_76, %sign3A_83 : i32
      %rem3A_85 = arith.remsi %select_n3A_67, %jit3A_68 : i32
      %ne3A_86 = arith.constant 0 : i32
      %ne3A_87 = arith.cmpi ne, %rem3A_85, %ne3A_86 : i32
      %and3A_88 = arith.andi %ne3A_84, %ne3A_87 : i1
      %sub3A_89 = arith.constant 1 : i32
      %sub3A_90 = arith.subi %div3A_69, %sub3A_89 : i32
      %select_n3A_91 = arith.select %and3A_88, %sub3A_90, %div3A_69 : i32
      %jit3A_92 = arith.constant 2 : i32
      %eq3A_93 = arith.constant 0 : i32
      %eq3A_94 = arith.cmpi eq, %jit3A_92, %eq3A_93 : i32
      %jit3A_95 = arith.constant 1 : i32
      %select_n3A_96 = arith.select %eq3A_94, %jit3A_95, %jit3A_92 : i32
      %rem3A_97 = arith.remsi %select_n3A_67, %select_n3A_96 : i32
      %ne3A_98 = arith.constant 0 : i32
      %ne3A_99 = arith.cmpi ne, %rem3A_97, %ne3A_98 : i32
      %lt3A_100 = arith.constant 0 : i32
      %lt3A_101 = arith.cmpi slt, %rem3A_97, %lt3A_100 : i32
      %lt3A_102 = arith.constant 0 : i32
      %lt3A_103 = arith.cmpi slt, %select_n3A_96, %lt3A_102 : i32
      %ne3A_104 = arith.xori %lt3A_101, %lt3A_103 : i1
      %and3A_105 = arith.andi %ne3A_104, %ne3A_99 : i1
      %add3A_106 = arith.addi %rem3A_97, %select_n3A_96 : i32
      %select_n3A_107 = arith.select %and3A_105, %add3A_106, %rem3A_97 : i32
      %mul3A_108 = arith.constant 131072 : i32
      %mul3A_109 = arith.muli %select_n3A_107, %mul3A_108 : i32
      %scan3A = arith.constant 0 : i32
      %scan3A_110 = arith.constant 0 : i32
      %scan3A_111 = arith.constant 2049 : i32
      %scan3A_112 = arith.addi %scan3A_110, %scan3A_111 : i32
      %scan3A_113 = arith.constant 1 : i32
      scf.for %scan3A_150 = %scan3A_110 to %scan3A_112 step %scan3A_113  : i32 {
        %mul3A_151 = arith.constant 16 : i32
        %mul3A_152 = arith.muli %scan3A_150, %mul3A_151 : i32
        %swap3A = arith.index_cast %mul3A_152 : i32 to index
        %swap3A_153 = tpu.vector_load %arg7[%swap3A] {strides = array<i32>} : memref<32784xf32, #tpu.memory_space<vmem>>, vector<16xf32>,
        tpu.vector_store %arg7[%swap3A], %broadcast_in_dim3A_4 {strides = array<i32>} : memref<32784xf32, #tpu.memory_space<vmem>>, vector<16xf32>,
        %mul3A_154 = arith.constant 16 : i32
        %mul3A_155 = arith.muli %scan3A_150, %mul3A_154 : i32
        %swap3A_156 = arith.index_cast %mul3A_155 : i32 to index
        %swap3A_157 = tpu.vector_load %arg8[%swap3A_156] {strides = array<i32>} : memref<32784xf32, #tpu.memory_space<vmem>>, vector<16xf32>,
        tpu.vector_store %arg8[%swap3A_156], %broadcast_in_dim3A_4 {strides = array<i32>} : memref<32784xf32, #tpu.memory_space<vmem>>, vector<16xf32>,
        %mul3A_158 = arith.constant 16 : i32
        %mul3A_159 = arith.muli %scan3A_150, %mul3A_158 : i32
        %swap3A_160 = arith.index_cast %mul3A_159 : i32 to index
        %swap3A_161 = tpu.vector_load %arg9[%swap3A_160] {strides = array<i32>} : memref<32784xf32, #tpu.memory_space<vmem>>, vector<16xf32>,
        tpu.vector_store %arg9[%swap3A_160], %broadcast_in_dim3A_4 {strides = array<i32>} : memref<32784xf32, #tpu.memory_space<vmem>>, vector<16xf32>,
      }
      %scan3A_114 = arith.constant 2049 : i32
      %add3A_115 = arith.constant 0 : i32
      %add3A_116 = arith.addi %mul3A_109, %add3A_115 : i32
      %dma_start3A = arith.constant 0 : i32
      %dma_start3A_117 = arith.constant 0 : i32
      %dma_start3A_118 = tpu.memref_slice %arg5[%dma_start3A, %dma_start3A_117] : memref<2x4096xf32, #tpu.memory_space<vmem>> -> memref<1x4096xf32, #tpu.memory_space<vmem>>
      %dma_start3A_119 = tpu.memref_squeeze %dma_start3A_118 : memref<1x4096xf32, #tpu.memory_space<vmem>> -> memref<4096xf32, #tpu.memory_space<vmem>>
      %dma_start3A_120 = tpu.memref_slice %arg2[%select_n3A, %select_n3A_91, %add3A_116] : memref<4x19x262144xf32, #tpu.memory_space<hbm>> -> memref<1x1x4096xf32, #tpu.memory_space<hbm>>
      %dma_start3A_121 = tpu.memref_squeeze %dma_start3A_120 : memref<1x1x4096xf32, #tpu.memory_space<hbm>> -> memref<4096xf32, #tpu.memory_space<hbm>>
      %dma_start3A_122 = arith.constant 0 : i32
      %dma_start3A_123 = tpu.memref_slice %arg5[%dma_start3A, %dma_start3A_122] : memref<2x4096xf32, #tpu.memory_space<vmem>> -> memref<1x4096xf32, #tpu.memory_space<vmem>>
      %dma_start3A_124 = tpu.memref_squeeze %dma_start3A_123 : memref<1x4096xf32, #tpu.memory_space<vmem>> -> memref<4096xf32, #tpu.memory_space<vmem>>
      %dma_start3A_125 = tpu.memref_slice %arg2[%select_n3A, %select_n3A_91, %add3A_116] : memref<4x19x262144xf32, #tpu.memory_space<hbm>> -> memref<1x1x4096xf32, #tpu.memory_space<hbm>>
      %dma_start3A_126 = tpu.memref_squeeze %dma_start3A_125 : memref<1x1x4096xf32, #tpu.memory_space<hbm>> -> memref<4096xf32, #tpu.memory_space<hbm>>
      tpu.enqueue_dma source(%dma_start3A_126 : memref<4096xf32, #tpu.memory_space<hbm>>) target(%dma_start3A_124 : memref<4096xf32, #tpu.memory_space<vmem>>) target_semaphore(%arg11 : memref<!tpu.dma_semaphore, #tpu.memory_space<semaphore_mem>>)
      %dma_start3A_127 = arith.constant 0 : i32
      %dma_start3A_128 = arith.constant 0 : i32
      %dma_start3A_129 = tpu.memref_slice %arg6[%dma_start3A_127, %dma_start3A_128] : memref<2x4096xi32, #tpu.memory_space<vmem>> -> memref<1x4096xi32, #tpu.memory_space<vmem>>
      %dma_start3A_130 = tpu.memref_squeeze %dma_start3A_129 : memref<1x4096xi32, #tpu.memory_space<vmem>> -> memref<4096xi32, #tpu.memory_space<vmem>>
      %dma_start3A_131 = tpu.memref_slice %arg3[%select_n3A, %add3A_116] : memref<4x262144xi32, #tpu.memory_space<hbm>> -> memref<1x4096xi32, #tpu.memory_space<hbm>>
      %dma_start3A_132 = tpu.memref_squeeze %dma_start3A_131 : memref<1x4096xi32, #tpu.memory_space<hbm>> -> memref<4096xi32, #tpu.memory_space<hbm>>
      %dma_start3A_133 = arith.constant 0 : i32
      %dma_start3A_134 = tpu.memref_slice %arg6[%dma_start3A_127, %dma_start3A_133] : memref<2x4096xi32, #tpu.memory_space<vmem>> -> memref<1x4096xi32, #tpu.memory_space<vmem>>
      %dma_start3A_135 = tpu.memref_squeeze %dma_start3A_134 : memref<1x4096xi32, #tpu.memory_space<vmem>> -> memref<4096xi32, #tpu.memory_space<vmem>>
      %dma_start3A_136 = tpu.memref_slice %arg3[%select_n3A, %add3A_116] : memref<4x262144xi32, #tpu.memory_space<hbm>> -> memref<1x4096xi32, #tpu.memory_space<hbm>>
      %dma_start3A_137 = tpu.memref_squeeze %dma_start3A_136 : memref<1x4096xi32, #tpu.memory_space<hbm>> -> memref<4096xi32, #tpu.memory_space<hbm>>
      tpu.enqueue_dma source(%dma_start3A_137 : memref<4096xi32, #tpu.memory_space<hbm>>) target(%dma_start3A_135 : memref<4096xi32, #tpu.memory_space<vmem>>) target_semaphore(%arg12 : memref<!tpu.dma_semaphore, #tpu.memory_space<semaphore_mem>>)
      %scan3A_138 = arith.constant 0 : i32
      %scan3A_139 = arith.constant 0 : i32
      %scan3A_140 = arith.constant 32 : i32
      %scan3A_141 = arith.addi %scan3A_139, %scan3A_140 : i32
      %scan3A_142 = arith.constant 1 : i32
      scf.for %scan3A_150 = %scan3A_139 to %scan3A_141 step %scan3A_142  : i32 {
        %rem3A_151 = arith.constant 2 : i32
        %rem3A_152 = arith.remsi %scan3A_150, %rem3A_151 : i32
        %dma_wait3A = arith.constant 0 : i32
        %dma_wait3A_153 = tpu.memref_slice %arg5[%rem3A_152, %dma_wait3A] : memref<2x4096xf32, #tpu.memory_space<vmem>> -> memref<1x4096xf32, #tpu.memory_space<vmem>>
        %dma_wait3A_154 = tpu.memref_squeeze %dma_wait3A_153 : memref<1x4096xf32, #tpu.memory_space<vmem>> -> memref<4096xf32, #tpu.memory_space<vmem>>
        %dma_wait3A_155 = arith.constant 0 : i32
        %dma_wait3A_156 = tpu.memref_slice %arg2[%select_n3A, %select_n3A_91, %dma_wait3A_155] : memref<4x19x262144xf32, #tpu.memory_space<hbm>> -> memref<1x1x4096xf32, #tpu.memory_space<hbm>>
        %dma_wait3A_157 = tpu.memref_squeeze %dma_wait3A_156 : memref<1x1x4096xf32, #tpu.memory_space<hbm>> -> memref<4096xf32, #tpu.memory_space<hbm>>
        %dma_wait3A_158 = arith.constant 0 : i32
        %dma_wait3A_159 = tpu.memref_slice %arg5[%rem3A_152, %dma_wait3A_158] : memref<2x4096xf32, #tpu.memory_space<vmem>> -> memref<1x4096xf32, #tpu.memory_space<vmem>>
        %dma_wait3A_160 = tpu.memref_squeeze %dma_wait3A_159 : memref<1x4096xf32, #tpu.memory_space<vmem>> -> memref<4096xf32, #tpu.memory_space<vmem>>
        %dma_wait3A_161 = arith.constant 0 : i32
        %dma_wait3A_162 = tpu.memref_slice %arg2[%select_n3A, %select_n3A_91, %dma_wait3A_161] : memref<4x19x262144xf32, #tpu.memory_space<hbm>> -> memref<1x1x4096xf32, #tpu.memory_space<hbm>>
        %dma_wait3A_163 = tpu.memref_squeeze %dma_wait3A_162 : memref<1x1x4096xf32, #tpu.memory_space<hbm>> -> memref<4096xf32, #tpu.memory_space<hbm>>
        tpu.wait_dma2 semaphore(%arg11 : memref<!tpu.dma_semaphore, #tpu.memory_space<semaphore_mem>>) src(%dma_wait3A_163 : memref<4096xf32, #tpu.memory_space<hbm>>) dst(%dma_wait3A_160 : memref<4096xf32, #tpu.memory_space<vmem>>)
        %dma_wait3A_164 = arith.constant 0 : i32
        %dma_wait3A_165 = tpu.memref_slice %arg6[%rem3A_152, %dma_wait3A_164] : memref<2x4096xi32, #tpu.memory_space<vmem>> -> memref<1x4096xi32, #tpu.memory_space<vmem>>
        %dma_wait3A_166 = tpu.memref_squeeze %dma_wait3A_165 : memref<1x4096xi32, #tpu.memory_space<vmem>> -> memref<4096xi32, #tpu.memory_space<vmem>>
        %dma_wait3A_167 = arith.constant 0 : i32
        %dma_wait3A_168 = tpu.memref_slice %arg3[%select_n3A, %dma_wait3A_167] : memref<4x262144xi32, #tpu.memory_space<hbm>> -> memref<1x4096xi32, #tpu.memory_space<hbm>>
        %dma_wait3A_169 = tpu.memref_squeeze %dma_wait3A_168 : memref<1x4096xi32, #tpu.memory_space<hbm>> -> memref<4096xi32, #tpu.memory_space<hbm>>
        %dma_wait3A_170 = arith.constant 0 : i32
        %dma_wait3A_171 = tpu.memref_slice %arg6[%rem3A_152, %dma_wait3A_170] : memref<2x4096xi32, #tpu.memory_space<vmem>> -> memref<1x4096xi32, #tpu.memory_space<vmem>>
        %dma_wait3A_172 = tpu.memref_squeeze %dma_wait3A_171 : memref<1x4096xi32, #tpu.memory_space<vmem>> -> memref<4096xi32, #tpu.memory_space<vmem>>
        %dma_wait3A_173 = arith.constant 0 : i32
        %dma_wait3A_174 = tpu.memref_slice %arg3[%select_n3A, %dma_wait3A_173] : memref<4x262144xi32, #tpu.memory_space<hbm>> -> memref<1x4096xi32, #tpu.memory_space<hbm>>
        %dma_wait3A_175 = tpu.memref_squeeze %dma_wait3A_174 : memref<1x4096xi32, #tpu.memory_space<hbm>> -> memref<4096xi32, #tpu.memory_space<hbm>>
        tpu.wait_dma2 semaphore(%arg12 : memref<!tpu.dma_semaphore, #tpu.memory_space<semaphore_mem>>) src(%dma_wait3A_175 : memref<4096xi32, #tpu.memory_space<hbm>>) dst(%dma_wait3A_172 : memref<4096xi32, #tpu.memory_space<vmem>>)
        %add3A_176 = arith.constant 1 : i32
        %add3A_177 = arith.addi %scan3A_150, %add3A_176 : i32
        %lt3A_178 = arith.constant 32 : i32
        %lt3A_179 = arith.cmpi slt, %add3A_177, %lt3A_178 : i32
        %convert_element_type3A_180 = arith.extui %lt3A_179 : i1 to i32
        %cond3A_181 = arith.constant 0 : i32
        %cond3A_182 = arith.cmpi ne, %convert_element_type3A_180, %cond3A_181 : i32
        scf.if %cond3A_182 {
          %add3A_195 = arith.constant 1 : i32
          %add3A_196 = arith.addi %scan3A_150, %add3A_195 : i32
          %sub3A_197 = arith.constant 1 : i32
          %sub3A_198 = arith.subi %sub3A_197, %rem3A_152 : i32
          %mul3A_199 = arith.constant 4096 : i32
          %mul3A_200 = arith.muli %add3A_196, %mul3A_199 : i32
          %add3A_201 = arith.addi %mul3A_109, %mul3A_200 : i32
          %dma_start3A_202 = arith.constant 0 : i32
          %dma_start3A_203 = tpu.memref_slice %arg5[%sub3A_198, %dma_start3A_202] : memref<2x4096xf32, #tpu.memory_space<vmem>> -> memref<1x4096xf32, #tpu.memory_space<vmem>>
          %dma_start3A_204 = tpu.memref_squeeze %dma_start3A_203 : memref<1x4096xf32, #tpu.memory_space<vmem>> -> memref<4096xf32, #tpu.memory_space<vmem>>
          %dma_start3A_205 = tpu.memref_slice %arg2[%select_n3A, %select_n3A_91, %add3A_201] : memref<4x19x262144xf32, #tpu.memory_space<hbm>> -> memref<1x1x4096xf32, #tpu.memory_space<hbm>>
          %dma_start3A_206 = tpu.memref_squeeze %dma_start3A_205 : memref<1x1x4096xf32, #tpu.memory_space<hbm>> -> memref<4096xf32, #tpu.memory_space<hbm>>
          %dma_start3A_207 = arith.constant 0 : i32
          %dma_start3A_208 = tpu.memref_slice %arg5[%sub3A_198, %dma_start3A_207] : memref<2x4096xf32, #tpu.memory_space<vmem>> -> memref<1x4096xf32, #tpu.memory_space<vmem>>
          %dma_start3A_209 = tpu.memref_squeeze %dma_start3A_208 : memref<1x4096xf32, #tpu.memory_space<vmem>> -> memref<4096xf32, #tpu.memory_space<vmem>>
          %dma_start3A_210 = tpu.memref_slice %arg2[%select_n3A, %select_n3A_91, %add3A_201] : memref<4x19x262144xf32, #tpu.memory_space<hbm>> -> memref<1x1x4096xf32, #tpu.memory_space<hbm>>
          %dma_start3A_211 = tpu.memref_squeeze %dma_start3A_210 : memref<1x1x4096xf32, #tpu.memory_space<hbm>> -> memref<4096xf32, #tpu.memory_space<hbm>>
          tpu.enqueue_dma source(%dma_start3A_211 : memref<4096xf32, #tpu.memory_space<hbm>>) target(%dma_start3A_209 : memref<4096xf32, #tpu.memory_space<vmem>>) target_semaphore(%arg11 : memref<!tpu.dma_semaphore, #tpu.memory_space<semaphore_mem>>)
          %dma_start3A_212 = arith.constant 0 : i32
          %dma_start3A_213 = tpu.memref_slice %arg6[%sub3A_198, %dma_start3A_212] : memref<2x4096xi32, #tpu.memory_space<vmem>> -> memref<1x4096xi32, #tpu.memory_space<vmem>>
          %dma_start3A_214 = tpu.memref_squeeze %dma_start3A_213 : memref<1x4096xi32, #tpu.memory_space<vmem>> -> memref<4096xi32, #tpu.memory_space<vmem>>
          %dma_start3A_215 = tpu.memref_slice %arg3[%select_n3A, %add3A_201] : memref<4x262144xi32, #tpu.memory_space<hbm>> -> memref<1x4096xi32, #tpu.memory_space<hbm>>
          %dma_start3A_216 = tpu.memref_squeeze %dma_start3A_215 : memref<1x4096xi32, #tpu.memory_space<hbm>> -> memref<4096xi32, #tpu.memory_space<hbm>>
          %dma_start3A_217 = arith.constant 0 : i32
          %dma_start3A_218 = tpu.memref_slice %arg6[%sub3A_198, %dma_start3A_217] : memref<2x4096xi32, #tpu.memory_space<vmem>> -> memref<1x4096xi32, #tpu.memory_space<vmem>>
          %dma_start3A_219 = tpu.memref_squeeze %dma_start3A_218 : memref<1x4096xi32, #tpu.memory_space<vmem>> -> memref<4096xi32, #tpu.memory_space<vmem>>
          %dma_start3A_220 = tpu.memref_slice %arg3[%select_n3A, %add3A_201] : memref<4x262144xi32, #tpu.memory_space<hbm>> -> memref<1x4096xi32, #tpu.memory_space<hbm>>
          %dma_start3A_221 = tpu.memref_squeeze %dma_start3A_220 : memref<1x4096xi32, #tpu.memory_space<hbm>> -> memref<4096xi32, #tpu.memory_space<hbm>>
          tpu.enqueue_dma source(%dma_start3A_221 : memref<4096xi32, #tpu.memory_space<hbm>>) target(%dma_start3A_219 : memref<4096xi32, #tpu.memory_space<vmem>>) target_semaphore(%arg12 : memref<!tpu.dma_semaphore, #tpu.memory_space<semaphore_mem>>)
        } else {
        }
        %scan3A_183 = arith.constant 0 : i32
        %scan3A_184 = arith.constant 0 : i32
        %scan3A_185 = arith.constant 85 : i32
        %scan3A_186 = arith.addi %scan3A_184, %scan3A_185 : i32
        %scan3A_187 = arith.constant 1 : i32
        scf.for %scan3A_195 = %scan3A_184 to %scan3A_186 step %scan3A_187  : i32 {
          %mul3A_196 = arith.constant 3 : i32
          %mul3A_197 = arith.muli %mul3A_196, %scan3A_195 : i32
          %mul3A_198 = arith.constant 16 : i32
          %mul3A_199 = arith.muli %mul3A_197, %mul3A_198 : i32
          %get3A_200 = arith.index_cast %rem3A_152 : i32 to index
          %get3A_201 = arith.index_cast %mul3A_199 : i32 to index
          %get3A_202 = tpu.vector_load %arg6[%get3A_200, %get3A_201] {strides = array<i32>} : memref<2x4096xi32, #tpu.memory_space<vmem>>, vector<16xi32>,
          %add3A_203 = arith.addi %get3A_202, %mul3A_3 : vector<16xi32>
          %gather3A_204 = tpu.vector_load_idx %arg7[%add3A_203] : memref<32784xf32, #tpu.memory_space<vmem>>[vector<16xi32>], vector<16xf32>,
          %mul3A_205 = arith.constant 3 : i32
          %mul3A_206 = arith.muli %mul3A_205, %scan3A_195 : i32
          %add3A_207 = arith.constant 1 : i32
          %add3A_208 = arith.addi %mul3A_206, %add3A_207 : i32
          %mul3A_209 = arith.constant 16 : i32
          %mul3A_210 = arith.muli %add3A_208, %mul3A_209 : i32
          %get3A_211 = arith.index_cast %rem3A_152 : i32 to index
          %get3A_212 = arith.index_cast %mul3A_210 : i32 to index
          %get3A_213 = tpu.vector_load %arg6[%get3A_211, %get3A_212] {strides = array<i32>} : memref<2x4096xi32, #tpu.memory_space<vmem>>, vector<16xi32>,
          %add3A_214 = arith.addi %get3A_213, %mul3A_3 : vector<16xi32>
          %gather3A_215 = tpu.vector_load_idx %arg8[%add3A_214] : memref<32784xf32, #tpu.memory_space<vmem>>[vector<16xi32>], vector<16xf32>,
          %mul3A_216 = arith.constant 3 : i32
          %mul3A_217 = arith.muli %mul3A_216, %scan3A_195 : i32
          %add3A_218 = arith.constant 2 : i32
          %add3A_219 = arith.addi %mul3A_217, %add3A_218 : i32
          %mul3A_220 = arith.constant 16 : i32
          %mul3A_221 = arith.muli %add3A_219, %mul3A_220 : i32
          %get3A_222 = arith.index_cast %rem3A_152 : i32 to index
          %get3A_223 = arith.index_cast %mul3A_221 : i32 to index
          %get3A_224 = tpu.vector_load %arg6[%get3A_222, %get3A_223] {strides = array<i32>} : memref<2x4096xi32, #tpu.memory_space<vmem>>, vector<16xi32>,
          %add3A_225 = arith.addi %get3A_224, %mul3A_3 : vector<16xi32>
          %gather3A_226 = tpu.vector_load_idx %arg9[%add3A_225] : memref<32784xf32, #tpu.memory_space<vmem>>[vector<16xi32>], vector<16xf32>,
          %mul3A_227 = arith.constant 3 : i32
          %mul3A_228 = arith.muli %mul3A_227, %scan3A_195 : i32
          %mul3A_229 = arith.constant 16 : i32
          %mul3A_230 = arith.muli %mul3A_228, %mul3A_229 : i32
          %get3A_231 = arith.index_cast %rem3A_152 : i32 to index
          %get3A_232 = arith.index_cast %mul3A_230 : i32 to index
          %get3A_233 = tpu.vector_load %arg5[%get3A_231, %get3A_232] {strides = array<i32>} : memref<2x4096xf32, #tpu.memory_space<vmem>>, vector<16xf32>,
          %max3A_234 = arith.maximumf %gather3A_204, %get3A_233 : vector<16xf32>
          tpu.vector_store_idx %arg7[%add3A_203], %max3A_234 : memref<32784xf32, #tpu.memory_space<vmem>>[vector<16xi32>], vector<16xf32>,
          %mul3A_235 = arith.constant 3 : i32
          %mul3A_236 = arith.muli %mul3A_235, %scan3A_195 : i32
          %add3A_237 = arith.constant 1 : i32
          %add3A_238 = arith.addi %mul3A_236, %add3A_237 : i32
          %mul3A_239 = arith.constant 16 : i32
          %mul3A_240 = arith.muli %add3A_238, %mul3A_239 : i32
          %get3A_241 = arith.index_cast %rem3A_152 : i32 to index
          %get3A_242 = arith.index_cast %mul3A_240 : i32 to index
          %get3A_243 = tpu.vector_load %arg5[%get3A_241, %get3A_242] {strides = array<i32>} : memref<2x4096xf32, #tpu.memory_space<vmem>>, vector<16xf32>,
          %max3A_244 = arith.maximumf %gather3A_215, %get3A_243 : vector<16xf32>
          tpu.vector_store_idx %arg8[%add3A_214], %max3A_244 : memref<32784xf32, #tpu.memory_space<vmem>>[vector<16xi32>], vector<16xf32>,
          %mul3A_245 = arith.constant 3 : i32
          %mul3A_246 = arith.muli %mul3A_245, %scan3A_195 : i32
          %add3A_247 = arith.constant 2 : i32
          %add3A_248 = arith.addi %mul3A_246, %add3A_247 : i32
          %mul3A_249 = arith.constant 16 : i32
          %mul3A_250 = arith.muli %add3A_248, %mul3A_249 : i32
          %get3A_251 = arith.index_cast %rem3A_152 : i32 to index
          %get3A_252 = arith.index_cast %mul3A_250 : i32 to index
          %get3A_253 = tpu.vector_load %arg5[%get3A_251, %get3A_252] {strides = array<i32>} : memref<2x4096xf32, #tpu.memory_space<vmem>>, vector<16xf32>,
          %max3A_254 = arith.maximumf %gather3A_226, %get3A_253 : vector<16xf32>
          tpu.vector_store_idx %arg9[%add3A_225], %max3A_254 : memref<32784xf32, #tpu.memory_space<vmem>>[vector<16xi32>], vector<16xf32>,
        }
        %scan3A_188 = arith.constant 85 : i32
        %get3A = arith.index_cast %rem3A_152 : i32 to index
        %get3A_189 = arith.constant 4080 : index
        %get3A_190 = tpu.vector_load %arg6[%get3A, %get3A_189] {strides = array<i32>} : memref<2x4096xi32, #tpu.memory_space<vmem>>, vector<16xi32>,
        %add3A_191 = arith.addi %get3A_190, %mul3A_3 : vector<16xi32>
        %gather3A = tpu.vector_load_idx %arg7[%add3A_191] : memref<32784xf32, #tpu.memory_space<vmem>>[vector<16xi32>], vector<16xf32>,
        %get3A_192 = arith.index_cast %rem3A_152 : i32 to index
        %get3A_193 = arith.constant 4080 : index
        %get3A_194 = tpu.vector_load %arg5[%get3A_192, %get3A_193] {strides = array<i32>} : memref<2x4096xf32, #tpu.memory_space<vmem>>, vector<16xf32>,
        %max3A = arith.maximumf %gather3A, %get3A_194 : vector<16xf32>
        tpu.vector_store_idx %arg7[%add3A_191], %max3A : memref<32784xf32, #tpu.memory_space<vmem>>[vector<16xi32>], vector<16xf32>,
      }
      %scan3A_143 = arith.constant 32 : i32
      %scan3A_144 = arith.constant 0 : i32
      %scan3A_145 = arith.constant 0 : i32
      %scan3A_146 = arith.constant 128 : i32
      %scan3A_147 = arith.addi %scan3A_145, %scan3A_146 : i32
      %scan3A_148 = arith.constant 1 : i32
      scf.for %scan3A_150 = %scan3A_145 to %scan3A_147 step %scan3A_148  : i32 {
        %mul3A_151 = arith.constant 16 : i32
        %mul3A_152 = arith.muli %scan3A_150, %mul3A_151 : i32
        %get3A = arith.index_cast %mul3A_152 : i32 to index
        %get3A_153 = tpu.vector_load %arg7[%get3A] {strides = array<i32>} : memref<32784xf32, #tpu.memory_space<vmem>>, vector<16xf32>,
        %get3A_154 = arith.index_cast %mul3A_152 : i32 to index
        %get3A_155 = tpu.vector_load %arg8[%get3A_154] {strides = array<i32>} : memref<32784xf32, #tpu.memory_space<vmem>>, vector<16xf32>,
        %max3A = arith.maximumf %get3A_153, %get3A_155 : vector<16xf32>
        %get3A_156 = arith.index_cast %mul3A_152 : i32 to index
        %get3A_157 = tpu.vector_load %arg9[%get3A_156] {strides = array<i32>} : memref<32784xf32, #tpu.memory_space<vmem>>, vector<16xf32>,
        %max3A_158 = arith.maximumf %max3A, %get3A_157 : vector<16xf32>
        %add3A_159 = arith.constant 2049 : i32
        %add3A_160 = arith.addi %add3A_159, %mul3A_152 : i32
        %get3A_161 = arith.index_cast %add3A_160 : i32 to index
        %get3A_162 = tpu.vector_load %arg7[%get3A_161] {strides = array<i32>} : memref<32784xf32, #tpu.memory_space<vmem>>, vector<16xf32>,
        %max3A_163 = arith.maximumf %max3A_158, %get3A_162 : vector<16xf32>
        %add3A_164 = arith.constant 2049 : i32
        %add3A_165 = arith.addi %add3A_164, %mul3A_152 : i32
        %get3A_166 = arith.index_cast %add3A_165 : i32 to index
        %get3A_167 = tpu.vector_load %arg8[%get3A_166] {strides = array<i32>} : memref<32784xf32, #tpu.memory_space<vmem>>, vector<16xf32>,
        %max3A_168 = arith.maximumf %max3A_163, %get3A_167 : vector<16xf32>
        %add3A_169 = arith.constant 2049 : i32
        %add3A_170 = arith.addi %add3A_169, %mul3A_152 : i32
        %get3A_171 = arith.index_cast %add3A_170 : i32 to index
        %get3A_172 = tpu.vector_load %arg9[%get3A_171] {strides = array<i32>} : memref<32784xf32, #tpu.memory_space<vmem>>, vector<16xf32>,
        %max3A_173 = arith.maximumf %max3A_168, %get3A_172 : vector<16xf32>
        %add3A_174 = arith.constant 4098 : i32
        %add3A_175 = arith.addi %add3A_174, %mul3A_152 : i32
        %get3A_176 = arith.index_cast %add3A_175 : i32 to index
        %get3A_177 = tpu.vector_load %arg7[%get3A_176] {strides = array<i32>} : memref<32784xf32, #tpu.memory_space<vmem>>, vector<16xf32>,
        %max3A_178 = arith.maximumf %max3A_173, %get3A_177 : vector<16xf32>
        %add3A_179 = arith.constant 4098 : i32
        %add3A_180 = arith.addi %add3A_179, %mul3A_152 : i32
        %get3A_181 = arith.index_cast %add3A_180 : i32 to index
        %get3A_182 = tpu.vector_load %arg8[%get3A_181] {strides = array<i32>} : memref<32784xf32, #tpu.memory_space<vmem>>, vector<16xf32>,
        %max3A_183 = arith.maximumf %max3A_178, %get3A_182 : vector<16xf32>
        %add3A_184 = arith.constant 4098 : i32
        %add3A_185 = arith.addi %add3A_184, %mul3A_152 : i32
        %get3A_186 = arith.index_cast %add3A_185 : i32 to index
        %get3A_187 = tpu.vector_load %arg9[%get3A_186] {strides = array<i32>} : memref<32784xf32, #tpu.memory_space<vmem>>, vector<16xf32>,
        %max3A_188 = arith.maximumf %max3A_183, %get3A_187 : vector<16xf32>
        %add3A_189 = arith.constant 6147 : i32
        %add3A_190 = arith.addi %add3A_189, %mul3A_152 : i32
        %get3A_191 = arith.index_cast %add3A_190 : i32 to index
        %get3A_192 = tpu.vector_load %arg7[%get3A_191] {strides = array<i32>} : memref<32784xf32, #tpu.memory_space<vmem>>, vector<16xf32>,
        %max3A_193 = arith.maximumf %max3A_188, %get3A_192 : vector<16xf32>
        %add3A_194 = arith.constant 6147 : i32
        %add3A_195 = arith.addi %add3A_194, %mul3A_152 : i32
        %get3A_196 = arith.index_cast %add3A_195 : i32 to index
        %get3A_197 = tpu.vector_load %arg8[%get3A_196] {strides = array<i32>} : memref<32784xf32, #tpu.memory_space<vmem>>, vector<16xf32>,
        %max3A_198 = arith.maximumf %max3A_193, %get3A_197 : vector<16xf32>
        %add3A_199 = arith.constant 6147 : i32
        %add3A_200 = arith.addi %add3A_199, %mul3A_152 : i32
        %get3A_201 = arith.index_cast %add3A_200 : i32 to index
        %get3A_202 = tpu.vector_load %arg9[%get3A_201] {strides = array<i32>} : memref<32784xf32, #tpu.memory_space<vmem>>, vector<16xf32>,
        %max3A_203 = arith.maximumf %max3A_198, %get3A_202 : vector<16xf32>
        %add3A_204 = arith.constant 8196 : i32
        %add3A_205 = arith.addi %add3A_204, %mul3A_152 : i32
        %get3A_206 = arith.index_cast %add3A_205 : i32 to index
        %get3A_207 = tpu.vector_load %arg7[%get3A_206] {strides = array<i32>} : memref<32784xf32, #tpu.memory_space<vmem>>, vector<16xf32>,
        %max3A_208 = arith.maximumf %max3A_203, %get3A_207 : vector<16xf32>
        %add3A_209 = arith.constant 8196 : i32
        %add3A_210 = arith.addi %add3A_209, %mul3A_152 : i32
        %get3A_211 = arith.index_cast %add3A_210 : i32 to index
        %get3A_212 = tpu.vector_load %arg8[%get3A_211] {strides = array<i32>} : memref<32784xf32, #tpu.memory_space<vmem>>, vector<16xf32>,
        %max3A_213 = arith.maximumf %max3A_208, %get3A_212 : vector<16xf32>
        %add3A_214 = arith.constant 8196 : i32
        %add3A_215 = arith.addi %add3A_214, %mul3A_152 : i32
        %get3A_216 = arith.index_cast %add3A_215 : i32 to index
        %get3A_217 = tpu.vector_load %arg9[%get3A_216] {strides = array<i32>} : memref<32784xf32, #tpu.memory_space<vmem>>, vector<16xf32>,
        %max3A_218 = arith.maximumf %max3A_213, %get3A_217 : vector<16xf32>
        %add3A_219 = arith.constant 10245 : i32
        %add3A_220 = arith.addi %add3A_219, %mul3A_152 : i32
        %get3A_221 = arith.index_cast %add3A_220 : i32 to index
        %get3A_222 = tpu.vector_load %arg7[%get3A_221] {strides = array<i32>} : memref<32784xf32, #tpu.memory_space<vmem>>, vector<16xf32>,
        %max3A_223 = arith.maximumf %max3A_218, %get3A_222 : vector<16xf32>
        %add3A_224 = arith.constant 10245 : i32
        %add3A_225 = arith.addi %add3A_224, %mul3A_152 : i32
        %get3A_226 = arith.index_cast %add3A_225 : i32 to index
        %get3A_227 = tpu.vector_load %arg8[%get3A_226] {strides = array<i32>} : memref<32784xf32, #tpu.memory_space<vmem>>, vector<16xf32>,
        %max3A_228 = arith.maximumf %max3A_223, %get3A_227 : vector<16xf32>
        %add3A_229 = arith.constant 10245 : i32
        %add3A_230 = arith.addi %add3A_229, %mul3A_152 : i32
        %get3A_231 = arith.index_cast %add3A_230 : i32 to index
        %get3A_232 = tpu.vector_load %arg9[%get3A_231] {strides = array<i32>} : memref<32784xf32, #tpu.memory_space<vmem>>, vector<16xf32>,
        %max3A_233 = arith.maximumf %max3A_228, %get3A_232 : vector<16xf32>
        %add3A_234 = arith.constant 12294 : i32
        %add3A_235 = arith.addi %add3A_234, %mul3A_152 : i32
        %get3A_236 = arith.index_cast %add3A_235 : i32 to index
        %get3A_237 = tpu.vector_load %arg7[%get3A_236] {strides = array<i32>} : memref<32784xf32, #tpu.memory_space<vmem>>, vector<16xf32>,
        %max3A_238 = arith.maximumf %max3A_233, %get3A_237 : vector<16xf32>
        %add3A_239 = arith.constant 12294 : i32
        %add3A_240 = arith.addi %add3A_239, %mul3A_152 : i32
        %get3A_241 = arith.index_cast %add3A_240 : i32 to index
        %get3A_242 = tpu.vector_load %arg8[%get3A_241] {strides = array<i32>} : memref<32784xf32, #tpu.memory_space<vmem>>, vector<16xf32>,
        %max3A_243 = arith.maximumf %max3A_238, %get3A_242 : vector<16xf32>
        %add3A_244 = arith.constant 12294 : i32
        %add3A_245 = arith.addi %add3A_244, %mul3A_152 : i32
        %get3A_246 = arith.index_cast %add3A_245 : i32 to index
        %get3A_247 = tpu.vector_load %arg9[%get3A_246] {strides = array<i32>} : memref<32784xf32, #tpu.memory_space<vmem>>, vector<16xf32>,
        %max3A_248 = arith.maximumf %max3A_243, %get3A_247 : vector<16xf32>
        %add3A_249 = arith.constant 14343 : i32
        %add3A_250 = arith.addi %add3A_249, %mul3A_152 : i32
        %get3A_251 = arith.index_cast %add3A_250 : i32 to index
        %get3A_252 = tpu.vector_load %arg7[%get3A_251] {strides = array<i32>} : memref<32784xf32, #tpu.memory_space<vmem>>, vector<16xf32>,
        %max3A_253 = arith.maximumf %max3A_248, %get3A_252 : vector<16xf32>
        %add3A_254 = arith.constant 14343 : i32
        %add3A_255 = arith.addi %add3A_254, %mul3A_152 : i32
        %get3A_256 = arith.index_cast %add3A_255 : i32 to index
        %get3A_257 = tpu.vector_load %arg8[%get3A_256] {strides = array<i32>} : memref<32784xf32, #tpu.memory_space<vmem>>, vector<16xf32>,
        %max3A_258 = arith.maximumf %max3A_253, %get3A_257 : vector<16xf32>
        %add3A_259 = arith.constant 14343 : i32
        %add3A_260 = arith.addi %add3A_259, %mul3A_152 : i32
        %get3A_261 = arith.index_cast %add3A_260 : i32 to index
        %get3A_262 = tpu.vector_load %arg9[%get3A_261] {strides = array<i32>} : memref<32784xf32, #tpu.memory_space<vmem>>, vector<16xf32>,
        %max3A_263 = arith.maximumf %max3A_258, %get3A_262 : vector<16xf32>
        %add3A_264 = arith.constant 16392 : i32
        %add3A_265 = arith.addi %add3A_264, %mul3A_152 : i32
        %get3A_266 = arith.index_cast %add3A_265 : i32 to index
        %get3A_267 = tpu.vector_load %arg7[%get3A_266] {strides = array<i32>} : memref<32784xf32, #tpu.memory_space<vmem>>, vector<16xf32>,
        %max3A_268 = arith.maximumf %max3A_263, %get3A_267 : vector<16xf32>
        %add3A_269 = arith.constant 16392 : i32
        %add3A_270 = arith.addi %add3A_269, %mul3A_152 : i32
        %get3A_271 = arith.index_cast %add3A_270 : i32 to index
        %get3A_272 = tpu.vector_load %arg8[%get3A_271] {strides = array<i32>} : memref<32784xf32, #tpu.memory_space<vmem>>, vector<16xf32>,
        %max3A_273 = arith.maximumf %max3A_268, %get3A_272 : vector<16xf32>
        %add3A_274 = arith.constant 16392 : i32
        %add3A_275 = arith.addi %add3A_274, %mul3A_152 : i32
        %get3A_276 = arith.index_cast %add3A_275 : i32 to index
        %get3A_277 = tpu.vector_load %arg9[%get3A_276] {strides = array<i32>} : memref<32784xf32, #tpu.memory_space<vmem>>, vector<16xf32>,
        %max3A_278 = arith.maximumf %max3A_273, %get3A_277 : vector<16xf32>
        %add3A_279 = arith.constant 18441 : i32
        %add3A_280 = arith.addi %add3A_279, %mul3A_152 : i32
        %get3A_281 = arith.index_cast %add3A_280 : i32 to index
        %get3A_282 = tpu.vector_load %arg7[%get3A_281] {strides = array<i32>} : memref<32784xf32, #tpu.memory_space<vmem>>, vector<16xf32>,
        %max3A_283 = arith.maximumf %max3A_278, %get3A_282 : vector<16xf32>
        %add3A_284 = arith.constant 18441 : i32
        %add3A_285 = arith.addi %add3A_284, %mul3A_152 : i32
        %get3A_286 = arith.index_cast %add3A_285 : i32 to index
        %get3A_287 = tpu.vector_load %arg8[%get3A_286] {strides = array<i32>} : memref<32784xf32, #tpu.memory_space<vmem>>, vector<16xf32>,
        %max3A_288 = arith.maximumf %max3A_283, %get3A_287 : vector<16xf32>
        %add3A_289 = arith.constant 18441 : i32
        %add3A_290 = arith.addi %add3A_289, %mul3A_152 : i32
        %get3A_291 = arith.index_cast %add3A_290 : i32 to index
        %get3A_292 = tpu.vector_load %arg9[%get3A_291] {strides = array<i32>} : memref<32784xf32, #tpu.memory_space<vmem>>, vector<16xf32>,
        %max3A_293 = arith.maximumf %max3A_288, %get3A_292 : vector<16xf32>
        %add3A_294 = arith.constant 20490 : i32
        %add3A_295 = arith.addi %add3A_294, %mul3A_152 : i32
        %get3A_296 = arith.index_cast %add3A_295 : i32 to index
        %get3A_297 = tpu.vector_load %arg7[%get3A_296] {strides = array<i32>} : memref<32784xf32, #tpu.memory_space<vmem>>, vector<16xf32>,
        %max3A_298 = arith.maximumf %max3A_293, %get3A_297 : vector<16xf32>
        %add3A_299 = arith.constant 20490 : i32
        %add3A_300 = arith.addi %add3A_299, %mul3A_152 : i32
        %get3A_301 = arith.index_cast %add3A_300 : i32 to index
        %get3A_302 = tpu.vector_load %arg8[%get3A_301] {strides = array<i32>} : memref<32784xf32, #tpu.memory_space<vmem>>, vector<16xf32>,
        %max3A_303 = arith.maximumf %max3A_298, %get3A_302 : vector<16xf32>
        %add3A_304 = arith.constant 20490 : i32
        %add3A_305 = arith.addi %add3A_304, %mul3A_152 : i32
        %get3A_306 = arith.index_cast %add3A_305 : i32 to index
        %get3A_307 = tpu.vector_load %arg9[%get3A_306] {strides = array<i32>} : memref<32784xf32, #tpu.memory_space<vmem>>, vector<16xf32>,
        %max3A_308 = arith.maximumf %max3A_303, %get3A_307 : vector<16xf32>
        %add3A_309 = arith.constant 22539 : i32
        %add3A_310 = arith.addi %add3A_309, %mul3A_152 : i32
        %get3A_311 = arith.index_cast %add3A_310 : i32 to index
        %get3A_312 = tpu.vector_load %arg7[%get3A_311] {strides = array<i32>} : memref<32784xf32, #tpu.memory_space<vmem>>, vector<16xf32>,
        %max3A_313 = arith.maximumf %max3A_308, %get3A_312 : vector<16xf32>
        %add3A_314 = arith.constant 22539 : i32
        %add3A_315 = arith.addi %add3A_314, %mul3A_152 : i32
        %get3A_316 = arith.index_cast %add3A_315 : i32 to index
        %get3A_317 = tpu.vector_load %arg8[%get3A_316] {strides = array<i32>} : memref<32784xf32, #tpu.memory_space<vmem>>, vector<16xf32>,
        %max3A_318 = arith.maximumf %max3A_313, %get3A_317 : vector<16xf32>
        %add3A_319 = arith.constant 22539 : i32
        %add3A_320 = arith.addi %add3A_319, %mul3A_152 : i32
        %get3A_321 = arith.index_cast %add3A_320 : i32 to index
        %get3A_322 = tpu.vector_load %arg9[%get3A_321] {strides = array<i32>} : memref<32784xf32, #tpu.memory_space<vmem>>, vector<16xf32>,
        %max3A_323 = arith.maximumf %max3A_318, %get3A_322 : vector<16xf32>
        %add3A_324 = arith.constant 24588 : i32
        %add3A_325 = arith.addi %add3A_324, %mul3A_152 : i32
        %get3A_326 = arith.index_cast %add3A_325 : i32 to index
        %get3A_327 = tpu.vector_load %arg7[%get3A_326] {strides = array<i32>} : memref<32784xf32, #tpu.memory_space<vmem>>, vector<16xf32>,
        %max3A_328 = arith.maximumf %max3A_323, %get3A_327 : vector<16xf32>
        %add3A_329 = arith.constant 24588 : i32
        %add3A_330 = arith.addi %add3A_329, %mul3A_152 : i32
        %get3A_331 = arith.index_cast %add3A_330 : i32 to index
        %get3A_332 = tpu.vector_load %arg8[%get3A_331] {strides = array<i32>} : memref<32784xf32, #tpu.memory_space<vmem>>, vector<16xf32>,
        %max3A_333 = arith.maximumf %max3A_328, %get3A_332 : vector<16xf32>
        %add3A_334 = arith.constant 24588 : i32
        %add3A_335 = arith.addi %add3A_334, %mul3A_152 : i32
        %get3A_336 = arith.index_cast %add3A_335 : i32 to index
        %get3A_337 = tpu.vector_load %arg9[%get3A_336] {strides = array<i32>} : memref<32784xf32, #tpu.memory_space<vmem>>, vector<16xf32>,
        %max3A_338 = arith.maximumf %max3A_333, %get3A_337 : vector<16xf32>
        %add3A_339 = arith.constant 26637 : i32
        %add3A_340 = arith.addi %add3A_339, %mul3A_152 : i32
        %get3A_341 = arith.index_cast %add3A_340 : i32 to index
        %get3A_342 = tpu.vector_load %arg7[%get3A_341] {strides = array<i32>} : memref<32784xf32, #tpu.memory_space<vmem>>, vector<16xf32>,
        %max3A_343 = arith.maximumf %max3A_338, %get3A_342 : vector<16xf32>
        %add3A_344 = arith.constant 26637 : i32
        %add3A_345 = arith.addi %add3A_344, %mul3A_152 : i32
        %get3A_346 = arith.index_cast %add3A_345 : i32 to index
        %get3A_347 = tpu.vector_load %arg8[%get3A_346] {strides = array<i32>} : memref<32784xf32, #tpu.memory_space<vmem>>, vector<16xf32>,
        %max3A_348 = arith.maximumf %max3A_343, %get3A_347 : vector<16xf32>
        %add3A_349 = arith.constant 26637 : i32
        %add3A_350 = arith.addi %add3A_349, %mul3A_152 : i32
        %get3A_351 = arith.index_cast %add3A_350 : i32 to index
        %get3A_352 = tpu.vector_load %arg9[%get3A_351] {strides = array<i32>} : memref<32784xf32, #tpu.memory_space<vmem>>, vector<16xf32>,
        %max3A_353 = arith.maximumf %max3A_348, %get3A_352 : vector<16xf32>
        %add3A_354 = arith.constant 28686 : i32
        %add3A_355 = arith.addi %add3A_354, %mul3A_152 : i32
        %get3A_356 = arith.index_cast %add3A_355 : i32 to index
        %get3A_357 = tpu.vector_load %arg7[%get3A_356] {strides = array<i32>} : memref<32784xf32, #tpu.memory_space<vmem>>, vector<16xf32>,
        %max3A_358 = arith.maximumf %max3A_353, %get3A_357 : vector<16xf32>
        %add3A_359 = arith.constant 28686 : i32
        %add3A_360 = arith.addi %add3A_359, %mul3A_152 : i32
        %get3A_361 = arith.index_cast %add3A_360 : i32 to index
        %get3A_362 = tpu.vector_load %arg8[%get3A_361] {strides = array<i32>} : memref<32784xf32, #tpu.memory_space<vmem>>, vector<16xf32>,
        %max3A_363 = arith.maximumf %max3A_358, %get3A_362 : vector<16xf32>
        %add3A_364 = arith.constant 28686 : i32
        %add3A_365 = arith.addi %add3A_364, %mul3A_152 : i32
        %get3A_366 = arith.index_cast %add3A_365 : i32 to index
        %get3A_367 = tpu.vector_load %arg9[%get3A_366] {strides = array<i32>} : memref<32784xf32, #tpu.memory_space<vmem>>, vector<16xf32>,
        %max3A_368 = arith.maximumf %max3A_363, %get3A_367 : vector<16xf32>
        %add3A_369 = arith.constant 30735 : i32
        %add3A_370 = arith.addi %add3A_369, %mul3A_152 : i32
        %get3A_371 = arith.index_cast %add3A_370 : i32 to index
        %get3A_372 = tpu.vector_load %arg7[%get3A_371] {strides = array<i32>} : memref<32784xf32, #tpu.memory_space<vmem>>, vector<16xf32>,
        %max3A_373 = arith.maximumf %max3A_368, %get3A_372 : vector<16xf32>
        %add3A_374 = arith.constant 30735 : i32
        %add3A_375 = arith.addi %add3A_374, %mul3A_152 : i32
        %get3A_376 = arith.index_cast %add3A_375 : i32 to index
        %get3A_377 = tpu.vector_load %arg8[%get3A_376] {strides = array<i32>} : memref<32784xf32, #tpu.memory_space<vmem>>, vector<16xf32>,
        %max3A_378 = arith.maximumf %max3A_373, %get3A_377 : vector<16xf32>
        %add3A_379 = arith.constant 30735 : i32
        %add3A_380 = arith.addi %add3A_379, %mul3A_152 : i32
        %get3A_381 = arith.index_cast %add3A_380 : i32 to index
        %get3A_382 = tpu.vector_load %arg9[%get3A_381] {strides = array<i32>} : memref<32784xf32, #tpu.memory_space<vmem>>, vector<16xf32>,
        %max3A_383 = arith.maximumf %max3A_378, %get3A_382 : vector<16xf32>
        %swap3A = arith.index_cast %mul3A_152 : i32 to index
        %swap3A_384 = tpu.vector_load %arg10[%swap3A] {strides = array<i32>} : memref<2048xf32, #tpu.memory_space<vmem>>, vector<16xf32>,
        tpu.vector_store %arg10[%swap3A], %max3A_383 {strides = array<i32>} : memref<2048xf32, #tpu.memory_space<vmem>>, vector<16xf32>,
      }
      %scan3A_149 = arith.constant 128 : i32
      "tpu.region"() ({
        %run_scoped3A = tpu.sem_alloc : memref<!tpu.dma_semaphore, #tpu.memory_space<semaphore_mem>>
        %dma_start3A_150 = arith.constant 0 : i32
        %dma_start3A_151 = tpu.memref_slice %arg4[%select_n3A, %select_n3A_91, %select_n3A_107, %dma_start3A_150] : memref<4x19x2x2048xf32, #tpu.memory_space<hbm>> -> memref<1x1x1x2048xf32, #tpu.memory_space<hbm>>
        %dma_start3A_152 = tpu.memref_squeeze %dma_start3A_151 : memref<1x1x1x2048xf32, #tpu.memory_space<hbm>> -> memref<2048xf32, #tpu.memory_space<hbm>>
        %dma_start3A_153 = arith.constant 0 : i32
        %dma_start3A_154 = tpu.memref_slice %arg4[%select_n3A, %select_n3A_91, %select_n3A_107, %dma_start3A_153] : memref<4x19x2x2048xf32, #tpu.memory_space<hbm>> -> memref<1x1x1x2048xf32, #tpu.memory_space<hbm>>
        %dma_start3A_155 = tpu.memref_squeeze %dma_start3A_154 : memref<1x1x1x2048xf32, #tpu.memory_space<hbm>> -> memref<2048xf32, #tpu.memory_space<hbm>>
        tpu.enqueue_dma source(%arg10 : memref<2048xf32, #tpu.memory_space<vmem>>) target(%dma_start3A_155 : memref<2048xf32, #tpu.memory_space<hbm>>) target_semaphore(%run_scoped3A : memref<!tpu.dma_semaphore, #tpu.memory_space<semaphore_mem>>)
        %dma_wait3A = arith.constant 0 : i32
        %dma_wait3A_156 = tpu.memref_slice %arg4[%select_n3A, %select_n3A_91, %select_n3A_107, %dma_wait3A] : memref<4x19x2x2048xf32, #tpu.memory_space<hbm>> -> memref<1x1x1x2048xf32, #tpu.memory_space<hbm>>
        %dma_wait3A_157 = tpu.memref_squeeze %dma_wait3A_156 : memref<1x1x1x2048xf32, #tpu.memory_space<hbm>> -> memref<2048xf32, #tpu.memory_space<hbm>>
        %dma_wait3A_158 = arith.constant 0 : i32
        %dma_wait3A_159 = tpu.memref_slice %arg4[%select_n3A, %select_n3A_91, %select_n3A_107, %dma_wait3A_158] : memref<4x19x2x2048xf32, #tpu.memory_space<hbm>> -> memref<1x1x1x2048xf32, #tpu.memory_space<hbm>>
        %dma_wait3A_160 = tpu.memref_squeeze %dma_wait3A_159 : memref<1x1x1x2048xf32, #tpu.memory_space<hbm>> -> memref<2048xf32, #tpu.memory_space<hbm>>
        tpu.wait_dma2 semaphore(%run_scoped3A : memref<!tpu.dma_semaphore, #tpu.memory_space<semaphore_mem>>) src(%arg10 : memref<2048xf32, #tpu.memory_space<vmem>>) dst(%dma_wait3A_160 : memref<2048xf32, #tpu.memory_space<hbm>>)
        tpu.yield
      }) : () -> ()
    } else {
    }
    %add3A_16 = arith.constant 64 : i32
    %add3A_17 = arith.addi %add3A, %add3A_16 : i32
    %lt3A_18 = arith.constant 152 : i32
    %lt3A_19 = arith.cmpi slt, %add3A_17, %lt3A_18 : i32
    %convert_element_type3A_20 = arith.extui %lt3A_19 : i1 to i32
    %cond3A_21 = arith.constant 0 : i32
    %cond3A_22 = arith.cmpi ne, %convert_element_type3A_20, %cond3A_21 : i32
    scf.if %cond3A_22 {
      %jit3A = arith.constant 38 : i32
      %div3A = arith.divsi %add3A_17, %jit3A : i32
      %sign3A = arith.constant 0 : i32
      %sign3A_37 = arith.cmpi sgt, %add3A_17, %sign3A : i32
      %sign3A_38 = arith.extui %sign3A_37 : i1 to i32
      %sign3A_39 = arith.constant 0 : i32
      %sign3A_40 = arith.cmpi slt, %add3A_17, %sign3A_39 : i32
      %sign3A_41 = arith.extui %sign3A_40 : i1 to i32
      %sign3A_42 = arith.subi %sign3A_38, %sign3A_41 : i32
      %sign3A_43 = arith.constant 0 : i32
      %sign3A_44 = arith.cmpi sgt, %jit3A, %sign3A_43 : i32
      %sign3A_45 = arith.extui %sign3A_44 : i1 to i32
      %sign3A_46 = arith.constant 0 : i32
      %sign3A_47 = arith.cmpi slt, %jit3A, %sign3A_46 : i32
      %sign3A_48 = arith.extui %sign3A_47 : i1 to i32
      %sign3A_49 = arith.subi %sign3A_45, %sign3A_48 : i32
      %ne3A = arith.cmpi ne, %sign3A_42, %sign3A_49 : i32
      %rem3A = arith.remsi %add3A_17, %jit3A : i32
      %ne3A_50 = arith.constant 0 : i32
      %ne3A_51 = arith.cmpi ne, %rem3A, %ne3A_50 : i32
      %and3A = arith.andi %ne3A, %ne3A_51 : i1
      %sub3A = arith.constant 1 : i32
      %sub3A_52 = arith.subi %div3A, %sub3A : i32
      %select_n3A = arith.select %and3A, %sub3A_52, %div3A : i32
      %jit3A_53 = arith.constant 38 : i32
      %eq3A = arith.constant 0 : i32
      %eq3A_54 = arith.cmpi eq, %jit3A_53, %eq3A : i32
      %jit3A_55 = arith.constant 1 : i32
      %select_n3A_56 = arith.select %eq3A_54, %jit3A_55, %jit3A_53 : i32
      %rem3A_57 = arith.remsi %add3A_17, %select_n3A_56 : i32
      %ne3A_58 = arith.constant 0 : i32
      %ne3A_59 = arith.cmpi ne, %rem3A_57, %ne3A_58 : i32
      %lt3A_60 = arith.constant 0 : i32
      %lt3A_61 = arith.cmpi slt, %rem3A_57, %lt3A_60 : i32
      %lt3A_62 = arith.constant 0 : i32
      %lt3A_63 = arith.cmpi slt, %select_n3A_56, %lt3A_62 : i32
      %ne3A_64 = arith.xori %lt3A_61, %lt3A_63 : i1
      %and3A_65 = arith.andi %ne3A_64, %ne3A_59 : i1
      %add3A_66 = arith.addi %rem3A_57, %select_n3A_56 : i32
      %select_n3A_67 = arith.select %and3A_65, %add3A_66, %rem3A_57 : i32
      %jit3A_68 = arith.constant 2 : i32
      %div3A_69 = arith.divsi %select_n3A_67, %jit3A_68 : i32
      %sign3A_70 = arith.constant 0 : i32
      %sign3A_71 = arith.cmpi sgt, %select_n3A_67, %sign3A_70 : i32
      %sign3A_72 = arith.extui %sign3A_71 : i1 to i32
      %sign3A_73 = arith.constant 0 : i32
      %sign3A_74 = arith.cmpi slt, %select_n3A_67, %sign3A_73 : i32
      %sign3A_75 = arith.extui %sign3A_74 : i1 to i32
      %sign3A_76 = arith.subi %sign3A_72, %sign3A_75 : i32
      %sign3A_77 = arith.constant 0 : i32
      %sign3A_78 = arith.cmpi sgt, %jit3A_68, %sign3A_77 : i32
      %sign3A_79 = arith.extui %sign3A_78 : i1 to i32
      %sign3A_80 = arith.constant 0 : i32
      %sign3A_81 = arith.cmpi slt, %jit3A_68, %sign3A_80 : i32
      %sign3A_82 = arith.extui %sign3A_81 : i1 to i32
      %sign3A_83 = arith.subi %sign3A_79, %sign3A_82 : i32
      %ne3A_84 = arith.cmpi ne, %sign3A_76, %sign3A_83 : i32
      %rem3A_85 = arith.remsi %select_n3A_67, %jit3A_68 : i32
      %ne3A_86 = arith.constant 0 : i32
      %ne3A_87 = arith.cmpi ne, %rem3A_85, %ne3A_86 : i32
      %and3A_88 = arith.andi %ne3A_84, %ne3A_87 : i1
      %sub3A_89 = arith.constant 1 : i32
      %sub3A_90 = arith.subi %div3A_69, %sub3A_89 : i32
      %select_n3A_91 = arith.select %and3A_88, %sub3A_90, %div3A_69 : i32
      %jit3A_92 = arith.constant 2 : i32
      %eq3A_93 = arith.constant 0 : i32
      %eq3A_94 = arith.cmpi eq, %jit3A_92, %eq3A_93 : i32
      %jit3A_95 = arith.constant 1 : i32
      %select_n3A_96 = arith.select %eq3A_94, %jit3A_95, %jit3A_92 : i32
      %rem3A_97 = arith.remsi %select_n3A_67, %select_n3A_96 : i32
      %ne3A_98 = arith.constant 0 : i32
      %ne3A_99 = arith.cmpi ne, %rem3A_97, %ne3A_98 : i32
      %lt3A_100 = arith.constant 0 : i32
      %lt3A_101 = arith.cmpi slt, %rem3A_97, %lt3A_100 : i32
      %lt3A_102 = arith.constant 0 : i32
      %lt3A_103 = arith.cmpi slt, %select_n3A_96, %lt3A_102 : i32
      %ne3A_104 = arith.xori %lt3A_101, %lt3A_103 : i1
      %and3A_105 = arith.andi %ne3A_104, %ne3A_99 : i1
      %add3A_106 = arith.addi %rem3A_97, %select_n3A_96 : i32
      %select_n3A_107 = arith.select %and3A_105, %add3A_106, %rem3A_97 : i32
      %mul3A_108 = arith.constant 131072 : i32
      %mul3A_109 = arith.muli %select_n3A_107, %mul3A_108 : i32
      %scan3A = arith.constant 0 : i32
      %scan3A_110 = arith.constant 0 : i32
      %scan3A_111 = arith.constant 2049 : i32
      %scan3A_112 = arith.addi %scan3A_110, %scan3A_111 : i32
      %scan3A_113 = arith.constant 1 : i32
      scf.for %scan3A_150 = %scan3A_110 to %scan3A_112 step %scan3A_113  : i32 {
        %mul3A_151 = arith.constant 16 : i32
        %mul3A_152 = arith.muli %scan3A_150, %mul3A_151 : i32
        %swap3A = arith.index_cast %mul3A_152 : i32 to index
        %swap3A_153 = tpu.vector_load %arg7[%swap3A] {strides = array<i32>} : memref<32784xf32, #tpu.memory_space<vmem>>, vector<16xf32>,
        tpu.vector_store %arg7[%swap3A], %broadcast_in_dim3A_4 {strides = array<i32>} : memref<32784xf32, #tpu.memory_space<vmem>>, vector<16xf32>,
        %mul3A_154 = arith.constant 16 : i32
        %mul3A_155 = arith.muli %scan3A_150, %mul3A_154 : i32
        %swap3A_156 = arith.index_cast %mul3A_155 : i32 to index
        %swap3A_157 = tpu.vector_load %arg8[%swap3A_156] {strides = array<i32>} : memref<32784xf32, #tpu.memory_space<vmem>>, vector<16xf32>,
        tpu.vector_store %arg8[%swap3A_156], %broadcast_in_dim3A_4 {strides = array<i32>} : memref<32784xf32, #tpu.memory_space<vmem>>, vector<16xf32>,
        %mul3A_158 = arith.constant 16 : i32
        %mul3A_159 = arith.muli %scan3A_150, %mul3A_158 : i32
        %swap3A_160 = arith.index_cast %mul3A_159 : i32 to index
        %swap3A_161 = tpu.vector_load %arg9[%swap3A_160] {strides = array<i32>} : memref<32784xf32, #tpu.memory_space<vmem>>, vector<16xf32>,
        tpu.vector_store %arg9[%swap3A_160], %broadcast_in_dim3A_4 {strides = array<i32>} : memref<32784xf32, #tpu.memory_space<vmem>>, vector<16xf32>,
      }
      %scan3A_114 = arith.constant 2049 : i32
      %add3A_115 = arith.constant 0 : i32
      %add3A_116 = arith.addi %mul3A_109, %add3A_115 : i32
      %dma_start3A = arith.constant 0 : i32
      %dma_start3A_117 = arith.constant 0 : i32
      %dma_start3A_118 = tpu.memref_slice %arg5[%dma_start3A, %dma_start3A_117] : memref<2x4096xf32, #tpu.memory_space<vmem>> -> memref<1x4096xf32, #tpu.memory_space<vmem>>
      %dma_start3A_119 = tpu.memref_squeeze %dma_start3A_118 : memref<1x4096xf32, #tpu.memory_space<vmem>> -> memref<4096xf32, #tpu.memory_space<vmem>>
      %dma_start3A_120 = tpu.memref_slice %arg2[%select_n3A, %select_n3A_91, %add3A_116] : memref<4x19x262144xf32, #tpu.memory_space<hbm>> -> memref<1x1x4096xf32, #tpu.memory_space<hbm>>
      %dma_start3A_121 = tpu.memref_squeeze %dma_start3A_120 : memref<1x1x4096xf32, #tpu.memory_space<hbm>> -> memref<4096xf32, #tpu.memory_space<hbm>>
      %dma_start3A_122 = arith.constant 0 : i32
      %dma_start3A_123 = tpu.memref_slice %arg5[%dma_start3A, %dma_start3A_122] : memref<2x4096xf32, #tpu.memory_space<vmem>> -> memref<1x4096xf32, #tpu.memory_space<vmem>>
      %dma_start3A_124 = tpu.memref_squeeze %dma_start3A_123 : memref<1x4096xf32, #tpu.memory_space<vmem>> -> memref<4096xf32, #tpu.memory_space<vmem>>
      %dma_start3A_125 = tpu.memref_slice %arg2[%select_n3A, %select_n3A_91, %add3A_116] : memref<4x19x262144xf32, #tpu.memory_space<hbm>> -> memref<1x1x4096xf32, #tpu.memory_space<hbm>>
      %dma_start3A_126 = tpu.memref_squeeze %dma_start3A_125 : memref<1x1x4096xf32, #tpu.memory_space<hbm>> -> memref<4096xf32, #tpu.memory_space<hbm>>
      tpu.enqueue_dma source(%dma_start3A_126 : memref<4096xf32, #tpu.memory_space<hbm>>) target(%dma_start3A_124 : memref<4096xf32, #tpu.memory_space<vmem>>) target_semaphore(%arg11 : memref<!tpu.dma_semaphore, #tpu.memory_space<semaphore_mem>>)
      %dma_start3A_127 = arith.constant 0 : i32
      %dma_start3A_128 = arith.constant 0 : i32
      %dma_start3A_129 = tpu.memref_slice %arg6[%dma_start3A_127, %dma_start3A_128] : memref<2x4096xi32, #tpu.memory_space<vmem>> -> memref<1x4096xi32, #tpu.memory_space<vmem>>
      %dma_start3A_130 = tpu.memref_squeeze %dma_start3A_129 : memref<1x4096xi32, #tpu.memory_space<vmem>> -> memref<4096xi32, #tpu.memory_space<vmem>>
      %dma_start3A_131 = tpu.memref_slice %arg3[%select_n3A, %add3A_116] : memref<4x262144xi32, #tpu.memory_space<hbm>> -> memref<1x4096xi32, #tpu.memory_space<hbm>>
      %dma_start3A_132 = tpu.memref_squeeze %dma_start3A_131 : memref<1x4096xi32, #tpu.memory_space<hbm>> -> memref<4096xi32, #tpu.memory_space<hbm>>
      %dma_start3A_133 = arith.constant 0 : i32
      %dma_start3A_134 = tpu.memref_slice %arg6[%dma_start3A_127, %dma_start3A_133] : memref<2x4096xi32, #tpu.memory_space<vmem>> -> memref<1x4096xi32, #tpu.memory_space<vmem>>
      %dma_start3A_135 = tpu.memref_squeeze %dma_start3A_134 : memref<1x4096xi32, #tpu.memory_space<vmem>> -> memref<4096xi32, #tpu.memory_space<vmem>>
      %dma_start3A_136 = tpu.memref_slice %arg3[%select_n3A, %add3A_116] : memref<4x262144xi32, #tpu.memory_space<hbm>> -> memref<1x4096xi32, #tpu.memory_space<hbm>>
      %dma_start3A_137 = tpu.memref_squeeze %dma_start3A_136 : memref<1x4096xi32, #tpu.memory_space<hbm>> -> memref<4096xi32, #tpu.memory_space<hbm>>
      tpu.enqueue_dma source(%dma_start3A_137 : memref<4096xi32, #tpu.memory_space<hbm>>) target(%dma_start3A_135 : memref<4096xi32, #tpu.memory_space<vmem>>) target_semaphore(%arg12 : memref<!tpu.dma_semaphore, #tpu.memory_space<semaphore_mem>>)
      %scan3A_138 = arith.constant 0 : i32
      %scan3A_139 = arith.constant 0 : i32
      %scan3A_140 = arith.constant 32 : i32
      %scan3A_141 = arith.addi %scan3A_139, %scan3A_140 : i32
      %scan3A_142 = arith.constant 1 : i32
      scf.for %scan3A_150 = %scan3A_139 to %scan3A_141 step %scan3A_142  : i32 {
        %rem3A_151 = arith.constant 2 : i32
        %rem3A_152 = arith.remsi %scan3A_150, %rem3A_151 : i32
        %dma_wait3A = arith.constant 0 : i32
        %dma_wait3A_153 = tpu.memref_slice %arg5[%rem3A_152, %dma_wait3A] : memref<2x4096xf32, #tpu.memory_space<vmem>> -> memref<1x4096xf32, #tpu.memory_space<vmem>>
        %dma_wait3A_154 = tpu.memref_squeeze %dma_wait3A_153 : memref<1x4096xf32, #tpu.memory_space<vmem>> -> memref<4096xf32, #tpu.memory_space<vmem>>
        %dma_wait3A_155 = arith.constant 0 : i32
        %dma_wait3A_156 = tpu.memref_slice %arg2[%select_n3A, %select_n3A_91, %dma_wait3A_155] : memref<4x19x262144xf32, #tpu.memory_space<hbm>> -> memref<1x1x4096xf32, #tpu.memory_space<hbm>>
        %dma_wait3A_157 = tpu.memref_squeeze %dma_wait3A_156 : memref<1x1x4096xf32, #tpu.memory_space<hbm>> -> memref<4096xf32, #tpu.memory_space<hbm>>
        %dma_wait3A_158 = arith.constant 0 : i32
        %dma_wait3A_159 = tpu.memref_slice %arg5[%rem3A_152, %dma_wait3A_158] : memref<2x4096xf32, #tpu.memory_space<vmem>> -> memref<1x4096xf32, #tpu.memory_space<vmem>>
        %dma_wait3A_160 = tpu.memref_squeeze %dma_wait3A_159 : memref<1x4096xf32, #tpu.memory_space<vmem>> -> memref<4096xf32, #tpu.memory_space<vmem>>
        %dma_wait3A_161 = arith.constant 0 : i32
        %dma_wait3A_162 = tpu.memref_slice %arg2[%select_n3A, %select_n3A_91, %dma_wait3A_161] : memref<4x19x262144xf32, #tpu.memory_space<hbm>> -> memref<1x1x4096xf32, #tpu.memory_space<hbm>>
        %dma_wait3A_163 = tpu.memref_squeeze %dma_wait3A_162 : memref<1x1x4096xf32, #tpu.memory_space<hbm>> -> memref<4096xf32, #tpu.memory_space<hbm>>
        tpu.wait_dma2 semaphore(%arg11 : memref<!tpu.dma_semaphore, #tpu.memory_space<semaphore_mem>>) src(%dma_wait3A_163 : memref<4096xf32, #tpu.memory_space<hbm>>) dst(%dma_wait3A_160 : memref<4096xf32, #tpu.memory_space<vmem>>)
        %dma_wait3A_164 = arith.constant 0 : i32
        %dma_wait3A_165 = tpu.memref_slice %arg6[%rem3A_152, %dma_wait3A_164] : memref<2x4096xi32, #tpu.memory_space<vmem>> -> memref<1x4096xi32, #tpu.memory_space<vmem>>
        %dma_wait3A_166 = tpu.memref_squeeze %dma_wait3A_165 : memref<1x4096xi32, #tpu.memory_space<vmem>> -> memref<4096xi32, #tpu.memory_space<vmem>>
        %dma_wait3A_167 = arith.constant 0 : i32
        %dma_wait3A_168 = tpu.memref_slice %arg3[%select_n3A, %dma_wait3A_167] : memref<4x262144xi32, #tpu.memory_space<hbm>> -> memref<1x4096xi32, #tpu.memory_space<hbm>>
        %dma_wait3A_169 = tpu.memref_squeeze %dma_wait3A_168 : memref<1x4096xi32, #tpu.memory_space<hbm>> -> memref<4096xi32, #tpu.memory_space<hbm>>
        %dma_wait3A_170 = arith.constant 0 : i32
        %dma_wait3A_171 = tpu.memref_slice %arg6[%rem3A_152, %dma_wait3A_170] : memref<2x4096xi32, #tpu.memory_space<vmem>> -> memref<1x4096xi32, #tpu.memory_space<vmem>>
        %dma_wait3A_172 = tpu.memref_squeeze %dma_wait3A_171 : memref<1x4096xi32, #tpu.memory_space<vmem>> -> memref<4096xi32, #tpu.memory_space<vmem>>
        %dma_wait3A_173 = arith.constant 0 : i32
        %dma_wait3A_174 = tpu.memref_slice %arg3[%select_n3A, %dma_wait3A_173] : memref<4x262144xi32, #tpu.memory_space<hbm>> -> memref<1x4096xi32, #tpu.memory_space<hbm>>
        %dma_wait3A_175 = tpu.memref_squeeze %dma_wait3A_174 : memref<1x4096xi32, #tpu.memory_space<hbm>> -> memref<4096xi32, #tpu.memory_space<hbm>>
        tpu.wait_dma2 semaphore(%arg12 : memref<!tpu.dma_semaphore, #tpu.memory_space<semaphore_mem>>) src(%dma_wait3A_175 : memref<4096xi32, #tpu.memory_space<hbm>>) dst(%dma_wait3A_172 : memref<4096xi32, #tpu.memory_space<vmem>>)
        %add3A_176 = arith.constant 1 : i32
        %add3A_177 = arith.addi %scan3A_150, %add3A_176 : i32
        %lt3A_178 = arith.constant 32 : i32
        %lt3A_179 = arith.cmpi slt, %add3A_177, %lt3A_178 : i32
        %convert_element_type3A_180 = arith.extui %lt3A_179 : i1 to i32
        %cond3A_181 = arith.constant 0 : i32
        %cond3A_182 = arith.cmpi ne, %convert_element_type3A_180, %cond3A_181 : i32
        scf.if %cond3A_182 {
          %add3A_195 = arith.constant 1 : i32
          %add3A_196 = arith.addi %scan3A_150, %add3A_195 : i32
          %sub3A_197 = arith.constant 1 : i32
          %sub3A_198 = arith.subi %sub3A_197, %rem3A_152 : i32
          %mul3A_199 = arith.constant 4096 : i32
          %mul3A_200 = arith.muli %add3A_196, %mul3A_199 : i32
          %add3A_201 = arith.addi %mul3A_109, %mul3A_200 : i32
          %dma_start3A_202 = arith.constant 0 : i32
          %dma_start3A_203 = tpu.memref_slice %arg5[%sub3A_198, %dma_start3A_202] : memref<2x4096xf32, #tpu.memory_space<vmem>> -> memref<1x4096xf32, #tpu.memory_space<vmem>>
          %dma_start3A_204 = tpu.memref_squeeze %dma_start3A_203 : memref<1x4096xf32, #tpu.memory_space<vmem>> -> memref<4096xf32, #tpu.memory_space<vmem>>
          %dma_start3A_205 = tpu.memref_slice %arg2[%select_n3A, %select_n3A_91, %add3A_201] : memref<4x19x262144xf32, #tpu.memory_space<hbm>> -> memref<1x1x4096xf32, #tpu.memory_space<hbm>>
          %dma_start3A_206 = tpu.memref_squeeze %dma_start3A_205 : memref<1x1x4096xf32, #tpu.memory_space<hbm>> -> memref<4096xf32, #tpu.memory_space<hbm>>
          %dma_start3A_207 = arith.constant 0 : i32
          %dma_start3A_208 = tpu.memref_slice %arg5[%sub3A_198, %dma_start3A_207] : memref<2x4096xf32, #tpu.memory_space<vmem>> -> memref<1x4096xf32, #tpu.memory_space<vmem>>
          %dma_start3A_209 = tpu.memref_squeeze %dma_start3A_208 : memref<1x4096xf32, #tpu.memory_space<vmem>> -> memref<4096xf32, #tpu.memory_space<vmem>>
          %dma_start3A_210 = tpu.memref_slice %arg2[%select_n3A, %select_n3A_91, %add3A_201] : memref<4x19x262144xf32, #tpu.memory_space<hbm>> -> memref<1x1x4096xf32, #tpu.memory_space<hbm>>
          %dma_start3A_211 = tpu.memref_squeeze %dma_start3A_210 : memref<1x1x4096xf32, #tpu.memory_space<hbm>> -> memref<4096xf32, #tpu.memory_space<hbm>>
          tpu.enqueue_dma source(%dma_start3A_211 : memref<4096xf32, #tpu.memory_space<hbm>>) target(%dma_start3A_209 : memref<4096xf32, #tpu.memory_space<vmem>>) target_semaphore(%arg11 : memref<!tpu.dma_semaphore, #tpu.memory_space<semaphore_mem>>)
          %dma_start3A_212 = arith.constant 0 : i32
          %dma_start3A_213 = tpu.memref_slice %arg6[%sub3A_198, %dma_start3A_212] : memref<2x4096xi32, #tpu.memory_space<vmem>> -> memref<1x4096xi32, #tpu.memory_space<vmem>>
          %dma_start3A_214 = tpu.memref_squeeze %dma_start3A_213 : memref<1x4096xi32, #tpu.memory_space<vmem>> -> memref<4096xi32, #tpu.memory_space<vmem>>
          %dma_start3A_215 = tpu.memref_slice %arg3[%select_n3A, %add3A_201] : memref<4x262144xi32, #tpu.memory_space<hbm>> -> memref<1x4096xi32, #tpu.memory_space<hbm>>
          %dma_start3A_216 = tpu.memref_squeeze %dma_start3A_215 : memref<1x4096xi32, #tpu.memory_space<hbm>> -> memref<4096xi32, #tpu.memory_space<hbm>>
          %dma_start3A_217 = arith.constant 0 : i32
          %dma_start3A_218 = tpu.memref_slice %arg6[%sub3A_198, %dma_start3A_217] : memref<2x4096xi32, #tpu.memory_space<vmem>> -> memref<1x4096xi32, #tpu.memory_space<vmem>>
          %dma_start3A_219 = tpu.memref_squeeze %dma_start3A_218 : memref<1x4096xi32, #tpu.memory_space<vmem>> -> memref<4096xi32, #tpu.memory_space<vmem>>
          %dma_start3A_220 = tpu.memref_slice %arg3[%select_n3A, %add3A_201] : memref<4x262144xi32, #tpu.memory_space<hbm>> -> memref<1x4096xi32, #tpu.memory_space<hbm>>
          %dma_start3A_221 = tpu.memref_squeeze %dma_start3A_220 : memref<1x4096xi32, #tpu.memory_space<hbm>> -> memref<4096xi32, #tpu.memory_space<hbm>>
          tpu.enqueue_dma source(%dma_start3A_221 : memref<4096xi32, #tpu.memory_space<hbm>>) target(%dma_start3A_219 : memref<4096xi32, #tpu.memory_space<vmem>>) target_semaphore(%arg12 : memref<!tpu.dma_semaphore, #tpu.memory_space<semaphore_mem>>)
        } else {
        }
        %scan3A_183 = arith.constant 0 : i32
        %scan3A_184 = arith.constant 0 : i32
        %scan3A_185 = arith.constant 85 : i32
        %scan3A_186 = arith.addi %scan3A_184, %scan3A_185 : i32
        %scan3A_187 = arith.constant 1 : i32
        scf.for %scan3A_195 = %scan3A_184 to %scan3A_186 step %scan3A_187  : i32 {
          %mul3A_196 = arith.constant 3 : i32
          %mul3A_197 = arith.muli %mul3A_196, %scan3A_195 : i32
          %mul3A_198 = arith.constant 16 : i32
          %mul3A_199 = arith.muli %mul3A_197, %mul3A_198 : i32
          %get3A_200 = arith.index_cast %rem3A_152 : i32 to index
          %get3A_201 = arith.index_cast %mul3A_199 : i32 to index
          %get3A_202 = tpu.vector_load %arg6[%get3A_200, %get3A_201] {strides = array<i32>} : memref<2x4096xi32, #tpu.memory_space<vmem>>, vector<16xi32>,
          %add3A_203 = arith.addi %get3A_202, %mul3A_3 : vector<16xi32>
          %gather3A_204 = tpu.vector_load_idx %arg7[%add3A_203] : memref<32784xf32, #tpu.memory_space<vmem>>[vector<16xi32>], vector<16xf32>,
          %mul3A_205 = arith.constant 3 : i32
          %mul3A_206 = arith.muli %mul3A_205, %scan3A_195 : i32
          %add3A_207 = arith.constant 1 : i32
          %add3A_208 = arith.addi %mul3A_206, %add3A_207 : i32
          %mul3A_209 = arith.constant 16 : i32
          %mul3A_210 = arith.muli %add3A_208, %mul3A_209 : i32
          %get3A_211 = arith.index_cast %rem3A_152 : i32 to index
          %get3A_212 = arith.index_cast %mul3A_210 : i32 to index
          %get3A_213 = tpu.vector_load %arg6[%get3A_211, %get3A_212] {strides = array<i32>} : memref<2x4096xi32, #tpu.memory_space<vmem>>, vector<16xi32>,
          %add3A_214 = arith.addi %get3A_213, %mul3A_3 : vector<16xi32>
          %gather3A_215 = tpu.vector_load_idx %arg8[%add3A_214] : memref<32784xf32, #tpu.memory_space<vmem>>[vector<16xi32>], vector<16xf32>,
          %mul3A_216 = arith.constant 3 : i32
          %mul3A_217 = arith.muli %mul3A_216, %scan3A_195 : i32
          %add3A_218 = arith.constant 2 : i32
          %add3A_219 = arith.addi %mul3A_217, %add3A_218 : i32
          %mul3A_220 = arith.constant 16 : i32
          %mul3A_221 = arith.muli %add3A_219, %mul3A_220 : i32
          %get3A_222 = arith.index_cast %rem3A_152 : i32 to index
          %get3A_223 = arith.index_cast %mul3A_221 : i32 to index
          %get3A_224 = tpu.vector_load %arg6[%get3A_222, %get3A_223] {strides = array<i32>} : memref<2x4096xi32, #tpu.memory_space<vmem>>, vector<16xi32>,
          %add3A_225 = arith.addi %get3A_224, %mul3A_3 : vector<16xi32>
          %gather3A_226 = tpu.vector_load_idx %arg9[%add3A_225] : memref<32784xf32, #tpu.memory_space<vmem>>[vector<16xi32>], vector<16xf32>,
          %mul3A_227 = arith.constant 3 : i32
          %mul3A_228 = arith.muli %mul3A_227, %scan3A_195 : i32
          %mul3A_229 = arith.constant 16 : i32
          %mul3A_230 = arith.muli %mul3A_228, %mul3A_229 : i32
          %get3A_231 = arith.index_cast %rem3A_152 : i32 to index
          %get3A_232 = arith.index_cast %mul3A_230 : i32 to index
          %get3A_233 = tpu.vector_load %arg5[%get3A_231, %get3A_232] {strides = array<i32>} : memref<2x4096xf32, #tpu.memory_space<vmem>>, vector<16xf32>,
          %max3A_234 = arith.maximumf %gather3A_204, %get3A_233 : vector<16xf32>
          tpu.vector_store_idx %arg7[%add3A_203], %max3A_234 : memref<32784xf32, #tpu.memory_space<vmem>>[vector<16xi32>], vector<16xf32>,
          %mul3A_235 = arith.constant 3 : i32
          %mul3A_236 = arith.muli %mul3A_235, %scan3A_195 : i32
          %add3A_237 = arith.constant 1 : i32
          %add3A_238 = arith.addi %mul3A_236, %add3A_237 : i32
          %mul3A_239 = arith.constant 16 : i32
          %mul3A_240 = arith.muli %add3A_238, %mul3A_239 : i32
          %get3A_241 = arith.index_cast %rem3A_152 : i32 to index
          %get3A_242 = arith.index_cast %mul3A_240 : i32 to index
          %get3A_243 = tpu.vector_load %arg5[%get3A_241, %get3A_242] {strides = array<i32>} : memref<2x4096xf32, #tpu.memory_space<vmem>>, vector<16xf32>,
          %max3A_244 = arith.maximumf %gather3A_215, %get3A_243 : vector<16xf32>
          tpu.vector_store_idx %arg8[%add3A_214], %max3A_244 : memref<32784xf32, #tpu.memory_space<vmem>>[vector<16xi32>], vector<16xf32>,
          %mul3A_245 = arith.constant 3 : i32
          %mul3A_246 = arith.muli %mul3A_245, %scan3A_195 : i32
          %add3A_247 = arith.constant 2 : i32
          %add3A_248 = arith.addi %mul3A_246, %add3A_247 : i32
          %mul3A_249 = arith.constant 16 : i32
          %mul3A_250 = arith.muli %add3A_248, %mul3A_249 : i32
          %get3A_251 = arith.index_cast %rem3A_152 : i32 to index
          %get3A_252 = arith.index_cast %mul3A_250 : i32 to index
          %get3A_253 = tpu.vector_load %arg5[%get3A_251, %get3A_252] {strides = array<i32>} : memref<2x4096xf32, #tpu.memory_space<vmem>>, vector<16xf32>,
          %max3A_254 = arith.maximumf %gather3A_226, %get3A_253 : vector<16xf32>
          tpu.vector_store_idx %arg9[%add3A_225], %max3A_254 : memref<32784xf32, #tpu.memory_space<vmem>>[vector<16xi32>], vector<16xf32>,
        }
        %scan3A_188 = arith.constant 85 : i32
        %get3A = arith.index_cast %rem3A_152 : i32 to index
        %get3A_189 = arith.constant 4080 : index
        %get3A_190 = tpu.vector_load %arg6[%get3A, %get3A_189] {strides = array<i32>} : memref<2x4096xi32, #tpu.memory_space<vmem>>, vector<16xi32>,
        %add3A_191 = arith.addi %get3A_190, %mul3A_3 : vector<16xi32>
        %gather3A = tpu.vector_load_idx %arg7[%add3A_191] : memref<32784xf32, #tpu.memory_space<vmem>>[vector<16xi32>], vector<16xf32>,
        %get3A_192 = arith.index_cast %rem3A_152 : i32 to index
        %get3A_193 = arith.constant 4080 : index
        %get3A_194 = tpu.vector_load %arg5[%get3A_192, %get3A_193] {strides = array<i32>} : memref<2x4096xf32, #tpu.memory_space<vmem>>, vector<16xf32>,
        %max3A = arith.maximumf %gather3A, %get3A_194 : vector<16xf32>
        tpu.vector_store_idx %arg7[%add3A_191], %max3A : memref<32784xf32, #tpu.memory_space<vmem>>[vector<16xi32>], vector<16xf32>,
      }
      %scan3A_143 = arith.constant 32 : i32
      %scan3A_144 = arith.constant 0 : i32
      %scan3A_145 = arith.constant 0 : i32
      %scan3A_146 = arith.constant 128 : i32
      %scan3A_147 = arith.addi %scan3A_145, %scan3A_146 : i32
      %scan3A_148 = arith.constant 1 : i32
      scf.for %scan3A_150 = %scan3A_145 to %scan3A_147 step %scan3A_148  : i32 {
        %mul3A_151 = arith.constant 16 : i32
        %mul3A_152 = arith.muli %scan3A_150, %mul3A_151 : i32
        %get3A = arith.index_cast %mul3A_152 : i32 to index
        %get3A_153 = tpu.vector_load %arg7[%get3A] {strides = array<i32>} : memref<32784xf32, #tpu.memory_space<vmem>>, vector<16xf32>,
        %get3A_154 = arith.index_cast %mul3A_152 : i32 to index
        %get3A_155 = tpu.vector_load %arg8[%get3A_154] {strides = array<i32>} : memref<32784xf32, #tpu.memory_space<vmem>>, vector<16xf32>,
        %max3A = arith.maximumf %get3A_153, %get3A_155 : vector<16xf32>
        %get3A_156 = arith.index_cast %mul3A_152 : i32 to index
        %get3A_157 = tpu.vector_load %arg9[%get3A_156] {strides = array<i32>} : memref<32784xf32, #tpu.memory_space<vmem>>, vector<16xf32>,
        %max3A_158 = arith.maximumf %max3A, %get3A_157 : vector<16xf32>
        %add3A_159 = arith.constant 2049 : i32
        %add3A_160 = arith.addi %add3A_159, %mul3A_152 : i32
        %get3A_161 = arith.index_cast %add3A_160 : i32 to index
        %get3A_162 = tpu.vector_load %arg7[%get3A_161] {strides = array<i32>} : memref<32784xf32, #tpu.memory_space<vmem>>, vector<16xf32>,
        %max3A_163 = arith.maximumf %max3A_158, %get3A_162 : vector<16xf32>
        %add3A_164 = arith.constant 2049 : i32
        %add3A_165 = arith.addi %add3A_164, %mul3A_152 : i32
        %get3A_166 = arith.index_cast %add3A_165 : i32 to index
        %get3A_167 = tpu.vector_load %arg8[%get3A_166] {strides = array<i32>} : memref<32784xf32, #tpu.memory_space<vmem>>, vector<16xf32>,
        %max3A_168 = arith.maximumf %max3A_163, %get3A_167 : vector<16xf32>
        %add3A_169 = arith.constant 2049 : i32
        %add3A_170 = arith.addi %add3A_169, %mul3A_152 : i32
        %get3A_171 = arith.index_cast %add3A_170 : i32 to index
        %get3A_172 = tpu.vector_load %arg9[%get3A_171] {strides = array<i32>} : memref<32784xf32, #tpu.memory_space<vmem>>, vector<16xf32>,
        %max3A_173 = arith.maximumf %max3A_168, %get3A_172 : vector<16xf32>
        %add3A_174 = arith.constant 4098 : i32
        %add3A_175 = arith.addi %add3A_174, %mul3A_152 : i32
        %get3A_176 = arith.index_cast %add3A_175 : i32 to index
        %get3A_177 = tpu.vector_load %arg7[%get3A_176] {strides = array<i32>} : memref<32784xf32, #tpu.memory_space<vmem>>, vector<16xf32>,
        %max3A_178 = arith.maximumf %max3A_173, %get3A_177 : vector<16xf32>
        %add3A_179 = arith.constant 4098 : i32
        %add3A_180 = arith.addi %add3A_179, %mul3A_152 : i32
        %get3A_181 = arith.index_cast %add3A_180 : i32 to index
        %get3A_182 = tpu.vector_load %arg8[%get3A_181] {strides = array<i32>} : memref<32784xf32, #tpu.memory_space<vmem>>, vector<16xf32>,
        %max3A_183 = arith.maximumf %max3A_178, %get3A_182 : vector<16xf32>
        %add3A_184 = arith.constant 4098 : i32
        %add3A_185 = arith.addi %add3A_184, %mul3A_152 : i32
        %get3A_186 = arith.index_cast %add3A_185 : i32 to index
        %get3A_187 = tpu.vector_load %arg9[%get3A_186] {strides = array<i32>} : memref<32784xf32, #tpu.memory_space<vmem>>, vector<16xf32>,
        %max3A_188 = arith.maximumf %max3A_183, %get3A_187 : vector<16xf32>
        %add3A_189 = arith.constant 6147 : i32
        %add3A_190 = arith.addi %add3A_189, %mul3A_152 : i32
        %get3A_191 = arith.index_cast %add3A_190 : i32 to index
        %get3A_192 = tpu.vector_load %arg7[%get3A_191] {strides = array<i32>} : memref<32784xf32, #tpu.memory_space<vmem>>, vector<16xf32>,
        %max3A_193 = arith.maximumf %max3A_188, %get3A_192 : vector<16xf32>
        %add3A_194 = arith.constant 6147 : i32
        %add3A_195 = arith.addi %add3A_194, %mul3A_152 : i32
        %get3A_196 = arith.index_cast %add3A_195 : i32 to index
        %get3A_197 = tpu.vector_load %arg8[%get3A_196] {strides = array<i32>} : memref<32784xf32, #tpu.memory_space<vmem>>, vector<16xf32>,
        %max3A_198 = arith.maximumf %max3A_193, %get3A_197 : vector<16xf32>
        %add3A_199 = arith.constant 6147 : i32
        %add3A_200 = arith.addi %add3A_199, %mul3A_152 : i32
        %get3A_201 = arith.index_cast %add3A_200 : i32 to index
        %get3A_202 = tpu.vector_load %arg9[%get3A_201] {strides = array<i32>} : memref<32784xf32, #tpu.memory_space<vmem>>, vector<16xf32>,
        %max3A_203 = arith.maximumf %max3A_198, %get3A_202 : vector<16xf32>
        %add3A_204 = arith.constant 8196 : i32
        %add3A_205 = arith.addi %add3A_204, %mul3A_152 : i32
        %get3A_206 = arith.index_cast %add3A_205 : i32 to index
        %get3A_207 = tpu.vector_load %arg7[%get3A_206] {strides = array<i32>} : memref<32784xf32, #tpu.memory_space<vmem>>, vector<16xf32>,
        %max3A_208 = arith.maximumf %max3A_203, %get3A_207 : vector<16xf32>
        %add3A_209 = arith.constant 8196 : i32
        %add3A_210 = arith.addi %add3A_209, %mul3A_152 : i32
        %get3A_211 = arith.index_cast %add3A_210 : i32 to index
        %get3A_212 = tpu.vector_load %arg8[%get3A_211] {strides = array<i32>} : memref<32784xf32, #tpu.memory_space<vmem>>, vector<16xf32>,
        %max3A_213 = arith.maximumf %max3A_208, %get3A_212 : vector<16xf32>
        %add3A_214 = arith.constant 8196 : i32
        %add3A_215 = arith.addi %add3A_214, %mul3A_152 : i32
        %get3A_216 = arith.index_cast %add3A_215 : i32 to index
        %get3A_217 = tpu.vector_load %arg9[%get3A_216] {strides = array<i32>} : memref<32784xf32, #tpu.memory_space<vmem>>, vector<16xf32>,
        %max3A_218 = arith.maximumf %max3A_213, %get3A_217 : vector<16xf32>
        %add3A_219 = arith.constant 10245 : i32
        %add3A_220 = arith.addi %add3A_219, %mul3A_152 : i32
        %get3A_221 = arith.index_cast %add3A_220 : i32 to index
        %get3A_222 = tpu.vector_load %arg7[%get3A_221] {strides = array<i32>} : memref<32784xf32, #tpu.memory_space<vmem>>, vector<16xf32>,
        %max3A_223 = arith.maximumf %max3A_218, %get3A_222 : vector<16xf32>
        %add3A_224 = arith.constant 10245 : i32
        %add3A_225 = arith.addi %add3A_224, %mul3A_152 : i32
        %get3A_226 = arith.index_cast %add3A_225 : i32 to index
        %get3A_227 = tpu.vector_load %arg8[%get3A_226] {strides = array<i32>} : memref<32784xf32, #tpu.memory_space<vmem>>, vector<16xf32>,
        %max3A_228 = arith.maximumf %max3A_223, %get3A_227 : vector<16xf32>
        %add3A_229 = arith.constant 10245 : i32
        %add3A_230 = arith.addi %add3A_229, %mul3A_152 : i32
        %get3A_231 = arith.index_cast %add3A_230 : i32 to index
        %get3A_232 = tpu.vector_load %arg9[%get3A_231] {strides = array<i32>} : memref<32784xf32, #tpu.memory_space<vmem>>, vector<16xf32>,
        %max3A_233 = arith.maximumf %max3A_228, %get3A_232 : vector<16xf32>
        %add3A_234 = arith.constant 12294 : i32
        %add3A_235 = arith.addi %add3A_234, %mul3A_152 : i32
        %get3A_236 = arith.index_cast %add3A_235 : i32 to index
        %get3A_237 = tpu.vector_load %arg7[%get3A_236] {strides = array<i32>} : memref<32784xf32, #tpu.memory_space<vmem>>, vector<16xf32>,
        %max3A_238 = arith.maximumf %max3A_233, %get3A_237 : vector<16xf32>
        %add3A_239 = arith.constant 12294 : i32
        %add3A_240 = arith.addi %add3A_239, %mul3A_152 : i32
        %get3A_241 = arith.index_cast %add3A_240 : i32 to index
        %get3A_242 = tpu.vector_load %arg8[%get3A_241] {strides = array<i32>} : memref<32784xf32, #tpu.memory_space<vmem>>, vector<16xf32>,
        %max3A_243 = arith.maximumf %max3A_238, %get3A_242 : vector<16xf32>
        %add3A_244 = arith.constant 12294 : i32
        %add3A_245 = arith.addi %add3A_244, %mul3A_152 : i32
        %get3A_246 = arith.index_cast %add3A_245 : i32 to index
        %get3A_247 = tpu.vector_load %arg9[%get3A_246] {strides = array<i32>} : memref<32784xf32, #tpu.memory_space<vmem>>, vector<16xf32>,
        %max3A_248 = arith.maximumf %max3A_243, %get3A_247 : vector<16xf32>
        %add3A_249 = arith.constant 14343 : i32
        %add3A_250 = arith.addi %add3A_249, %mul3A_152 : i32
        %get3A_251 = arith.index_cast %add3A_250 : i32 to index
        %get3A_252 = tpu.vector_load %arg7[%get3A_251] {strides = array<i32>} : memref<32784xf32, #tpu.memory_space<vmem>>, vector<16xf32>,
        %max3A_253 = arith.maximumf %max3A_248, %get3A_252 : vector<16xf32>
        %add3A_254 = arith.constant 14343 : i32
        %add3A_255 = arith.addi %add3A_254, %mul3A_152 : i32
        %get3A_256 = arith.index_cast %add3A_255 : i32 to index
        %get3A_257 = tpu.vector_load %arg8[%get3A_256] {strides = array<i32>} : memref<32784xf32, #tpu.memory_space<vmem>>, vector<16xf32>,
        %max3A_258 = arith.maximumf %max3A_253, %get3A_257 : vector<16xf32>
        %add3A_259 = arith.constant 14343 : i32
        %add3A_260 = arith.addi %add3A_259, %mul3A_152 : i32
        %get3A_261 = arith.index_cast %add3A_260 : i32 to index
        %get3A_262 = tpu.vector_load %arg9[%get3A_261] {strides = array<i32>} : memref<32784xf32, #tpu.memory_space<vmem>>, vector<16xf32>,
        %max3A_263 = arith.maximumf %max3A_258, %get3A_262 : vector<16xf32>
        %add3A_264 = arith.constant 16392 : i32
        %add3A_265 = arith.addi %add3A_264, %mul3A_152 : i32
        %get3A_266 = arith.index_cast %add3A_265 : i32 to index
        %get3A_267 = tpu.vector_load %arg7[%get3A_266] {strides = array<i32>} : memref<32784xf32, #tpu.memory_space<vmem>>, vector<16xf32>,
        %max3A_268 = arith.maximumf %max3A_263, %get3A_267 : vector<16xf32>
        %add3A_269 = arith.constant 16392 : i32
        %add3A_270 = arith.addi %add3A_269, %mul3A_152 : i32
        %get3A_271 = arith.index_cast %add3A_270 : i32 to index
        %get3A_272 = tpu.vector_load %arg8[%get3A_271] {strides = array<i32>} : memref<32784xf32, #tpu.memory_space<vmem>>, vector<16xf32>,
        %max3A_273 = arith.maximumf %max3A_268, %get3A_272 : vector<16xf32>
        %add3A_274 = arith.constant 16392 : i32
        %add3A_275 = arith.addi %add3A_274, %mul3A_152 : i32
        %get3A_276 = arith.index_cast %add3A_275 : i32 to index
        %get3A_277 = tpu.vector_load %arg9[%get3A_276] {strides = array<i32>} : memref<32784xf32, #tpu.memory_space<vmem>>, vector<16xf32>,
        %max3A_278 = arith.maximumf %max3A_273, %get3A_277 : vector<16xf32>
        %add3A_279 = arith.constant 18441 : i32
        %add3A_280 = arith.addi %add3A_279, %mul3A_152 : i32
        %get3A_281 = arith.index_cast %add3A_280 : i32 to index
        %get3A_282 = tpu.vector_load %arg7[%get3A_281] {strides = array<i32>} : memref<32784xf32, #tpu.memory_space<vmem>>, vector<16xf32>,
        %max3A_283 = arith.maximumf %max3A_278, %get3A_282 : vector<16xf32>
        %add3A_284 = arith.constant 18441 : i32
        %add3A_285 = arith.addi %add3A_284, %mul3A_152 : i32
        %get3A_286 = arith.index_cast %add3A_285 : i32 to index
        %get3A_287 = tpu.vector_load %arg8[%get3A_286] {strides = array<i32>} : memref<32784xf32, #tpu.memory_space<vmem>>, vector<16xf32>,
        %max3A_288 = arith.maximumf %max3A_283, %get3A_287 : vector<16xf32>
        %add3A_289 = arith.constant 18441 : i32
        %add3A_290 = arith.addi %add3A_289, %mul3A_152 : i32
        %get3A_291 = arith.index_cast %add3A_290 : i32 to index
        %get3A_292 = tpu.vector_load %arg9[%get3A_291] {strides = array<i32>} : memref<32784xf32, #tpu.memory_space<vmem>>, vector<16xf32>,
        %max3A_293 = arith.maximumf %max3A_288, %get3A_292 : vector<16xf32>
        %add3A_294 = arith.constant 20490 : i32
        %add3A_295 = arith.addi %add3A_294, %mul3A_152 : i32
        %get3A_296 = arith.index_cast %add3A_295 : i32 to index
        %get3A_297 = tpu.vector_load %arg7[%get3A_296] {strides = array<i32>} : memref<32784xf32, #tpu.memory_space<vmem>>, vector<16xf32>,
        %max3A_298 = arith.maximumf %max3A_293, %get3A_297 : vector<16xf32>
        %add3A_299 = arith.constant 20490 : i32
        %add3A_300 = arith.addi %add3A_299, %mul3A_152 : i32
        %get3A_301 = arith.index_cast %add3A_300 : i32 to index
        %get3A_302 = tpu.vector_load %arg8[%get3A_301] {strides = array<i32>} : memref<32784xf32, #tpu.memory_space<vmem>>, vector<16xf32>,
        %max3A_303 = arith.maximumf %max3A_298, %get3A_302 : vector<16xf32>
        %add3A_304 = arith.constant 20490 : i32
        %add3A_305 = arith.addi %add3A_304, %mul3A_152 : i32
        %get3A_306 = arith.index_cast %add3A_305 : i32 to index
        %get3A_307 = tpu.vector_load %arg9[%get3A_306] {strides = array<i32>} : memref<32784xf32, #tpu.memory_space<vmem>>, vector<16xf32>,
        %max3A_308 = arith.maximumf %max3A_303, %get3A_307 : vector<16xf32>
        %add3A_309 = arith.constant 22539 : i32
        %add3A_310 = arith.addi %add3A_309, %mul3A_152 : i32
        %get3A_311 = arith.index_cast %add3A_310 : i32 to index
        %get3A_312 = tpu.vector_load %arg7[%get3A_311] {strides = array<i32>} : memref<32784xf32, #tpu.memory_space<vmem>>, vector<16xf32>,
        %max3A_313 = arith.maximumf %max3A_308, %get3A_312 : vector<16xf32>
        %add3A_314 = arith.constant 22539 : i32
        %add3A_315 = arith.addi %add3A_314, %mul3A_152 : i32
        %get3A_316 = arith.index_cast %add3A_315 : i32 to index
        %get3A_317 = tpu.vector_load %arg8[%get3A_316] {strides = array<i32>} : memref<32784xf32, #tpu.memory_space<vmem>>, vector<16xf32>,
        %max3A_318 = arith.maximumf %max3A_313, %get3A_317 : vector<16xf32>
        %add3A_319 = arith.constant 22539 : i32
        %add3A_320 = arith.addi %add3A_319, %mul3A_152 : i32
        %get3A_321 = arith.index_cast %add3A_320 : i32 to index
        %get3A_322 = tpu.vector_load %arg9[%get3A_321] {strides = array<i32>} : memref<32784xf32, #tpu.memory_space<vmem>>, vector<16xf32>,
        %max3A_323 = arith.maximumf %max3A_318, %get3A_322 : vector<16xf32>
        %add3A_324 = arith.constant 24588 : i32
        %add3A_325 = arith.addi %add3A_324, %mul3A_152 : i32
        %get3A_326 = arith.index_cast %add3A_325 : i32 to index
        %get3A_327 = tpu.vector_load %arg7[%get3A_326] {strides = array<i32>} : memref<32784xf32, #tpu.memory_space<vmem>>, vector<16xf32>,
        %max3A_328 = arith.maximumf %max3A_323, %get3A_327 : vector<16xf32>
        %add3A_329 = arith.constant 24588 : i32
        %add3A_330 = arith.addi %add3A_329, %mul3A_152 : i32
        %get3A_331 = arith.index_cast %add3A_330 : i32 to index
        %get3A_332 = tpu.vector_load %arg8[%get3A_331] {strides = array<i32>} : memref<32784xf32, #tpu.memory_space<vmem>>, vector<16xf32>,
        %max3A_333 = arith.maximumf %max3A_328, %get3A_332 : vector<16xf32>
        %add3A_334 = arith.constant 24588 : i32
        %add3A_335 = arith.addi %add3A_334, %mul3A_152 : i32
        %get3A_336 = arith.index_cast %add3A_335 : i32 to index
        %get3A_337 = tpu.vector_load %arg9[%get3A_336] {strides = array<i32>} : memref<32784xf32, #tpu.memory_space<vmem>>, vector<16xf32>,
        %max3A_338 = arith.maximumf %max3A_333, %get3A_337 : vector<16xf32>
        %add3A_339 = arith.constant 26637 : i32
        %add3A_340 = arith.addi %add3A_339, %mul3A_152 : i32
        %get3A_341 = arith.index_cast %add3A_340 : i32 to index
        %get3A_342 = tpu.vector_load %arg7[%get3A_341] {strides = array<i32>} : memref<32784xf32, #tpu.memory_space<vmem>>, vector<16xf32>,
        %max3A_343 = arith.maximumf %max3A_338, %get3A_342 : vector<16xf32>
        %add3A_344 = arith.constant 26637 : i32
        %add3A_345 = arith.addi %add3A_344, %mul3A_152 : i32
        %get3A_346 = arith.index_cast %add3A_345 : i32 to index
        %get3A_347 = tpu.vector_load %arg8[%get3A_346] {strides = array<i32>} : memref<32784xf32, #tpu.memory_space<vmem>>, vector<16xf32>,
        %max3A_348 = arith.maximumf %max3A_343, %get3A_347 : vector<16xf32>
        %add3A_349 = arith.constant 26637 : i32
        %add3A_350 = arith.addi %add3A_349, %mul3A_152 : i32
        %get3A_351 = arith.index_cast %add3A_350 : i32 to index
        %get3A_352 = tpu.vector_load %arg9[%get3A_351] {strides = array<i32>} : memref<32784xf32, #tpu.memory_space<vmem>>, vector<16xf32>,
        %max3A_353 = arith.maximumf %max3A_348, %get3A_352 : vector<16xf32>
        %add3A_354 = arith.constant 28686 : i32
        %add3A_355 = arith.addi %add3A_354, %mul3A_152 : i32
        %get3A_356 = arith.index_cast %add3A_355 : i32 to index
        %get3A_357 = tpu.vector_load %arg7[%get3A_356] {strides = array<i32>} : memref<32784xf32, #tpu.memory_space<vmem>>, vector<16xf32>,
        %max3A_358 = arith.maximumf %max3A_353, %get3A_357 : vector<16xf32>
        %add3A_359 = arith.constant 28686 : i32
        %add3A_360 = arith.addi %add3A_359, %mul3A_152 : i32
        %get3A_361 = arith.index_cast %add3A_360 : i32 to index
        %get3A_362 = tpu.vector_load %arg8[%get3A_361] {strides = array<i32>} : memref<32784xf32, #tpu.memory_space<vmem>>, vector<16xf32>,
        %max3A_363 = arith.maximumf %max3A_358, %get3A_362 : vector<16xf32>
        %add3A_364 = arith.constant 28686 : i32
        %add3A_365 = arith.addi %add3A_364, %mul3A_152 : i32
        %get3A_366 = arith.index_cast %add3A_365 : i32 to index
        %get3A_367 = tpu.vector_load %arg9[%get3A_366] {strides = array<i32>} : memref<32784xf32, #tpu.memory_space<vmem>>, vector<16xf32>,
        %max3A_368 = arith.maximumf %max3A_363, %get3A_367 : vector<16xf32>
        %add3A_369 = arith.constant 30735 : i32
        %add3A_370 = arith.addi %add3A_369, %mul3A_152 : i32
        %get3A_371 = arith.index_cast %add3A_370 : i32 to index
        %get3A_372 = tpu.vector_load %arg7[%get3A_371] {strides = array<i32>} : memref<32784xf32, #tpu.memory_space<vmem>>, vector<16xf32>,
        %max3A_373 = arith.maximumf %max3A_368, %get3A_372 : vector<16xf32>
        %add3A_374 = arith.constant 30735 : i32
        %add3A_375 = arith.addi %add3A_374, %mul3A_152 : i32
        %get3A_376 = arith.index_cast %add3A_375 : i32 to index
        %get3A_377 = tpu.vector_load %arg8[%get3A_376] {strides = array<i32>} : memref<32784xf32, #tpu.memory_space<vmem>>, vector<16xf32>,
        %max3A_378 = arith.maximumf %max3A_373, %get3A_377 : vector<16xf32>
        %add3A_379 = arith.constant 30735 : i32
        %add3A_380 = arith.addi %add3A_379, %mul3A_152 : i32
        %get3A_381 = arith.index_cast %add3A_380 : i32 to index
        %get3A_382 = tpu.vector_load %arg9[%get3A_381] {strides = array<i32>} : memref<32784xf32, #tpu.memory_space<vmem>>, vector<16xf32>,
        %max3A_383 = arith.maximumf %max3A_378, %get3A_382 : vector<16xf32>
        %swap3A = arith.index_cast %mul3A_152 : i32 to index
        %swap3A_384 = tpu.vector_load %arg10[%swap3A] {strides = array<i32>} : memref<2048xf32, #tpu.memory_space<vmem>>, vector<16xf32>,
        tpu.vector_store %arg10[%swap3A], %max3A_383 {strides = array<i32>} : memref<2048xf32, #tpu.memory_space<vmem>>, vector<16xf32>,
      }
      %scan3A_149 = arith.constant 128 : i32
      "tpu.region"() ({
        %run_scoped3A = tpu.sem_alloc : memref<!tpu.dma_semaphore, #tpu.memory_space<semaphore_mem>>
        %dma_start3A_150 = arith.constant 0 : i32
        %dma_start3A_151 = tpu.memref_slice %arg4[%select_n3A, %select_n3A_91, %select_n3A_107, %dma_start3A_150] : memref<4x19x2x2048xf32, #tpu.memory_space<hbm>> -> memref<1x1x1x2048xf32, #tpu.memory_space<hbm>>
        %dma_start3A_152 = tpu.memref_squeeze %dma_start3A_151 : memref<1x1x1x2048xf32, #tpu.memory_space<hbm>> -> memref<2048xf32, #tpu.memory_space<hbm>>
        %dma_start3A_153 = arith.constant 0 : i32
        %dma_start3A_154 = tpu.memref_slice %arg4[%select_n3A, %select_n3A_91, %select_n3A_107, %dma_start3A_153] : memref<4x19x2x2048xf32, #tpu.memory_space<hbm>> -> memref<1x1x1x2048xf32, #tpu.memory_space<hbm>>
        %dma_start3A_155 = tpu.memref_squeeze %dma_start3A_154 : memref<1x1x1x2048xf32, #tpu.memory_space<hbm>> -> memref<2048xf32, #tpu.memory_space<hbm>>
        tpu.enqueue_dma source(%arg10 : memref<2048xf32, #tpu.memory_space<vmem>>) target(%dma_start3A_155 : memref<2048xf32, #tpu.memory_space<hbm>>) target_semaphore(%run_scoped3A : memref<!tpu.dma_semaphore, #tpu.memory_space<semaphore_mem>>)
        %dma_wait3A = arith.constant 0 : i32
        %dma_wait3A_156 = tpu.memref_slice %arg4[%select_n3A, %select_n3A_91, %select_n3A_107, %dma_wait3A] : memref<4x19x2x2048xf32, #tpu.memory_space<hbm>> -> memref<1x1x1x2048xf32, #tpu.memory_space<hbm>>
        %dma_wait3A_157 = tpu.memref_squeeze %dma_wait3A_156 : memref<1x1x1x2048xf32, #tpu.memory_space<hbm>> -> memref<2048xf32, #tpu.memory_space<hbm>>
        %dma_wait3A_158 = arith.constant 0 : i32
        %dma_wait3A_159 = tpu.memref_slice %arg4[%select_n3A, %select_n3A_91, %select_n3A_107, %dma_wait3A_158] : memref<4x19x2x2048xf32, #tpu.memory_space<hbm>> -> memref<1x1x1x2048xf32, #tpu.memory_space<hbm>>
        %dma_wait3A_160 = tpu.memref_squeeze %dma_wait3A_159 : memref<1x1x1x2048xf32, #tpu.memory_space<hbm>> -> memref<2048xf32, #tpu.memory_space<hbm>>
        tpu.wait_dma2 semaphore(%run_scoped3A : memref<!tpu.dma_semaphore, #tpu.memory_space<semaphore_mem>>) src(%arg10 : memref<2048xf32, #tpu.memory_space<vmem>>) dst(%dma_wait3A_160 : memref<2048xf32, #tpu.memory_space<hbm>>)
        tpu.yield
      }) : () -> ()
    } else {
    }
    %add3A_23 = arith.constant 96 : i32
    %add3A_24 = arith.addi %add3A, %add3A_23 : i32
    %lt3A_25 = arith.constant 152 : i32
    %lt3A_26 = arith.cmpi slt, %add3A_24, %lt3A_25 : i32
    %convert_element_type3A_27 = arith.extui %lt3A_26 : i1 to i32
    %cond3A_28 = arith.constant 0 : i32
    %cond3A_29 = arith.cmpi ne, %convert_element_type3A_27, %cond3A_28 : i32
    scf.if %cond3A_29 {
      %jit3A = arith.constant 38 : i32
      %div3A = arith.divsi %add3A_24, %jit3A : i32
      %sign3A = arith.constant 0 : i32
      %sign3A_37 = arith.cmpi sgt, %add3A_24, %sign3A : i32
      %sign3A_38 = arith.extui %sign3A_37 : i1 to i32
      %sign3A_39 = arith.constant 0 : i32
      %sign3A_40 = arith.cmpi slt, %add3A_24, %sign3A_39 : i32
      %sign3A_41 = arith.extui %sign3A_40 : i1 to i32
      %sign3A_42 = arith.subi %sign3A_38, %sign3A_41 : i32
      %sign3A_43 = arith.constant 0 : i32
      %sign3A_44 = arith.cmpi sgt, %jit3A, %sign3A_43 : i32
      %sign3A_45 = arith.extui %sign3A_44 : i1 to i32
      %sign3A_46 = arith.constant 0 : i32
      %sign3A_47 = arith.cmpi slt, %jit3A, %sign3A_46 : i32
      %sign3A_48 = arith.extui %sign3A_47 : i1 to i32
      %sign3A_49 = arith.subi %sign3A_45, %sign3A_48 : i32
      %ne3A = arith.cmpi ne, %sign3A_42, %sign3A_49 : i32
      %rem3A = arith.remsi %add3A_24, %jit3A : i32
      %ne3A_50 = arith.constant 0 : i32
      %ne3A_51 = arith.cmpi ne, %rem3A, %ne3A_50 : i32
      %and3A = arith.andi %ne3A, %ne3A_51 : i1
      %sub3A = arith.constant 1 : i32
      %sub3A_52 = arith.subi %div3A, %sub3A : i32
      %select_n3A = arith.select %and3A, %sub3A_52, %div3A : i32
      %jit3A_53 = arith.constant 38 : i32
      %eq3A = arith.constant 0 : i32
      %eq3A_54 = arith.cmpi eq, %jit3A_53, %eq3A : i32
      %jit3A_55 = arith.constant 1 : i32
      %select_n3A_56 = arith.select %eq3A_54, %jit3A_55, %jit3A_53 : i32
      %rem3A_57 = arith.remsi %add3A_24, %select_n3A_56 : i32
      %ne3A_58 = arith.constant 0 : i32
      %ne3A_59 = arith.cmpi ne, %rem3A_57, %ne3A_58 : i32
      %lt3A_60 = arith.constant 0 : i32
      %lt3A_61 = arith.cmpi slt, %rem3A_57, %lt3A_60 : i32
      %lt3A_62 = arith.constant 0 : i32
      %lt3A_63 = arith.cmpi slt, %select_n3A_56, %lt3A_62 : i32
      %ne3A_64 = arith.xori %lt3A_61, %lt3A_63 : i1
      %and3A_65 = arith.andi %ne3A_64, %ne3A_59 : i1
      %add3A_66 = arith.addi %rem3A_57, %select_n3A_56 : i32
      %select_n3A_67 = arith.select %and3A_65, %add3A_66, %rem3A_57 : i32
      %jit3A_68 = arith.constant 2 : i32
      %div3A_69 = arith.divsi %select_n3A_67, %jit3A_68 : i32
      %sign3A_70 = arith.constant 0 : i32
      %sign3A_71 = arith.cmpi sgt, %select_n3A_67, %sign3A_70 : i32
      %sign3A_72 = arith.extui %sign3A_71 : i1 to i32
      %sign3A_73 = arith.constant 0 : i32
      %sign3A_74 = arith.cmpi slt, %select_n3A_67, %sign3A_73 : i32
      %sign3A_75 = arith.extui %sign3A_74 : i1 to i32
      %sign3A_76 = arith.subi %sign3A_72, %sign3A_75 : i32
      %sign3A_77 = arith.constant 0 : i32
      %sign3A_78 = arith.cmpi sgt, %jit3A_68, %sign3A_77 : i32
      %sign3A_79 = arith.extui %sign3A_78 : i1 to i32
      %sign3A_80 = arith.constant 0 : i32
      %sign3A_81 = arith.cmpi slt, %jit3A_68, %sign3A_80 : i32
      %sign3A_82 = arith.extui %sign3A_81 : i1 to i32
      %sign3A_83 = arith.subi %sign3A_79, %sign3A_82 : i32
      %ne3A_84 = arith.cmpi ne, %sign3A_76, %sign3A_83 : i32
      %rem3A_85 = arith.remsi %select_n3A_67, %jit3A_68 : i32
      %ne3A_86 = arith.constant 0 : i32
      %ne3A_87 = arith.cmpi ne, %rem3A_85, %ne3A_86 : i32
      %and3A_88 = arith.andi %ne3A_84, %ne3A_87 : i1
      %sub3A_89 = arith.constant 1 : i32
      %sub3A_90 = arith.subi %div3A_69, %sub3A_89 : i32
      %select_n3A_91 = arith.select %and3A_88, %sub3A_90, %div3A_69 : i32
      %jit3A_92 = arith.constant 2 : i32
      %eq3A_93 = arith.constant 0 : i32
      %eq3A_94 = arith.cmpi eq, %jit3A_92, %eq3A_93 : i32
      %jit3A_95 = arith.constant 1 : i32
      %select_n3A_96 = arith.select %eq3A_94, %jit3A_95, %jit3A_92 : i32
      %rem3A_97 = arith.remsi %select_n3A_67, %select_n3A_96 : i32
      %ne3A_98 = arith.constant 0 : i32
      %ne3A_99 = arith.cmpi ne, %rem3A_97, %ne3A_98 : i32
      %lt3A_100 = arith.constant 0 : i32
      %lt3A_101 = arith.cmpi slt, %rem3A_97, %lt3A_100 : i32
      %lt3A_102 = arith.constant 0 : i32
      %lt3A_103 = arith.cmpi slt, %select_n3A_96, %lt3A_102 : i32
      %ne3A_104 = arith.xori %lt3A_101, %lt3A_103 : i1
      %and3A_105 = arith.andi %ne3A_104, %ne3A_99 : i1
      %add3A_106 = arith.addi %rem3A_97, %select_n3A_96 : i32
      %select_n3A_107 = arith.select %and3A_105, %add3A_106, %rem3A_97 : i32
      %mul3A_108 = arith.constant 131072 : i32
      %mul3A_109 = arith.muli %select_n3A_107, %mul3A_108 : i32
      %scan3A = arith.constant 0 : i32
      %scan3A_110 = arith.constant 0 : i32
      %scan3A_111 = arith.constant 2049 : i32
      %scan3A_112 = arith.addi %scan3A_110, %scan3A_111 : i32
      %scan3A_113 = arith.constant 1 : i32
      scf.for %scan3A_150 = %scan3A_110 to %scan3A_112 step %scan3A_113  : i32 {
        %mul3A_151 = arith.constant 16 : i32
        %mul3A_152 = arith.muli %scan3A_150, %mul3A_151 : i32
        %swap3A = arith.index_cast %mul3A_152 : i32 to index
        %swap3A_153 = tpu.vector_load %arg7[%swap3A] {strides = array<i32>} : memref<32784xf32, #tpu.memory_space<vmem>>, vector<16xf32>,
        tpu.vector_store %arg7[%swap3A], %broadcast_in_dim3A_4 {strides = array<i32>} : memref<32784xf32, #tpu.memory_space<vmem>>, vector<16xf32>,
        %mul3A_154 = arith.constant 16 : i32
        %mul3A_155 = arith.muli %scan3A_150, %mul3A_154 : i32
        %swap3A_156 = arith.index_cast %mul3A_155 : i32 to index
        %swap3A_157 = tpu.vector_load %arg8[%swap3A_156] {strides = array<i32>} : memref<32784xf32, #tpu.memory_space<vmem>>, vector<16xf32>,
        tpu.vector_store %arg8[%swap3A_156], %broadcast_in_dim3A_4 {strides = array<i32>} : memref<32784xf32, #tpu.memory_space<vmem>>, vector<16xf32>,
        %mul3A_158 = arith.constant 16 : i32
        %mul3A_159 = arith.muli %scan3A_150, %mul3A_158 : i32
        %swap3A_160 = arith.index_cast %mul3A_159 : i32 to index
        %swap3A_161 = tpu.vector_load %arg9[%swap3A_160] {strides = array<i32>} : memref<32784xf32, #tpu.memory_space<vmem>>, vector<16xf32>,
        tpu.vector_store %arg9[%swap3A_160], %broadcast_in_dim3A_4 {strides = array<i32>} : memref<32784xf32, #tpu.memory_space<vmem>>, vector<16xf32>,
      }
      %scan3A_114 = arith.constant 2049 : i32
      %add3A_115 = arith.constant 0 : i32
      %add3A_116 = arith.addi %mul3A_109, %add3A_115 : i32
      %dma_start3A = arith.constant 0 : i32
      %dma_start3A_117 = arith.constant 0 : i32
      %dma_start3A_118 = tpu.memref_slice %arg5[%dma_start3A, %dma_start3A_117] : memref<2x4096xf32, #tpu.memory_space<vmem>> -> memref<1x4096xf32, #tpu.memory_space<vmem>>
      %dma_start3A_119 = tpu.memref_squeeze %dma_start3A_118 : memref<1x4096xf32, #tpu.memory_space<vmem>> -> memref<4096xf32, #tpu.memory_space<vmem>>
      %dma_start3A_120 = tpu.memref_slice %arg2[%select_n3A, %select_n3A_91, %add3A_116] : memref<4x19x262144xf32, #tpu.memory_space<hbm>> -> memref<1x1x4096xf32, #tpu.memory_space<hbm>>
      %dma_start3A_121 = tpu.memref_squeeze %dma_start3A_120 : memref<1x1x4096xf32, #tpu.memory_space<hbm>> -> memref<4096xf32, #tpu.memory_space<hbm>>
      %dma_start3A_122 = arith.constant 0 : i32
      %dma_start3A_123 = tpu.memref_slice %arg5[%dma_start3A, %dma_start3A_122] : memref<2x4096xf32, #tpu.memory_space<vmem>> -> memref<1x4096xf32, #tpu.memory_space<vmem>>
      %dma_start3A_124 = tpu.memref_squeeze %dma_start3A_123 : memref<1x4096xf32, #tpu.memory_space<vmem>> -> memref<4096xf32, #tpu.memory_space<vmem>>
      %dma_start3A_125 = tpu.memref_slice %arg2[%select_n3A, %select_n3A_91, %add3A_116] : memref<4x19x262144xf32, #tpu.memory_space<hbm>> -> memref<1x1x4096xf32, #tpu.memory_space<hbm>>
      %dma_start3A_126 = tpu.memref_squeeze %dma_start3A_125 : memref<1x1x4096xf32, #tpu.memory_space<hbm>> -> memref<4096xf32, #tpu.memory_space<hbm>>
      tpu.enqueue_dma source(%dma_start3A_126 : memref<4096xf32, #tpu.memory_space<hbm>>) target(%dma_start3A_124 : memref<4096xf32, #tpu.memory_space<vmem>>) target_semaphore(%arg11 : memref<!tpu.dma_semaphore, #tpu.memory_space<semaphore_mem>>)
      %dma_start3A_127 = arith.constant 0 : i32
      %dma_start3A_128 = arith.constant 0 : i32
      %dma_start3A_129 = tpu.memref_slice %arg6[%dma_start3A_127, %dma_start3A_128] : memref<2x4096xi32, #tpu.memory_space<vmem>> -> memref<1x4096xi32, #tpu.memory_space<vmem>>
      %dma_start3A_130 = tpu.memref_squeeze %dma_start3A_129 : memref<1x4096xi32, #tpu.memory_space<vmem>> -> memref<4096xi32, #tpu.memory_space<vmem>>
      %dma_start3A_131 = tpu.memref_slice %arg3[%select_n3A, %add3A_116] : memref<4x262144xi32, #tpu.memory_space<hbm>> -> memref<1x4096xi32, #tpu.memory_space<hbm>>
      %dma_start3A_132 = tpu.memref_squeeze %dma_start3A_131 : memref<1x4096xi32, #tpu.memory_space<hbm>> -> memref<4096xi32, #tpu.memory_space<hbm>>
      %dma_start3A_133 = arith.constant 0 : i32
      %dma_start3A_134 = tpu.memref_slice %arg6[%dma_start3A_127, %dma_start3A_133] : memref<2x4096xi32, #tpu.memory_space<vmem>> -> memref<1x4096xi32, #tpu.memory_space<vmem>>
      %dma_start3A_135 = tpu.memref_squeeze %dma_start3A_134 : memref<1x4096xi32, #tpu.memory_space<vmem>> -> memref<4096xi32, #tpu.memory_space<vmem>>
      %dma_start3A_136 = tpu.memref_slice %arg3[%select_n3A, %add3A_116] : memref<4x262144xi32, #tpu.memory_space<hbm>> -> memref<1x4096xi32, #tpu.memory_space<hbm>>
      %dma_start3A_137 = tpu.memref_squeeze %dma_start3A_136 : memref<1x4096xi32, #tpu.memory_space<hbm>> -> memref<4096xi32, #tpu.memory_space<hbm>>
      tpu.enqueue_dma source(%dma_start3A_137 : memref<4096xi32, #tpu.memory_space<hbm>>) target(%dma_start3A_135 : memref<4096xi32, #tpu.memory_space<vmem>>) target_semaphore(%arg12 : memref<!tpu.dma_semaphore, #tpu.memory_space<semaphore_mem>>)
      %scan3A_138 = arith.constant 0 : i32
      %scan3A_139 = arith.constant 0 : i32
      %scan3A_140 = arith.constant 32 : i32
      %scan3A_141 = arith.addi %scan3A_139, %scan3A_140 : i32
      %scan3A_142 = arith.constant 1 : i32
      scf.for %scan3A_150 = %scan3A_139 to %scan3A_141 step %scan3A_142  : i32 {
        %rem3A_151 = arith.constant 2 : i32
        %rem3A_152 = arith.remsi %scan3A_150, %rem3A_151 : i32
        %dma_wait3A = arith.constant 0 : i32
        %dma_wait3A_153 = tpu.memref_slice %arg5[%rem3A_152, %dma_wait3A] : memref<2x4096xf32, #tpu.memory_space<vmem>> -> memref<1x4096xf32, #tpu.memory_space<vmem>>
        %dma_wait3A_154 = tpu.memref_squeeze %dma_wait3A_153 : memref<1x4096xf32, #tpu.memory_space<vmem>> -> memref<4096xf32, #tpu.memory_space<vmem>>
        %dma_wait3A_155 = arith.constant 0 : i32
        %dma_wait3A_156 = tpu.memref_slice %arg2[%select_n3A, %select_n3A_91, %dma_wait3A_155] : memref<4x19x262144xf32, #tpu.memory_space<hbm>> -> memref<1x1x4096xf32, #tpu.memory_space<hbm>>
        %dma_wait3A_157 = tpu.memref_squeeze %dma_wait3A_156 : memref<1x1x4096xf32, #tpu.memory_space<hbm>> -> memref<4096xf32, #tpu.memory_space<hbm>>
        %dma_wait3A_158 = arith.constant 0 : i32
        %dma_wait3A_159 = tpu.memref_slice %arg5[%rem3A_152, %dma_wait3A_158] : memref<2x4096xf32, #tpu.memory_space<vmem>> -> memref<1x4096xf32, #tpu.memory_space<vmem>>
        %dma_wait3A_160 = tpu.memref_squeeze %dma_wait3A_159 : memref<1x4096xf32, #tpu.memory_space<vmem>> -> memref<4096xf32, #tpu.memory_space<vmem>>
        %dma_wait3A_161 = arith.constant 0 : i32
        %dma_wait3A_162 = tpu.memref_slice %arg2[%select_n3A, %select_n3A_91, %dma_wait3A_161] : memref<4x19x262144xf32, #tpu.memory_space<hbm>> -> memref<1x1x4096xf32, #tpu.memory_space<hbm>>
        %dma_wait3A_163 = tpu.memref_squeeze %dma_wait3A_162 : memref<1x1x4096xf32, #tpu.memory_space<hbm>> -> memref<4096xf32, #tpu.memory_space<hbm>>
        tpu.wait_dma2 semaphore(%arg11 : memref<!tpu.dma_semaphore, #tpu.memory_space<semaphore_mem>>) src(%dma_wait3A_163 : memref<4096xf32, #tpu.memory_space<hbm>>) dst(%dma_wait3A_160 : memref<4096xf32, #tpu.memory_space<vmem>>)
        %dma_wait3A_164 = arith.constant 0 : i32
        %dma_wait3A_165 = tpu.memref_slice %arg6[%rem3A_152, %dma_wait3A_164] : memref<2x4096xi32, #tpu.memory_space<vmem>> -> memref<1x4096xi32, #tpu.memory_space<vmem>>
        %dma_wait3A_166 = tpu.memref_squeeze %dma_wait3A_165 : memref<1x4096xi32, #tpu.memory_space<vmem>> -> memref<4096xi32, #tpu.memory_space<vmem>>
        %dma_wait3A_167 = arith.constant 0 : i32
        %dma_wait3A_168 = tpu.memref_slice %arg3[%select_n3A, %dma_wait3A_167] : memref<4x262144xi32, #tpu.memory_space<hbm>> -> memref<1x4096xi32, #tpu.memory_space<hbm>>
        %dma_wait3A_169 = tpu.memref_squeeze %dma_wait3A_168 : memref<1x4096xi32, #tpu.memory_space<hbm>> -> memref<4096xi32, #tpu.memory_space<hbm>>
        %dma_wait3A_170 = arith.constant 0 : i32
        %dma_wait3A_171 = tpu.memref_slice %arg6[%rem3A_152, %dma_wait3A_170] : memref<2x4096xi32, #tpu.memory_space<vmem>> -> memref<1x4096xi32, #tpu.memory_space<vmem>>
        %dma_wait3A_172 = tpu.memref_squeeze %dma_wait3A_171 : memref<1x4096xi32, #tpu.memory_space<vmem>> -> memref<4096xi32, #tpu.memory_space<vmem>>
        %dma_wait3A_173 = arith.constant 0 : i32
        %dma_wait3A_174 = tpu.memref_slice %arg3[%select_n3A, %dma_wait3A_173] : memref<4x262144xi32, #tpu.memory_space<hbm>> -> memref<1x4096xi32, #tpu.memory_space<hbm>>
        %dma_wait3A_175 = tpu.memref_squeeze %dma_wait3A_174 : memref<1x4096xi32, #tpu.memory_space<hbm>> -> memref<4096xi32, #tpu.memory_space<hbm>>
        tpu.wait_dma2 semaphore(%arg12 : memref<!tpu.dma_semaphore, #tpu.memory_space<semaphore_mem>>) src(%dma_wait3A_175 : memref<4096xi32, #tpu.memory_space<hbm>>) dst(%dma_wait3A_172 : memref<4096xi32, #tpu.memory_space<vmem>>)
        %add3A_176 = arith.constant 1 : i32
        %add3A_177 = arith.addi %scan3A_150, %add3A_176 : i32
        %lt3A_178 = arith.constant 32 : i32
        %lt3A_179 = arith.cmpi slt, %add3A_177, %lt3A_178 : i32
        %convert_element_type3A_180 = arith.extui %lt3A_179 : i1 to i32
        %cond3A_181 = arith.constant 0 : i32
        %cond3A_182 = arith.cmpi ne, %convert_element_type3A_180, %cond3A_181 : i32
        scf.if %cond3A_182 {
          %add3A_195 = arith.constant 1 : i32
          %add3A_196 = arith.addi %scan3A_150, %add3A_195 : i32
          %sub3A_197 = arith.constant 1 : i32
          %sub3A_198 = arith.subi %sub3A_197, %rem3A_152 : i32
          %mul3A_199 = arith.constant 4096 : i32
          %mul3A_200 = arith.muli %add3A_196, %mul3A_199 : i32
          %add3A_201 = arith.addi %mul3A_109, %mul3A_200 : i32
          %dma_start3A_202 = arith.constant 0 : i32
          %dma_start3A_203 = tpu.memref_slice %arg5[%sub3A_198, %dma_start3A_202] : memref<2x4096xf32, #tpu.memory_space<vmem>> -> memref<1x4096xf32, #tpu.memory_space<vmem>>
          %dma_start3A_204 = tpu.memref_squeeze %dma_start3A_203 : memref<1x4096xf32, #tpu.memory_space<vmem>> -> memref<4096xf32, #tpu.memory_space<vmem>>
          %dma_start3A_205 = tpu.memref_slice %arg2[%select_n3A, %select_n3A_91, %add3A_201] : memref<4x19x262144xf32, #tpu.memory_space<hbm>> -> memref<1x1x4096xf32, #tpu.memory_space<hbm>>
          %dma_start3A_206 = tpu.memref_squeeze %dma_start3A_205 : memref<1x1x4096xf32, #tpu.memory_space<hbm>> -> memref<4096xf32, #tpu.memory_space<hbm>>
          %dma_start3A_207 = arith.constant 0 : i32
          %dma_start3A_208 = tpu.memref_slice %arg5[%sub3A_198, %dma_start3A_207] : memref<2x4096xf32, #tpu.memory_space<vmem>> -> memref<1x4096xf32, #tpu.memory_space<vmem>>
          %dma_start3A_209 = tpu.memref_squeeze %dma_start3A_208 : memref<1x4096xf32, #tpu.memory_space<vmem>> -> memref<4096xf32, #tpu.memory_space<vmem>>
          %dma_start3A_210 = tpu.memref_slice %arg2[%select_n3A, %select_n3A_91, %add3A_201] : memref<4x19x262144xf32, #tpu.memory_space<hbm>> -> memref<1x1x4096xf32, #tpu.memory_space<hbm>>
          %dma_start3A_211 = tpu.memref_squeeze %dma_start3A_210 : memref<1x1x4096xf32, #tpu.memory_space<hbm>> -> memref<4096xf32, #tpu.memory_space<hbm>>
          tpu.enqueue_dma source(%dma_start3A_211 : memref<4096xf32, #tpu.memory_space<hbm>>) target(%dma_start3A_209 : memref<4096xf32, #tpu.memory_space<vmem>>) target_semaphore(%arg11 : memref<!tpu.dma_semaphore, #tpu.memory_space<semaphore_mem>>)
          %dma_start3A_212 = arith.constant 0 : i32
          %dma_start3A_213 = tpu.memref_slice %arg6[%sub3A_198, %dma_start3A_212] : memref<2x4096xi32, #tpu.memory_space<vmem>> -> memref<1x4096xi32, #tpu.memory_space<vmem>>
          %dma_start3A_214 = tpu.memref_squeeze %dma_start3A_213 : memref<1x4096xi32, #tpu.memory_space<vmem>> -> memref<4096xi32, #tpu.memory_space<vmem>>
          %dma_start3A_215 = tpu.memref_slice %arg3[%select_n3A, %add3A_201] : memref<4x262144xi32, #tpu.memory_space<hbm>> -> memref<1x4096xi32, #tpu.memory_space<hbm>>
          %dma_start3A_216 = tpu.memref_squeeze %dma_start3A_215 : memref<1x4096xi32, #tpu.memory_space<hbm>> -> memref<4096xi32, #tpu.memory_space<hbm>>
          %dma_start3A_217 = arith.constant 0 : i32
          %dma_start3A_218 = tpu.memref_slice %arg6[%sub3A_198, %dma_start3A_217] : memref<2x4096xi32, #tpu.memory_space<vmem>> -> memref<1x4096xi32, #tpu.memory_space<vmem>>
          %dma_start3A_219 = tpu.memref_squeeze %dma_start3A_218 : memref<1x4096xi32, #tpu.memory_space<vmem>> -> memref<4096xi32, #tpu.memory_space<vmem>>
          %dma_start3A_220 = tpu.memref_slice %arg3[%select_n3A, %add3A_201] : memref<4x262144xi32, #tpu.memory_space<hbm>> -> memref<1x4096xi32, #tpu.memory_space<hbm>>
          %dma_start3A_221 = tpu.memref_squeeze %dma_start3A_220 : memref<1x4096xi32, #tpu.memory_space<hbm>> -> memref<4096xi32, #tpu.memory_space<hbm>>
          tpu.enqueue_dma source(%dma_start3A_221 : memref<4096xi32, #tpu.memory_space<hbm>>) target(%dma_start3A_219 : memref<4096xi32, #tpu.memory_space<vmem>>) target_semaphore(%arg12 : memref<!tpu.dma_semaphore, #tpu.memory_space<semaphore_mem>>)
        } else {
        }
        %scan3A_183 = arith.constant 0 : i32
        %scan3A_184 = arith.constant 0 : i32
        %scan3A_185 = arith.constant 85 : i32
        %scan3A_186 = arith.addi %scan3A_184, %scan3A_185 : i32
        %scan3A_187 = arith.constant 1 : i32
        scf.for %scan3A_195 = %scan3A_184 to %scan3A_186 step %scan3A_187  : i32 {
          %mul3A_196 = arith.constant 3 : i32
          %mul3A_197 = arith.muli %mul3A_196, %scan3A_195 : i32
          %mul3A_198 = arith.constant 16 : i32
          %mul3A_199 = arith.muli %mul3A_197, %mul3A_198 : i32
          %get3A_200 = arith.index_cast %rem3A_152 : i32 to index
          %get3A_201 = arith.index_cast %mul3A_199 : i32 to index
          %get3A_202 = tpu.vector_load %arg6[%get3A_200, %get3A_201] {strides = array<i32>} : memref<2x4096xi32, #tpu.memory_space<vmem>>, vector<16xi32>,
          %add3A_203 = arith.addi %get3A_202, %mul3A_3 : vector<16xi32>
          %gather3A_204 = tpu.vector_load_idx %arg7[%add3A_203] : memref<32784xf32, #tpu.memory_space<vmem>>[vector<16xi32>], vector<16xf32>,
          %mul3A_205 = arith.constant 3 : i32
          %mul3A_206 = arith.muli %mul3A_205, %scan3A_195 : i32
          %add3A_207 = arith.constant 1 : i32
          %add3A_208 = arith.addi %mul3A_206, %add3A_207 : i32
          %mul3A_209 = arith.constant 16 : i32
          %mul3A_210 = arith.muli %add3A_208, %mul3A_209 : i32
          %get3A_211 = arith.index_cast %rem3A_152 : i32 to index
          %get3A_212 = arith.index_cast %mul3A_210 : i32 to index
          %get3A_213 = tpu.vector_load %arg6[%get3A_211, %get3A_212] {strides = array<i32>} : memref<2x4096xi32, #tpu.memory_space<vmem>>, vector<16xi32>,
          %add3A_214 = arith.addi %get3A_213, %mul3A_3 : vector<16xi32>
          %gather3A_215 = tpu.vector_load_idx %arg8[%add3A_214] : memref<32784xf32, #tpu.memory_space<vmem>>[vector<16xi32>], vector<16xf32>,
          %mul3A_216 = arith.constant 3 : i32
          %mul3A_217 = arith.muli %mul3A_216, %scan3A_195 : i32
          %add3A_218 = arith.constant 2 : i32
          %add3A_219 = arith.addi %mul3A_217, %add3A_218 : i32
          %mul3A_220 = arith.constant 16 : i32
          %mul3A_221 = arith.muli %add3A_219, %mul3A_220 : i32
          %get3A_222 = arith.index_cast %rem3A_152 : i32 to index
          %get3A_223 = arith.index_cast %mul3A_221 : i32 to index
          %get3A_224 = tpu.vector_load %arg6[%get3A_222, %get3A_223] {strides = array<i32>} : memref<2x4096xi32, #tpu.memory_space<vmem>>, vector<16xi32>,
          %add3A_225 = arith.addi %get3A_224, %mul3A_3 : vector<16xi32>
          %gather3A_226 = tpu.vector_load_idx %arg9[%add3A_225] : memref<32784xf32, #tpu.memory_space<vmem>>[vector<16xi32>], vector<16xf32>,
          %mul3A_227 = arith.constant 3 : i32
          %mul3A_228 = arith.muli %mul3A_227, %scan3A_195 : i32
          %mul3A_229 = arith.constant 16 : i32
          %mul3A_230 = arith.muli %mul3A_228, %mul3A_229 : i32
          %get3A_231 = arith.index_cast %rem3A_152 : i32 to index
          %get3A_232 = arith.index_cast %mul3A_230 : i32 to index
          %get3A_233 = tpu.vector_load %arg5[%get3A_231, %get3A_232] {strides = array<i32>} : memref<2x4096xf32, #tpu.memory_space<vmem>>, vector<16xf32>,
          %max3A_234 = arith.maximumf %gather3A_204, %get3A_233 : vector<16xf32>
          tpu.vector_store_idx %arg7[%add3A_203], %max3A_234 : memref<32784xf32, #tpu.memory_space<vmem>>[vector<16xi32>], vector<16xf32>,
          %mul3A_235 = arith.constant 3 : i32
          %mul3A_236 = arith.muli %mul3A_235, %scan3A_195 : i32
          %add3A_237 = arith.constant 1 : i32
          %add3A_238 = arith.addi %mul3A_236, %add3A_237 : i32
          %mul3A_239 = arith.constant 16 : i32
          %mul3A_240 = arith.muli %add3A_238, %mul3A_239 : i32
          %get3A_241 = arith.index_cast %rem3A_152 : i32 to index
          %get3A_242 = arith.index_cast %mul3A_240 : i32 to index
          %get3A_243 = tpu.vector_load %arg5[%get3A_241, %get3A_242] {strides = array<i32>} : memref<2x4096xf32, #tpu.memory_space<vmem>>, vector<16xf32>,
          %max3A_244 = arith.maximumf %gather3A_215, %get3A_243 : vector<16xf32>
          tpu.vector_store_idx %arg8[%add3A_214], %max3A_244 : memref<32784xf32, #tpu.memory_space<vmem>>[vector<16xi32>], vector<16xf32>,
          %mul3A_245 = arith.constant 3 : i32
          %mul3A_246 = arith.muli %mul3A_245, %scan3A_195 : i32
          %add3A_247 = arith.constant 2 : i32
          %add3A_248 = arith.addi %mul3A_246, %add3A_247 : i32
          %mul3A_249 = arith.constant 16 : i32
          %mul3A_250 = arith.muli %add3A_248, %mul3A_249 : i32
          %get3A_251 = arith.index_cast %rem3A_152 : i32 to index
          %get3A_252 = arith.index_cast %mul3A_250 : i32 to index
          %get3A_253 = tpu.vector_load %arg5[%get3A_251, %get3A_252] {strides = array<i32>} : memref<2x4096xf32, #tpu.memory_space<vmem>>, vector<16xf32>,
          %max3A_254 = arith.maximumf %gather3A_226, %get3A_253 : vector<16xf32>
          tpu.vector_store_idx %arg9[%add3A_225], %max3A_254 : memref<32784xf32, #tpu.memory_space<vmem>>[vector<16xi32>], vector<16xf32>,
        }
        %scan3A_188 = arith.constant 85 : i32
        %get3A = arith.index_cast %rem3A_152 : i32 to index
        %get3A_189 = arith.constant 4080 : index
        %get3A_190 = tpu.vector_load %arg6[%get3A, %get3A_189] {strides = array<i32>} : memref<2x4096xi32, #tpu.memory_space<vmem>>, vector<16xi32>,
        %add3A_191 = arith.addi %get3A_190, %mul3A_3 : vector<16xi32>
        %gather3A = tpu.vector_load_idx %arg7[%add3A_191] : memref<32784xf32, #tpu.memory_space<vmem>>[vector<16xi32>], vector<16xf32>,
        %get3A_192 = arith.index_cast %rem3A_152 : i32 to index
        %get3A_193 = arith.constant 4080 : index
        %get3A_194 = tpu.vector_load %arg5[%get3A_192, %get3A_193] {strides = array<i32>} : memref<2x4096xf32, #tpu.memory_space<vmem>>, vector<16xf32>,
        %max3A = arith.maximumf %gather3A, %get3A_194 : vector<16xf32>
        tpu.vector_store_idx %arg7[%add3A_191], %max3A : memref<32784xf32, #tpu.memory_space<vmem>>[vector<16xi32>], vector<16xf32>,
      }
      %scan3A_143 = arith.constant 32 : i32
      %scan3A_144 = arith.constant 0 : i32
      %scan3A_145 = arith.constant 0 : i32
      %scan3A_146 = arith.constant 128 : i32
      %scan3A_147 = arith.addi %scan3A_145, %scan3A_146 : i32
      %scan3A_148 = arith.constant 1 : i32
      scf.for %scan3A_150 = %scan3A_145 to %scan3A_147 step %scan3A_148  : i32 {
        %mul3A_151 = arith.constant 16 : i32
        %mul3A_152 = arith.muli %scan3A_150, %mul3A_151 : i32
        %get3A = arith.index_cast %mul3A_152 : i32 to index
        %get3A_153 = tpu.vector_load %arg7[%get3A] {strides = array<i32>} : memref<32784xf32, #tpu.memory_space<vmem>>, vector<16xf32>,
        %get3A_154 = arith.index_cast %mul3A_152 : i32 to index
        %get3A_155 = tpu.vector_load %arg8[%get3A_154] {strides = array<i32>} : memref<32784xf32, #tpu.memory_space<vmem>>, vector<16xf32>,
        %max3A = arith.maximumf %get3A_153, %get3A_155 : vector<16xf32>
        %get3A_156 = arith.index_cast %mul3A_152 : i32 to index
        %get3A_157 = tpu.vector_load %arg9[%get3A_156] {strides = array<i32>} : memref<32784xf32, #tpu.memory_space<vmem>>, vector<16xf32>,
        %max3A_158 = arith.maximumf %max3A, %get3A_157 : vector<16xf32>
        %add3A_159 = arith.constant 2049 : i32
        %add3A_160 = arith.addi %add3A_159, %mul3A_152 : i32
        %get3A_161 = arith.index_cast %add3A_160 : i32 to index
        %get3A_162 = tpu.vector_load %arg7[%get3A_161] {strides = array<i32>} : memref<32784xf32, #tpu.memory_space<vmem>>, vector<16xf32>,
        %max3A_163 = arith.maximumf %max3A_158, %get3A_162 : vector<16xf32>
        %add3A_164 = arith.constant 2049 : i32
        %add3A_165 = arith.addi %add3A_164, %mul3A_152 : i32
        %get3A_166 = arith.index_cast %add3A_165 : i32 to index
        %get3A_167 = tpu.vector_load %arg8[%get3A_166] {strides = array<i32>} : memref<32784xf32, #tpu.memory_space<vmem>>, vector<16xf32>,
        %max3A_168 = arith.maximumf %max3A_163, %get3A_167 : vector<16xf32>
        %add3A_169 = arith.constant 2049 : i32
        %add3A_170 = arith.addi %add3A_169, %mul3A_152 : i32
        %get3A_171 = arith.index_cast %add3A_170 : i32 to index
        %get3A_172 = tpu.vector_load %arg9[%get3A_171] {strides = array<i32>} : memref<32784xf32, #tpu.memory_space<vmem>>, vector<16xf32>,
        %max3A_173 = arith.maximumf %max3A_168, %get3A_172 : vector<16xf32>
        %add3A_174 = arith.constant 4098 : i32
        %add3A_175 = arith.addi %add3A_174, %mul3A_152 : i32
        %get3A_176 = arith.index_cast %add3A_175 : i32 to index
        %get3A_177 = tpu.vector_load %arg7[%get3A_176] {strides = array<i32>} : memref<32784xf32, #tpu.memory_space<vmem>>, vector<16xf32>,
        %max3A_178 = arith.maximumf %max3A_173, %get3A_177 : vector<16xf32>
        %add3A_179 = arith.constant 4098 : i32
        %add3A_180 = arith.addi %add3A_179, %mul3A_152 : i32
        %get3A_181 = arith.index_cast %add3A_180 : i32 to index
        %get3A_182 = tpu.vector_load %arg8[%get3A_181] {strides = array<i32>} : memref<32784xf32, #tpu.memory_space<vmem>>, vector<16xf32>,
        %max3A_183 = arith.maximumf %max3A_178, %get3A_182 : vector<16xf32>
        %add3A_184 = arith.constant 4098 : i32
        %add3A_185 = arith.addi %add3A_184, %mul3A_152 : i32
        %get3A_186 = arith.index_cast %add3A_185 : i32 to index
        %get3A_187 = tpu.vector_load %arg9[%get3A_186] {strides = array<i32>} : memref<32784xf32, #tpu.memory_space<vmem>>, vector<16xf32>,
        %max3A_188 = arith.maximumf %max3A_183, %get3A_187 : vector<16xf32>
        %add3A_189 = arith.constant 6147 : i32
        %add3A_190 = arith.addi %add3A_189, %mul3A_152 : i32
        %get3A_191 = arith.index_cast %add3A_190 : i32 to index
        %get3A_192 = tpu.vector_load %arg7[%get3A_191] {strides = array<i32>} : memref<32784xf32, #tpu.memory_space<vmem>>, vector<16xf32>,
        %max3A_193 = arith.maximumf %max3A_188, %get3A_192 : vector<16xf32>
        %add3A_194 = arith.constant 6147 : i32
        %add3A_195 = arith.addi %add3A_194, %mul3A_152 : i32
        %get3A_196 = arith.index_cast %add3A_195 : i32 to index
        %get3A_197 = tpu.vector_load %arg8[%get3A_196] {strides = array<i32>} : memref<32784xf32, #tpu.memory_space<vmem>>, vector<16xf32>,
        %max3A_198 = arith.maximumf %max3A_193, %get3A_197 : vector<16xf32>
        %add3A_199 = arith.constant 6147 : i32
        %add3A_200 = arith.addi %add3A_199, %mul3A_152 : i32
        %get3A_201 = arith.index_cast %add3A_200 : i32 to index
        %get3A_202 = tpu.vector_load %arg9[%get3A_201] {strides = array<i32>} : memref<32784xf32, #tpu.memory_space<vmem>>, vector<16xf32>,
        %max3A_203 = arith.maximumf %max3A_198, %get3A_202 : vector<16xf32>
        %add3A_204 = arith.constant 8196 : i32
        %add3A_205 = arith.addi %add3A_204, %mul3A_152 : i32
        %get3A_206 = arith.index_cast %add3A_205 : i32 to index
        %get3A_207 = tpu.vector_load %arg7[%get3A_206] {strides = array<i32>} : memref<32784xf32, #tpu.memory_space<vmem>>, vector<16xf32>,
        %max3A_208 = arith.maximumf %max3A_203, %get3A_207 : vector<16xf32>
        %add3A_209 = arith.constant 8196 : i32
        %add3A_210 = arith.addi %add3A_209, %mul3A_152 : i32
        %get3A_211 = arith.index_cast %add3A_210 : i32 to index
        %get3A_212 = tpu.vector_load %arg8[%get3A_211] {strides = array<i32>} : memref<32784xf32, #tpu.memory_space<vmem>>, vector<16xf32>,
        %max3A_213 = arith.maximumf %max3A_208, %get3A_212 : vector<16xf32>
        %add3A_214 = arith.constant 8196 : i32
        %add3A_215 = arith.addi %add3A_214, %mul3A_152 : i32
        %get3A_216 = arith.index_cast %add3A_215 : i32 to index
        %get3A_217 = tpu.vector_load %arg9[%get3A_216] {strides = array<i32>} : memref<32784xf32, #tpu.memory_space<vmem>>, vector<16xf32>,
        %max3A_218 = arith.maximumf %max3A_213, %get3A_217 : vector<16xf32>
        %add3A_219 = arith.constant 10245 : i32
        %add3A_220 = arith.addi %add3A_219, %mul3A_152 : i32
        %get3A_221 = arith.index_cast %add3A_220 : i32 to index
        %get3A_222 = tpu.vector_load %arg7[%get3A_221] {strides = array<i32>} : memref<32784xf32, #tpu.memory_space<vmem>>, vector<16xf32>,
        %max3A_223 = arith.maximumf %max3A_218, %get3A_222 : vector<16xf32>
        %add3A_224 = arith.constant 10245 : i32
        %add3A_225 = arith.addi %add3A_224, %mul3A_152 : i32
        %get3A_226 = arith.index_cast %add3A_225 : i32 to index
        %get3A_227 = tpu.vector_load %arg8[%get3A_226] {strides = array<i32>} : memref<32784xf32, #tpu.memory_space<vmem>>, vector<16xf32>,
        %max3A_228 = arith.maximumf %max3A_223, %get3A_227 : vector<16xf32>
        %add3A_229 = arith.constant 10245 : i32
        %add3A_230 = arith.addi %add3A_229, %mul3A_152 : i32
        %get3A_231 = arith.index_cast %add3A_230 : i32 to index
        %get3A_232 = tpu.vector_load %arg9[%get3A_231] {strides = array<i32>} : memref<32784xf32, #tpu.memory_space<vmem>>, vector<16xf32>,
        %max3A_233 = arith.maximumf %max3A_228, %get3A_232 : vector<16xf32>
        %add3A_234 = arith.constant 12294 : i32
        %add3A_235 = arith.addi %add3A_234, %mul3A_152 : i32
        %get3A_236 = arith.index_cast %add3A_235 : i32 to index
        %get3A_237 = tpu.vector_load %arg7[%get3A_236] {strides = array<i32>} : memref<32784xf32, #tpu.memory_space<vmem>>, vector<16xf32>,
        %max3A_238 = arith.maximumf %max3A_233, %get3A_237 : vector<16xf32>
        %add3A_239 = arith.constant 12294 : i32
        %add3A_240 = arith.addi %add3A_239, %mul3A_152 : i32
        %get3A_241 = arith.index_cast %add3A_240 : i32 to index
        %get3A_242 = tpu.vector_load %arg8[%get3A_241] {strides = array<i32>} : memref<32784xf32, #tpu.memory_space<vmem>>, vector<16xf32>,
        %max3A_243 = arith.maximumf %max3A_238, %get3A_242 : vector<16xf32>
        %add3A_244 = arith.constant 12294 : i32
        %add3A_245 = arith.addi %add3A_244, %mul3A_152 : i32
        %get3A_246 = arith.index_cast %add3A_245 : i32 to index
        %get3A_247 = tpu.vector_load %arg9[%get3A_246] {strides = array<i32>} : memref<32784xf32, #tpu.memory_space<vmem>>, vector<16xf32>,
        %max3A_248 = arith.maximumf %max3A_243, %get3A_247 : vector<16xf32>
        %add3A_249 = arith.constant 14343 : i32
        %add3A_250 = arith.addi %add3A_249, %mul3A_152 : i32
        %get3A_251 = arith.index_cast %add3A_250 : i32 to index
        %get3A_252 = tpu.vector_load %arg7[%get3A_251] {strides = array<i32>} : memref<32784xf32, #tpu.memory_space<vmem>>, vector<16xf32>,
        %max3A_253 = arith.maximumf %max3A_248, %get3A_252 : vector<16xf32>
        %add3A_254 = arith.constant 14343 : i32
        %add3A_255 = arith.addi %add3A_254, %mul3A_152 : i32
        %get3A_256 = arith.index_cast %add3A_255 : i32 to index
        %get3A_257 = tpu.vector_load %arg8[%get3A_256] {strides = array<i32>} : memref<32784xf32, #tpu.memory_space<vmem>>, vector<16xf32>,
        %max3A_258 = arith.maximumf %max3A_253, %get3A_257 : vector<16xf32>
        %add3A_259 = arith.constant 14343 : i32
        %add3A_260 = arith.addi %add3A_259, %mul3A_152 : i32
        %get3A_261 = arith.index_cast %add3A_260 : i32 to index
        %get3A_262 = tpu.vector_load %arg9[%get3A_261] {strides = array<i32>} : memref<32784xf32, #tpu.memory_space<vmem>>, vector<16xf32>,
        %max3A_263 = arith.maximumf %max3A_258, %get3A_262 : vector<16xf32>
        %add3A_264 = arith.constant 16392 : i32
        %add3A_265 = arith.addi %add3A_264, %mul3A_152 : i32
        %get3A_266 = arith.index_cast %add3A_265 : i32 to index
        %get3A_267 = tpu.vector_load %arg7[%get3A_266] {strides = array<i32>} : memref<32784xf32, #tpu.memory_space<vmem>>, vector<16xf32>,
        %max3A_268 = arith.maximumf %max3A_263, %get3A_267 : vector<16xf32>
        %add3A_269 = arith.constant 16392 : i32
        %add3A_270 = arith.addi %add3A_269, %mul3A_152 : i32
        %get3A_271 = arith.index_cast %add3A_270 : i32 to index
        %get3A_272 = tpu.vector_load %arg8[%get3A_271] {strides = array<i32>} : memref<32784xf32, #tpu.memory_space<vmem>>, vector<16xf32>,
        %max3A_273 = arith.maximumf %max3A_268, %get3A_272 : vector<16xf32>
        %add3A_274 = arith.constant 16392 : i32
        %add3A_275 = arith.addi %add3A_274, %mul3A_152 : i32
        %get3A_276 = arith.index_cast %add3A_275 : i32 to index
        %get3A_277 = tpu.vector_load %arg9[%get3A_276] {strides = array<i32>} : memref<32784xf32, #tpu.memory_space<vmem>>, vector<16xf32>,
        %max3A_278 = arith.maximumf %max3A_273, %get3A_277 : vector<16xf32>
        %add3A_279 = arith.constant 18441 : i32
        %add3A_280 = arith.addi %add3A_279, %mul3A_152 : i32
        %get3A_281 = arith.index_cast %add3A_280 : i32 to index
        %get3A_282 = tpu.vector_load %arg7[%get3A_281] {strides = array<i32>} : memref<32784xf32, #tpu.memory_space<vmem>>, vector<16xf32>,
        %max3A_283 = arith.maximumf %max3A_278, %get3A_282 : vector<16xf32>
        %add3A_284 = arith.constant 18441 : i32
        %add3A_285 = arith.addi %add3A_284, %mul3A_152 : i32
        %get3A_286 = arith.index_cast %add3A_285 : i32 to index
        %get3A_287 = tpu.vector_load %arg8[%get3A_286] {strides = array<i32>} : memref<32784xf32, #tpu.memory_space<vmem>>, vector<16xf32>,
        %max3A_288 = arith.maximumf %max3A_283, %get3A_287 : vector<16xf32>
        %add3A_289 = arith.constant 18441 : i32
        %add3A_290 = arith.addi %add3A_289, %mul3A_152 : i32
        %get3A_291 = arith.index_cast %add3A_290 : i32 to index
        %get3A_292 = tpu.vector_load %arg9[%get3A_291] {strides = array<i32>} : memref<32784xf32, #tpu.memory_space<vmem>>, vector<16xf32>,
        %max3A_293 = arith.maximumf %max3A_288, %get3A_292 : vector<16xf32>
        %add3A_294 = arith.constant 20490 : i32
        %add3A_295 = arith.addi %add3A_294, %mul3A_152 : i32
        %get3A_296 = arith.index_cast %add3A_295 : i32 to index
        %get3A_297 = tpu.vector_load %arg7[%get3A_296] {strides = array<i32>} : memref<32784xf32, #tpu.memory_space<vmem>>, vector<16xf32>,
        %max3A_298 = arith.maximumf %max3A_293, %get3A_297 : vector<16xf32>
        %add3A_299 = arith.constant 20490 : i32
        %add3A_300 = arith.addi %add3A_299, %mul3A_152 : i32
        %get3A_301 = arith.index_cast %add3A_300 : i32 to index
        %get3A_302 = tpu.vector_load %arg8[%get3A_301] {strides = array<i32>} : memref<32784xf32, #tpu.memory_space<vmem>>, vector<16xf32>,
        %max3A_303 = arith.maximumf %max3A_298, %get3A_302 : vector<16xf32>
        %add3A_304 = arith.constant 20490 : i32
        %add3A_305 = arith.addi %add3A_304, %mul3A_152 : i32
        %get3A_306 = arith.index_cast %add3A_305 : i32 to index
        %get3A_307 = tpu.vector_load %arg9[%get3A_306] {strides = array<i32>} : memref<32784xf32, #tpu.memory_space<vmem>>, vector<16xf32>,
        %max3A_308 = arith.maximumf %max3A_303, %get3A_307 : vector<16xf32>
        %add3A_309 = arith.constant 22539 : i32
        %add3A_310 = arith.addi %add3A_309, %mul3A_152 : i32
        %get3A_311 = arith.index_cast %add3A_310 : i32 to index
        %get3A_312 = tpu.vector_load %arg7[%get3A_311] {strides = array<i32>} : memref<32784xf32, #tpu.memory_space<vmem>>, vector<16xf32>,
        %max3A_313 = arith.maximumf %max3A_308, %get3A_312 : vector<16xf32>
        %add3A_314 = arith.constant 22539 : i32
        %add3A_315 = arith.addi %add3A_314, %mul3A_152 : i32
        %get3A_316 = arith.index_cast %add3A_315 : i32 to index
        %get3A_317 = tpu.vector_load %arg8[%get3A_316] {strides = array<i32>} : memref<32784xf32, #tpu.memory_space<vmem>>, vector<16xf32>,
        %max3A_318 = arith.maximumf %max3A_313, %get3A_317 : vector<16xf32>
        %add3A_319 = arith.constant 22539 : i32
        %add3A_320 = arith.addi %add3A_319, %mul3A_152 : i32
        %get3A_321 = arith.index_cast %add3A_320 : i32 to index
        %get3A_322 = tpu.vector_load %arg9[%get3A_321] {strides = array<i32>} : memref<32784xf32, #tpu.memory_space<vmem>>, vector<16xf32>,
        %max3A_323 = arith.maximumf %max3A_318, %get3A_322 : vector<16xf32>
        %add3A_324 = arith.constant 24588 : i32
        %add3A_325 = arith.addi %add3A_324, %mul3A_152 : i32
        %get3A_326 = arith.index_cast %add3A_325 : i32 to index
        %get3A_327 = tpu.vector_load %arg7[%get3A_326] {strides = array<i32>} : memref<32784xf32, #tpu.memory_space<vmem>>, vector<16xf32>,
        %max3A_328 = arith.maximumf %max3A_323, %get3A_327 : vector<16xf32>
        %add3A_329 = arith.constant 24588 : i32
        %add3A_330 = arith.addi %add3A_329, %mul3A_152 : i32
        %get3A_331 = arith.index_cast %add3A_330 : i32 to index
        %get3A_332 = tpu.vector_load %arg8[%get3A_331] {strides = array<i32>} : memref<32784xf32, #tpu.memory_space<vmem>>, vector<16xf32>,
        %max3A_333 = arith.maximumf %max3A_328, %get3A_332 : vector<16xf32>
        %add3A_334 = arith.constant 24588 : i32
        %add3A_335 = arith.addi %add3A_334, %mul3A_152 : i32
        %get3A_336 = arith.index_cast %add3A_335 : i32 to index
        %get3A_337 = tpu.vector_load %arg9[%get3A_336] {strides = array<i32>} : memref<32784xf32, #tpu.memory_space<vmem>>, vector<16xf32>,
        %max3A_338 = arith.maximumf %max3A_333, %get3A_337 : vector<16xf32>
        %add3A_339 = arith.constant 26637 : i32
        %add3A_340 = arith.addi %add3A_339, %mul3A_152 : i32
        %get3A_341 = arith.index_cast %add3A_340 : i32 to index
        %get3A_342 = tpu.vector_load %arg7[%get3A_341] {strides = array<i32>} : memref<32784xf32, #tpu.memory_space<vmem>>, vector<16xf32>,
        %max3A_343 = arith.maximumf %max3A_338, %get3A_342 : vector<16xf32>
        %add3A_344 = arith.constant 26637 : i32
        %add3A_345 = arith.addi %add3A_344, %mul3A_152 : i32
        %get3A_346 = arith.index_cast %add3A_345 : i32 to index
        %get3A_347 = tpu.vector_load %arg8[%get3A_346] {strides = array<i32>} : memref<32784xf32, #tpu.memory_space<vmem>>, vector<16xf32>,
        %max3A_348 = arith.maximumf %max3A_343, %get3A_347 : vector<16xf32>
        %add3A_349 = arith.constant 26637 : i32
        %add3A_350 = arith.addi %add3A_349, %mul3A_152 : i32
        %get3A_351 = arith.index_cast %add3A_350 : i32 to index
        %get3A_352 = tpu.vector_load %arg9[%get3A_351] {strides = array<i32>} : memref<32784xf32, #tpu.memory_space<vmem>>, vector<16xf32>,
        %max3A_353 = arith.maximumf %max3A_348, %get3A_352 : vector<16xf32>
        %add3A_354 = arith.constant 28686 : i32
        %add3A_355 = arith.addi %add3A_354, %mul3A_152 : i32
        %get3A_356 = arith.index_cast %add3A_355 : i32 to index
        %get3A_357 = tpu.vector_load %arg7[%get3A_356] {strides = array<i32>} : memref<32784xf32, #tpu.memory_space<vmem>>, vector<16xf32>,
        %max3A_358 = arith.maximumf %max3A_353, %get3A_357 : vector<16xf32>
        %add3A_359 = arith.constant 28686 : i32
        %add3A_360 = arith.addi %add3A_359, %mul3A_152 : i32
        %get3A_361 = arith.index_cast %add3A_360 : i32 to index
        %get3A_362 = tpu.vector_load %arg8[%get3A_361] {strides = array<i32>} : memref<32784xf32, #tpu.memory_space<vmem>>, vector<16xf32>,
        %max3A_363 = arith.maximumf %max3A_358, %get3A_362 : vector<16xf32>
        %add3A_364 = arith.constant 28686 : i32
        %add3A_365 = arith.addi %add3A_364, %mul3A_152 : i32
        %get3A_366 = arith.index_cast %add3A_365 : i32 to index
        %get3A_367 = tpu.vector_load %arg9[%get3A_366] {strides = array<i32>} : memref<32784xf32, #tpu.memory_space<vmem>>, vector<16xf32>,
        %max3A_368 = arith.maximumf %max3A_363, %get3A_367 : vector<16xf32>
        %add3A_369 = arith.constant 30735 : i32
        %add3A_370 = arith.addi %add3A_369, %mul3A_152 : i32
        %get3A_371 = arith.index_cast %add3A_370 : i32 to index
        %get3A_372 = tpu.vector_load %arg7[%get3A_371] {strides = array<i32>} : memref<32784xf32, #tpu.memory_space<vmem>>, vector<16xf32>,
        %max3A_373 = arith.maximumf %max3A_368, %get3A_372 : vector<16xf32>
        %add3A_374 = arith.constant 30735 : i32
        %add3A_375 = arith.addi %add3A_374, %mul3A_152 : i32
        %get3A_376 = arith.index_cast %add3A_375 : i32 to index
        %get3A_377 = tpu.vector_load %arg8[%get3A_376] {strides = array<i32>} : memref<32784xf32, #tpu.memory_space<vmem>>, vector<16xf32>,
        %max3A_378 = arith.maximumf %max3A_373, %get3A_377 : vector<16xf32>
        %add3A_379 = arith.constant 30735 : i32
        %add3A_380 = arith.addi %add3A_379, %mul3A_152 : i32
        %get3A_381 = arith.index_cast %add3A_380 : i32 to index
        %get3A_382 = tpu.vector_load %arg9[%get3A_381] {strides = array<i32>} : memref<32784xf32, #tpu.memory_space<vmem>>, vector<16xf32>,
        %max3A_383 = arith.maximumf %max3A_378, %get3A_382 : vector<16xf32>
        %swap3A = arith.index_cast %mul3A_152 : i32 to index
        %swap3A_384 = tpu.vector_load %arg10[%swap3A] {strides = array<i32>} : memref<2048xf32, #tpu.memory_space<vmem>>, vector<16xf32>,
        tpu.vector_store %arg10[%swap3A], %max3A_383 {strides = array<i32>} : memref<2048xf32, #tpu.memory_space<vmem>>, vector<16xf32>,
      }
      %scan3A_149 = arith.constant 128 : i32
      "tpu.region"() ({
        %run_scoped3A = tpu.sem_alloc : memref<!tpu.dma_semaphore, #tpu.memory_space<semaphore_mem>>
        %dma_start3A_150 = arith.constant 0 : i32
        %dma_start3A_151 = tpu.memref_slice %arg4[%select_n3A, %select_n3A_91, %select_n3A_107, %dma_start3A_150] : memref<4x19x2x2048xf32, #tpu.memory_space<hbm>> -> memref<1x1x1x2048xf32, #tpu.memory_space<hbm>>
        %dma_start3A_152 = tpu.memref_squeeze %dma_start3A_151 : memref<1x1x1x2048xf32, #tpu.memory_space<hbm>> -> memref<2048xf32, #tpu.memory_space<hbm>>
        %dma_start3A_153 = arith.constant 0 : i32
        %dma_start3A_154 = tpu.memref_slice %arg4[%select_n3A, %select_n3A_91, %select_n3A_107, %dma_start3A_153] : memref<4x19x2x2048xf32, #tpu.memory_space<hbm>> -> memref<1x1x1x2048xf32, #tpu.memory_space<hbm>>
        %dma_start3A_155 = tpu.memref_squeeze %dma_start3A_154 : memref<1x1x1x2048xf32, #tpu.memory_space<hbm>> -> memref<2048xf32, #tpu.memory_space<hbm>>
        tpu.enqueue_dma source(%arg10 : memref<2048xf32, #tpu.memory_space<vmem>>) target(%dma_start3A_155 : memref<2048xf32, #tpu.memory_space<hbm>>) target_semaphore(%run_scoped3A : memref<!tpu.dma_semaphore, #tpu.memory_space<semaphore_mem>>)
        %dma_wait3A = arith.constant 0 : i32
        %dma_wait3A_156 = tpu.memref_slice %arg4[%select_n3A, %select_n3A_91, %select_n3A_107, %dma_wait3A] : memref<4x19x2x2048xf32, #tpu.memory_space<hbm>> -> memref<1x1x1x2048xf32, #tpu.memory_space<hbm>>
        %dma_wait3A_157 = tpu.memref_squeeze %dma_wait3A_156 : memref<1x1x1x2048xf32, #tpu.memory_space<hbm>> -> memref<2048xf32, #tpu.memory_space<hbm>>
        %dma_wait3A_158 = arith.constant 0 : i32
        %dma_wait3A_159 = tpu.memref_slice %arg4[%select_n3A, %select_n3A_91, %select_n3A_107, %dma_wait3A_158] : memref<4x19x2x2048xf32, #tpu.memory_space<hbm>> -> memref<1x1x1x2048xf32, #tpu.memory_space<hbm>>
        %dma_wait3A_160 = tpu.memref_squeeze %dma_wait3A_159 : memref<1x1x1x2048xf32, #tpu.memory_space<hbm>> -> memref<2048xf32, #tpu.memory_space<hbm>>
        tpu.wait_dma2 semaphore(%run_scoped3A : memref<!tpu.dma_semaphore, #tpu.memory_space<semaphore_mem>>) src(%arg10 : memref<2048xf32, #tpu.memory_space<vmem>>) dst(%dma_wait3A_160 : memref<2048xf32, #tpu.memory_space<hbm>>)
        tpu.yield
      }) : () -> ()
    } else {
    }
    %add3A_30 = arith.constant 128 : i32
    %add3A_31 = arith.addi %add3A, %add3A_30 : i32
    %lt3A_32 = arith.constant 152 : i32
    %lt3A_33 = arith.cmpi slt, %add3A_31, %lt3A_32 : i32
    %convert_element_type3A_34 = arith.extui %lt3A_33 : i1 to i32
    %cond3A_35 = arith.constant 0 : i32
    %cond3A_36 = arith.cmpi ne, %convert_element_type3A_34, %cond3A_35 : i32
    scf.if %cond3A_36 {
      %jit3A = arith.constant 38 : i32
      %div3A = arith.divsi %add3A_31, %jit3A : i32
      %sign3A = arith.constant 0 : i32
      %sign3A_37 = arith.cmpi sgt, %add3A_31, %sign3A : i32
      %sign3A_38 = arith.extui %sign3A_37 : i1 to i32
      %sign3A_39 = arith.constant 0 : i32
      %sign3A_40 = arith.cmpi slt, %add3A_31, %sign3A_39 : i32
      %sign3A_41 = arith.extui %sign3A_40 : i1 to i32
      %sign3A_42 = arith.subi %sign3A_38, %sign3A_41 : i32
      %sign3A_43 = arith.constant 0 : i32
      %sign3A_44 = arith.cmpi sgt, %jit3A, %sign3A_43 : i32
      %sign3A_45 = arith.extui %sign3A_44 : i1 to i32
      %sign3A_46 = arith.constant 0 : i32
      %sign3A_47 = arith.cmpi slt, %jit3A, %sign3A_46 : i32
      %sign3A_48 = arith.extui %sign3A_47 : i1 to i32
      %sign3A_49 = arith.subi %sign3A_45, %sign3A_48 : i32
      %ne3A = arith.cmpi ne, %sign3A_42, %sign3A_49 : i32
      %rem3A = arith.remsi %add3A_31, %jit3A : i32
      %ne3A_50 = arith.constant 0 : i32
      %ne3A_51 = arith.cmpi ne, %rem3A, %ne3A_50 : i32
      %and3A = arith.andi %ne3A, %ne3A_51 : i1
      %sub3A = arith.constant 1 : i32
      %sub3A_52 = arith.subi %div3A, %sub3A : i32
      %select_n3A = arith.select %and3A, %sub3A_52, %div3A : i32
      %jit3A_53 = arith.constant 38 : i32
      %eq3A = arith.constant 0 : i32
      %eq3A_54 = arith.cmpi eq, %jit3A_53, %eq3A : i32
      %jit3A_55 = arith.constant 1 : i32
      %select_n3A_56 = arith.select %eq3A_54, %jit3A_55, %jit3A_53 : i32
      %rem3A_57 = arith.remsi %add3A_31, %select_n3A_56 : i32
      %ne3A_58 = arith.constant 0 : i32
      %ne3A_59 = arith.cmpi ne, %rem3A_57, %ne3A_58 : i32
      %lt3A_60 = arith.constant 0 : i32
      %lt3A_61 = arith.cmpi slt, %rem3A_57, %lt3A_60 : i32
      %lt3A_62 = arith.constant 0 : i32
      %lt3A_63 = arith.cmpi slt, %select_n3A_56, %lt3A_62 : i32
      %ne3A_64 = arith.xori %lt3A_61, %lt3A_63 : i1
      %and3A_65 = arith.andi %ne3A_64, %ne3A_59 : i1
      %add3A_66 = arith.addi %rem3A_57, %select_n3A_56 : i32
      %select_n3A_67 = arith.select %and3A_65, %add3A_66, %rem3A_57 : i32
      %jit3A_68 = arith.constant 2 : i32
      %div3A_69 = arith.divsi %select_n3A_67, %jit3A_68 : i32
      %sign3A_70 = arith.constant 0 : i32
      %sign3A_71 = arith.cmpi sgt, %select_n3A_67, %sign3A_70 : i32
      %sign3A_72 = arith.extui %sign3A_71 : i1 to i32
      %sign3A_73 = arith.constant 0 : i32
      %sign3A_74 = arith.cmpi slt, %select_n3A_67, %sign3A_73 : i32
      %sign3A_75 = arith.extui %sign3A_74 : i1 to i32
      %sign3A_76 = arith.subi %sign3A_72, %sign3A_75 : i32
      %sign3A_77 = arith.constant 0 : i32
      %sign3A_78 = arith.cmpi sgt, %jit3A_68, %sign3A_77 : i32
      %sign3A_79 = arith.extui %sign3A_78 : i1 to i32
      %sign3A_80 = arith.constant 0 : i32
      %sign3A_81 = arith.cmpi slt, %jit3A_68, %sign3A_80 : i32
      %sign3A_82 = arith.extui %sign3A_81 : i1 to i32
      %sign3A_83 = arith.subi %sign3A_79, %sign3A_82 : i32
      %ne3A_84 = arith.cmpi ne, %sign3A_76, %sign3A_83 : i32
      %rem3A_85 = arith.remsi %select_n3A_67, %jit3A_68 : i32
      %ne3A_86 = arith.constant 0 : i32
      %ne3A_87 = arith.cmpi ne, %rem3A_85, %ne3A_86 : i32
      %and3A_88 = arith.andi %ne3A_84, %ne3A_87 : i1
      %sub3A_89 = arith.constant 1 : i32
      %sub3A_90 = arith.subi %div3A_69, %sub3A_89 : i32
      %select_n3A_91 = arith.select %and3A_88, %sub3A_90, %div3A_69 : i32
      %jit3A_92 = arith.constant 2 : i32
      %eq3A_93 = arith.constant 0 : i32
      %eq3A_94 = arith.cmpi eq, %jit3A_92, %eq3A_93 : i32
      %jit3A_95 = arith.constant 1 : i32
      %select_n3A_96 = arith.select %eq3A_94, %jit3A_95, %jit3A_92 : i32
      %rem3A_97 = arith.remsi %select_n3A_67, %select_n3A_96 : i32
      %ne3A_98 = arith.constant 0 : i32
      %ne3A_99 = arith.cmpi ne, %rem3A_97, %ne3A_98 : i32
      %lt3A_100 = arith.constant 0 : i32
      %lt3A_101 = arith.cmpi slt, %rem3A_97, %lt3A_100 : i32
      %lt3A_102 = arith.constant 0 : i32
      %lt3A_103 = arith.cmpi slt, %select_n3A_96, %lt3A_102 : i32
      %ne3A_104 = arith.xori %lt3A_101, %lt3A_103 : i1
      %and3A_105 = arith.andi %ne3A_104, %ne3A_99 : i1
      %add3A_106 = arith.addi %rem3A_97, %select_n3A_96 : i32
      %select_n3A_107 = arith.select %and3A_105, %add3A_106, %rem3A_97 : i32
      %mul3A_108 = arith.constant 131072 : i32
      %mul3A_109 = arith.muli %select_n3A_107, %mul3A_108 : i32
      %scan3A = arith.constant 0 : i32
      %scan3A_110 = arith.constant 0 : i32
      %scan3A_111 = arith.constant 2049 : i32
      %scan3A_112 = arith.addi %scan3A_110, %scan3A_111 : i32
      %scan3A_113 = arith.constant 1 : i32
      scf.for %scan3A_150 = %scan3A_110 to %scan3A_112 step %scan3A_113  : i32 {
        %mul3A_151 = arith.constant 16 : i32
        %mul3A_152 = arith.muli %scan3A_150, %mul3A_151 : i32
        %swap3A = arith.index_cast %mul3A_152 : i32 to index
        %swap3A_153 = tpu.vector_load %arg7[%swap3A] {strides = array<i32>} : memref<32784xf32, #tpu.memory_space<vmem>>, vector<16xf32>,
        tpu.vector_store %arg7[%swap3A], %broadcast_in_dim3A_4 {strides = array<i32>} : memref<32784xf32, #tpu.memory_space<vmem>>, vector<16xf32>,
        %mul3A_154 = arith.constant 16 : i32
        %mul3A_155 = arith.muli %scan3A_150, %mul3A_154 : i32
        %swap3A_156 = arith.index_cast %mul3A_155 : i32 to index
        %swap3A_157 = tpu.vector_load %arg8[%swap3A_156] {strides = array<i32>} : memref<32784xf32, #tpu.memory_space<vmem>>, vector<16xf32>,
        tpu.vector_store %arg8[%swap3A_156], %broadcast_in_dim3A_4 {strides = array<i32>} : memref<32784xf32, #tpu.memory_space<vmem>>, vector<16xf32>,
        %mul3A_158 = arith.constant 16 : i32
        %mul3A_159 = arith.muli %scan3A_150, %mul3A_158 : i32
        %swap3A_160 = arith.index_cast %mul3A_159 : i32 to index
        %swap3A_161 = tpu.vector_load %arg9[%swap3A_160] {strides = array<i32>} : memref<32784xf32, #tpu.memory_space<vmem>>, vector<16xf32>,
        tpu.vector_store %arg9[%swap3A_160], %broadcast_in_dim3A_4 {strides = array<i32>} : memref<32784xf32, #tpu.memory_space<vmem>>, vector<16xf32>,
      }
      %scan3A_114 = arith.constant 2049 : i32
      %add3A_115 = arith.constant 0 : i32
      %add3A_116 = arith.addi %mul3A_109, %add3A_115 : i32
      %dma_start3A = arith.constant 0 : i32
      %dma_start3A_117 = arith.constant 0 : i32
      %dma_start3A_118 = tpu.memref_slice %arg5[%dma_start3A, %dma_start3A_117] : memref<2x4096xf32, #tpu.memory_space<vmem>> -> memref<1x4096xf32, #tpu.memory_space<vmem>>
      %dma_start3A_119 = tpu.memref_squeeze %dma_start3A_118 : memref<1x4096xf32, #tpu.memory_space<vmem>> -> memref<4096xf32, #tpu.memory_space<vmem>>
      %dma_start3A_120 = tpu.memref_slice %arg2[%select_n3A, %select_n3A_91, %add3A_116] : memref<4x19x262144xf32, #tpu.memory_space<hbm>> -> memref<1x1x4096xf32, #tpu.memory_space<hbm>>
      %dma_start3A_121 = tpu.memref_squeeze %dma_start3A_120 : memref<1x1x4096xf32, #tpu.memory_space<hbm>> -> memref<4096xf32, #tpu.memory_space<hbm>>
      %dma_start3A_122 = arith.constant 0 : i32
      %dma_start3A_123 = tpu.memref_slice %arg5[%dma_start3A, %dma_start3A_122] : memref<2x4096xf32, #tpu.memory_space<vmem>> -> memref<1x4096xf32, #tpu.memory_space<vmem>>
      %dma_start3A_124 = tpu.memref_squeeze %dma_start3A_123 : memref<1x4096xf32, #tpu.memory_space<vmem>> -> memref<4096xf32, #tpu.memory_space<vmem>>
      %dma_start3A_125 = tpu.memref_slice %arg2[%select_n3A, %select_n3A_91, %add3A_116] : memref<4x19x262144xf32, #tpu.memory_space<hbm>> -> memref<1x1x4096xf32, #tpu.memory_space<hbm>>
      %dma_start3A_126 = tpu.memref_squeeze %dma_start3A_125 : memref<1x1x4096xf32, #tpu.memory_space<hbm>> -> memref<4096xf32, #tpu.memory_space<hbm>>
      tpu.enqueue_dma source(%dma_start3A_126 : memref<4096xf32, #tpu.memory_space<hbm>>) target(%dma_start3A_124 : memref<4096xf32, #tpu.memory_space<vmem>>) target_semaphore(%arg11 : memref<!tpu.dma_semaphore, #tpu.memory_space<semaphore_mem>>)
      %dma_start3A_127 = arith.constant 0 : i32
      %dma_start3A_128 = arith.constant 0 : i32
      %dma_start3A_129 = tpu.memref_slice %arg6[%dma_start3A_127, %dma_start3A_128] : memref<2x4096xi32, #tpu.memory_space<vmem>> -> memref<1x4096xi32, #tpu.memory_space<vmem>>
      %dma_start3A_130 = tpu.memref_squeeze %dma_start3A_129 : memref<1x4096xi32, #tpu.memory_space<vmem>> -> memref<4096xi32, #tpu.memory_space<vmem>>
      %dma_start3A_131 = tpu.memref_slice %arg3[%select_n3A, %add3A_116] : memref<4x262144xi32, #tpu.memory_space<hbm>> -> memref<1x4096xi32, #tpu.memory_space<hbm>>
      %dma_start3A_132 = tpu.memref_squeeze %dma_start3A_131 : memref<1x4096xi32, #tpu.memory_space<hbm>> -> memref<4096xi32, #tpu.memory_space<hbm>>
      %dma_start3A_133 = arith.constant 0 : i32
      %dma_start3A_134 = tpu.memref_slice %arg6[%dma_start3A_127, %dma_start3A_133] : memref<2x4096xi32, #tpu.memory_space<vmem>> -> memref<1x4096xi32, #tpu.memory_space<vmem>>
      %dma_start3A_135 = tpu.memref_squeeze %dma_start3A_134 : memref<1x4096xi32, #tpu.memory_space<vmem>> -> memref<4096xi32, #tpu.memory_space<vmem>>
      %dma_start3A_136 = tpu.memref_slice %arg3[%select_n3A, %add3A_116] : memref<4x262144xi32, #tpu.memory_space<hbm>> -> memref<1x4096xi32, #tpu.memory_space<hbm>>
      %dma_start3A_137 = tpu.memref_squeeze %dma_start3A_136 : memref<1x4096xi32, #tpu.memory_space<hbm>> -> memref<4096xi32, #tpu.memory_space<hbm>>
      tpu.enqueue_dma source(%dma_start3A_137 : memref<4096xi32, #tpu.memory_space<hbm>>) target(%dma_start3A_135 : memref<4096xi32, #tpu.memory_space<vmem>>) target_semaphore(%arg12 : memref<!tpu.dma_semaphore, #tpu.memory_space<semaphore_mem>>)
      %scan3A_138 = arith.constant 0 : i32
      %scan3A_139 = arith.constant 0 : i32
      %scan3A_140 = arith.constant 32 : i32
      %scan3A_141 = arith.addi %scan3A_139, %scan3A_140 : i32
      %scan3A_142 = arith.constant 1 : i32
      scf.for %scan3A_150 = %scan3A_139 to %scan3A_141 step %scan3A_142  : i32 {
        %rem3A_151 = arith.constant 2 : i32
        %rem3A_152 = arith.remsi %scan3A_150, %rem3A_151 : i32
        %dma_wait3A = arith.constant 0 : i32
        %dma_wait3A_153 = tpu.memref_slice %arg5[%rem3A_152, %dma_wait3A] : memref<2x4096xf32, #tpu.memory_space<vmem>> -> memref<1x4096xf32, #tpu.memory_space<vmem>>
        %dma_wait3A_154 = tpu.memref_squeeze %dma_wait3A_153 : memref<1x4096xf32, #tpu.memory_space<vmem>> -> memref<4096xf32, #tpu.memory_space<vmem>>
        %dma_wait3A_155 = arith.constant 0 : i32
        %dma_wait3A_156 = tpu.memref_slice %arg2[%select_n3A, %select_n3A_91, %dma_wait3A_155] : memref<4x19x262144xf32, #tpu.memory_space<hbm>> -> memref<1x1x4096xf32, #tpu.memory_space<hbm>>
        %dma_wait3A_157 = tpu.memref_squeeze %dma_wait3A_156 : memref<1x1x4096xf32, #tpu.memory_space<hbm>> -> memref<4096xf32, #tpu.memory_space<hbm>>
        %dma_wait3A_158 = arith.constant 0 : i32
        %dma_wait3A_159 = tpu.memref_slice %arg5[%rem3A_152, %dma_wait3A_158] : memref<2x4096xf32, #tpu.memory_space<vmem>> -> memref<1x4096xf32, #tpu.memory_space<vmem>>
        %dma_wait3A_160 = tpu.memref_squeeze %dma_wait3A_159 : memref<1x4096xf32, #tpu.memory_space<vmem>> -> memref<4096xf32, #tpu.memory_space<vmem>>
        %dma_wait3A_161 = arith.constant 0 : i32
        %dma_wait3A_162 = tpu.memref_slice %arg2[%select_n3A, %select_n3A_91, %dma_wait3A_161] : memref<4x19x262144xf32, #tpu.memory_space<hbm>> -> memref<1x1x4096xf32, #tpu.memory_space<hbm>>
        %dma_wait3A_163 = tpu.memref_squeeze %dma_wait3A_162 : memref<1x1x4096xf32, #tpu.memory_space<hbm>> -> memref<4096xf32, #tpu.memory_space<hbm>>
        tpu.wait_dma2 semaphore(%arg11 : memref<!tpu.dma_semaphore, #tpu.memory_space<semaphore_mem>>) src(%dma_wait3A_163 : memref<4096xf32, #tpu.memory_space<hbm>>) dst(%dma_wait3A_160 : memref<4096xf32, #tpu.memory_space<vmem>>)
        %dma_wait3A_164 = arith.constant 0 : i32
        %dma_wait3A_165 = tpu.memref_slice %arg6[%rem3A_152, %dma_wait3A_164] : memref<2x4096xi32, #tpu.memory_space<vmem>> -> memref<1x4096xi32, #tpu.memory_space<vmem>>
        %dma_wait3A_166 = tpu.memref_squeeze %dma_wait3A_165 : memref<1x4096xi32, #tpu.memory_space<vmem>> -> memref<4096xi32, #tpu.memory_space<vmem>>
        %dma_wait3A_167 = arith.constant 0 : i32
        %dma_wait3A_168 = tpu.memref_slice %arg3[%select_n3A, %dma_wait3A_167] : memref<4x262144xi32, #tpu.memory_space<hbm>> -> memref<1x4096xi32, #tpu.memory_space<hbm>>
        %dma_wait3A_169 = tpu.memref_squeeze %dma_wait3A_168 : memref<1x4096xi32, #tpu.memory_space<hbm>> -> memref<4096xi32, #tpu.memory_space<hbm>>
        %dma_wait3A_170 = arith.constant 0 : i32
        %dma_wait3A_171 = tpu.memref_slice %arg6[%rem3A_152, %dma_wait3A_170] : memref<2x4096xi32, #tpu.memory_space<vmem>> -> memref<1x4096xi32, #tpu.memory_space<vmem>>
        %dma_wait3A_172 = tpu.memref_squeeze %dma_wait3A_171 : memref<1x4096xi32, #tpu.memory_space<vmem>> -> memref<4096xi32, #tpu.memory_space<vmem>>
        %dma_wait3A_173 = arith.constant 0 : i32
        %dma_wait3A_174 = tpu.memref_slice %arg3[%select_n3A, %dma_wait3A_173] : memref<4x262144xi32, #tpu.memory_space<hbm>> -> memref<1x4096xi32, #tpu.memory_space<hbm>>
        %dma_wait3A_175 = tpu.memref_squeeze %dma_wait3A_174 : memref<1x4096xi32, #tpu.memory_space<hbm>> -> memref<4096xi32, #tpu.memory_space<hbm>>
        tpu.wait_dma2 semaphore(%arg12 : memref<!tpu.dma_semaphore, #tpu.memory_space<semaphore_mem>>) src(%dma_wait3A_175 : memref<4096xi32, #tpu.memory_space<hbm>>) dst(%dma_wait3A_172 : memref<4096xi32, #tpu.memory_space<vmem>>)
        %add3A_176 = arith.constant 1 : i32
        %add3A_177 = arith.addi %scan3A_150, %add3A_176 : i32
        %lt3A_178 = arith.constant 32 : i32
        %lt3A_179 = arith.cmpi slt, %add3A_177, %lt3A_178 : i32
        %convert_element_type3A_180 = arith.extui %lt3A_179 : i1 to i32
        %cond3A_181 = arith.constant 0 : i32
        %cond3A_182 = arith.cmpi ne, %convert_element_type3A_180, %cond3A_181 : i32
        scf.if %cond3A_182 {
          %add3A_195 = arith.constant 1 : i32
          %add3A_196 = arith.addi %scan3A_150, %add3A_195 : i32
          %sub3A_197 = arith.constant 1 : i32
          %sub3A_198 = arith.subi %sub3A_197, %rem3A_152 : i32
          %mul3A_199 = arith.constant 4096 : i32
          %mul3A_200 = arith.muli %add3A_196, %mul3A_199 : i32
          %add3A_201 = arith.addi %mul3A_109, %mul3A_200 : i32
          %dma_start3A_202 = arith.constant 0 : i32
          %dma_start3A_203 = tpu.memref_slice %arg5[%sub3A_198, %dma_start3A_202] : memref<2x4096xf32, #tpu.memory_space<vmem>> -> memref<1x4096xf32, #tpu.memory_space<vmem>>
          %dma_start3A_204 = tpu.memref_squeeze %dma_start3A_203 : memref<1x4096xf32, #tpu.memory_space<vmem>> -> memref<4096xf32, #tpu.memory_space<vmem>>
          %dma_start3A_205 = tpu.memref_slice %arg2[%select_n3A, %select_n3A_91, %add3A_201] : memref<4x19x262144xf32, #tpu.memory_space<hbm>> -> memref<1x1x4096xf32, #tpu.memory_space<hbm>>
          %dma_start3A_206 = tpu.memref_squeeze %dma_start3A_205 : memref<1x1x4096xf32, #tpu.memory_space<hbm>> -> memref<4096xf32, #tpu.memory_space<hbm>>
          %dma_start3A_207 = arith.constant 0 : i32
          %dma_start3A_208 = tpu.memref_slice %arg5[%sub3A_198, %dma_start3A_207] : memref<2x4096xf32, #tpu.memory_space<vmem>> -> memref<1x4096xf32, #tpu.memory_space<vmem>>
          %dma_start3A_209 = tpu.memref_squeeze %dma_start3A_208 : memref<1x4096xf32, #tpu.memory_space<vmem>> -> memref<4096xf32, #tpu.memory_space<vmem>>
          %dma_start3A_210 = tpu.memref_slice %arg2[%select_n3A, %select_n3A_91, %add3A_201] : memref<4x19x262144xf32, #tpu.memory_space<hbm>> -> memref<1x1x4096xf32, #tpu.memory_space<hbm>>
          %dma_start3A_211 = tpu.memref_squeeze %dma_start3A_210 : memref<1x1x4096xf32, #tpu.memory_space<hbm>> -> memref<4096xf32, #tpu.memory_space<hbm>>
          tpu.enqueue_dma source(%dma_start3A_211 : memref<4096xf32, #tpu.memory_space<hbm>>) target(%dma_start3A_209 : memref<4096xf32, #tpu.memory_space<vmem>>) target_semaphore(%arg11 : memref<!tpu.dma_semaphore, #tpu.memory_space<semaphore_mem>>)
          %dma_start3A_212 = arith.constant 0 : i32
          %dma_start3A_213 = tpu.memref_slice %arg6[%sub3A_198, %dma_start3A_212] : memref<2x4096xi32, #tpu.memory_space<vmem>> -> memref<1x4096xi32, #tpu.memory_space<vmem>>
          %dma_start3A_214 = tpu.memref_squeeze %dma_start3A_213 : memref<1x4096xi32, #tpu.memory_space<vmem>> -> memref<4096xi32, #tpu.memory_space<vmem>>
          %dma_start3A_215 = tpu.memref_slice %arg3[%select_n3A, %add3A_201] : memref<4x262144xi32, #tpu.memory_space<hbm>> -> memref<1x4096xi32, #tpu.memory_space<hbm>>
          %dma_start3A_216 = tpu.memref_squeeze %dma_start3A_215 : memref<1x4096xi32, #tpu.memory_space<hbm>> -> memref<4096xi32, #tpu.memory_space<hbm>>
          %dma_start3A_217 = arith.constant 0 : i32
          %dma_start3A_218 = tpu.memref_slice %arg6[%sub3A_198, %dma_start3A_217] : memref<2x4096xi32, #tpu.memory_space<vmem>> -> memref<1x4096xi32, #tpu.memory_space<vmem>>
          %dma_start3A_219 = tpu.memref_squeeze %dma_start3A_218 : memref<1x4096xi32, #tpu.memory_space<vmem>> -> memref<4096xi32, #tpu.memory_space<vmem>>
          %dma_start3A_220 = tpu.memref_slice %arg3[%select_n3A, %add3A_201] : memref<4x262144xi32, #tpu.memory_space<hbm>> -> memref<1x4096xi32, #tpu.memory_space<hbm>>
          %dma_start3A_221 = tpu.memref_squeeze %dma_start3A_220 : memref<1x4096xi32, #tpu.memory_space<hbm>> -> memref<4096xi32, #tpu.memory_space<hbm>>
          tpu.enqueue_dma source(%dma_start3A_221 : memref<4096xi32, #tpu.memory_space<hbm>>) target(%dma_start3A_219 : memref<4096xi32, #tpu.memory_space<vmem>>) target_semaphore(%arg12 : memref<!tpu.dma_semaphore, #tpu.memory_space<semaphore_mem>>)
        } else {
        }
        %scan3A_183 = arith.constant 0 : i32
        %scan3A_184 = arith.constant 0 : i32
        %scan3A_185 = arith.constant 85 : i32
        %scan3A_186 = arith.addi %scan3A_184, %scan3A_185 : i32
        %scan3A_187 = arith.constant 1 : i32
        scf.for %scan3A_195 = %scan3A_184 to %scan3A_186 step %scan3A_187  : i32 {
          %mul3A_196 = arith.constant 3 : i32
          %mul3A_197 = arith.muli %mul3A_196, %scan3A_195 : i32
          %mul3A_198 = arith.constant 16 : i32
          %mul3A_199 = arith.muli %mul3A_197, %mul3A_198 : i32
          %get3A_200 = arith.index_cast %rem3A_152 : i32 to index
          %get3A_201 = arith.index_cast %mul3A_199 : i32 to index
          %get3A_202 = tpu.vector_load %arg6[%get3A_200, %get3A_201] {strides = array<i32>} : memref<2x4096xi32, #tpu.memory_space<vmem>>, vector<16xi32>,
          %add3A_203 = arith.addi %get3A_202, %mul3A_3 : vector<16xi32>
          %gather3A_204 = tpu.vector_load_idx %arg7[%add3A_203] : memref<32784xf32, #tpu.memory_space<vmem>>[vector<16xi32>], vector<16xf32>,
          %mul3A_205 = arith.constant 3 : i32
          %mul3A_206 = arith.muli %mul3A_205, %scan3A_195 : i32
          %add3A_207 = arith.constant 1 : i32
          %add3A_208 = arith.addi %mul3A_206, %add3A_207 : i32
          %mul3A_209 = arith.constant 16 : i32
          %mul3A_210 = arith.muli %add3A_208, %mul3A_209 : i32
          %get3A_211 = arith.index_cast %rem3A_152 : i32 to index
          %get3A_212 = arith.index_cast %mul3A_210 : i32 to index
          %get3A_213 = tpu.vector_load %arg6[%get3A_211, %get3A_212] {strides = array<i32>} : memref<2x4096xi32, #tpu.memory_space<vmem>>, vector<16xi32>,
          %add3A_214 = arith.addi %get3A_213, %mul3A_3 : vector<16xi32>
          %gather3A_215 = tpu.vector_load_idx %arg8[%add3A_214] : memref<32784xf32, #tpu.memory_space<vmem>>[vector<16xi32>], vector<16xf32>,
          %mul3A_216 = arith.constant 3 : i32
          %mul3A_217 = arith.muli %mul3A_216, %scan3A_195 : i32
          %add3A_218 = arith.constant 2 : i32
          %add3A_219 = arith.addi %mul3A_217, %add3A_218 : i32
          %mul3A_220 = arith.constant 16 : i32
          %mul3A_221 = arith.muli %add3A_219, %mul3A_220 : i32
          %get3A_222 = arith.index_cast %rem3A_152 : i32 to index
          %get3A_223 = arith.index_cast %mul3A_221 : i32 to index
          %get3A_224 = tpu.vector_load %arg6[%get3A_222, %get3A_223] {strides = array<i32>} : memref<2x4096xi32, #tpu.memory_space<vmem>>, vector<16xi32>,
          %add3A_225 = arith.addi %get3A_224, %mul3A_3 : vector<16xi32>
          %gather3A_226 = tpu.vector_load_idx %arg9[%add3A_225] : memref<32784xf32, #tpu.memory_space<vmem>>[vector<16xi32>], vector<16xf32>,
          %mul3A_227 = arith.constant 3 : i32
          %mul3A_228 = arith.muli %mul3A_227, %scan3A_195 : i32
          %mul3A_229 = arith.constant 16 : i32
          %mul3A_230 = arith.muli %mul3A_228, %mul3A_229 : i32
          %get3A_231 = arith.index_cast %rem3A_152 : i32 to index
          %get3A_232 = arith.index_cast %mul3A_230 : i32 to index
          %get3A_233 = tpu.vector_load %arg5[%get3A_231, %get3A_232] {strides = array<i32>} : memref<2x4096xf32, #tpu.memory_space<vmem>>, vector<16xf32>,
          %max3A_234 = arith.maximumf %gather3A_204, %get3A_233 : vector<16xf32>
          tpu.vector_store_idx %arg7[%add3A_203], %max3A_234 : memref<32784xf32, #tpu.memory_space<vmem>>[vector<16xi32>], vector<16xf32>,
          %mul3A_235 = arith.constant 3 : i32
          %mul3A_236 = arith.muli %mul3A_235, %scan3A_195 : i32
          %add3A_237 = arith.constant 1 : i32
          %add3A_238 = arith.addi %mul3A_236, %add3A_237 : i32
          %mul3A_239 = arith.constant 16 : i32
          %mul3A_240 = arith.muli %add3A_238, %mul3A_239 : i32
          %get3A_241 = arith.index_cast %rem3A_152 : i32 to index
          %get3A_242 = arith.index_cast %mul3A_240 : i32 to index
          %get3A_243 = tpu.vector_load %arg5[%get3A_241, %get3A_242] {strides = array<i32>} : memref<2x4096xf32, #tpu.memory_space<vmem>>, vector<16xf32>,
          %max3A_244 = arith.maximumf %gather3A_215, %get3A_243 : vector<16xf32>
          tpu.vector_store_idx %arg8[%add3A_214], %max3A_244 : memref<32784xf32, #tpu.memory_space<vmem>>[vector<16xi32>], vector<16xf32>,
          %mul3A_245 = arith.constant 3 : i32
          %mul3A_246 = arith.muli %mul3A_245, %scan3A_195 : i32
          %add3A_247 = arith.constant 2 : i32
          %add3A_248 = arith.addi %mul3A_246, %add3A_247 : i32
          %mul3A_249 = arith.constant 16 : i32
          %mul3A_250 = arith.muli %add3A_248, %mul3A_249 : i32
          %get3A_251 = arith.index_cast %rem3A_152 : i32 to index
          %get3A_252 = arith.index_cast %mul3A_250 : i32 to index
          %get3A_253 = tpu.vector_load %arg5[%get3A_251, %get3A_252] {strides = array<i32>} : memref<2x4096xf32, #tpu.memory_space<vmem>>, vector<16xf32>,
          %max3A_254 = arith.maximumf %gather3A_226, %get3A_253 : vector<16xf32>
          tpu.vector_store_idx %arg9[%add3A_225], %max3A_254 : memref<32784xf32, #tpu.memory_space<vmem>>[vector<16xi32>], vector<16xf32>,
        }
        %scan3A_188 = arith.constant 85 : i32
        %get3A = arith.index_cast %rem3A_152 : i32 to index
        %get3A_189 = arith.constant 4080 : index
        %get3A_190 = tpu.vector_load %arg6[%get3A, %get3A_189] {strides = array<i32>} : memref<2x4096xi32, #tpu.memory_space<vmem>>, vector<16xi32>,
        %add3A_191 = arith.addi %get3A_190, %mul3A_3 : vector<16xi32>
        %gather3A = tpu.vector_load_idx %arg7[%add3A_191] : memref<32784xf32, #tpu.memory_space<vmem>>[vector<16xi32>], vector<16xf32>,
        %get3A_192 = arith.index_cast %rem3A_152 : i32 to index
        %get3A_193 = arith.constant 4080 : index
        %get3A_194 = tpu.vector_load %arg5[%get3A_192, %get3A_193] {strides = array<i32>} : memref<2x4096xf32, #tpu.memory_space<vmem>>, vector<16xf32>,
        %max3A = arith.maximumf %gather3A, %get3A_194 : vector<16xf32>
        tpu.vector_store_idx %arg7[%add3A_191], %max3A : memref<32784xf32, #tpu.memory_space<vmem>>[vector<16xi32>], vector<16xf32>,
      }
      %scan3A_143 = arith.constant 32 : i32
      %scan3A_144 = arith.constant 0 : i32
      %scan3A_145 = arith.constant 0 : i32
      %scan3A_146 = arith.constant 128 : i32
      %scan3A_147 = arith.addi %scan3A_145, %scan3A_146 : i32
      %scan3A_148 = arith.constant 1 : i32
      scf.for %scan3A_150 = %scan3A_145 to %scan3A_147 step %scan3A_148  : i32 {
        %mul3A_151 = arith.constant 16 : i32
        %mul3A_152 = arith.muli %scan3A_150, %mul3A_151 : i32
        %get3A = arith.index_cast %mul3A_152 : i32 to index
        %get3A_153 = tpu.vector_load %arg7[%get3A] {strides = array<i32>} : memref<32784xf32, #tpu.memory_space<vmem>>, vector<16xf32>,
        %get3A_154 = arith.index_cast %mul3A_152 : i32 to index
        %get3A_155 = tpu.vector_load %arg8[%get3A_154] {strides = array<i32>} : memref<32784xf32, #tpu.memory_space<vmem>>, vector<16xf32>,
        %max3A = arith.maximumf %get3A_153, %get3A_155 : vector<16xf32>
        %get3A_156 = arith.index_cast %mul3A_152 : i32 to index
        %get3A_157 = tpu.vector_load %arg9[%get3A_156] {strides = array<i32>} : memref<32784xf32, #tpu.memory_space<vmem>>, vector<16xf32>,
        %max3A_158 = arith.maximumf %max3A, %get3A_157 : vector<16xf32>
        %add3A_159 = arith.constant 2049 : i32
        %add3A_160 = arith.addi %add3A_159, %mul3A_152 : i32
        %get3A_161 = arith.index_cast %add3A_160 : i32 to index
        %get3A_162 = tpu.vector_load %arg7[%get3A_161] {strides = array<i32>} : memref<32784xf32, #tpu.memory_space<vmem>>, vector<16xf32>,
        %max3A_163 = arith.maximumf %max3A_158, %get3A_162 : vector<16xf32>
        %add3A_164 = arith.constant 2049 : i32
        %add3A_165 = arith.addi %add3A_164, %mul3A_152 : i32
        %get3A_166 = arith.index_cast %add3A_165 : i32 to index
        %get3A_167 = tpu.vector_load %arg8[%get3A_166] {strides = array<i32>} : memref<32784xf32, #tpu.memory_space<vmem>>, vector<16xf32>,
        %max3A_168 = arith.maximumf %max3A_163, %get3A_167 : vector<16xf32>
        %add3A_169 = arith.constant 2049 : i32
        %add3A_170 = arith.addi %add3A_169, %mul3A_152 : i32
        %get3A_171 = arith.index_cast %add3A_170 : i32 to index
        %get3A_172 = tpu.vector_load %arg9[%get3A_171] {strides = array<i32>} : memref<32784xf32, #tpu.memory_space<vmem>>, vector<16xf32>,
        %max3A_173 = arith.maximumf %max3A_168, %get3A_172 : vector<16xf32>
        %add3A_174 = arith.constant 4098 : i32
        %add3A_175 = arith.addi %add3A_174, %mul3A_152 : i32
        %get3A_176 = arith.index_cast %add3A_175 : i32 to index
        %get3A_177 = tpu.vector_load %arg7[%get3A_176] {strides = array<i32>} : memref<32784xf32, #tpu.memory_space<vmem>>, vector<16xf32>,
        %max3A_178 = arith.maximumf %max3A_173, %get3A_177 : vector<16xf32>
        %add3A_179 = arith.constant 4098 : i32
        %add3A_180 = arith.addi %add3A_179, %mul3A_152 : i32
        %get3A_181 = arith.index_cast %add3A_180 : i32 to index
        %get3A_182 = tpu.vector_load %arg8[%get3A_181] {strides = array<i32>} : memref<32784xf32, #tpu.memory_space<vmem>>, vector<16xf32>,
        %max3A_183 = arith.maximumf %max3A_178, %get3A_182 : vector<16xf32>
        %add3A_184 = arith.constant 4098 : i32
        %add3A_185 = arith.addi %add3A_184, %mul3A_152 : i32
        %get3A_186 = arith.index_cast %add3A_185 : i32 to index
        %get3A_187 = tpu.vector_load %arg9[%get3A_186] {strides = array<i32>} : memref<32784xf32, #tpu.memory_space<vmem>>, vector<16xf32>,
        %max3A_188 = arith.maximumf %max3A_183, %get3A_187 : vector<16xf32>
        %add3A_189 = arith.constant 6147 : i32
        %add3A_190 = arith.addi %add3A_189, %mul3A_152 : i32
        %get3A_191 = arith.index_cast %add3A_190 : i32 to index
        %get3A_192 = tpu.vector_load %arg7[%get3A_191] {strides = array<i32>} : memref<32784xf32, #tpu.memory_space<vmem>>, vector<16xf32>,
        %max3A_193 = arith.maximumf %max3A_188, %get3A_192 : vector<16xf32>
        %add3A_194 = arith.constant 6147 : i32
        %add3A_195 = arith.addi %add3A_194, %mul3A_152 : i32
        %get3A_196 = arith.index_cast %add3A_195 : i32 to index
        %get3A_197 = tpu.vector_load %arg8[%get3A_196] {strides = array<i32>} : memref<32784xf32, #tpu.memory_space<vmem>>, vector<16xf32>,
        %max3A_198 = arith.maximumf %max3A_193, %get3A_197 : vector<16xf32>
        %add3A_199 = arith.constant 6147 : i32
        %add3A_200 = arith.addi %add3A_199, %mul3A_152 : i32
        %get3A_201 = arith.index_cast %add3A_200 : i32 to index
        %get3A_202 = tpu.vector_load %arg9[%get3A_201] {strides = array<i32>} : memref<32784xf32, #tpu.memory_space<vmem>>, vector<16xf32>,
        %max3A_203 = arith.maximumf %max3A_198, %get3A_202 : vector<16xf32>
        %add3A_204 = arith.constant 8196 : i32
        %add3A_205 = arith.addi %add3A_204, %mul3A_152 : i32
        %get3A_206 = arith.index_cast %add3A_205 : i32 to index
        %get3A_207 = tpu.vector_load %arg7[%get3A_206] {strides = array<i32>} : memref<32784xf32, #tpu.memory_space<vmem>>, vector<16xf32>,
        %max3A_208 = arith.maximumf %max3A_203, %get3A_207 : vector<16xf32>
        %add3A_209 = arith.constant 8196 : i32
        %add3A_210 = arith.addi %add3A_209, %mul3A_152 : i32
        %get3A_211 = arith.index_cast %add3A_210 : i32 to index
        %get3A_212 = tpu.vector_load %arg8[%get3A_211] {strides = array<i32>} : memref<32784xf32, #tpu.memory_space<vmem>>, vector<16xf32>,
        %max3A_213 = arith.maximumf %max3A_208, %get3A_212 : vector<16xf32>
        %add3A_214 = arith.constant 8196 : i32
        %add3A_215 = arith.addi %add3A_214, %mul3A_152 : i32
        %get3A_216 = arith.index_cast %add3A_215 : i32 to index
        %get3A_217 = tpu.vector_load %arg9[%get3A_216] {strides = array<i32>} : memref<32784xf32, #tpu.memory_space<vmem>>, vector<16xf32>,
        %max3A_218 = arith.maximumf %max3A_213, %get3A_217 : vector<16xf32>
        %add3A_219 = arith.constant 10245 : i32
        %add3A_220 = arith.addi %add3A_219, %mul3A_152 : i32
        %get3A_221 = arith.index_cast %add3A_220 : i32 to index
        %get3A_222 = tpu.vector_load %arg7[%get3A_221] {strides = array<i32>} : memref<32784xf32, #tpu.memory_space<vmem>>, vector<16xf32>,
        %max3A_223 = arith.maximumf %max3A_218, %get3A_222 : vector<16xf32>
        %add3A_224 = arith.constant 10245 : i32
        %add3A_225 = arith.addi %add3A_224, %mul3A_152 : i32
        %get3A_226 = arith.index_cast %add3A_225 : i32 to index
        %get3A_227 = tpu.vector_load %arg8[%get3A_226] {strides = array<i32>} : memref<32784xf32, #tpu.memory_space<vmem>>, vector<16xf32>,
        %max3A_228 = arith.maximumf %max3A_223, %get3A_227 : vector<16xf32>
        %add3A_229 = arith.constant 10245 : i32
        %add3A_230 = arith.addi %add3A_229, %mul3A_152 : i32
        %get3A_231 = arith.index_cast %add3A_230 : i32 to index
        %get3A_232 = tpu.vector_load %arg9[%get3A_231] {strides = array<i32>} : memref<32784xf32, #tpu.memory_space<vmem>>, vector<16xf32>,
        %max3A_233 = arith.maximumf %max3A_228, %get3A_232 : vector<16xf32>
        %add3A_234 = arith.constant 12294 : i32
        %add3A_235 = arith.addi %add3A_234, %mul3A_152 : i32
        %get3A_236 = arith.index_cast %add3A_235 : i32 to index
        %get3A_237 = tpu.vector_load %arg7[%get3A_236] {strides = array<i32>} : memref<32784xf32, #tpu.memory_space<vmem>>, vector<16xf32>,
        %max3A_238 = arith.maximumf %max3A_233, %get3A_237 : vector<16xf32>
        %add3A_239 = arith.constant 12294 : i32
        %add3A_240 = arith.addi %add3A_239, %mul3A_152 : i32
        %get3A_241 = arith.index_cast %add3A_240 : i32 to index
        %get3A_242 = tpu.vector_load %arg8[%get3A_241] {strides = array<i32>} : memref<32784xf32, #tpu.memory_space<vmem>>, vector<16xf32>,
        %max3A_243 = arith.maximumf %max3A_238, %get3A_242 : vector<16xf32>
        %add3A_244 = arith.constant 12294 : i32
        %add3A_245 = arith.addi %add3A_244, %mul3A_152 : i32
        %get3A_246 = arith.index_cast %add3A_245 : i32 to index
        %get3A_247 = tpu.vector_load %arg9[%get3A_246] {strides = array<i32>} : memref<32784xf32, #tpu.memory_space<vmem>>, vector<16xf32>,
        %max3A_248 = arith.maximumf %max3A_243, %get3A_247 : vector<16xf32>
        %add3A_249 = arith.constant 14343 : i32
        %add3A_250 = arith.addi %add3A_249, %mul3A_152 : i32
        %get3A_251 = arith.index_cast %add3A_250 : i32 to index
        %get3A_252 = tpu.vector_load %arg7[%get3A_251] {strides = array<i32>} : memref<32784xf32, #tpu.memory_space<vmem>>, vector<16xf32>,
        %max3A_253 = arith.maximumf %max3A_248, %get3A_252 : vector<16xf32>
        %add3A_254 = arith.constant 14343 : i32
        %add3A_255 = arith.addi %add3A_254, %mul3A_152 : i32
        %get3A_256 = arith.index_cast %add3A_255 : i32 to index
        %get3A_257 = tpu.vector_load %arg8[%get3A_256] {strides = array<i32>} : memref<32784xf32, #tpu.memory_space<vmem>>, vector<16xf32>,
        %max3A_258 = arith.maximumf %max3A_253, %get3A_257 : vector<16xf32>
        %add3A_259 = arith.constant 14343 : i32
        %add3A_260 = arith.addi %add3A_259, %mul3A_152 : i32
        %get3A_261 = arith.index_cast %add3A_260 : i32 to index
        %get3A_262 = tpu.vector_load %arg9[%get3A_261] {strides = array<i32>} : memref<32784xf32, #tpu.memory_space<vmem>>, vector<16xf32>,
        %max3A_263 = arith.maximumf %max3A_258, %get3A_262 : vector<16xf32>
        %add3A_264 = arith.constant 16392 : i32
        %add3A_265 = arith.addi %add3A_264, %mul3A_152 : i32
        %get3A_266 = arith.index_cast %add3A_265 : i32 to index
        %get3A_267 = tpu.vector_load %arg7[%get3A_266] {strides = array<i32>} : memref<32784xf32, #tpu.memory_space<vmem>>, vector<16xf32>,
        %max3A_268 = arith.maximumf %max3A_263, %get3A_267 : vector<16xf32>
        %add3A_269 = arith.constant 16392 : i32
        %add3A_270 = arith.addi %add3A_269, %mul3A_152 : i32
        %get3A_271 = arith.index_cast %add3A_270 : i32 to index
        %get3A_272 = tpu.vector_load %arg8[%get3A_271] {strides = array<i32>} : memref<32784xf32, #tpu.memory_space<vmem>>, vector<16xf32>,
        %max3A_273 = arith.maximumf %max3A_268, %get3A_272 : vector<16xf32>
        %add3A_274 = arith.constant 16392 : i32
        %add3A_275 = arith.addi %add3A_274, %mul3A_152 : i32
        %get3A_276 = arith.index_cast %add3A_275 : i32 to index
        %get3A_277 = tpu.vector_load %arg9[%get3A_276] {strides = array<i32>} : memref<32784xf32, #tpu.memory_space<vmem>>, vector<16xf32>,
        %max3A_278 = arith.maximumf %max3A_273, %get3A_277 : vector<16xf32>
        %add3A_279 = arith.constant 18441 : i32
        %add3A_280 = arith.addi %add3A_279, %mul3A_152 : i32
        %get3A_281 = arith.index_cast %add3A_280 : i32 to index
        %get3A_282 = tpu.vector_load %arg7[%get3A_281] {strides = array<i32>} : memref<32784xf32, #tpu.memory_space<vmem>>, vector<16xf32>,
        %max3A_283 = arith.maximumf %max3A_278, %get3A_282 : vector<16xf32>
        %add3A_284 = arith.constant 18441 : i32
        %add3A_285 = arith.addi %add3A_284, %mul3A_152 : i32
        %get3A_286 = arith.index_cast %add3A_285 : i32 to index
        %get3A_287 = tpu.vector_load %arg8[%get3A_286] {strides = array<i32>} : memref<32784xf32, #tpu.memory_space<vmem>>, vector<16xf32>,
        %max3A_288 = arith.maximumf %max3A_283, %get3A_287 : vector<16xf32>
        %add3A_289 = arith.constant 18441 : i32
        %add3A_290 = arith.addi %add3A_289, %mul3A_152 : i32
        %get3A_291 = arith.index_cast %add3A_290 : i32 to index
        %get3A_292 = tpu.vector_load %arg9[%get3A_291] {strides = array<i32>} : memref<32784xf32, #tpu.memory_space<vmem>>, vector<16xf32>,
        %max3A_293 = arith.maximumf %max3A_288, %get3A_292 : vector<16xf32>
        %add3A_294 = arith.constant 20490 : i32
        %add3A_295 = arith.addi %add3A_294, %mul3A_152 : i32
        %get3A_296 = arith.index_cast %add3A_295 : i32 to index
        %get3A_297 = tpu.vector_load %arg7[%get3A_296] {strides = array<i32>} : memref<32784xf32, #tpu.memory_space<vmem>>, vector<16xf32>,
        %max3A_298 = arith.maximumf %max3A_293, %get3A_297 : vector<16xf32>
        %add3A_299 = arith.constant 20490 : i32
        %add3A_300 = arith.addi %add3A_299, %mul3A_152 : i32
        %get3A_301 = arith.index_cast %add3A_300 : i32 to index
        %get3A_302 = tpu.vector_load %arg8[%get3A_301] {strides = array<i32>} : memref<32784xf32, #tpu.memory_space<vmem>>, vector<16xf32>,
        %max3A_303 = arith.maximumf %max3A_298, %get3A_302 : vector<16xf32>
        %add3A_304 = arith.constant 20490 : i32
        %add3A_305 = arith.addi %add3A_304, %mul3A_152 : i32
        %get3A_306 = arith.index_cast %add3A_305 : i32 to index
        %get3A_307 = tpu.vector_load %arg9[%get3A_306] {strides = array<i32>} : memref<32784xf32, #tpu.memory_space<vmem>>, vector<16xf32>,
        %max3A_308 = arith.maximumf %max3A_303, %get3A_307 : vector<16xf32>
        %add3A_309 = arith.constant 22539 : i32
        %add3A_310 = arith.addi %add3A_309, %mul3A_152 : i32
        %get3A_311 = arith.index_cast %add3A_310 : i32 to index
        %get3A_312 = tpu.vector_load %arg7[%get3A_311] {strides = array<i32>} : memref<32784xf32, #tpu.memory_space<vmem>>, vector<16xf32>,
        %max3A_313 = arith.maximumf %max3A_308, %get3A_312 : vector<16xf32>
        %add3A_314 = arith.constant 22539 : i32
        %add3A_315 = arith.addi %add3A_314, %mul3A_152 : i32
        %get3A_316 = arith.index_cast %add3A_315 : i32 to index
        %get3A_317 = tpu.vector_load %arg8[%get3A_316] {strides = array<i32>} : memref<32784xf32, #tpu.memory_space<vmem>>, vector<16xf32>,
        %max3A_318 = arith.maximumf %max3A_313, %get3A_317 : vector<16xf32>
        %add3A_319 = arith.constant 22539 : i32
        %add3A_320 = arith.addi %add3A_319, %mul3A_152 : i32
        %get3A_321 = arith.index_cast %add3A_320 : i32 to index
        %get3A_322 = tpu.vector_load %arg9[%get3A_321] {strides = array<i32>} : memref<32784xf32, #tpu.memory_space<vmem>>, vector<16xf32>,
        %max3A_323 = arith.maximumf %max3A_318, %get3A_322 : vector<16xf32>
        %add3A_324 = arith.constant 24588 : i32
        %add3A_325 = arith.addi %add3A_324, %mul3A_152 : i32
        %get3A_326 = arith.index_cast %add3A_325 : i32 to index
        %get3A_327 = tpu.vector_load %arg7[%get3A_326] {strides = array<i32>} : memref<32784xf32, #tpu.memory_space<vmem>>, vector<16xf32>,
        %max3A_328 = arith.maximumf %max3A_323, %get3A_327 : vector<16xf32>
        %add3A_329 = arith.constant 24588 : i32
        %add3A_330 = arith.addi %add3A_329, %mul3A_152 : i32
        %get3A_331 = arith.index_cast %add3A_330 : i32 to index
        %get3A_332 = tpu.vector_load %arg8[%get3A_331] {strides = array<i32>} : memref<32784xf32, #tpu.memory_space<vmem>>, vector<16xf32>,
        %max3A_333 = arith.maximumf %max3A_328, %get3A_332 : vector<16xf32>
        %add3A_334 = arith.constant 24588 : i32
        %add3A_335 = arith.addi %add3A_334, %mul3A_152 : i32
        %get3A_336 = arith.index_cast %add3A_335 : i32 to index
        %get3A_337 = tpu.vector_load %arg9[%get3A_336] {strides = array<i32>} : memref<32784xf32, #tpu.memory_space<vmem>>, vector<16xf32>,
        %max3A_338 = arith.maximumf %max3A_333, %get3A_337 : vector<16xf32>
        %add3A_339 = arith.constant 26637 : i32
        %add3A_340 = arith.addi %add3A_339, %mul3A_152 : i32
        %get3A_341 = arith.index_cast %add3A_340 : i32 to index
        %get3A_342 = tpu.vector_load %arg7[%get3A_341] {strides = array<i32>} : memref<32784xf32, #tpu.memory_space<vmem>>, vector<16xf32>,
        %max3A_343 = arith.maximumf %max3A_338, %get3A_342 : vector<16xf32>
        %add3A_344 = arith.constant 26637 : i32
        %add3A_345 = arith.addi %add3A_344, %mul3A_152 : i32
        %get3A_346 = arith.index_cast %add3A_345 : i32 to index
        %get3A_347 = tpu.vector_load %arg8[%get3A_346] {strides = array<i32>} : memref<32784xf32, #tpu.memory_space<vmem>>, vector<16xf32>,
        %max3A_348 = arith.maximumf %max3A_343, %get3A_347 : vector<16xf32>
        %add3A_349 = arith.constant 26637 : i32
        %add3A_350 = arith.addi %add3A_349, %mul3A_152 : i32
        %get3A_351 = arith.index_cast %add3A_350 : i32 to index
        %get3A_352 = tpu.vector_load %arg9[%get3A_351] {strides = array<i32>} : memref<32784xf32, #tpu.memory_space<vmem>>, vector<16xf32>,
        %max3A_353 = arith.maximumf %max3A_348, %get3A_352 : vector<16xf32>
        %add3A_354 = arith.constant 28686 : i32
        %add3A_355 = arith.addi %add3A_354, %mul3A_152 : i32
        %get3A_356 = arith.index_cast %add3A_355 : i32 to index
        %get3A_357 = tpu.vector_load %arg7[%get3A_356] {strides = array<i32>} : memref<32784xf32, #tpu.memory_space<vmem>>, vector<16xf32>,
        %max3A_358 = arith.maximumf %max3A_353, %get3A_357 : vector<16xf32>
        %add3A_359 = arith.constant 28686 : i32
        %add3A_360 = arith.addi %add3A_359, %mul3A_152 : i32
        %get3A_361 = arith.index_cast %add3A_360 : i32 to index
        %get3A_362 = tpu.vector_load %arg8[%get3A_361] {strides = array<i32>} : memref<32784xf32, #tpu.memory_space<vmem>>, vector<16xf32>,
        %max3A_363 = arith.maximumf %max3A_358, %get3A_362 : vector<16xf32>
        %add3A_364 = arith.constant 28686 : i32
        %add3A_365 = arith.addi %add3A_364, %mul3A_152 : i32
        %get3A_366 = arith.index_cast %add3A_365 : i32 to index
        %get3A_367 = tpu.vector_load %arg9[%get3A_366] {strides = array<i32>} : memref<32784xf32, #tpu.memory_space<vmem>>, vector<16xf32>,
        %max3A_368 = arith.maximumf %max3A_363, %get3A_367 : vector<16xf32>
        %add3A_369 = arith.constant 30735 : i32
        %add3A_370 = arith.addi %add3A_369, %mul3A_152 : i32
        %get3A_371 = arith.index_cast %add3A_370 : i32 to index
        %get3A_372 = tpu.vector_load %arg7[%get3A_371] {strides = array<i32>} : memref<32784xf32, #tpu.memory_space<vmem>>, vector<16xf32>,
        %max3A_373 = arith.maximumf %max3A_368, %get3A_372 : vector<16xf32>
        %add3A_374 = arith.constant 30735 : i32
        %add3A_375 = arith.addi %add3A_374, %mul3A_152 : i32
        %get3A_376 = arith.index_cast %add3A_375 : i32 to index
        %get3A_377 = tpu.vector_load %arg8[%get3A_376] {strides = array<i32>} : memref<32784xf32, #tpu.memory_space<vmem>>, vector<16xf32>,
        %max3A_378 = arith.maximumf %max3A_373, %get3A_377 : vector<16xf32>
        %add3A_379 = arith.constant 30735 : i32
        %add3A_380 = arith.addi %add3A_379, %mul3A_152 : i32
        %get3A_381 = arith.index_cast %add3A_380 : i32 to index
        %get3A_382 = tpu.vector_load %arg9[%get3A_381] {strides = array<i32>} : memref<32784xf32, #tpu.memory_space<vmem>>, vector<16xf32>,
        %max3A_383 = arith.maximumf %max3A_378, %get3A_382 : vector<16xf32>
        %swap3A = arith.index_cast %mul3A_152 : i32 to index
        %swap3A_384 = tpu.vector_load %arg10[%swap3A] {strides = array<i32>} : memref<2048xf32, #tpu.memory_space<vmem>>, vector<16xf32>,
        tpu.vector_store %arg10[%swap3A], %max3A_383 {strides = array<i32>} : memref<2048xf32, #tpu.memory_space<vmem>>, vector<16xf32>,
      }
      %scan3A_149 = arith.constant 128 : i32
      "tpu.region"() ({
        %run_scoped3A = tpu.sem_alloc : memref<!tpu.dma_semaphore, #tpu.memory_space<semaphore_mem>>
        %dma_start3A_150 = arith.constant 0 : i32
        %dma_start3A_151 = tpu.memref_slice %arg4[%select_n3A, %select_n3A_91, %select_n3A_107, %dma_start3A_150] : memref<4x19x2x2048xf32, #tpu.memory_space<hbm>> -> memref<1x1x1x2048xf32, #tpu.memory_space<hbm>>
        %dma_start3A_152 = tpu.memref_squeeze %dma_start3A_151 : memref<1x1x1x2048xf32, #tpu.memory_space<hbm>> -> memref<2048xf32, #tpu.memory_space<hbm>>
        %dma_start3A_153 = arith.constant 0 : i32
        %dma_start3A_154 = tpu.memref_slice %arg4[%select_n3A, %select_n3A_91, %select_n3A_107, %dma_start3A_153] : memref<4x19x2x2048xf32, #tpu.memory_space<hbm>> -> memref<1x1x1x2048xf32, #tpu.memory_space<hbm>>
        %dma_start3A_155 = tpu.memref_squeeze %dma_start3A_154 : memref<1x1x1x2048xf32, #tpu.memory_space<hbm>> -> memref<2048xf32, #tpu.memory_space<hbm>>
        tpu.enqueue_dma source(%arg10 : memref<2048xf32, #tpu.memory_space<vmem>>) target(%dma_start3A_155 : memref<2048xf32, #tpu.memory_space<hbm>>) target_semaphore(%run_scoped3A : memref<!tpu.dma_semaphore, #tpu.memory_space<semaphore_mem>>)
        %dma_wait3A = arith.constant 0 : i32
        %dma_wait3A_156 = tpu.memref_slice %arg4[%select_n3A, %select_n3A_91, %select_n3A_107, %dma_wait3A] : memref<4x19x2x2048xf32, #tpu.memory_space<hbm>> -> memref<1x1x1x2048xf32, #tpu.memory_space<hbm>>
        %dma_wait3A_157 = tpu.memref_squeeze %dma_wait3A_156 : memref<1x1x1x2048xf32, #tpu.memory_space<hbm>> -> memref<2048xf32, #tpu.memory_space<hbm>>
        %dma_wait3A_158 = arith.constant 0 : i32
        %dma_wait3A_159 = tpu.memref_slice %arg4[%select_n3A, %select_n3A_91, %select_n3A_107, %dma_wait3A_158] : memref<4x19x2x2048xf32, #tpu.memory_space<hbm>> -> memref<1x1x1x2048xf32, #tpu.memory_space<hbm>>
        %dma_wait3A_160 = tpu.memref_squeeze %dma_wait3A_159 : memref<1x1x1x2048xf32, #tpu.memory_space<hbm>> -> memref<2048xf32, #tpu.memory_space<hbm>>
        tpu.wait_dma2 semaphore(%run_scoped3A : memref<!tpu.dma_semaphore, #tpu.memory_space<semaphore_mem>>) src(%arg10 : memref<2048xf32, #tpu.memory_space<vmem>>) dst(%dma_wait3A_160 : memref<2048xf32, #tpu.memory_space<hbm>>)
        tpu.yield
      }) : () -> ()
    } else {
    }
    return
  }
}

module attributes {stable_mosaic.version = 14 : i64} {
  func.func @_softmax_idx_body(%arg0: i32, %arg1: i32, %arg2: memref<1x19x32768xf32, #tpu.memory_space<vmem>>, %arg3: memref<1x1x32768xi32, #tpu.memory_space<vmem>>, %arg4: memref<1x1x32768xi32, #tpu.memory_space<vmem>>, %arg5: memref<1x19x32768xf32, #tpu.memory_space<vmem>>, %arg6: memref<1x1x32768xi32, #tpu.memory_space<vmem>>) attributes {dimension_semantics = [#tpu.dimension_semantics<arbitrary>, #tpu.dimension_semantics<arbitrary>], iteration_bounds = array<i64: 4, 8>, scalar_prefetch = 0 : i64, scratch_operands = 0 : i64, tpu.core_type = #tpu.core_type<tc>, window_params = [{transform_indices = @transform_0, window_bounds = array<i64: 1, 19, 32768>}, {transform_indices = @transform_1, window_bounds = array<i64: 1, 1, 32768>}, {transform_indices = @transform_2, window_bounds = array<i64: 1, 1, 32768>}, {transform_indices = @transform_3, window_bounds = array<i64: 1, 19, 32768>}, {transform_indices = @transform_4, window_bounds = array<i64: 1, 1, 32768>}]} {
    %get3A = arith.constant 0 : index
    %get3A_0 = arith.constant 0 : index
    %get3A_1 = arith.constant 0 : index
    %get3A_2 = vector.load %arg2[%get3A, %get3A_0, %get3A_1] : memref<1x19x32768xf32, #tpu.memory_space<vmem>>, vector<1x19x32768xf32>
    %get3A_3 = vector.shape_cast %get3A_2 : vector<1x19x32768xf32> to vector<19x32768xf32>
    %mul3A = arith.constant 1.000000e+00 : f32
    %mul3A_4 = vector.broadcast %mul3A : f32 to vector<19x32768xf32>
    %mul3A_5 = arith.mulf %get3A_3, %mul3A_4 : vector<19x32768xf32>
    %reduce_max3A = arith.constant dense<0xFF800000> : vector<32768xf32>
    %reduce_max3A_6 = vector.multi_reduction <maximumf>, %mul3A_5, %reduce_max3A [0] : vector<19x32768xf32> to vector<32768xf32>
    %broadcast_in_dim3A = vector.shape_cast %reduce_max3A_6 : vector<32768xf32> to vector<1x32768xf32>
    %sub3A = vector.broadcast %broadcast_in_dim3A : vector<1x32768xf32> to vector<19x32768xf32>
    %sub3A_7 = arith.subf %mul3A_5, %sub3A : vector<19x32768xf32>
    %exp3A = math.exp %sub3A_7 : vector<19x32768xf32>
    %reduce_sum3A = arith.constant dense<0.000000e+00> : vector<32768xf32>
    %reduce_sum3A_8 = vector.multi_reduction <add>, %exp3A, %reduce_sum3A [0] : vector<19x32768xf32> to vector<32768xf32>
    %broadcast_in_dim3A_9 = vector.shape_cast %reduce_sum3A_8 : vector<32768xf32> to vector<1x32768xf32>
    %div3A = vector.broadcast %broadcast_in_dim3A_9 : vector<1x32768xf32> to vector<19x32768xf32>
    %div3A_10 = arith.divf %exp3A, %div3A : vector<19x32768xf32>
    %swap3A = arith.constant 0 : index
    %swap3A_11 = arith.constant 0 : index
    %swap3A_12 = arith.constant 0 : index
    %swap3A_13 = vector.load %arg5[%swap3A, %swap3A_11, %swap3A_12] : memref<1x19x32768xf32, #tpu.memory_space<vmem>>, vector<1x19x32768xf32>
    %swap3A_14 = vector.shape_cast %swap3A_13 : vector<1x19x32768xf32> to vector<19x32768xf32>
    %swap3A_15 = vector.shape_cast %div3A_10 : vector<19x32768xf32> to vector<1x19x32768xf32>
    tpu.vector_store %arg5[%swap3A, %swap3A_11, %swap3A_12], %swap3A_15 {strides = array<i32>} : memref<1x19x32768xf32, #tpu.memory_space<vmem>>, vector<1x19x32768xf32>,
    %get3A_16 = arith.constant 0 : index
    %get3A_17 = arith.constant 0 : index
    %get3A_18 = arith.constant 0 : index
    %get3A_19 = vector.load %arg4[%get3A_16, %get3A_17, %get3A_18] : memref<1x1x32768xi32, #tpu.memory_space<vmem>>, vector<1x1x32768xi32>
    %get3A_20 = vector.shape_cast %get3A_19 : vector<1x1x32768xi32> to vector<32768xi32>
    %ne3A = arith.constant 0 : i32
    %ne3A_21 = vector.broadcast %ne3A : i32 to vector<32768xi32>
    %ne3A_22 = arith.cmpi ne, %get3A_20, %ne3A_21 : vector<32768xi32>
    %get3A_23 = arith.constant 0 : index
    %get3A_24 = arith.constant 0 : index
    %get3A_25 = arith.constant 0 : index
    %get3A_26 = vector.load %arg3[%get3A_23, %get3A_24, %get3A_25] : memref<1x1x32768xi32, #tpu.memory_space<vmem>>, vector<1x1x32768xi32>
    %get3A_27 = vector.shape_cast %get3A_26 : vector<1x1x32768xi32> to vector<32768xi32>
    %jit3A = arith.constant 2048 : i32
    %broadcast_in_dim3A_28 = vector.broadcast %jit3A : i32 to vector<32768xi32>
    %select_n3A = arith.select %ne3A_22, %get3A_27, %broadcast_in_dim3A_28 : vector<32768xi1>, vector<32768xi32>
    %swap3A_29 = arith.constant 0 : index
    %swap3A_30 = arith.constant 0 : index
    %swap3A_31 = arith.constant 0 : index
    %swap3A_32 = vector.load %arg6[%swap3A_29, %swap3A_30, %swap3A_31] : memref<1x1x32768xi32, #tpu.memory_space<vmem>>, vector<1x1x32768xi32>
    %swap3A_33 = vector.shape_cast %swap3A_32 : vector<1x1x32768xi32> to vector<32768xi32>
    %swap3A_34 = vector.shape_cast %select_n3A : vector<32768xi32> to vector<1x1x32768xi32>
    tpu.vector_store %arg6[%swap3A_29, %swap3A_30, %swap3A_31], %swap3A_34 {strides = array<i32>} : memref<1x1x32768xi32, #tpu.memory_space<vmem>>, vector<1x1x32768xi32>,
    return
  }
  func.func @transform_0(%arg0: i32, %arg1: i32) -> (i32, i32, i32) {
    %c0_i32 = arith.constant 0 : i32
    %c0_i32_0 = arith.constant 0 : i32
    return %arg0, %c0_i32, %arg1 : i32, i32, i32
  }
  func.func @transform_1(%arg0: i32, %arg1: i32) -> (i32, i32, i32) {
    %mul3A = arith.constant 8 : i32
    %mul3A_0 = arith.muli %arg0, %mul3A : i32
    %add3A = arith.addi %mul3A_0, %arg1 : i32
    %c0_i32 = arith.constant 0 : i32
    %c0_i32_1 = arith.constant 0 : i32
    %c0_i32_2 = arith.constant 0 : i32
    return %add3A, %c0_i32, %c0_i32_1 : i32, i32, i32
  }
  func.func @transform_2(%arg0: i32, %arg1: i32) -> (i32, i32, i32) {
    %mul3A = arith.constant 8 : i32
    %mul3A_0 = arith.muli %arg0, %mul3A : i32
    %add3A = arith.addi %mul3A_0, %arg1 : i32
    %c0_i32 = arith.constant 0 : i32
    %c0_i32_1 = arith.constant 0 : i32
    %c0_i32_2 = arith.constant 0 : i32
    return %add3A, %c0_i32, %c0_i32_1 : i32, i32, i32
  }
  func.func @transform_3(%arg0: i32, %arg1: i32) -> (i32, i32, i32) {
    %c0_i32 = arith.constant 0 : i32
    %c0_i32_0 = arith.constant 0 : i32
    return %arg0, %c0_i32, %arg1 : i32, i32, i32
  }
  func.func @transform_4(%arg0: i32, %arg1: i32) -> (i32, i32, i32) {
    %mul3A = arith.constant 8 : i32
    %mul3A_0 = arith.muli %arg0, %mul3A : i32
    %add3A = arith.addi %mul3A_0, %arg1 : i32
    %c0_i32 = arith.constant 0 : i32
    %c0_i32_1 = arith.constant 0 : i32
    %c0_i32_2 = arith.constant 0 : i32
    return %add3A, %c0_i32, %c0_i32_1 : i32, i32, i32
  }
}

module attributes {stable_mosaic.version = 14 : i64} {
  func.func @_ce_body(%arg0: memref<4x19x2x2048xf32, #tpu.memory_space<vmem>>, %arg1: memref<4x2048x20xf32, #tpu.memory_space<vmem>>, %arg2: memref<1x1xf32, #tpu.memory_space<smem>>) attributes {dimension_semantics = [], scalar_prefetch = 0 : i64, scratch_operands = 0 : i64, tpu.core_type = #tpu.core_type<tc>} {
    %get3A = arith.constant 0 : index
    %get3A_0 = arith.constant 0 : index
    %get3A_1 = arith.constant 0 : index
    %get3A_2 = arith.constant 0 : index
    %get3A_3 = vector.load %arg0[%get3A, %get3A_0, %get3A_1, %get3A_2] : memref<4x19x2x2048xf32, #tpu.memory_space<vmem>>, vector<1x19x1x2048xf32>
    %get3A_4 = vector.shape_cast %get3A_3 : vector<1x19x1x2048xf32> to vector<19x2048xf32>
    %get3A_5 = arith.constant 0 : index
    %get3A_6 = arith.constant 0 : index
    %get3A_7 = arith.constant 1 : index
    %get3A_8 = arith.constant 0 : index
    %get3A_9 = vector.load %arg0[%get3A_5, %get3A_6, %get3A_7, %get3A_8] : memref<4x19x2x2048xf32, #tpu.memory_space<vmem>>, vector<1x19x1x2048xf32>
    %get3A_10 = vector.shape_cast %get3A_9 : vector<1x19x1x2048xf32> to vector<19x2048xf32>
    %max3A = arith.maximumf %get3A_4, %get3A_10 : vector<19x2048xf32>
    %get3A_11 = arith.constant 0 : index
    %get3A_12 = arith.constant 0 : index
    %get3A_13 = arith.constant 0 : index
    %get3A_14 = vector.load %arg1[%get3A_11, %get3A_12, %get3A_13] : memref<4x2048x20xf32, #tpu.memory_space<vmem>>, vector<1x2048x20xf32>
    %get3A_15 = vector.shape_cast %get3A_14 : vector<1x2048x20xf32> to vector<2048x20xf32>
    %slice3A = vector.extract_strided_slice %get3A_15 {offsets = [0, 0], sizes = [2048, 19], strides = [1, 1]} : vector<2048x20xf32> to vector<2048x19xf32>
    %ne3A = arith.constant 0.000000e+00 : f32
    %ne3A_16 = vector.broadcast %ne3A : f32 to vector<2048x19xf32>
    %ne3A_17 = arith.cmpf one, %slice3A, %ne3A_16 : vector<2048x19xf32>
    %reduce_or3A = arith.constant 1.000000e+00 : f32
    %reduce_or3A_18 = arith.constant 0.000000e+00 : f32
    %reduce_or3A_19 = vector.broadcast %reduce_or3A : f32 to vector<2048x19xf32>
    %reduce_or3A_20 = vector.broadcast %reduce_or3A_18 : f32 to vector<2048x19xf32>
    %reduce_or3A_21 = arith.select %ne3A_17, %reduce_or3A_19, %reduce_or3A_20 : vector<2048x19xi1>, vector<2048x19xf32>
    %reduce_or3A_22 = arith.constant dense<0xFF800000> : vector<2048xf32>
    %reduce_or3A_23 = vector.multi_reduction <maximumf>, %reduce_or3A_21, %reduce_or3A_22 [1] : vector<2048x19xf32> to vector<2048xf32>
    %reduce_or3A_24 = arith.constant 0.000000e+00 : f32
    %reduce_or3A_25 = vector.broadcast %reduce_or3A_24 : f32 to vector<2048xf32>
    %reduce_or3A_26 = arith.cmpf ogt, %reduce_or3A_23, %reduce_or3A_25 : vector<2048xf32>
    %transpose3A = tpu.transpose %max3A, [1, 0] : vector<19x2048xf32> -> vector<2048x19xf32>
    %mul3A = arith.mulf %transpose3A, %slice3A : vector<2048x19xf32>
    %broadcast_in_dim3A = vector.shape_cast %reduce_or3A_26 : vector<2048xi1> to vector<2048x1xi1>
    %convert_element_type3A = arith.extui %broadcast_in_dim3A : vector<2048x1xi1> to vector<2048x1xi32>
    %convert_element_type3A_27 = arith.sitofp %convert_element_type3A : vector<2048x1xi32> to vector<2048x1xf32>
    %mul3A_28 = vector.broadcast %convert_element_type3A_27 : vector<2048x1xf32> to vector<2048x19xf32>
    %mul3A_29 = arith.mulf %mul3A, %mul3A_28 : vector<2048x19xf32>
    %gt3A = arith.constant 0.000000e+00 : f32
    %gt3A_30 = vector.broadcast %gt3A : f32 to vector<2048x19xf32>
    %gt3A_31 = arith.cmpf ogt, %mul3A_29, %gt3A_30 : vector<2048x19xf32>
    %convert_element_type3A_32 = arith.extui %gt3A_31 : vector<2048x19xi1> to vector<2048x19xi32>
    %convert_element_type3A_33 = arith.sitofp %convert_element_type3A_32 : vector<2048x19xi32> to vector<2048x19xf32>
    %reduce_sum3A = vector.shape_cast %convert_element_type3A_33 : vector<2048x19xf32> to vector<1x2048x19xf32>
    %reduce_sum3A_34 = arith.constant dense<0.000000e+00> : vector<1xf32>
    %reduce_sum3A_35 = vector.multi_reduction <add>, %reduce_sum3A, %reduce_sum3A_34 [1, 2] : vector<1x2048x19xf32> to vector<1xf32>
    %reduce_sum3A_36 = vector.shape_cast %reduce_sum3A_35 : vector<1xf32> to vector<1x1x1xf32>
    %reduce_sum3A_37 = vector.extract %reduce_sum3A_36[0, 0, 0] : f32 from vector<1x1x1xf32>
    %add3A = arith.constant 0.000000e+00 : f32
    %add3A_38 = arith.addf %add3A, %reduce_sum3A_37 : f32
    %add3A_39 = arith.constant 9.99999993E-9 : f32
    %add3A_40 = vector.broadcast %add3A_39 : f32 to vector<2048x19xf32>
    %add3A_41 = arith.addf %mul3A_29, %add3A_40 : vector<2048x19xf32>
    %log3A = math.log %add3A_41 : vector<2048x19xf32>
    %neg3A = arith.constant 0.000000e+00 : f32
    %neg3A_42 = vector.broadcast %neg3A : f32 to vector<2048x19xf32>
    %neg3A_43 = arith.subf %neg3A_42, %log3A : vector<2048x19xf32>
    %jit3A = arith.constant 0.000000e+00 : f32
    %broadcast_in_dim3A_44 = vector.broadcast %jit3A : f32 to vector<2048x19xf32>
    %select_n3A = arith.select %gt3A_31, %neg3A_43, %broadcast_in_dim3A_44 : vector<2048x19xi1>, vector<2048x19xf32>
    %reduce_sum3A_45 = vector.shape_cast %select_n3A : vector<2048x19xf32> to vector<1x2048x19xf32>
    %reduce_sum3A_46 = arith.constant dense<0.000000e+00> : vector<1xf32>
    %reduce_sum3A_47 = vector.multi_reduction <add>, %reduce_sum3A_45, %reduce_sum3A_46 [1, 2] : vector<1x2048x19xf32> to vector<1xf32>
    %reduce_sum3A_48 = vector.shape_cast %reduce_sum3A_47 : vector<1xf32> to vector<1x1x1xf32>
    %reduce_sum3A_49 = vector.extract %reduce_sum3A_48[0, 0, 0] : f32 from vector<1x1x1xf32>
    %add3A_50 = arith.constant 0.000000e+00 : f32
    %add3A_51 = arith.addf %add3A_50, %reduce_sum3A_49 : f32
    %get3A_52 = arith.constant 1 : index
    %get3A_53 = arith.constant 0 : index
    %get3A_54 = arith.constant 0 : index
    %get3A_55 = arith.constant 0 : index
    %get3A_56 = vector.load %arg0[%get3A_52, %get3A_53, %get3A_54, %get3A_55] : memref<4x19x2x2048xf32, #tpu.memory_space<vmem>>, vector<1x19x1x2048xf32>
    %get3A_57 = vector.shape_cast %get3A_56 : vector<1x19x1x2048xf32> to vector<19x2048xf32>
    %get3A_58 = arith.constant 1 : index
    %get3A_59 = arith.constant 0 : index
    %get3A_60 = arith.constant 1 : index
    %get3A_61 = arith.constant 0 : index
    %get3A_62 = vector.load %arg0[%get3A_58, %get3A_59, %get3A_60, %get3A_61] : memref<4x19x2x2048xf32, #tpu.memory_space<vmem>>, vector<1x19x1x2048xf32>
    %get3A_63 = vector.shape_cast %get3A_62 : vector<1x19x1x2048xf32> to vector<19x2048xf32>
    %max3A_64 = arith.maximumf %get3A_57, %get3A_63 : vector<19x2048xf32>
    %get3A_65 = arith.constant 1 : index
    %get3A_66 = arith.constant 0 : index
    %get3A_67 = arith.constant 0 : index
    %get3A_68 = vector.load %arg1[%get3A_65, %get3A_66, %get3A_67] : memref<4x2048x20xf32, #tpu.memory_space<vmem>>, vector<1x2048x20xf32>
    %get3A_69 = vector.shape_cast %get3A_68 : vector<1x2048x20xf32> to vector<2048x20xf32>
    %slice3A_70 = vector.extract_strided_slice %get3A_69 {offsets = [0, 0], sizes = [2048, 19], strides = [1, 1]} : vector<2048x20xf32> to vector<2048x19xf32>
    %ne3A_71 = arith.constant 0.000000e+00 : f32
    %ne3A_72 = vector.broadcast %ne3A_71 : f32 to vector<2048x19xf32>
    %ne3A_73 = arith.cmpf one, %slice3A_70, %ne3A_72 : vector<2048x19xf32>
    %reduce_or3A_74 = arith.constant 1.000000e+00 : f32
    %reduce_or3A_75 = arith.constant 0.000000e+00 : f32
    %reduce_or3A_76 = vector.broadcast %reduce_or3A_74 : f32 to vector<2048x19xf32>
    %reduce_or3A_77 = vector.broadcast %reduce_or3A_75 : f32 to vector<2048x19xf32>
    %reduce_or3A_78 = arith.select %ne3A_73, %reduce_or3A_76, %reduce_or3A_77 : vector<2048x19xi1>, vector<2048x19xf32>
    %reduce_or3A_79 = arith.constant dense<0xFF800000> : vector<2048xf32>
    %reduce_or3A_80 = vector.multi_reduction <maximumf>, %reduce_or3A_78, %reduce_or3A_79 [1] : vector<2048x19xf32> to vector<2048xf32>
    %reduce_or3A_81 = arith.constant 0.000000e+00 : f32
    %reduce_or3A_82 = vector.broadcast %reduce_or3A_81 : f32 to vector<2048xf32>
    %reduce_or3A_83 = arith.cmpf ogt, %reduce_or3A_80, %reduce_or3A_82 : vector<2048xf32>
    %transpose3A_84 = tpu.transpose %max3A_64, [1, 0] : vector<19x2048xf32> -> vector<2048x19xf32>
    %mul3A_85 = arith.mulf %transpose3A_84, %slice3A_70 : vector<2048x19xf32>
    %broadcast_in_dim3A_86 = vector.shape_cast %reduce_or3A_83 : vector<2048xi1> to vector<2048x1xi1>
    %convert_element_type3A_87 = arith.extui %broadcast_in_dim3A_86 : vector<2048x1xi1> to vector<2048x1xi32>
    %convert_element_type3A_88 = arith.sitofp %convert_element_type3A_87 : vector<2048x1xi32> to vector<2048x1xf32>
    %mul3A_89 = vector.broadcast %convert_element_type3A_88 : vector<2048x1xf32> to vector<2048x19xf32>
    %mul3A_90 = arith.mulf %mul3A_85, %mul3A_89 : vector<2048x19xf32>
    %gt3A_91 = arith.constant 0.000000e+00 : f32
    %gt3A_92 = vector.broadcast %gt3A_91 : f32 to vector<2048x19xf32>
    %gt3A_93 = arith.cmpf ogt, %mul3A_90, %gt3A_92 : vector<2048x19xf32>
    %convert_element_type3A_94 = arith.extui %gt3A_93 : vector<2048x19xi1> to vector<2048x19xi32>
    %convert_element_type3A_95 = arith.sitofp %convert_element_type3A_94 : vector<2048x19xi32> to vector<2048x19xf32>
    %reduce_sum3A_96 = vector.shape_cast %convert_element_type3A_95 : vector<2048x19xf32> to vector<1x2048x19xf32>
    %reduce_sum3A_97 = arith.constant dense<0.000000e+00> : vector<1xf32>
    %reduce_sum3A_98 = vector.multi_reduction <add>, %reduce_sum3A_96, %reduce_sum3A_97 [1, 2] : vector<1x2048x19xf32> to vector<1xf32>
    %reduce_sum3A_99 = vector.shape_cast %reduce_sum3A_98 : vector<1xf32> to vector<1x1x1xf32>
    %reduce_sum3A_100 = vector.extract %reduce_sum3A_99[0, 0, 0] : f32 from vector<1x1x1xf32>
    %add3A_101 = arith.addf %add3A_38, %reduce_sum3A_100 : f32
    %add3A_102 = arith.constant 9.99999993E-9 : f32
    %add3A_103 = vector.broadcast %add3A_102 : f32 to vector<2048x19xf32>
    %add3A_104 = arith.addf %mul3A_90, %add3A_103 : vector<2048x19xf32>
    %log3A_105 = math.log %add3A_104 : vector<2048x19xf32>
    %neg3A_106 = arith.constant 0.000000e+00 : f32
    %neg3A_107 = vector.broadcast %neg3A_106 : f32 to vector<2048x19xf32>
    %neg3A_108 = arith.subf %neg3A_107, %log3A_105 : vector<2048x19xf32>
    %jit3A_109 = arith.constant 0.000000e+00 : f32
    %broadcast_in_dim3A_110 = vector.broadcast %jit3A_109 : f32 to vector<2048x19xf32>
    %select_n3A_111 = arith.select %gt3A_93, %neg3A_108, %broadcast_in_dim3A_110 : vector<2048x19xi1>, vector<2048x19xf32>
    %reduce_sum3A_112 = vector.shape_cast %select_n3A_111 : vector<2048x19xf32> to vector<1x2048x19xf32>
    %reduce_sum3A_113 = arith.constant dense<0.000000e+00> : vector<1xf32>
    %reduce_sum3A_114 = vector.multi_reduction <add>, %reduce_sum3A_112, %reduce_sum3A_113 [1, 2] : vector<1x2048x19xf32> to vector<1xf32>
    %reduce_sum3A_115 = vector.shape_cast %reduce_sum3A_114 : vector<1xf32> to vector<1x1x1xf32>
    %reduce_sum3A_116 = vector.extract %reduce_sum3A_115[0, 0, 0] : f32 from vector<1x1x1xf32>
    %add3A_117 = arith.addf %add3A_51, %reduce_sum3A_116 : f32
    %get3A_118 = arith.constant 2 : index
    %get3A_119 = arith.constant 0 : index
    %get3A_120 = arith.constant 0 : index
    %get3A_121 = arith.constant 0 : index
    %get3A_122 = vector.load %arg0[%get3A_118, %get3A_119, %get3A_120, %get3A_121] : memref<4x19x2x2048xf32, #tpu.memory_space<vmem>>, vector<1x19x1x2048xf32>
    %get3A_123 = vector.shape_cast %get3A_122 : vector<1x19x1x2048xf32> to vector<19x2048xf32>
    %get3A_124 = arith.constant 2 : index
    %get3A_125 = arith.constant 0 : index
    %get3A_126 = arith.constant 1 : index
    %get3A_127 = arith.constant 0 : index
    %get3A_128 = vector.load %arg0[%get3A_124, %get3A_125, %get3A_126, %get3A_127] : memref<4x19x2x2048xf32, #tpu.memory_space<vmem>>, vector<1x19x1x2048xf32>
    %get3A_129 = vector.shape_cast %get3A_128 : vector<1x19x1x2048xf32> to vector<19x2048xf32>
    %max3A_130 = arith.maximumf %get3A_123, %get3A_129 : vector<19x2048xf32>
    %get3A_131 = arith.constant 2 : index
    %get3A_132 = arith.constant 0 : index
    %get3A_133 = arith.constant 0 : index
    %get3A_134 = vector.load %arg1[%get3A_131, %get3A_132, %get3A_133] : memref<4x2048x20xf32, #tpu.memory_space<vmem>>, vector<1x2048x20xf32>
    %get3A_135 = vector.shape_cast %get3A_134 : vector<1x2048x20xf32> to vector<2048x20xf32>
    %slice3A_136 = vector.extract_strided_slice %get3A_135 {offsets = [0, 0], sizes = [2048, 19], strides = [1, 1]} : vector<2048x20xf32> to vector<2048x19xf32>
    %ne3A_137 = arith.constant 0.000000e+00 : f32
    %ne3A_138 = vector.broadcast %ne3A_137 : f32 to vector<2048x19xf32>
    %ne3A_139 = arith.cmpf one, %slice3A_136, %ne3A_138 : vector<2048x19xf32>
    %reduce_or3A_140 = arith.constant 1.000000e+00 : f32
    %reduce_or3A_141 = arith.constant 0.000000e+00 : f32
    %reduce_or3A_142 = vector.broadcast %reduce_or3A_140 : f32 to vector<2048x19xf32>
    %reduce_or3A_143 = vector.broadcast %reduce_or3A_141 : f32 to vector<2048x19xf32>
    %reduce_or3A_144 = arith.select %ne3A_139, %reduce_or3A_142, %reduce_or3A_143 : vector<2048x19xi1>, vector<2048x19xf32>
    %reduce_or3A_145 = arith.constant dense<0xFF800000> : vector<2048xf32>
    %reduce_or3A_146 = vector.multi_reduction <maximumf>, %reduce_or3A_144, %reduce_or3A_145 [1] : vector<2048x19xf32> to vector<2048xf32>
    %reduce_or3A_147 = arith.constant 0.000000e+00 : f32
    %reduce_or3A_148 = vector.broadcast %reduce_or3A_147 : f32 to vector<2048xf32>
    %reduce_or3A_149 = arith.cmpf ogt, %reduce_or3A_146, %reduce_or3A_148 : vector<2048xf32>
    %transpose3A_150 = tpu.transpose %max3A_130, [1, 0] : vector<19x2048xf32> -> vector<2048x19xf32>
    %mul3A_151 = arith.mulf %transpose3A_150, %slice3A_136 : vector<2048x19xf32>
    %broadcast_in_dim3A_152 = vector.shape_cast %reduce_or3A_149 : vector<2048xi1> to vector<2048x1xi1>
    %convert_element_type3A_153 = arith.extui %broadcast_in_dim3A_152 : vector<2048x1xi1> to vector<2048x1xi32>
    %convert_element_type3A_154 = arith.sitofp %convert_element_type3A_153 : vector<2048x1xi32> to vector<2048x1xf32>
    %mul3A_155 = vector.broadcast %convert_element_type3A_154 : vector<2048x1xf32> to vector<2048x19xf32>
    %mul3A_156 = arith.mulf %mul3A_151, %mul3A_155 : vector<2048x19xf32>
    %gt3A_157 = arith.constant 0.000000e+00 : f32
    %gt3A_158 = vector.broadcast %gt3A_157 : f32 to vector<2048x19xf32>
    %gt3A_159 = arith.cmpf ogt, %mul3A_156, %gt3A_158 : vector<2048x19xf32>
    %convert_element_type3A_160 = arith.extui %gt3A_159 : vector<2048x19xi1> to vector<2048x19xi32>
    %convert_element_type3A_161 = arith.sitofp %convert_element_type3A_160 : vector<2048x19xi32> to vector<2048x19xf32>
    %reduce_sum3A_162 = vector.shape_cast %convert_element_type3A_161 : vector<2048x19xf32> to vector<1x2048x19xf32>
    %reduce_sum3A_163 = arith.constant dense<0.000000e+00> : vector<1xf32>
    %reduce_sum3A_164 = vector.multi_reduction <add>, %reduce_sum3A_162, %reduce_sum3A_163 [1, 2] : vector<1x2048x19xf32> to vector<1xf32>
    %reduce_sum3A_165 = vector.shape_cast %reduce_sum3A_164 : vector<1xf32> to vector<1x1x1xf32>
    %reduce_sum3A_166 = vector.extract %reduce_sum3A_165[0, 0, 0] : f32 from vector<1x1x1xf32>
    %add3A_167 = arith.addf %add3A_101, %reduce_sum3A_166 : f32
    %add3A_168 = arith.constant 9.99999993E-9 : f32
    %add3A_169 = vector.broadcast %add3A_168 : f32 to vector<2048x19xf32>
    %add3A_170 = arith.addf %mul3A_156, %add3A_169 : vector<2048x19xf32>
    %log3A_171 = math.log %add3A_170 : vector<2048x19xf32>
    %neg3A_172 = arith.constant 0.000000e+00 : f32
    %neg3A_173 = vector.broadcast %neg3A_172 : f32 to vector<2048x19xf32>
    %neg3A_174 = arith.subf %neg3A_173, %log3A_171 : vector<2048x19xf32>
    %jit3A_175 = arith.constant 0.000000e+00 : f32
    %broadcast_in_dim3A_176 = vector.broadcast %jit3A_175 : f32 to vector<2048x19xf32>
    %select_n3A_177 = arith.select %gt3A_159, %neg3A_174, %broadcast_in_dim3A_176 : vector<2048x19xi1>, vector<2048x19xf32>
    %reduce_sum3A_178 = vector.shape_cast %select_n3A_177 : vector<2048x19xf32> to vector<1x2048x19xf32>
    %reduce_sum3A_179 = arith.constant dense<0.000000e+00> : vector<1xf32>
    %reduce_sum3A_180 = vector.multi_reduction <add>, %reduce_sum3A_178, %reduce_sum3A_179 [1, 2] : vector<1x2048x19xf32> to vector<1xf32>
    %reduce_sum3A_181 = vector.shape_cast %reduce_sum3A_180 : vector<1xf32> to vector<1x1x1xf32>
    %reduce_sum3A_182 = vector.extract %reduce_sum3A_181[0, 0, 0] : f32 from vector<1x1x1xf32>
    %add3A_183 = arith.addf %add3A_117, %reduce_sum3A_182 : f32
    %get3A_184 = arith.constant 3 : index
    %get3A_185 = arith.constant 0 : index
    %get3A_186 = arith.constant 0 : index
    %get3A_187 = arith.constant 0 : index
    %get3A_188 = vector.load %arg0[%get3A_184, %get3A_185, %get3A_186, %get3A_187] : memref<4x19x2x2048xf32, #tpu.memory_space<vmem>>, vector<1x19x1x2048xf32>
    %get3A_189 = vector.shape_cast %get3A_188 : vector<1x19x1x2048xf32> to vector<19x2048xf32>
    %get3A_190 = arith.constant 3 : index
    %get3A_191 = arith.constant 0 : index
    %get3A_192 = arith.constant 1 : index
    %get3A_193 = arith.constant 0 : index
    %get3A_194 = vector.load %arg0[%get3A_190, %get3A_191, %get3A_192, %get3A_193] : memref<4x19x2x2048xf32, #tpu.memory_space<vmem>>, vector<1x19x1x2048xf32>
    %get3A_195 = vector.shape_cast %get3A_194 : vector<1x19x1x2048xf32> to vector<19x2048xf32>
    %max3A_196 = arith.maximumf %get3A_189, %get3A_195 : vector<19x2048xf32>
    %get3A_197 = arith.constant 3 : index
    %get3A_198 = arith.constant 0 : index
    %get3A_199 = arith.constant 0 : index
    %get3A_200 = vector.load %arg1[%get3A_197, %get3A_198, %get3A_199] : memref<4x2048x20xf32, #tpu.memory_space<vmem>>, vector<1x2048x20xf32>
    %get3A_201 = vector.shape_cast %get3A_200 : vector<1x2048x20xf32> to vector<2048x20xf32>
    %slice3A_202 = vector.extract_strided_slice %get3A_201 {offsets = [0, 0], sizes = [2048, 19], strides = [1, 1]} : vector<2048x20xf32> to vector<2048x19xf32>
    %ne3A_203 = arith.constant 0.000000e+00 : f32
    %ne3A_204 = vector.broadcast %ne3A_203 : f32 to vector<2048x19xf32>
    %ne3A_205 = arith.cmpf one, %slice3A_202, %ne3A_204 : vector<2048x19xf32>
    %reduce_or3A_206 = arith.constant 1.000000e+00 : f32
    %reduce_or3A_207 = arith.constant 0.000000e+00 : f32
    %reduce_or3A_208 = vector.broadcast %reduce_or3A_206 : f32 to vector<2048x19xf32>
    %reduce_or3A_209 = vector.broadcast %reduce_or3A_207 : f32 to vector<2048x19xf32>
    %reduce_or3A_210 = arith.select %ne3A_205, %reduce_or3A_208, %reduce_or3A_209 : vector<2048x19xi1>, vector<2048x19xf32>
    %reduce_or3A_211 = arith.constant dense<0xFF800000> : vector<2048xf32>
    %reduce_or3A_212 = vector.multi_reduction <maximumf>, %reduce_or3A_210, %reduce_or3A_211 [1] : vector<2048x19xf32> to vector<2048xf32>
    %reduce_or3A_213 = arith.constant 0.000000e+00 : f32
    %reduce_or3A_214 = vector.broadcast %reduce_or3A_213 : f32 to vector<2048xf32>
    %reduce_or3A_215 = arith.cmpf ogt, %reduce_or3A_212, %reduce_or3A_214 : vector<2048xf32>
    %transpose3A_216 = tpu.transpose %max3A_196, [1, 0] : vector<19x2048xf32> -> vector<2048x19xf32>
    %mul3A_217 = arith.mulf %transpose3A_216, %slice3A_202 : vector<2048x19xf32>
    %broadcast_in_dim3A_218 = vector.shape_cast %reduce_or3A_215 : vector<2048xi1> to vector<2048x1xi1>
    %convert_element_type3A_219 = arith.extui %broadcast_in_dim3A_218 : vector<2048x1xi1> to vector<2048x1xi32>
    %convert_element_type3A_220 = arith.sitofp %convert_element_type3A_219 : vector<2048x1xi32> to vector<2048x1xf32>
    %mul3A_221 = vector.broadcast %convert_element_type3A_220 : vector<2048x1xf32> to vector<2048x19xf32>
    %mul3A_222 = arith.mulf %mul3A_217, %mul3A_221 : vector<2048x19xf32>
    %gt3A_223 = arith.constant 0.000000e+00 : f32
    %gt3A_224 = vector.broadcast %gt3A_223 : f32 to vector<2048x19xf32>
    %gt3A_225 = arith.cmpf ogt, %mul3A_222, %gt3A_224 : vector<2048x19xf32>
    %convert_element_type3A_226 = arith.extui %gt3A_225 : vector<2048x19xi1> to vector<2048x19xi32>
    %convert_element_type3A_227 = arith.sitofp %convert_element_type3A_226 : vector<2048x19xi32> to vector<2048x19xf32>
    %reduce_sum3A_228 = vector.shape_cast %convert_element_type3A_227 : vector<2048x19xf32> to vector<1x2048x19xf32>
    %reduce_sum3A_229 = arith.constant dense<0.000000e+00> : vector<1xf32>
    %reduce_sum3A_230 = vector.multi_reduction <add>, %reduce_sum3A_228, %reduce_sum3A_229 [1, 2] : vector<1x2048x19xf32> to vector<1xf32>
    %reduce_sum3A_231 = vector.shape_cast %reduce_sum3A_230 : vector<1xf32> to vector<1x1x1xf32>
    %reduce_sum3A_232 = vector.extract %reduce_sum3A_231[0, 0, 0] : f32 from vector<1x1x1xf32>
    %add3A_233 = arith.addf %add3A_167, %reduce_sum3A_232 : f32
    %add3A_234 = arith.constant 9.99999993E-9 : f32
    %add3A_235 = vector.broadcast %add3A_234 : f32 to vector<2048x19xf32>
    %add3A_236 = arith.addf %mul3A_222, %add3A_235 : vector<2048x19xf32>
    %log3A_237 = math.log %add3A_236 : vector<2048x19xf32>
    %neg3A_238 = arith.constant 0.000000e+00 : f32
    %neg3A_239 = vector.broadcast %neg3A_238 : f32 to vector<2048x19xf32>
    %neg3A_240 = arith.subf %neg3A_239, %log3A_237 : vector<2048x19xf32>
    %jit3A_241 = arith.constant 0.000000e+00 : f32
    %broadcast_in_dim3A_242 = vector.broadcast %jit3A_241 : f32 to vector<2048x19xf32>
    %select_n3A_243 = arith.select %gt3A_225, %neg3A_240, %broadcast_in_dim3A_242 : vector<2048x19xi1>, vector<2048x19xf32>
    %reduce_sum3A_244 = vector.shape_cast %select_n3A_243 : vector<2048x19xf32> to vector<1x2048x19xf32>
    %reduce_sum3A_245 = arith.constant dense<0.000000e+00> : vector<1xf32>
    %reduce_sum3A_246 = vector.multi_reduction <add>, %reduce_sum3A_244, %reduce_sum3A_245 [1, 2] : vector<1x2048x19xf32> to vector<1xf32>
    %reduce_sum3A_247 = vector.shape_cast %reduce_sum3A_246 : vector<1xf32> to vector<1x1x1xf32>
    %reduce_sum3A_248 = vector.extract %reduce_sum3A_247[0, 0, 0] : f32 from vector<1x1x1xf32>
    %add3A_249 = arith.addf %add3A_183, %reduce_sum3A_248 : f32
    %add3A_250 = arith.constant 1.000000e+00 : f32
    %add3A_251 = arith.addf %add3A_233, %add3A_250 : f32
    %div3A = arith.divf %add3A_249, %add3A_251 : f32
    %swap3A = arith.constant 0 : index
    %swap3A_252 = arith.constant 0 : index
    %swap3A_253 = memref.load %arg2[%swap3A, %swap3A_252] : memref<1x1xf32, #tpu.memory_space<smem>>
    memref.store %div3A, %arg2[%swap3A, %swap3A_252] : memref<1x1xf32, #tpu.memory_space<smem>>
    return
  }
}

</mosaic_0001>

<sc_bundles>
// kernel: kernel.5.cloned.1.call-start
scs
__scs_entry_jumppad:
0x0: {  	(pc) =	sbr.rel $0x88, $3  }
0x1: {  	(tag) =	ssettag $0x0;
	lr =	simm.s32 $0x1  }
0x2: {  	[smem:$0x3F9D] =	sst lr;
	_ =	strace $0xD0000000  }
0x3: {  	_ = 	snop  }
0x4: {  	_ = 	snop  }
0x5: {  	_ = 	snop  }
0x6: {  	_ = 	snop  }
0x7: {  	_ = 	snop  }
__scs_overlays_trampoline_lowered:
0x8: {  	[smem:$0x3FAC] =	sst s0  }
0x9: {  	[smem:$0x3FAD] =	sst s1  }
0xa: {  	[smem:$0x3FAE] =	sst s2  }
0xb: {  	[smem:$0x3FAF] =	sst s3  }
0xc: {  	[smem:$0x3FB0] =	sst s4  }
0xd: {  	[smem:$0x3FB1] =	sst s5  }
0xe: {  	[smem:$0x3FB2] =	sst s6  }
0xf: {  	[smem:$0x3FB3] =	sst s7  }
0x10: {  	[smem:$0x3FB4] =	sst s8  }
0x11: {  	[smem:$0x3FB5] =	sst s9;
	s0 =	simm.s32 @!p0 $0x0  }
0x12: {  	s1 =	sld [smem:$0x3F9B];
	s0 =	simm.s32 @p0 $0x1  }
0x13: {  	[smem:$0x3FB6] =	sst s0;
	s0 =	simm.s32 @!p1 $0x0  }
0x14: {  	s2 =	sld [smem:$0x3F9A];
	s0 =	simm.s32 @p1 $0x1  }
0x15: {  	[smem:$0x3FB7] =	sst s0;
	s0 =	simm.s32 @!p2 $0x0  }
0x16: {  	s3 =	sld [smem:$0x3FDB];
	s0 =	simm.s32 @p2 $0x1  }
0x17: {  	s4 =	simm.s32 $0x1BF5;
	[smem:$0x3FB9] =	sst s0  }
0x18: {  	s0 =	sld [smem:$0x3F9C];
	_ =	swait.ge [sflag:s4], $0x0  }
0x19: {  	s7 =	sld [smem:$0x3F9D]  }
0x1a: {  	s8 =	sadd.s32 $0xFFFFE003, lr  }
0x1b: {  	s9 =	sadd.s32 $0xFFFFFEF7, lr;
	s5 =	simm.s32 $0xFFFFFFFF;
	p2 =	slt.u32 s8, $0xFFFFF086  }
0x1c: {  	p1 =	slt.u32 s9, $0xF7A;
	s5 =	simm.s32 @!p2 $0x0  }
0x1d: {  	s5 =	simm.s32 @p1 $0x1;
	p0 =	seq.s32 s7, s2  }
0x1e: {  	s7 =	smul.u32 @!p0 $0xF7A, s2;
	p2 =	seq.s32 @!p0 s5, $0x0  }
0x1f: {  	s9 =	smul.u32 $0xF7A, s1;
	s8 =	simm.s32 @!p0 $0x1BF5;
	p2 =	por !p2, p0  }
0x20: {  	[sflag:s8] =	ssyncset.s32 @!p0 $0xFFFFF086;
	s6 =	sadd.s32 @!p0 s3, s7;
	s7 =	simm.s32 @!p0 $0x108  }
0x21: {  	s3 =	sadd.s32 s3, s9;
	s6 =	sadd.s32 @!p0 $0x88, s6;
	s7 =	simm.s32 @p2 $0x1082  }
0x22: {  	[simem:s7], [sflag:s8] =	dma.local @!p0 [hbm:s6], $0xF7A  }
0x23: {  	s9 =	sor.u32 $0xD0000000, s2;
	s6 =	simm.s32 $0x108;
	_ =	swait.ge @!p0 [sflag:s8], $0x0  }
0x24: {  	s3 =	sadd.s32 $0x88, s3;
	s6 =	simm.s32 @!p1 $0x1082;
	[sflag:s4] =	ssyncset.s32 $0xFFFFF086  }
0x25: {  	[simem:s6], [sflag:s4] =	dma.local [hbm:s3], $0xF7A  }
0x26: {  	[smem:$0x3F9D] =	sst s1;
	(tag) =	ssettag s2;
	_ =	strace s9  }
0x27: {  	s1 =	sld [smem:$0x3FAD]  }
0x28: {  	s2 =	sld [smem:$0x3FAE]  }
0x29: {  	s4 =	sld [smem:$0x3FB0]  }
0x2a: {  	p0 =	seq.s32 s5, $0x0;
	s5 =	sld [smem:$0x3FB1]  }
0x2b: {  	s6 =	sld [smem:$0x3FB2]  }
0x2c: {  	s7 =	sld [smem:$0x3FB3]  }
0x2d: {  	s3 =	simm.s32 $0x108;
	s8 =	sld [smem:$0x3FB4]  }
0x2e: {  	s3 =	simm.s32 @!p0 $0x1082;
	s9 =	sld [smem:$0x3FB5]  }
0x2f: {  	lr =	sadd.s32 s0, s3;
	s0 =	sld [smem:$0x3FAC]  }
0x30: {  	s3 =	sld [smem:$0x3FAF]  }
0x31: {  	[smem:$0x3FB8] =	sst s10  }
0x32: {  	s10 =	sld [smem:$0x3FB6];
	_ =	sdelay $0x3  }
0x33: {  	p0 =	seq.s32 s10, $0x1;
	s10 =	sld [smem:$0x3FB8];
	_ =	sdelay $0x3  }
0x34: {  	[smem:$0x3FB8] =	sst s10  }
0x35: {  	s10 =	sld [smem:$0x3FB7];
	_ =	sdelay $0x3  }
0x36: {  	p1 =	seq.s32 s10, $0x1;
	s10 =	sld [smem:$0x3FB8];
	_ =	sdelay $0x3  }
0x37: {  	[smem:$0x3FB8] =	sst s10  }
0x38: {  	s10 =	sld [smem:$0x3FB9]  }
0x39: {  	_ = 	snop;
	(pc) =	sbr.ind lr, $3  }
0x3a: {  	_ = 	snop  }
0x3b: {  	_ = 	snop  }
0x3c: {  	p2 =	seq.s32 s10, $0x1;
	s10 =	sld [smem:$0x3FB8]  }
0x3d: {  	_ =	shalt  }
0x3e: {  	_ =	shalt  }
0x3f: {  	_ =	shalt  }
0x40: {  	_ =	shalt  }
0x41: {  	_ =	shalt  }
0x42: {  	_ =	shalt  }
0x43: {  	_ =	shalt  }
0x44: {  	_ =	shalt  }
0x45: {  	_ =	shalt  }
0x46: {  	_ =	shalt  }
0x47: {  	_ =	shalt  }
0x48: {  	_ =	shalt  }
0x49: {  	_ =	shalt  }
0x4a: {  	_ =	shalt  }
0x4b: {  	_ =	shalt  }
0x4c: {  	_ =	shalt  }
0x4d: {  	_ =	shalt  }
0x4e: {  	_ =	shalt  }
0x4f: {  	_ =	shalt  }
0x50: {  	_ =	shalt  }
0x51: {  	_ =	shalt  }
0x52: {  	_ =	shalt  }
0x53: {  	_ =	shalt  }
0x54: {  	_ =	shalt  }
0x55: {  	_ =	shalt  }
0x56: {  	_ =	shalt  }
0x57: {  	_ =	shalt  }
0x58: {  	_ =	shalt  }
0x59: {  	_ =	shalt  }
0x5a: {  	_ =	shalt  }
0x5b: {  	_ =	shalt  }
0x5c: {  	_ =	shalt  }
0x5d: {  	_ =	shalt  }
0x5e: {  	_ =	shalt  }
0x5f: {  	_ =	shalt  }
0x60: {  	_ =	shalt  }
0x61: {  	_ =	shalt  }
0x62: {  	_ =	shalt  }
0x63: {  	_ =	shalt  }
0x64: {  	_ =	shalt  }
0x65: {  	_ =	shalt  }
0x66: {  	_ =	shalt  }
0x67: {  	_ =	shalt  }
0x68: {  	_ =	shalt  }
0x69: {  	_ =	shalt  }
0x6a: {  	_ =	shalt  }
0x6b: {  	_ =	shalt  }
0x6c: {  	_ =	shalt  }
0x6d: {  	_ =	shalt  }
0x6e: {  	_ =	shalt  }
0x6f: {  	_ =	shalt  }
0x70: {  	_ =	shalt  }
0x71: {  	_ =	shalt  }
0x72: {  	_ =	shalt  }
0x73: {  	_ =	shalt  }
0x74: {  	_ =	shalt  }
0x75: {  	_ =	shalt  }
0x76: {  	_ =	shalt  }
0x77: {  	_ =	shalt  }
0x78: {  	_ =	shalt  }
0x79: {  	_ =	shalt  }
0x7a: {  	_ =	shalt  }
0x7b: {  	_ =	shalt  }
0x7c: {  	_ =	shalt  }
0x7d: {  	_ =	shalt  }
0x7e: {  	_ =	shalt  }
0x7f: {  	_ =	shalt  }
0x80: {  	_ =	shalt  }
0x81: {  	_ =	shalt  }
0x82: {  	_ =	shalt  }
0x83: {  	_ =	shalt  }
0x84: {  	_ =	shalt  }
0x85: {  	_ =	shalt  }
0x86: {  	_ =	shalt  }
0x87: {  	_ =	shalt  }
.Lfunc_end0:
.L_simem_size_0:
called_computation_lowered:
.L_overlay_start_0:
0x88: {  	s2 =	sld [smem:$0x3FD9]  }
0x89: {  	s3 =	sld [smem:$0x3FFE];
	_ =	sdelay $0x1  }
0x8a: {  	s1 =	srdreg.scid  }
0x8b: {  	s0 =	sand.u32 $0x1, s1  }
0x8c: {  	s16 =	sshll.u32 s0, $0xA;
	s2 =	sadd.s32 s3, s2  }
0x8d: {  	s2 =	sadd.s32 s2, s16  }
0x8e: {  	[smem:$0x3FC4] =	sst s2  }
0x8f: {  	_ = 	snop  }
0x90: {  	(tm) =	ssettm $0x1  }
0x91: {  	s17 =	sld [smem:$0x3FFB];
	_ =	sdelay $0x3  }
0x92: {  	_ =	strace s17  }
0x93: {  	s2 =	sld [smem:$0x3FFC];
	_ =	sdelay $0x3  }
0x94: {  	_ =	strace s2  }
0x95: {  	s2 =	sld [smem:$0x3FFD];
	_ =	sdelay $0x3  }
0x96: {  	_ =	strace s2  }
0x97: {  	_ =	strace $0x8FFFFFFF  }
0x98: {  	s18 =	sld [smem:$0x3FDB];
	_ =	sdelay $0x1  }
0x99: {  	s19 =	simm.s32 $_scs_section_size  }
0x9a: {  	s4 =	simm.s32 $_size__tile_overlayer_lowered;
	s5 =	simm.s32 $_tile_overlayer_lowered  }
0x9b: {  	s22 =	simm.s32 $0x1BFF;
	s21 =	sshll.u32 s5, $0x1;
	s2 =	sadd.s32 s19, s18  }
0x9c: {  	s6 =	simm.s32 $0x0;
	s20 =	sshll.u32 s4, $0x1;
	s4 =	sadd.s32 s21, s2  }
0x9d: {  	[timem:s6], [sflag:s22] =	dma.local [hbm:s4], s20  }
0x9e: {  	_ =	swait.ge [sflag:s22], s20  }
0x9f: {  	s3 =	ssub.s32 $0x0, s20;
	[sflag:s22] =	ssyncset.done $0x0  }
0xa0: {  	[sflag:s22] =	ssyncadd.s32 s3;
	_ =	sdelay $0x1  }
0xa1: {  	s23 =	simm.s32 $0x1B8B  }
0xa2: {  	_ =	swait.ge [sflag:s23], $0x1  }
0xa3: {  	[sflag:s23] =	ssyncset.done $0x0  }
0xa4: {  	s25 =	simm.s32 $0x1B8E;
	s24 =	sld [smem:$0x3FFE];
	[sflag:s23] =	ssyncadd.s32 $0xFFFFFFFF  }
0xa5: {  	s26 =	simm.s32 $execute0_lowered;
	[smem:$0x3FD2] =	sst s25  }
0xa6: {  	s4 =	sshll.u32 s26, $0x1;
	_ =	strace $0x80000046;
	[dreg:$0x1] =	wrdreg $0xFFFFFFFF  }
0xa7: {  	s28 =	simm.s32 $_size_execute0_lowered;
	s2 =	sadd.s32 s2, s4;
	[dreg:$0x0] =	wrdreg $0x0  }
0xa8: {  	s4 =	sshll.u32 s28, $0x1;
	[dreg:$0x2] =	wrdreg s2  }
0xa9: {  	[dreg:$0x3] =	wrdreg s4  }
0xaa: {  	[dreg:$0x4] =	wrdreg $0xC0  }
0xab: {  	_ =	task [dreg:s6], $0x5FFFF  }
0xac: {  	[dreg:$0x1] =	wrdreg $0xFFFFFFFF  }
0xad: {  	[dreg:$0x0] =	wrdreg $0x60  }
0xae: {  	[dreg:$0x2] =	wrdreg s24  }
0xaf: {  	[dreg:$0x3] =	wrdreg $0x9  }
0xb0: {  	_ =	task.clear_ibuf [dreg:s6], $0x4FFFF;
	_ =	strace $0x90000046  }
0xb1: {  	s29 =	simm.s32 $0x9;
	_ =	strace $0x80000048  }
0xb2: {  	_ =	swait.ge [sflag:s29], $0x1  }
0xb3: {  	[sflag:s29] =	ssyncadd.s32 $0xFFFFFFFF  }
0xb4: {  	_ =	strace $0x90000048  }
0xb5: {  	_ =	sfence  }
0xb6: {  	s30 =	sld [smem:$0x0];
	_ =	sdelay $0x2  }
0xb7: {  	s31 =	sshll.u32 s1, $0xD;
	s1 =	sshrl.u32 s1, $0x2  }
0xb8: {  	s3 =	sand.u32 $0x4000, s31;
	s1 =	sadd.s32 s1, s30  }
0xb9: {  	s0 =	sor.u32 s3, s0;
	s1 =	sshll.u32 s1, $0x11  }
0xba: {  	s0 =	sor.u32 s1, s0  }
0xbb: {  	s0 =	sadd.s32 $0x8F2B, s0  }
0xbc: {  	[sflag:s0] =	ssyncadd.remote.s32 $0x1  }
0xbd: {  	_ =	sfence.sel $0xFFFF  }
0xbe: {  	[dreg:$0x0] =	wrdreg $0xFFFFFFFF;
	(pc) =	sbr.abs _section_cstart, $3  }
0xbf: {  	[dreg:$0x1] =	wrdreg $0xFFFFFFFF  }
0xc0: {  	_ =	task.clear_ibuf [dreg:s6], $0x2FFFF;
	_ =	strace $0x9FFFFFFF  }
0xc1: {  	(tm) =	ssettm $0x7FFFFFFF  }
tec
execute0_lowered:
.L_overlay_start_1:
0x0: {  	(tag) =	ssettag $0x1  }
0x1: {  	s1 =	rddreg [dreg:$0x0]  }
0x2: {  	s0 =	simm.s32 $0x0;
	s2 =	srdreg.scid;
	s30 =	stileid.u32  }
0x3: {  	s12 =	simm.s32 $0x600000;
	[smem:$0x7FF] =	sst s0;
	s6 =	sadd.s32 $0x300A00, s1  }
0x4: {  	s5 =	sand.u32 $0x1, s2;
	s8 =	sadd.s32 $0x20A00, s1;
	s4 =	sshll.u32 s30, $0x12  }
0x5: {  	s7 =	sshll.u32 s30, $0x7;
	s9 =	sshll.u32 s30, $0x1;
	s31 =	sshll.u32 s30, $0x9  }
0x6: {  	s2 =	ssub.s32 $0x2, s5;
	s4 =	sand.u32 $0x200000, s4;
	s7 =	sand.u32 $0x380, s7  }
0x7: {  	s9 =	sor.u32 s5, s9;
	s11 =	sshll.u32 s5, $0x14;
	s13 =	sshll.u32 s5, $0x4  }
0x8: {  	s3 =	sshrl.u32 s2, $0x1;
	s10 =	sor.u32 s7, s4;
	s26 =	sor.u32 $0x20, s9  }
0x9: {  	s20 =	sor.u32 $0x40, s9;
	s17 =	sadd.s32 s8, s13;
	s3 =	ssub.s32 s2, s3  }
0xa: {  	s25 =	sor.u32 s11, s10;
	s18 =	sadd.s32 $0xFFFFFFDA, s26;
	p0 =	sgt.u32 s26, $0x25  }
0xb: {  	s21 =	sand.u32 $0xFF, s20;
	s11 =	sadd.s32 s31, s17;
	s2 =	sshrl.u32 s25, $0x3  }
0xc: {  	s4 =	smin.u32 s26, s18;
	s12 =	simm.s32 @!p0 $0x0;
	s13 =	smul.u32 $0x1B, s21  }
0xd: {  	[dreg:$0x2] =	wrdreg s11;
	s7 =	sand.u32 $0x1, s4;
	s14 =	sshll.u32 s4, $0x11  }
0xe: {  	s15 =	sshll.u32 s4, $0x6;
	s2 =	sadd.s32 s6, s2;
	s4 =	sshll.u32 s4, $0xB  }
0xf: {  	s14 =	sand.u32 $0x600000, s14;
	s19 =	sand.u32 $0x380, s15;
	s16 =	sshll.u32 s7, $0x14  }
0x10: {  	s23 =	sand.u32 $0xFFFFF000, s4;
	s25 =	sshll.u32 s7, $0x7;
	s12 =	sadd.s32 s12, s14  }
0x11: {  	s15 =	sor.u32 $0x60, s9;
	s14 =	simm.s32 $0x13000;
	s12 =	sor.u32 s19, s12  }
0x12: {  	s9 =	sor.u32 $0xFFFFFF80, s9;
	s14 =	simm.s32 @!p0 $0x0;
	s16 =	sor.u32 s16, s12  }
0x13: {  	s19 =	sand.u32 $0xFF, s15;
	s22 =	sshrl.u32 s16, $0x3;
	s16 =	sshrl.u32 s13, $0xA  }
0x14: {  	s24 =	sadd.s32 s14, s23;
	s12 =	sshrl.u32 s12, $0x3;
	s18 =	smul.u32 $0x26, s16  }
0x15: {  	s11 =	sor.u32 s25, s24;
	s12 =	sadd.s32 s6, s12;
	s31 =	smul.u32 $0x600000, s16  }
0x16: {  	s4 =	sadd.s32 s6, s22;
	s23 =	smul.u32 $0x13000, s16;
	[dreg:$0x7] =	wrdreg s12  }
0x17: {  	s26 =	ssub.s32 s20, s18;
	s20 =	sshrl.u32 s11, $0x3;
	s11 =	smul.u32 $0x1B, s19  }
0x18: {  	s18 =	sshll.u32 s26, $0x11;
	s21 =	sadd.s32 s8, s20;
	s22 =	sshll.u32 s26, $0x6  }
0x19: {  	s24 =	sshll.u32 s26, $0xB;
	s16 =	sand.u32 $0x1, s26;
	s18 =	sand.u32 $0x600000, s18  }
0x1a: {  	[dreg:$0x3] =	wrdreg s21;
	s20 =	sshrl.u32 s11, $0xA;
	s21 =	sand.u32 $0x1F000, s24  }
0x1b: {  	s17 =	sadd.s32 s31, s18;
	s18 =	sand.u32 $0x380, s22;
	s22 =	smul.u32 $0x26, s20  }
0x1c: {  	s26 =	sshll.u32 s16, $0x7;
	s25 =	sadd.s32 s23, s21;
	s31 =	smul.u32 $0x600000, s20  }
0x1d: {  	s23 =	sand.u32 $0xFF, s9;
	s20 =	smul.u32 $0x13000, s20;
	s17 =	sor.u32 s18, s17  }
0x1e: {  	s18 =	sor.u32 s26, s25;
	s25 =	smul.u32 $0x1B, s23;
	s15 =	ssub.s32 s15, s22  }
0x1f: {  	s26 =	sshll.u32 s16, $0x14;
	s18 =	sshrl.u32 s18, $0x3;
	s22 =	sshll.u32 s15, $0x11  }
0x20: {  	s21 =	sshrl.u32 s25, $0xA;
	s23 =	sshll.u32 s15, $0xB;
	s18 =	sadd.s32 s8, s18  }
0x21: {  	s24 =	sand.u32 $0x600000, s22;
	s21 =	smul.u32 $0x26, s21;
	s22 =	sor.u32 s26, s17  }
0x22: {  	s23 =	sand.u32 $0x1F000, s23;
	s14 =	sadd.s32 s31, s24;
	s31 =	sshll.u32 s15, $0x6  }
0x23: {  	[dreg:$0x4] =	wrdreg s18;
	s19 =	sand.u32 $0x380, s31;
	s9 =	ssub.s32 s9, s21  }
0x24: {  	s19 =	sor.u32 s19, s14;
	s14 =	sand.u32 $0x1, s15;
	s15 =	sadd.s32 s20, s23  }
0x25: {  	s25 =	sshll.u32 s9, $0x11;
	s21 =	sshll.u32 s9, $0x6;
	s26 =	sshll.u32 s9, $0x8  }
0x26: {  	s23 =	sshrl.u32 s22, $0x3;
	s24 =	sshll.u32 s14, $0x7;
	s20 =	sand.u32 $0x600000, s25  }
0x27: {  	s21 =	sand.u32 $0x380, s21;
	s31 =	sand.u32 $0x3E00, s26;
	s15 =	sor.u32 s24, s15  }
0x28: {  	s18 =	sor.u32 s21, s20;
	s21 =	sand.u32 $0x1, s9;
	s24 =	sshll.u32 s14, $0x14  }
0x29: {  	s15 =	sshrl.u32 s15, $0x3;
	s20 =	sshll.u32 s21, $0x4;
	s26 =	sor.u32 s24, s19  }
0x2a: {  	s18 =	sadd.s32 $0x1200000, s18;
	s15 =	sadd.s32 s8, s15;
	s8 =	sadd.s32 s31, s8  }
0x2b: {  	s31 =	sshll.u32 s21, $0x14;
	s9 =	sshrl.u32 s26, $0x3;
	s26 =	sshrl.u32 s17, $0x3  }
0x2c: {  	[dreg:$0x5] =	wrdreg s15;
	s25 =	sadd.s32 s20, s8;
	s8 =	sadd.s32 s6, s23  }
0x2d: {  	s22 =	sor.u32 s31, s18;
	s9 =	sadd.s32 s6, s9;
	s23 =	sshrl.u32 s10, $0x3  }
0x2e: {  	s31 =	sshrl.u32 s19, $0x3;
	s12 =	sadd.s32 s6, s26;
	s18 =	sshrl.u32 s18, $0x3  }
0x2f: {  	s19 =	sshll.u32 s7, $0x13;
	s20 =	sshll.u32 s5, $0x10;
	s5 =	sshll.u32 s5, $0x11  }
0x30: {  	s15 =	sshrl.u32 s22, $0x3;
	s24 =	sadd.s32 s6, s23;
	[dreg:$0x8] =	wrdreg s12  }
0x31: {  	s17 =	sadd.s32 s6, s31;
	s12 =	simm.s32 $0x80;
	s23 =	sshll.u32 s7, $0x11  }
0x32: {  	s31 =	sshrl.u32 s11, $0x3;
	s11 =	sshll.u32 s16, $0x13;
	s25 =	sadd.s32 $0x7200, s25  }
0x33: {  	s7 =	simm.s32 $0x4000;
	s10 =	sadd.s32 s6, s15;
	[dreg:$0x6] =	wrdreg s24  }
0x34: {  	[dreg:$0x9] =	wrdreg s17;
	s6 =	sadd.s32 s6, s18;
	s12 =	simm.s32 @!p0 $0x0  }
0x35: {  	s18 =	sadd.s32 $0xA00, s1;
	s24 =	sshrl.u32 s13, $0x3;
	s13 =	sshll.u32 s14, $0x13  }
0x36: {  	s15 =	sshll.u32 s16, $0x11;
	s16 =	sshll.u32 s14, $0x11;
	[dreg:$0xa] =	wrdreg s6  }
0x37: {  	s17 =	sadd.s32 $0xA30, s1;
	_ =	strace $0x80000047;
	[dreg:$0xd] =	wrdreg s12  }
0x38: {  	p0 =	sgt.u32 s30, $0xB;
	s1 =	simm.s32 $0xC080;
	[dreg:$0xb] =	wrdreg s5  }
0x39: {  	s6 =	sor.u32 s12, s19;
	s20 =	sadd.s32 s18, s20;
	[dreg:$0xc] =	wrdreg s23  }
0x3a: {  	s26 =	sand.u32 $0x180, s24;
	s19 =	sshll.u32 s21, $0x10;
	[dreg:$0xe] =	wrdreg s15  }
0x3b: {  	s22 =	sshrl.u32 s6, $0x3;
	s24 =	smov.u32 s26;
	[dreg:$0xf] =	wrdreg s16  }
0x3c: {  	s6 =	sor.u32 s26, s11;
	s12 =	sand.u32 $0x180, s31;
	[dreg:$0x10] =	wrdreg s17  }
0x3d: {  	s23 =	sshll.u32 s21, $0x11;
	[dreg:$0x12] =	wrdreg s25;
	s31 =	smax.u32 s3, $0x1  }
.Ltmp0:
0x3e: {  	s3 =	simm.s32 $0x14100;
	s22 =	sadd.s32 s18, s22;
	(pc) =	sbr.rel .LBB2_1-.Ltmp0, $4  }
0x3f: {  	s6 =	sshrl.u32 s6, $0x3;
	s28 =	smov.u32 s12;
	[dreg:$0x11] =	wrdreg s23  }
0x40: {  	s5 =	sor.u32 s12, s13;
	s13 =	sadd.s32 s19, s17;
	[dreg:$0x13] =	wrdreg s31  }
0x41: {  	v1 =	vlaneseq.u32;
	s12 =	simm.s32 $0x0;
	s26 =	sadd.s32 s18, s6;
	s5 =	sshrl.u32 s5, $0x3  }
0x42: {  	v0 =	vimm.f32 $0.0e+00;
	v1 =	vmul.u32 $0x801, v1;
	s6 =	simm.s32 $0x2;
	s29 =	sadd.s32 s18, s5;
	s5 =	simm.s32 $0x1  }
.LBB2_98:
0x43: {  	s12 =	sadd.s32 $0x1, s12;
	s11 =	rddreg [dreg:$0x13]  }
0x44: {  	p1 =	sne.s32 s12, s11  }
.Ltmp1:
0x45: {  	_ = 	snop;
	(pc) =	sbr.rel @!p1 .LBB2_99-.Ltmp1, $1  }
0x46: {  	_ =	sdelay $0x3  }
.LBB2_1:
0x47: {  	[dreg:$0x14] =	wrdreg s12;
	s11 =	simm.s32 $0x0  }
.LBB2_2:
0x48: {  	p1 =	sne.s32 s11, $0x20000  }
.Ltmp2:
0x49: {  	_ = 	snop;
	(pc) =	sbr.rel @p1 .LBB2_2-.Ltmp2, $4  }
0x4a: {  	s12 =	sshra.s32 s11, $0x2  }
0x4b: {  	[tilespmem:s12+$0x4000] =	vst v0  }
0x4c: {  	[tilespmem:s12+$0xC080] =	vst v0  }
0x4d: {  	s11 =	sadd.s32 $0x40, s11;
	[tilespmem:s12+$0x14100] =	vst v0  }
0x4e: {  	s11 =	simm.s32 $0x0  }
0x4f: {  	s12 =	simm.s32 $0x80;
	s15 =	sadd.s32 $0x0, s2;
	s14 =	simm.s32 $0x100  }
.LBB2_4:
0x50: {  	[tilespmem:s11], [sflag:$0x1] =	stream.linear.gather [hbm4b:s15+s0], $0x80, $0x38;
	[tilespmem:$0x1C980] =	vst v63  }
0x51: {  	s15 =	smov.u32 s12;
	s11 =	smov.u32 s14;
	p1 =	sne.s32 s12, $0xF80  }
.Ltmp3:
0x52: {  	s12 =	sadd.s32 $0x80, s12;
	(pc) =	sbr.rel @p1 .LBB2_4-.Ltmp3, $2  }
0x53: {  	_ =	sdelay $0x2  }
0x54: {  	s14 =	sadd.s32 $0x100, s14;
	s15 =	sadd.s32 s15, s2  }
0x55: {  	[tilespmem:s11], [sflag:$0x1] =	stream.linear.gather [hbm4b:s15+s0], $0x80, $0x38;
	[tilespmem:$0x1C980] =	vst v63  }
0x56: {  	s11 =	simm.s32 $0x0;
	s12 =	simm.s32 $0x2000  }
0x57: {  	s14 =	simm.s32 $0x40;
	s16 =	sadd.s32 $0x0, s20;
	s15 =	simm.s32 $0x2100  }
.LBB2_6:
0x58: {  	[tilespmem:s12], [sflag:$0x2] =	stream.linear.gather [hbm4b:s16+s11], $0x80, $0x38;
	[tilespmem:$0x1C980] =	vst v63  }
0x59: {  	s16 =	smov.u32 s14;
	s12 =	smov.u32 s15;
	p1 =	sne.s32 s14, $0x7C0  }
.Ltmp4:
0x5a: {  	s14 =	sadd.s32 $0x40, s14;
	(pc) =	sbr.rel @p1 .LBB2_6-.Ltmp4, $2  }
0x5b: {  	_ =	sdelay $0x2  }
0x5c: {  	s15 =	sadd.s32 $0x100, s15;
	s16 =	sadd.s32 s16, s20  }
0x5d: {  	[tilespmem:s12], [sflag:$0x2] =	stream.linear.gather [hbm4b:s16+s11], $0x80, $0x38;
	[tilespmem:$0x1C980] =	vst v63  }
.LBB2_8:
0x5e: {  	_ =	swait.ge [sflag:s5], $0x1000;
	p1 =	seq.s32 s11, $0x1F  }
.Ltmp5:
0x5f: {  	[sflag:s5] =	ssyncset.done $0x0;
	(pc) =	sbr.rel @!p1 .LBB2_10-.Ltmp5, $4  }
0x60: {  	[sflag:s5] =	ssyncadd.s32 $0xFFFFF000  }
0x61: {  	_ =	swait.ge [sflag:s6], $0x1000  }
0x62: {  	[sflag:s6] =	ssyncset.done $0x0  }
0x63: {  	s16 =	sadd.s32 $0x1, s11;
	[sflag:s6] =	ssyncadd.s32 $0xFFFFF000  }
.Ltmp6:
0x64: {  	(pc) =	sbr.rel .LBB2_15-.Ltmp6, $2  }
0x65: {  	_ =	sdelay $0x2  }
0x66: {  	s30 =	simm.s32 $0x1FF0;
	s31 =	simm.s32 $0x80  }
.LBB2_10:
0x67: {  	s12 =	sshll.u32 s16, $0xC;
	s11 =	sshll.u32 s11, $0x7;
	s14 =	rddreg [dreg:$0xb]  }
0x68: {  	s25 =	rddreg [dreg:$0x6];
	s12 =	sadd.s32 s14, s12;
	s31 =	sand.u32 $0x80, s11  }
0x69: {  	s30 =	simm.s32 $0x80;
	s21 =	sxor.u32 $0x80, s31;
	s15 =	sadd.s32 s25, s12  }
0x6a: {  	s25 =	sadd.s32 $0x0, s15;
	s19 =	sadd.s32 $0x100, s21;
	s14 =	smov.u32 s21  }
.LBB2_11:
0x6b: {  	[tilespmem:s14], [sflag:$0x1] =	stream.linear.gather [hbm4b:s25+s0], $0x80, $0x38;
	[tilespmem:$0x1C980] =	vst v63  }
0x6c: {  	s25 =	smov.u32 s30;
	s14 =	smov.u32 s19;
	p1 =	sne.s32 s30, $0xF80  }
.Ltmp7:
0x6d: {  	s30 =	sadd.s32 $0x80, s30;
	(pc) =	sbr.rel @p1 .LBB2_11-.Ltmp7, $2  }
0x6e: {  	_ =	sdelay $0x2  }
0x6f: {  	s19 =	sadd.s32 $0x100, s19;
	s25 =	sadd.s32 s25, s15  }
0x70: {  	[tilespmem:s14], [sflag:$0x1] =	stream.linear.gather [hbm4b:s25+s0], $0x80, $0x38;
	[tilespmem:$0x1C980] =	vst v63  }
0x71: {  	s30 =	sshrl.u32 s12, $0x1  }
0x72: {  	s12 =	sor.u32 $0x2000, s21;
	s14 =	sadd.s32 s18, s30  }
0x73: {  	s15 =	simm.s32 $0x40;
	s19 =	sadd.s32 $0x100, s12;
	s21 =	sadd.s32 $0x0, s14  }
.LBB2_13:
0x74: {  	[tilespmem:s12], [sflag:$0x2] =	stream.linear.gather [hbm4b:s21+s0], $0x80, $0x38;
	[tilespmem:$0x1C980] =	vst v63  }
0x75: {  	s21 =	smov.u32 s15;
	s12 =	smov.u32 s19;
	p1 =	sne.s32 s15, $0x7C0  }
.Ltmp8:
0x76: {  	s15 =	sadd.s32 $0x40, s15;
	(pc) =	sbr.rel @p1 .LBB2_13-.Ltmp8, $2  }
0x77: {  	_ =	sdelay $0x2  }
0x78: {  	s19 =	sadd.s32 $0x100, s19;
	s21 =	sadd.s32 s21, s14  }
0x79: {  	[tilespmem:s12], [sflag:$0x2] =	stream.linear.gather [hbm4b:s21+s0], $0x80, $0x38;
	[tilespmem:$0x1C980] =	vst v63  }
0x7a: {  	s30 =	sor.u32 $0x1F70, s11  }
.LBB2_15:
0x7b: {  	s11 =	simm.s32 $0x0  }
0x7c: {  	s12 =	sand.u32 $0x70, s11;
	s11 =	sand.u32 $0x3F00, s11  }
0x7d: {  	s11 =	sor.u32 s11, s12  }
0x7e: {  	s11 =	sor.u32 s31, s11  }
0x7f: {  	v2 =	vld [tilespmem:s11+$0x2000]  }
0x80: {  	s21 =	simm.s32 $0x20;
	s19 =	simm.s32 $0x10  }
0x81: {  	s14 =	simm.s32 $0x40;
	s19 =	sand.u32 $0x70, s19;
	s12 =	sand.u32 $0x7F00, s21  }
0x82: {  	s15 =	sand.u32 $0x70, s21;
	s14 =	sand.u32 $0x7F00, s14;
	s12 =	sor.u32 s12, s19  }
0x83: {  	s14 =	sor.u32 s14, s15;
	s12 =	sor.u32 s31, s12  }
0x84: {  	s14 =	sor.u32 s31, s14;
	v4 =	vld [tilespmem:s12+$0x2000];
	v3 =	vadd.s32 v1, v2  }
0x85: {  	v2 =	vld [tilespmem:s14+$0x2000];
	_ =	sdelay $0x2  }
0x86: {  	v6 =	vld [tilespmem:s11+$0x0]  }
0x87: {  	v4 =	vadd.s32 v1, v4;
	v5 =	vld.idx.msk [tilespmem:v3+s7+$0x0], $0xffff  }
0x88: {  	v2 =	vadd.s32 v1, v2;
	_ =	sdelay $0x3  }
0x89: {  	v8 =	vld.idx.msk [tilespmem:v4+s1+$0x0], $0xffff;
	v5 =	vmax.f32 v5, v6  }
0x8a: {  	v7 =	vld.idx.msk [tilespmem:v2+s3+$0x0], $0xffff;
	[tilespmem:v3+s7+$0x0] =	vst.idx.msk $0xffff, v5  }
0x8b: {  	v3 =	vld [tilespmem:s12+$0x0];
	_ =	sdelay $0x4  }
0x8c: {  	v3 =	vmax.f32 v8, v3  }
0x8d: {  	[tilespmem:v4+s1+$0x0] =	vst.idx.msk $0xffff, v3  }
0x8e: {  	v3 =	vld [tilespmem:s14+$0x0];
	_ =	sdelay $0x2  }
0x8f: {  	s11 =	simm.s32 $0x60;
	s12 =	simm.s32 $0x30  }
0x90: {  	s23 =	simm.s32 $0x50;
	s21 =	sand.u32 $0x3F00, s11;
	s25 =	sand.u32 $0x70, s12  }
0x91: {  	s19 =	simm.s32 $0x60;
	s21 =	sor.u32 s21, s25;
	s14 =	sand.u32 $0x70, s23;
	v3 =	vmax.f32 v7, v3  }
.LBB2_16:
0x92: {  	s25 =	sadd.s32 $0x20, s19  }
0x93: {  	s21 =	sor.u32 s31, s21;
	[tilespmem:v2+s3+$0x0] =	vst.idx.msk $0xffff, v3;
	s17 =	smov.u32 s19;
	s15 =	sadd.s32 $0x30, s19  }
0x94: {  	p1 =	sne.s32 s19, $0xFC0;
	s25 =	sand.u32 $0x70, s25;
	v2 =	vld [tilespmem:s21+$0x2000]  }
0x95: {  	s19 =	sadd.s32 $0x40, s11  }
0x96: {  	s12 =	sadd.s32 $0x10, s12;
	s23 =	sadd.s32 $0x20, s11;
	s19 =	sand.u32 $0x7F00, s19  }
0x97: {  	s12 =	sand.u32 $0x70, s12;
	s23 =	sand.u32 $0x7F00, s23;
	s14 =	sor.u32 s19, s14  }
0x98: {  	s19 =	sor.u32 s23, s12;
	s12 =	smov.u32 s17;
	s23 =	sor.u32 s31, s14  }
0x99: {  	s17 =	sor.u32 s31, s19;
	s14 =	smov.u32 s25;
	v3 =	vadd.s32 v1, v2;
	v2 =	vld [tilespmem:s23+$0x2000]  }
0x9a: {  	v4 =	vld [tilespmem:s17+$0x2000];
	_ =	sdelay $0x3  }
0x9b: {  	v5 =	vld.idx.msk [tilespmem:v3+s7+$0x0], $0xffff;
	v2 =	vadd.s32 v1, v2  }
0x9c: {  	v4 =	vadd.s32 v1, v4;
	v6 =	vld [tilespmem:s21+$0x0];
	_ =	sdelay $0x3  }
0x9d: {  	v7 =	vld.idx.msk [tilespmem:v2+s3+$0x0], $0xffff  }
0x9e: {  	v8 =	vld.idx.msk [tilespmem:v4+s1+$0x0], $0xffff;
	v5 =	vmax.f32 v5, v6  }
0x9f: {  	[tilespmem:v3+s7+$0x0] =	vst.idx.msk $0xffff, v5  }
0xa0: {  	v3 =	vld [tilespmem:s17+$0x0];
	_ =	sdelay $0x4  }
0xa1: {  	v3 =	vmax.f32 v8, v3  }
0xa2: {  	[tilespmem:v4+s1+$0x0] =	vst.idx.msk $0xffff, v3  }
0xa3: {  	v3 =	vld [tilespmem:s23+$0x0]  }
.Ltmp9:
0xa4: {  	(pc) =	sbr.rel @p1 .LBB2_16-.Ltmp9, $4  }
0xa5: {  	_ = 	snop  }
0xa6: {  	s11 =	sadd.s32 $0x60, s11  }
0xa7: {  	s19 =	sand.u32 $0x3F00, s11;
	s17 =	sand.u32 $0x70, s12  }
0xa8: {  	s21 =	sor.u32 s19, s17;
	s19 =	smov.u32 s15;
	v3 =	vmax.f32 v7, v3  }
0xa9: {  	_ =	sdelay $0x3  }
0xaa: {  	s15 =	sor.u32 s31, s21;
	[tilespmem:v2+s3+$0x0] =	vst.idx.msk $0xffff, v3  }
0xab: {  	v2 =	vld [tilespmem:s15+$0x2000]  }
0xac: {  	s17 =	sadd.s32 $0x40, s11  }
0xad: {  	s12 =	sadd.s32 $0x10, s12;
	s23 =	sadd.s32 $0x20, s11;
	s17 =	sand.u32 $0x7F00, s17  }
0xae: {  	s12 =	sand.u32 $0x70, s12;
	s11 =	sand.u32 $0x7F00, s23;
	s14 =	sor.u32 s17, s14  }
0xaf: {  	s11 =	sor.u32 s11, s12;
	s25 =	sor.u32 s31, s14  }
0xb0: {  	s11 =	sor.u32 s31, s11;
	v3 =	vld [tilespmem:s25+$0x2000];
	v2 =	vadd.s32 v1, v2  }
0xb1: {  	v4 =	vld [tilespmem:s11+$0x2000];
	_ =	sdelay $0x2  }
0xb2: {  	v6 =	vld [tilespmem:s15+$0x0]  }
0xb3: {  	v3 =	vadd.s32 v1, v3;
	v5 =	vld.idx.msk [tilespmem:v2+s7+$0x0], $0xffff  }
0xb4: {  	v4 =	vadd.s32 v1, v4;
	_ =	sdelay $0x3  }
0xb5: {  	v7 =	vld.idx.msk [tilespmem:v3+s3+$0x0], $0xffff;
	v5 =	vmax.f32 v5, v6  }
0xb6: {  	v8 =	vld.idx.msk [tilespmem:v4+s1+$0x0], $0xffff;
	[tilespmem:v2+s7+$0x0] =	vst.idx.msk $0xffff, v5  }
0xb7: {  	v2 =	vld [tilespmem:s11+$0x0];
	_ =	sdelay $0x4  }
0xb8: {  	v2 =	vmax.f32 v8, v2  }
0xb9: {  	[tilespmem:v4+s1+$0x0] =	vst.idx.msk $0xffff, v2  }
0xba: {  	v2 =	vld [tilespmem:s25+$0x0];
	_ =	sdelay $0x4  }
0xbb: {  	v2 =	vmax.f32 v7, v2  }
0xbc: {  	[tilespmem:v3+s3+$0x0] =	vst.idx.msk $0xffff, v2  }
0xbd: {  	v2 =	vld [tilespmem:s30+$0x2000];
	_ =	sdelay $0x4  }
0xbe: {  	v2 =	vadd.s32 v1, v2;
	_ =	sdelay $0x3  }
0xbf: {  	v4 =	vld [tilespmem:s30+$0x0]  }
0xc0: {  	v3 =	vld.idx.msk [tilespmem:v2+s7+$0x0], $0xffff  }
0xc1: {  	p1 =	sne.s32 s16, $0x20  }
.Ltmp10:
0xc2: {  	_ = 	snop;
	(pc) =	sbr.rel @p1 .LBB2_8-.Ltmp10, $3  }
0xc3: {  	_ =	sdelay $0x1  }
0xc4: {  	v3 =	vmax.f32 v3, v4  }
0xc5: {  	s11 =	smov.u32 s16;
	[tilespmem:v2+s7+$0x0] =	vst.idx.msk $0xffff, v3  }
0xc6: {  	s16 =	simm.s32 $0x0  }
0xc7: {  	v2 =	vld [tilespmem:s16+$0x4000]  }
0xc8: {  	v3 =	vld [tilespmem:s16+$0xC080]  }
0xc9: {  	v4 =	vld [tilespmem:s16+$0x14100]  }
0xca: {  	v5 =	vld [tilespmem:s16+$0x4801]  }
0xcb: {  	v6 =	vld [tilespmem:s16+$0xC881]  }
0xcc: {  	v7 =	vld [tilespmem:s16+$0x14901]  }
0xcd: {  	v2 =	vmax.f32 v2, v3;
	v3 =	vld [tilespmem:s16+$0x5002]  }
0xce: {  	v2 =	vmax.f32 v2, v4;
	v4 =	vld [tilespmem:s16+$0xD082]  }
0xcf: {  	v2 =	vmax.f32 v2, v5;
	v5 =	vld [tilespmem:s16+$0x15102]  }
0xd0: {  	v2 =	vmax.f32 v2, v6;
	v6 =	vld [tilespmem:s16+$0x5803]  }
0xd1: {  	v2 =	vmax.f32 v2, v7;
	v7 =	vld [tilespmem:s16+$0xD883]  }
0xd2: {  	v2 =	vmax.f32 v2, v3;
	v3 =	vld [tilespmem:s16+$0x15903]  }
0xd3: {  	v2 =	vmax.f32 v2, v4;
	v4 =	vld [tilespmem:s16+$0x6004]  }
0xd4: {  	v2 =	vmax.f32 v2, v5;
	v5 =	vld [tilespmem:s16+$0xE084]  }
0xd5: {  	v2 =	vmax.f32 v2, v6;
	v6 =	vld [tilespmem:s16+$0x16104]  }
0xd6: {  	v2 =	vmax.f32 v2, v7;
	v7 =	vld [tilespmem:s16+$0x6805]  }
0xd7: {  	v2 =	vmax.f32 v2, v3;
	v3 =	vld [tilespmem:s16+$0xE885]  }
0xd8: {  	v2 =	vmax.f32 v2, v4;
	v4 =	vld [tilespmem:s16+$0x16905]  }
0xd9: {  	v2 =	vmax.f32 v2, v5;
	v5 =	vld [tilespmem:s16+$0x7006]  }
0xda: {  	v2 =	vmax.f32 v2, v6;
	v6 =	vld [tilespmem:s16+$0xF086]  }
0xdb: {  	v2 =	vmax.f32 v2, v7;
	v7 =	vld [tilespmem:s16+$0x17106]  }
0xdc: {  	v2 =	vmax.f32 v2, v3;
	v3 =	vld [tilespmem:s16+$0x7807]  }
0xdd: {  	v2 =	vmax.f32 v2, v4;
	v4 =	vld [tilespmem:s16+$0xF887]  }
0xde: {  	v2 =	vmax.f32 v2, v5;
	v5 =	vld [tilespmem:s16+$0x17907]  }
0xdf: {  	v2 =	vmax.f32 v2, v6;
	v6 =	vld [tilespmem:s16+$0x8008]  }
0xe0: {  	v2 =	vmax.f32 v2, v7;
	v7 =	vld [tilespmem:s16+$0x10088]  }
0xe1: {  	v2 =	vmax.f32 v2, v3;
	v3 =	vld [tilespmem:s16+$0x18108]  }
0xe2: {  	v2 =	vmax.f32 v2, v4;
	v4 =	vld [tilespmem:s16+$0x8809]  }
0xe3: {  	v2 =	vmax.f32 v2, v5;
	v5 =	vld [tilespmem:s16+$0x10889]  }
0xe4: {  	v2 =	vmax.f32 v2, v6;
	v6 =	vld [tilespmem:s16+$0x18909]  }
0xe5: {  	v2 =	vmax.f32 v2, v7;
	v7 =	vld [tilespmem:s16+$0x900A]  }
0xe6: {  	v2 =	vmax.f32 v2, v3;
	v3 =	vld [tilespmem:s16+$0x1108A]  }
0xe7: {  	v2 =	vmax.f32 v2, v4;
	v4 =	vld [tilespmem:s16+$0x1910A]  }
0xe8: {  	v2 =	vmax.f32 v2, v5;
	v5 =	vld [tilespmem:s16+$0x980B]  }
0xe9: {  	v2 =	vmax.f32 v2, v6;
	v6 =	vld [tilespmem:s16+$0x1188B]  }
0xea: {  	v2 =	vmax.f32 v2, v7;
	v7 =	vld [tilespmem:s16+$0x1990B]  }
0xeb: {  	v2 =	vmax.f32 v2, v3;
	v3 =	vld [tilespmem:s16+$0xA00C]  }
0xec: {  	v2 =	vmax.f32 v2, v4;
	v4 =	vld [tilespmem:s16+$0x1208C]  }
0xed: {  	v2 =	vmax.f32 v2, v5;
	v5 =	vld [tilespmem:s16+$0x1A10C]  }
0xee: {  	v2 =	vmax.f32 v2, v6;
	v6 =	vld [tilespmem:s16+$0xA80D]  }
0xef: {  	v2 =	vmax.f32 v2, v7;
	v7 =	vld [tilespmem:s16+$0x1288D]  }
0xf0: {  	v8 =	vld [tilespmem:s16+$0x1A90D];
	v2 =	vmax.f32 v2, v3  }
0xf1: {  	v9 =	vld [tilespmem:s16+$0xB00E];
	v2 =	vmax.f32 v2, v4  }
0xf2: {  	v10 =	vld [tilespmem:s16+$0x1308E];
	v2 =	vmax.f32 v2, v5  }
0xf3: {  	v3 =	vld [tilespmem:s16+$0x1B10E];
	v2 =	vmax.f32 v2, v6  }
0xf4: {  	v4 =	vld [tilespmem:s16+$0xB80F];
	v2 =	vmax.f32 v2, v7  }
0xf5: {  	v5 =	vld [tilespmem:s16+$0x1388F];
	v2 =	vmax.f32 v2, v8  }
0xf6: {  	s31 =	simm.s32 $0x10;
	v6 =	vld [tilespmem:s16+$0x1B90F];
	v7 =	vmax.f32 v2, v9  }
0xf7: {  	s30 =	simm.s32 $0x80;
	v2 =	vld [tilespmem:s31+$0x4000];
	v7 =	vmax.f32 v7, v10  }
.LBB2_19:
0xf8: {  	p1 =	sne.s32 s30, $0x1FC0;
	v8 =	vld [tilespmem:s31+$0xC080];
	v3 =	vmax.f32 v7, v3  }
0xf9: {  	v7 =	vld [tilespmem:s31+$0x14100];
	v3 =	vmax.f32 v3, v4  }
0xfa: {  	v4 =	vld [tilespmem:s31+$0x4801];
	v3 =	vmax.f32 v3, v5  }
0xfb: {  	v5 =	vld [tilespmem:s31+$0xC881];
	v3 =	vmax.f32 v3, v6  }
0xfc: {  	v6 =	vld [tilespmem:s31+$0x14901];
	[tilespmem:s16+$0x1C180] =	vst v3;
	s16 =	smov.u32 s31  }
0xfd: {  	v2 =	vmax.f32 v2, v8;
	v3 =	vld [tilespmem:s16+$0x5002]  }
0xfe: {  	v2 =	vmax.f32 v2, v7;
	v7 =	vld [tilespmem:s16+$0xD082]  }
0xff: {  	v2 =	vmax.f32 v2, v4;
	v4 =	vld [tilespmem:s16+$0x15102]  }
0x100: {  	v2 =	vmax.f32 v2, v5;
	v5 =	vld [tilespmem:s16+$0x5803]  }
0x101: {  	v2 =	vmax.f32 v2, v6;
	v6 =	vld [tilespmem:s16+$0xD883]  }
0x102: {  	v2 =	vmax.f32 v2, v3;
	v3 =	vld [tilespmem:s16+$0x15903]  }
0x103: {  	v2 =	vmax.f32 v2, v7;
	v7 =	vld [tilespmem:s16+$0x6004]  }
0x104: {  	v2 =	vmax.f32 v2, v4;
	v4 =	vld [tilespmem:s16+$0xE084]  }
0x105: {  	v2 =	vmax.f32 v2, v5;
	v5 =	vld [tilespmem:s16+$0x16104]  }
0x106: {  	v2 =	vmax.f32 v2, v6;
	v6 =	vld [tilespmem:s16+$0x6805]  }
0x107: {  	v2 =	vmax.f32 v2, v3;
	v3 =	vld [tilespmem:s16+$0xE885]  }
0x108: {  	v2 =	vmax.f32 v2, v7;
	v7 =	vld [tilespmem:s16+$0x16905]  }
0x109: {  	v2 =	vmax.f32 v2, v4;
	v4 =	vld [tilespmem:s16+$0x7006]  }
0x10a: {  	v2 =	vmax.f32 v2, v5;
	v5 =	vld [tilespmem:s16+$0xF086]  }
0x10b: {  	v2 =	vmax.f32 v2, v6;
	v6 =	vld [tilespmem:s16+$0x17106]  }
0x10c: {  	v2 =	vmax.f32 v2, v3;
	v3 =	vld [tilespmem:s16+$0x7807]  }
0x10d: {  	v2 =	vmax.f32 v2, v7;
	v7 =	vld [tilespmem:s16+$0xF887]  }
0x10e: {  	v2 =	vmax.f32 v2, v4;
	v4 =	vld [tilespmem:s16+$0x17907]  }
0x10f: {  	v2 =	vmax.f32 v2, v5;
	v5 =	vld [tilespmem:s16+$0x8008]  }
0x110: {  	v2 =	vmax.f32 v2, v6;
	v6 =	vld [tilespmem:s16+$0x10088]  }
0x111: {  	v2 =	vmax.f32 v2, v3;
	v3 =	vld [tilespmem:s16+$0x18108]  }
0x112: {  	v2 =	vmax.f32 v2, v7;
	v7 =	vld [tilespmem:s16+$0x8809]  }
0x113: {  	v2 =	vmax.f32 v2, v4;
	v4 =	vld [tilespmem:s16+$0x10889]  }
0x114: {  	v2 =	vmax.f32 v2, v5;
	v5 =	vld [tilespmem:s16+$0x18909]  }
0x115: {  	v2 =	vmax.f32 v2, v6;
	v6 =	vld [tilespmem:s16+$0x900A]  }
0x116: {  	v2 =	vmax.f32 v2, v3;
	v3 =	vld [tilespmem:s16+$0x1108A]  }
0x117: {  	v2 =	vmax.f32 v2, v7;
	v7 =	vld [tilespmem:s16+$0x1910A]  }
0x118: {  	v2 =	vmax.f32 v2, v4;
	v4 =	vld [tilespmem:s16+$0x980B]  }
0x119: {  	v2 =	vmax.f32 v2, v5;
	v5 =	vld [tilespmem:s16+$0x1188B]  }
0x11a: {  	v2 =	vmax.f32 v2, v6;
	v6 =	vld [tilespmem:s16+$0x1990B]  }
0x11b: {  	v2 =	vmax.f32 v2, v3;
	v3 =	vld [tilespmem:s16+$0xA00C]  }
0x11c: {  	v2 =	vmax.f32 v2, v7;
	v7 =	vld [tilespmem:s16+$0x1208C]  }
0x11d: {  	v2 =	vmax.f32 v2, v4;
	v4 =	vld [tilespmem:s16+$0x1A10C]  }
0x11e: {  	v2 =	vmax.f32 v2, v5;
	v5 =	vld [tilespmem:s16+$0xA80D]  }
0x11f: {  	v2 =	vmax.f32 v2, v6;
	v6 =	vld [tilespmem:s16+$0x1288D]  }
0x120: {  	v2 =	vmax.f32 v2, v3;
	v8 =	vld [tilespmem:s16+$0x1A90D]  }
0x121: {  	v2 =	vmax.f32 v2, v7;
	v7 =	vld [tilespmem:s16+$0xB00E]  }
0x122: {  	v2 =	vmax.f32 v2, v4;
	v9 =	vld [tilespmem:s16+$0x1308E]  }
.Ltmp11:
0x123: {  	v2 =	vmax.f32 v2, v5;
	v3 =	vld [tilespmem:s16+$0x1B10E];
	(pc) =	sbr.rel @p1 .LBB2_19-.Ltmp11, $4  }
0x124: {  	v2 =	vmax.f32 v2, v6;
	v4 =	vld [tilespmem:s16+$0xB80F]  }
0x125: {  	v2 =	vmax.f32 v2, v8;
	v5 =	vld [tilespmem:s16+$0x1388F]  }
0x126: {  	s31 =	sshra.s32 s30, $0x2;
	v7 =	vmax.f32 v2, v7;
	v6 =	vld [tilespmem:s16+$0x1B90F]  }
0x127: {  	s30 =	sadd.s32 $0x40, s30;
	v2 =	vld [tilespmem:s31+$0x4000];
	v7 =	vmax.f32 v7, v9  }
0x128: {  	v8 =	vld [tilespmem:s31+$0xC080];
	v3 =	vmax.f32 v7, v3  }
0x129: {  	v27 =	vld [tilespmem:s31+$0x14100];
	v3 =	vmax.f32 v3, v4  }
0x12a: {  	v28 =	vld [tilespmem:s31+$0x4801];
	v3 =	vmax.f32 v3, v5  }
0x12b: {  	v29 =	vld [tilespmem:s31+$0xC881];
	v3 =	vmax.f32 v3, v6  }
0x12c: {  	v30 =	vld [tilespmem:s31+$0x14901];
	[tilespmem:s16+$0x1C180] =	vst v3  }
0x12d: {  	v2 =	vmax.f32 v2, v8;
	v3 =	vld [tilespmem:s31+$0x5002]  }
0x12e: {  	v31 =	vld [tilespmem:s31+$0xD082];
	v2 =	vmax.f32 v2, v27  }
0x12f: {  	v32 =	vld [tilespmem:s31+$0x15102];
	v2 =	vmax.f32 v2, v28  }
0x130: {  	v33 =	vld [tilespmem:s31+$0x5803];
	v2 =	vmax.f32 v2, v29  }
0x131: {  	v34 =	vld [tilespmem:s31+$0xD883];
	v2 =	vmax.f32 v2, v30  }
0x132: {  	v2 =	vmax.f32 v2, v3;
	v3 =	vld [tilespmem:s31+$0x15903]  }
0x133: {  	v35 =	vld [tilespmem:s31+$0x6004];
	v2 =	vmax.f32 v2, v31  }
0x134: {  	v36 =	vld [tilespmem:s31+$0xE084];
	v2 =	vmax.f32 v2, v32  }
0x135: {  	v37 =	vld [tilespmem:s31+$0x16104];
	v2 =	vmax.f32 v2, v33  }
0x136: {  	v38 =	vld [tilespmem:s31+$0x6805];
	v2 =	vmax.f32 v2, v34  }
0x137: {  	v2 =	vmax.f32 v2, v3;
	v3 =	vld [tilespmem:s31+$0xE885]  }
0x138: {  	v39 =	vld [tilespmem:s31+$0x16905];
	v2 =	vmax.f32 v2, v35  }
0x139: {  	v40 =	vld [tilespmem:s31+$0x7006];
	v2 =	vmax.f32 v2, v36  }
0x13a: {  	v41 =	vld [tilespmem:s31+$0xF086];
	v2 =	vmax.f32 v2, v37  }
0x13b: {  	v42 =	vld [tilespmem:s31+$0x17106];
	v2 =	vmax.f32 v2, v38  }
0x13c: {  	v2 =	vmax.f32 v2, v3;
	v3 =	vld [tilespmem:s31+$0x7807]  }
0x13d: {  	v43 =	vld [tilespmem:s31+$0xF887];
	v2 =	vmax.f32 v2, v39  }
0x13e: {  	v44 =	vld [tilespmem:s31+$0x17907];
	v2 =	vmax.f32 v2, v40  }
0x13f: {  	v45 =	vld [tilespmem:s31+$0x8008];
	v2 =	vmax.f32 v2, v41  }
0x140: {  	v46 =	vld [tilespmem:s31+$0x10088];
	v2 =	vmax.f32 v2, v42  }
0x141: {  	v2 =	vmax.f32 v2, v3;
	v3 =	vld [tilespmem:s31+$0x18108]  }
0x142: {  	v47 =	vld [tilespmem:s31+$0x8809];
	v2 =	vmax.f32 v2, v43  }
0x143: {  	v48 =	vld [tilespmem:s31+$0x10889];
	v2 =	vmax.f32 v2, v44  }
0x144: {  	v49 =	vld [tilespmem:s31+$0x18909];
	v2 =	vmax.f32 v2, v45  }
0x145: {  	v50 =	vld [tilespmem:s31+$0x900A];
	v2 =	vmax.f32 v2, v46  }
0x146: {  	v2 =	vmax.f32 v2, v3;
	v3 =	vld [tilespmem:s31+$0x1108A]  }
0x147: {  	v51 =	vld [tilespmem:s31+$0x1910A];
	v2 =	vmax.f32 v2, v47  }
0x148: {  	v52 =	vld [tilespmem:s31+$0x980B];
	v2 =	vmax.f32 v2, v48  }
0x149: {  	v53 =	vld [tilespmem:s31+$0x1188B];
	v2 =	vmax.f32 v2, v49  }
0x14a: {  	v54 =	vld [tilespmem:s31+$0x1990B];
	v2 =	vmax.f32 v2, v50  }
0x14b: {  	v2 =	vmax.f32 v2, v3;
	v3 =	vld [tilespmem:s31+$0xA00C]  }
0x14c: {  	v55 =	vld [tilespmem:s31+$0x1208C];
	v2 =	vmax.f32 v2, v51  }
0x14d: {  	v56 =	vld [tilespmem:s31+$0x1A10C];
	v2 =	vmax.f32 v2, v52  }
0x14e: {  	v57 =	vld [tilespmem:s31+$0xA80D];
	v2 =	vmax.f32 v2, v53  }
0x14f: {  	v58 =	vld [tilespmem:s31+$0x1288D];
	v2 =	vmax.f32 v2, v54  }
0x150: {  	v2 =	vmax.f32 v2, v3;
	v3 =	vld [tilespmem:s31+$0x1A90D]  }
0x151: {  	v59 =	vld [tilespmem:s31+$0xB00E];
	v2 =	vmax.f32 v2, v55  }
0x152: {  	v60 =	vld [tilespmem:s31+$0x1308E];
	v2 =	vmax.f32 v2, v56  }
0x153: {  	v61 =	vld [tilespmem:s31+$0x1B10E];
	v2 =	vmax.f32 v2, v57  }
0x154: {  	v62 =	vld [tilespmem:s31+$0xB80F];
	v2 =	vmax.f32 v2, v58  }
0x155: {  	v2 =	vmax.f32 v2, v3;
	v3 =	vld [tilespmem:s31+$0x1388F]  }
0x156: {  	v63 =	vld [tilespmem:s31+$0x1B90F];
	v2 =	vmax.f32 v2, v59  }
0x157: {  	v2 =	vmax.f32 v2, v60  }
0x158: {  	v2 =	vmax.f32 v2, v61  }
0x159: {  	v2 =	vmax.f32 v2, v62  }
0x15a: {  	v2 =	vmax.f32 v2, v3  }
0x15b: {  	s11 =	rddreg [dreg:$0x2];
	s12 =	simm.s32 $0x80;
	v2 =	vmax.f32 v2, v63  }
0x15c: {  	s14 =	simm.s32 $0x100;
	s15 =	simm.s32 $0x1C180;
	[tilespmem:s31+$0x1C180] =	vst v2;
	s31 =	simm.s32 $0x3  }
0x15d: {  	[hbm4b:s11+s12] =	stream.strided.scatter [tilespmem:s15], [sflag:$0x3], $0x800, s14, s12, $0x38;
	[tilespmem:$0x1C980] =	vst v63  }
0x15e: {  	_ =	swait.ge [sflag:s31], $0x800  }
0x15f: {  	[sflag:s31] =	ssyncset.done $0x0  }
0x160: {  	s11 =	simm.s32 $0x40;
	s12 =	simm.s32 $0x0;
	[sflag:s31] =	ssyncadd.s32 $0xFFFFF800  }
.LBB2_21:
0x161: {  	p1 =	sne.s32 s11, $0x20000;
	[tilespmem:s12+$0x14100] =	vst v0;
	s14 =	smov.u32 s11;
	s11 =	sadd.s32 $0x40, s11  }
.Ltmp12:
0x162: {  	[tilespmem:s12+$0x4000] =	vst v0;
	(pc) =	sbr.rel @p1 .LBB2_21-.Ltmp12, $2  }
0x163: {  	[tilespmem:s12+$0xC080] =	vst v0;
	_ =	sdelay $0x2  }
0x164: {  	s12 =	sshra.s32 s14, $0x2  }
0x165: {  	[tilespmem:s12+$0x14100] =	vst v0  }
0x166: {  	[tilespmem:s12+$0x4000] =	vst v0;
	s11 =	simm.s32 $0x0  }
0x167: {  	[tilespmem:s12+$0xC080] =	vst v0;
	s12 =	simm.s32 $0x80;
	s15 =	sadd.s32 $0x0, s4;
	s14 =	simm.s32 $0x100  }
.LBB2_23:
0x168: {  	[tilespmem:s11], [sflag:$0x1] =	stream.linear.gather [hbm4b:s15+s0], $0x80, $0x38;
	[tilespmem:$0x1C980] =	vst v63  }
0x169: {  	s15 =	smov.u32 s12;
	s11 =	smov.u32 s14;
	p1 =	sne.s32 s12, $0xF80  }
.Ltmp13:
0x16a: {  	s12 =	sadd.s32 $0x80, s12;
	(pc) =	sbr.rel @p1 .LBB2_23-.Ltmp13, $2  }
0x16b: {  	_ =	sdelay $0x2  }
0x16c: {  	s14 =	sadd.s32 $0x100, s14;
	s15 =	sadd.s32 s15, s4  }
0x16d: {  	[tilespmem:s11], [sflag:$0x1] =	stream.linear.gather [hbm4b:s15+s0], $0x80, $0x38;
	[tilespmem:$0x1C980] =	vst v63  }
0x16e: {  	s11 =	simm.s32 $0x0;
	s12 =	simm.s32 $0x2000  }
0x16f: {  	s14 =	simm.s32 $0x40;
	s16 =	sadd.s32 $0x0, s22;
	s15 =	simm.s32 $0x2100  }
.LBB2_25:
0x170: {  	[tilespmem:s12], [sflag:$0x2] =	stream.linear.gather [hbm4b:s16+s11], $0x80, $0x38;
	[tilespmem:$0x1C980] =	vst v63  }
0x171: {  	s16 =	smov.u32 s14;
	s12 =	smov.u32 s15;
	p1 =	sne.s32 s14, $0x7C0  }
.Ltmp14:
0x172: {  	s14 =	sadd.s32 $0x40, s14;
	(pc) =	sbr.rel @p1 .LBB2_25-.Ltmp14, $2  }
0x173: {  	_ =	sdelay $0x2  }
0x174: {  	s15 =	sadd.s32 $0x100, s15;
	s16 =	sadd.s32 s16, s22  }
0x175: {  	[tilespmem:s12], [sflag:$0x2] =	stream.linear.gather [hbm4b:s16+s11], $0x80, $0x38;
	[tilespmem:$0x1C980] =	vst v63  }
.LBB2_27:
0x176: {  	_ =	swait.ge [sflag:s5], $0x1000;
	p1 =	seq.s32 s11, $0x1F  }
.Ltmp15:
0x177: {  	[sflag:s5] =	ssyncset.done $0x0;
	(pc) =	sbr.rel @!p1 .LBB2_29-.Ltmp15, $4  }
0x178: {  	[sflag:s5] =	ssyncadd.s32 $0xFFFFF000  }
0x179: {  	_ =	swait.ge [sflag:s6], $0x1000  }
0x17a: {  	[sflag:s6] =	ssyncset.done $0x0  }
0x17b: {  	s16 =	sadd.s32 $0x1, s11;
	[sflag:s6] =	ssyncadd.s32 $0xFFFFF000  }
.Ltmp16:
0x17c: {  	(pc) =	sbr.rel .LBB2_34-.Ltmp16, $2  }
0x17d: {  	_ =	sdelay $0x2  }
0x17e: {  	s30 =	simm.s32 $0x1FF0;
	s31 =	simm.s32 $0x80  }
.LBB2_29:
0x17f: {  	s12 =	sshll.u32 s16, $0xC;
	s11 =	sshll.u32 s11, $0x7;
	s14 =	rddreg [dreg:$0xc]  }
0x180: {  	s15 =	rddreg [dreg:$0x7];
	s14 =	sadd.s32 s14, s12;
	s31 =	sand.u32 $0x80, s11  }
0x181: {  	s30 =	simm.s32 $0x80;
	s12 =	sxor.u32 $0x80, s31;
	s15 =	sadd.s32 s15, s14  }
0x182: {  	s25 =	sadd.s32 $0x0, s15;
	s19 =	sadd.s32 $0x100, s12;
	s21 =	smov.u32 s12  }
.LBB2_30:
0x183: {  	[tilespmem:s21], [sflag:$0x1] =	stream.linear.gather [hbm4b:s25+s0], $0x80, $0x38;
	[tilespmem:$0x1C980] =	vst v63  }
0x184: {  	s17 =	smov.u32 s30;
	s21 =	smov.u32 s19;
	p1 =	sne.s32 s30, $0xF80  }
.Ltmp17:
0x185: {  	s30 =	sadd.s32 $0x80, s30;
	(pc) =	sbr.rel @p1 .LBB2_30-.Ltmp17, $2  }
0x186: {  	_ =	sdelay $0x2  }
0x187: {  	s19 =	sadd.s32 $0x100, s19;
	s25 =	sadd.s32 s17, s15  }
0x188: {  	[tilespmem:s21], [sflag:$0x1] =	stream.linear.gather [hbm4b:s25+s0], $0x80, $0x38;
	[tilespmem:$0x1C980] =	vst v63  }
0x189: {  	s14 =	sshll.u32 s14, $0x2;
	s15 =	rddreg [dreg:$0xd]  }
0x18a: {  	s14 =	sor.u32 s15, s14  }
0x18b: {  	s14 =	sshrl.u32 s14, $0x3  }
0x18c: {  	s12 =	sor.u32 $0x2000, s12;
	s14 =	sadd.s32 s18, s14  }
0x18d: {  	s15 =	simm.s32 $0x40;
	s19 =	sadd.s32 $0x100, s12;
	s21 =	sadd.s32 $0x0, s14  }
.LBB2_32:
0x18e: {  	[tilespmem:s12], [sflag:$0x2] =	stream.linear.gather [hbm4b:s21+s0], $0x80, $0x38;
	[tilespmem:$0x1C980] =	vst v63  }
0x18f: {  	s17 =	smov.u32 s15;
	s12 =	smov.u32 s19;
	p1 =	sne.s32 s15, $0x7C0  }
.Ltmp18:
0x190: {  	s15 =	sadd.s32 $0x40, s15;
	(pc) =	sbr.rel @p1 .LBB2_32-.Ltmp18, $2  }
0x191: {  	_ =	sdelay $0x2  }
0x192: {  	s19 =	sadd.s32 $0x100, s19;
	s21 =	sadd.s32 s17, s14  }
0x193: {  	[tilespmem:s12], [sflag:$0x2] =	stream.linear.gather [hbm4b:s21+s0], $0x80, $0x38;
	[tilespmem:$0x1C980] =	vst v63  }
0x194: {  	s30 =	sor.u32 $0x1F70, s11  }
.LBB2_34:
0x195: {  	s11 =	simm.s32 $0x0  }
0x196: {  	s12 =	sand.u32 $0x70, s11;
	s11 =	sand.u32 $0x3F00, s11  }
0x197: {  	s11 =	sor.u32 s11, s12  }
0x198: {  	s11 =	sor.u32 s31, s11  }
0x199: {  	v2 =	vld [tilespmem:s11+$0x2000]  }
0x19a: {  	s19 =	simm.s32 $0x20;
	s17 =	simm.s32 $0x10  }
0x19b: {  	s14 =	simm.s32 $0x40;
	s17 =	sand.u32 $0x70, s17;
	s12 =	sand.u32 $0x7F00, s19  }
0x19c: {  	s15 =	sand.u32 $0x70, s19;
	s14 =	sand.u32 $0x7F00, s14;
	s12 =	sor.u32 s12, s17  }
0x19d: {  	s14 =	sor.u32 s14, s15;
	s12 =	sor.u32 s31, s12  }
0x19e: {  	s14 =	sor.u32 s31, s14;
	v4 =	vld [tilespmem:s12+$0x2000];
	v3 =	vadd.s32 v1, v2  }
0x19f: {  	v2 =	vld [tilespmem:s14+$0x2000];
	_ =	sdelay $0x2  }
0x1a0: {  	v6 =	vld [tilespmem:s11+$0x0]  }
0x1a1: {  	v4 =	vadd.s32 v1, v4;
	v5 =	vld.idx.msk [tilespmem:v3+s7+$0x0], $0xffff  }
0x1a2: {  	v2 =	vadd.s32 v1, v2;
	_ =	sdelay $0x3  }
0x1a3: {  	v8 =	vld.idx.msk [tilespmem:v4+s1+$0x0], $0xffff;
	v5 =	vmax.f32 v5, v6  }
0x1a4: {  	v7 =	vld.idx.msk [tilespmem:v2+s3+$0x0], $0xffff;
	[tilespmem:v3+s7+$0x0] =	vst.idx.msk $0xffff, v5  }
0x1a5: {  	v3 =	vld [tilespmem:s12+$0x0];
	_ =	sdelay $0x4  }
0x1a6: {  	v3 =	vmax.f32 v8, v3  }
0x1a7: {  	[tilespmem:v4+s1+$0x0] =	vst.idx.msk $0xffff, v3  }
0x1a8: {  	v3 =	vld [tilespmem:s14+$0x0];
	_ =	sdelay $0x2  }
0x1a9: {  	s11 =	simm.s32 $0x60;
	s12 =	simm.s32 $0x30  }
0x1aa: {  	s21 =	simm.s32 $0x50;
	s25 =	sand.u32 $0x3F00, s11;
	s23 =	sand.u32 $0x70, s12  }
0x1ab: {  	s19 =	simm.s32 $0x60;
	s14 =	sand.u32 $0x70, s21;
	s21 =	sor.u32 s25, s23;
	v3 =	vmax.f32 v7, v3  }
.LBB2_35:
0x1ac: {  	s17 =	sadd.s32 $0x20, s19  }
0x1ad: {  	s21 =	sor.u32 s31, s21;
	[tilespmem:v2+s3+$0x0] =	vst.idx.msk $0xffff, v3;
	s23 =	smov.u32 s19;
	s15 =	sadd.s32 $0x30, s19  }
0x1ae: {  	p1 =	sne.s32 s19, $0xFC0;
	s17 =	sand.u32 $0x70, s17;
	v2 =	vld [tilespmem:s21+$0x2000]  }
0x1af: {  	s19 =	sadd.s32 $0x40, s11  }
0x1b0: {  	s12 =	sadd.s32 $0x10, s12;
	s25 =	sadd.s32 $0x20, s11;
	s19 =	sand.u32 $0x7F00, s19  }
0x1b1: {  	s12 =	sand.u32 $0x70, s12;
	s25 =	sand.u32 $0x7F00, s25;
	s14 =	sor.u32 s19, s14  }
0x1b2: {  	s19 =	sor.u32 s25, s12;
	s12 =	smov.u32 s23;
	s25 =	sor.u32 s31, s14  }
0x1b3: {  	s19 =	sor.u32 s31, s19;
	s14 =	smov.u32 s17;
	v3 =	vadd.s32 v1, v2;
	v2 =	vld [tilespmem:s25+$0x2000]  }
0x1b4: {  	v4 =	vld [tilespmem:s19+$0x2000];
	_ =	sdelay $0x3  }
0x1b5: {  	v5 =	vld.idx.msk [tilespmem:v3+s7+$0x0], $0xffff;
	v2 =	vadd.s32 v1, v2  }
0x1b6: {  	v4 =	vadd.s32 v1, v4;
	v6 =	vld [tilespmem:s21+$0x0];
	_ =	sdelay $0x3  }
0x1b7: {  	v7 =	vld.idx.msk [tilespmem:v2+s3+$0x0], $0xffff  }
0x1b8: {  	v8 =	vld.idx.msk [tilespmem:v4+s1+$0x0], $0xffff;
	v5 =	vmax.f32 v5, v6  }
0x1b9: {  	[tilespmem:v3+s7+$0x0] =	vst.idx.msk $0xffff, v5  }
0x1ba: {  	v3 =	vld [tilespmem:s19+$0x0];
	_ =	sdelay $0x4  }
0x1bb: {  	v3 =	vmax.f32 v8, v3  }
0x1bc: {  	[tilespmem:v4+s1+$0x0] =	vst.idx.msk $0xffff, v3  }
0x1bd: {  	v3 =	vld [tilespmem:s25+$0x0]  }
.Ltmp19:
0x1be: {  	(pc) =	sbr.rel @p1 .LBB2_35-.Ltmp19, $4  }
0x1bf: {  	_ = 	snop  }
0x1c0: {  	s11 =	sadd.s32 $0x60, s11  }
0x1c1: {  	s17 =	sand.u32 $0x70, s12;
	s19 =	sand.u32 $0x3F00, s11  }
0x1c2: {  	s21 =	sor.u32 s19, s17;
	s19 =	smov.u32 s15;
	v3 =	vmax.f32 v7, v3  }
0x1c3: {  	_ =	sdelay $0x3  }
0x1c4: {  	s15 =	sor.u32 s31, s21;
	[tilespmem:v2+s3+$0x0] =	vst.idx.msk $0xffff, v3  }
0x1c5: {  	v2 =	vld [tilespmem:s15+$0x2000]  }
0x1c6: {  	s17 =	sadd.s32 $0x40, s11  }
0x1c7: {  	s12 =	sadd.s32 $0x10, s12;
	s23 =	sadd.s32 $0x20, s11;
	s17 =	sand.u32 $0x7F00, s17  }
0x1c8: {  	s12 =	sand.u32 $0x70, s12;
	s11 =	sand.u32 $0x7F00, s23;
	s14 =	sor.u32 s17, s14  }
0x1c9: {  	s11 =	sor.u32 s11, s12;
	s25 =	sor.u32 s31, s14  }
0x1ca: {  	s11 =	sor.u32 s31, s11;
	v3 =	vld [tilespmem:s25+$0x2000];
	v2 =	vadd.s32 v1, v2  }
0x1cb: {  	v4 =	vld [tilespmem:s11+$0x2000];
	_ =	sdelay $0x2  }
0x1cc: {  	v6 =	vld [tilespmem:s15+$0x0]  }
0x1cd: {  	v3 =	vadd.s32 v1, v3;
	v5 =	vld.idx.msk [tilespmem:v2+s7+$0x0], $0xffff  }
0x1ce: {  	v4 =	vadd.s32 v1, v4;
	_ =	sdelay $0x3  }
0x1cf: {  	v7 =	vld.idx.msk [tilespmem:v3+s3+$0x0], $0xffff;
	v5 =	vmax.f32 v5, v6  }
0x1d0: {  	v8 =	vld.idx.msk [tilespmem:v4+s1+$0x0], $0xffff;
	[tilespmem:v2+s7+$0x0] =	vst.idx.msk $0xffff, v5  }
0x1d1: {  	v2 =	vld [tilespmem:s11+$0x0];
	_ =	sdelay $0x4  }
0x1d2: {  	v2 =	vmax.f32 v8, v2  }
0x1d3: {  	[tilespmem:v4+s1+$0x0] =	vst.idx.msk $0xffff, v2  }
0x1d4: {  	v2 =	vld [tilespmem:s25+$0x0];
	_ =	sdelay $0x4  }
0x1d5: {  	v2 =	vmax.f32 v7, v2  }
0x1d6: {  	[tilespmem:v3+s3+$0x0] =	vst.idx.msk $0xffff, v2  }
0x1d7: {  	v2 =	vld [tilespmem:s30+$0x2000];
	_ =	sdelay $0x4  }
0x1d8: {  	v2 =	vadd.s32 v1, v2;
	_ =	sdelay $0x3  }
0x1d9: {  	v4 =	vld [tilespmem:s30+$0x0]  }
0x1da: {  	v3 =	vld.idx.msk [tilespmem:v2+s7+$0x0], $0xffff  }
0x1db: {  	p1 =	sne.s32 s16, $0x20  }
.Ltmp20:
0x1dc: {  	_ = 	snop;
	(pc) =	sbr.rel @p1 .LBB2_27-.Ltmp20, $3  }
0x1dd: {  	_ =	sdelay $0x1  }
0x1de: {  	v3 =	vmax.f32 v3, v4  }
0x1df: {  	s11 =	smov.u32 s16;
	[tilespmem:v2+s7+$0x0] =	vst.idx.msk $0xffff, v3  }
0x1e0: {  	s16 =	simm.s32 $0x0  }
0x1e1: {  	v2 =	vld [tilespmem:s16+$0x4000]  }
0x1e2: {  	v3 =	vld [tilespmem:s16+$0xC080]  }
0x1e3: {  	v4 =	vld [tilespmem:s16+$0x14100]  }
0x1e4: {  	v5 =	vld [tilespmem:s16+$0x4801]  }
0x1e5: {  	v6 =	vld [tilespmem:s16+$0xC881]  }
0x1e6: {  	v7 =	vld [tilespmem:s16+$0x14901]  }
0x1e7: {  	v2 =	vmax.f32 v2, v3;
	v3 =	vld [tilespmem:s16+$0x5002]  }
0x1e8: {  	v2 =	vmax.f32 v2, v4;
	v4 =	vld [tilespmem:s16+$0xD082]  }
0x1e9: {  	v2 =	vmax.f32 v2, v5;
	v5 =	vld [tilespmem:s16+$0x15102]  }
0x1ea: {  	v2 =	vmax.f32 v2, v6;
	v6 =	vld [tilespmem:s16+$0x5803]  }
0x1eb: {  	v2 =	vmax.f32 v2, v7;
	v7 =	vld [tilespmem:s16+$0xD883]  }
0x1ec: {  	v2 =	vmax.f32 v2, v3;
	v3 =	vld [tilespmem:s16+$0x15903]  }
0x1ed: {  	v2 =	vmax.f32 v2, v4;
	v4 =	vld [tilespmem:s16+$0x6004]  }
0x1ee: {  	v2 =	vmax.f32 v2, v5;
	v5 =	vld [tilespmem:s16+$0xE084]  }
0x1ef: {  	v2 =	vmax.f32 v2, v6;
	v6 =	vld [tilespmem:s16+$0x16104]  }
0x1f0: {  	v2 =	vmax.f32 v2, v7;
	v7 =	vld [tilespmem:s16+$0x6805]  }
0x1f1: {  	v2 =	vmax.f32 v2, v3;
	v3 =	vld [tilespmem:s16+$0xE885]  }
0x1f2: {  	v2 =	vmax.f32 v2, v4;
	v4 =	vld [tilespmem:s16+$0x16905]  }
0x1f3: {  	v2 =	vmax.f32 v2, v5;
	v5 =	vld [tilespmem:s16+$0x7006]  }
0x1f4: {  	v2 =	vmax.f32 v2, v6;
	v6 =	vld [tilespmem:s16+$0xF086]  }
0x1f5: {  	v2 =	vmax.f32 v2, v7;
	v7 =	vld [tilespmem:s16+$0x17106]  }
0x1f6: {  	v2 =	vmax.f32 v2, v3;
	v3 =	vld [tilespmem:s16+$0x7807]  }
0x1f7: {  	v2 =	vmax.f32 v2, v4;
	v4 =	vld [tilespmem:s16+$0xF887]  }
0x1f8: {  	v2 =	vmax.f32 v2, v5;
	v5 =	vld [tilespmem:s16+$0x17907]  }
0x1f9: {  	v2 =	vmax.f32 v2, v6;
	v6 =	vld [tilespmem:s16+$0x8008]  }
0x1fa: {  	v2 =	vmax.f32 v2, v7;
	v7 =	vld [tilespmem:s16+$0x10088]  }
0x1fb: {  	v2 =	vmax.f32 v2, v3;
	v3 =	vld [tilespmem:s16+$0x18108]  }
0x1fc: {  	v2 =	vmax.f32 v2, v4;
	v4 =	vld [tilespmem:s16+$0x8809]  }
0x1fd: {  	v2 =	vmax.f32 v2, v5;
	v5 =	vld [tilespmem:s16+$0x10889]  }
0x1fe: {  	v2 =	vmax.f32 v2, v6;
	v6 =	vld [tilespmem:s16+$0x18909]  }
0x1ff: {  	v2 =	vmax.f32 v2, v7;
	v7 =	vld [tilespmem:s16+$0x900A]  }
0x200: {  	v2 =	vmax.f32 v2, v3;
	v3 =	vld [tilespmem:s16+$0x1108A]  }
0x201: {  	v2 =	vmax.f32 v2, v4;
	v4 =	vld [tilespmem:s16+$0x1910A]  }
0x202: {  	v2 =	vmax.f32 v2, v5;
	v5 =	vld [tilespmem:s16+$0x980B]  }
0x203: {  	v2 =	vmax.f32 v2, v6;
	v6 =	vld [tilespmem:s16+$0x1188B]  }
0x204: {  	v2 =	vmax.f32 v2, v7;
	v7 =	vld [tilespmem:s16+$0x1990B]  }
0x205: {  	v2 =	vmax.f32 v2, v3;
	v3 =	vld [tilespmem:s16+$0xA00C]  }
0x206: {  	v2 =	vmax.f32 v2, v4;
	v4 =	vld [tilespmem:s16+$0x1208C]  }
0x207: {  	v2 =	vmax.f32 v2, v5;
	v5 =	vld [tilespmem:s16+$0x1A10C]  }
0x208: {  	v2 =	vmax.f32 v2, v6;
	v6 =	vld [tilespmem:s16+$0xA80D]  }
0x209: {  	v2 =	vmax.f32 v2, v7;
	v7 =	vld [tilespmem:s16+$0x1288D]  }
0x20a: {  	v8 =	vld [tilespmem:s16+$0x1A90D];
	v2 =	vmax.f32 v2, v3  }
0x20b: {  	v9 =	vld [tilespmem:s16+$0xB00E];
	v2 =	vmax.f32 v2, v4  }
0x20c: {  	v10 =	vld [tilespmem:s16+$0x1308E];
	v2 =	vmax.f32 v2, v5  }
0x20d: {  	v3 =	vld [tilespmem:s16+$0x1B10E];
	v2 =	vmax.f32 v2, v6  }
0x20e: {  	v4 =	vld [tilespmem:s16+$0xB80F];
	v2 =	vmax.f32 v2, v7  }
0x20f: {  	v5 =	vld [tilespmem:s16+$0x1388F];
	v2 =	vmax.f32 v2, v8  }
0x210: {  	s31 =	simm.s32 $0x10;
	v6 =	vld [tilespmem:s16+$0x1B90F];
	v7 =	vmax.f32 v2, v9  }
0x211: {  	s30 =	simm.s32 $0x80;
	v2 =	vld [tilespmem:s31+$0x4000];
	v7 =	vmax.f32 v7, v10  }
.LBB2_38:
0x212: {  	p1 =	sne.s32 s30, $0x1FC0;
	v8 =	vld [tilespmem:s31+$0xC080];
	v3 =	vmax.f32 v7, v3  }
0x213: {  	v7 =	vld [tilespmem:s31+$0x14100];
	v3 =	vmax.f32 v3, v4  }
0x214: {  	v4 =	vld [tilespmem:s31+$0x4801];
	v3 =	vmax.f32 v3, v5  }
0x215: {  	v5 =	vld [tilespmem:s31+$0xC881];
	v3 =	vmax.f32 v3, v6  }
0x216: {  	v6 =	vld [tilespmem:s31+$0x14901];
	[tilespmem:s16+$0x1C180] =	vst v3;
	s16 =	smov.u32 s31  }
0x217: {  	v2 =	vmax.f32 v2, v8;
	v3 =	vld [tilespmem:s16+$0x5002]  }
0x218: {  	v2 =	vmax.f32 v2, v7;
	v7 =	vld [tilespmem:s16+$0xD082]  }
0x219: {  	v2 =	vmax.f32 v2, v4;
	v4 =	vld [tilespmem:s16+$0x15102]  }
0x21a: {  	v2 =	vmax.f32 v2, v5;
	v5 =	vld [tilespmem:s16+$0x5803]  }
0x21b: {  	v2 =	vmax.f32 v2, v6;
	v6 =	vld [tilespmem:s16+$0xD883]  }
0x21c: {  	v2 =	vmax.f32 v2, v3;
	v3 =	vld [tilespmem:s16+$0x15903]  }
0x21d: {  	v2 =	vmax.f32 v2, v7;
	v7 =	vld [tilespmem:s16+$0x6004]  }
0x21e: {  	v2 =	vmax.f32 v2, v4;
	v4 =	vld [tilespmem:s16+$0xE084]  }
0x21f: {  	v2 =	vmax.f32 v2, v5;
	v5 =	vld [tilespmem:s16+$0x16104]  }
0x220: {  	v2 =	vmax.f32 v2, v6;
	v6 =	vld [tilespmem:s16+$0x6805]  }
0x221: {  	v2 =	vmax.f32 v2, v3;
	v3 =	vld [tilespmem:s16+$0xE885]  }
0x222: {  	v2 =	vmax.f32 v2, v7;
	v7 =	vld [tilespmem:s16+$0x16905]  }
0x223: {  	v2 =	vmax.f32 v2, v4;
	v4 =	vld [tilespmem:s16+$0x7006]  }
0x224: {  	v2 =	vmax.f32 v2, v5;
	v5 =	vld [tilespmem:s16+$0xF086]  }
0x225: {  	v2 =	vmax.f32 v2, v6;
	v6 =	vld [tilespmem:s16+$0x17106]  }
0x226: {  	v2 =	vmax.f32 v2, v3;
	v3 =	vld [tilespmem:s16+$0x7807]  }
0x227: {  	v2 =	vmax.f32 v2, v7;
	v7 =	vld [tilespmem:s16+$0xF887]  }
0x228: {  	v2 =	vmax.f32 v2, v4;
	v4 =	vld [tilespmem:s16+$0x17907]  }
0x229: {  	v2 =	vmax.f32 v2, v5;
	v5 =	vld [tilespmem:s16+$0x8008]  }
0x22a: {  	v2 =	vmax.f32 v2, v6;
	v6 =	vld [tilespmem:s16+$0x10088]  }
0x22b: {  	v2 =	vmax.f32 v2, v3;
	v3 =	vld [tilespmem:s16+$0x18108]  }
0x22c: {  	v2 =	vmax.f32 v2, v7;
	v7 =	vld [tilespmem:s16+$0x8809]  }
0x22d: {  	v2 =	vmax.f32 v2, v4;
	v4 =	vld [tilespmem:s16+$0x10889]  }
0x22e: {  	v2 =	vmax.f32 v2, v5;
	v5 =	vld [tilespmem:s16+$0x18909]  }
0x22f: {  	v2 =	vmax.f32 v2, v6;
	v6 =	vld [tilespmem:s16+$0x900A]  }
0x230: {  	v2 =	vmax.f32 v2, v3;
	v3 =	vld [tilespmem:s16+$0x1108A]  }
0x231: {  	v2 =	vmax.f32 v2, v7;
	v7 =	vld [tilespmem:s16+$0x1910A]  }
0x232: {  	v2 =	vmax.f32 v2, v4;
	v4 =	vld [tilespmem:s16+$0x980B]  }
0x233: {  	v2 =	vmax.f32 v2, v5;
	v5 =	vld [tilespmem:s16+$0x1188B]  }
0x234: {  	v2 =	vmax.f32 v2, v6;
	v6 =	vld [tilespmem:s16+$0x1990B]  }
0x235: {  	v2 =	vmax.f32 v2, v3;
	v3 =	vld [tilespmem:s16+$0xA00C]  }
0x236: {  	v2 =	vmax.f32 v2, v7;
	v7 =	vld [tilespmem:s16+$0x1208C]  }
0x237: {  	v2 =	vmax.f32 v2, v4;
	v4 =	vld [tilespmem:s16+$0x1A10C]  }
0x238: {  	v2 =	vmax.f32 v2, v5;
	v5 =	vld [tilespmem:s16+$0xA80D]  }
0x239: {  	v2 =	vmax.f32 v2, v6;
	v6 =	vld [tilespmem:s16+$0x1288D]  }
0x23a: {  	v2 =	vmax.f32 v2, v3;
	v8 =	vld [tilespmem:s16+$0x1A90D]  }
0x23b: {  	v2 =	vmax.f32 v2, v7;
	v7 =	vld [tilespmem:s16+$0xB00E]  }
0x23c: {  	v2 =	vmax.f32 v2, v4;
	v9 =	vld [tilespmem:s16+$0x1308E]  }
.Ltmp21:
0x23d: {  	v2 =	vmax.f32 v2, v5;
	v3 =	vld [tilespmem:s16+$0x1B10E];
	(pc) =	sbr.rel @p1 .LBB2_38-.Ltmp21, $4  }
0x23e: {  	v2 =	vmax.f32 v2, v6;
	v4 =	vld [tilespmem:s16+$0xB80F]  }
0x23f: {  	v2 =	vmax.f32 v2, v8;
	v5 =	vld [tilespmem:s16+$0x1388F]  }
0x240: {  	s31 =	sshra.s32 s30, $0x2;
	v7 =	vmax.f32 v2, v7;
	v6 =	vld [tilespmem:s16+$0x1B90F]  }
0x241: {  	s30 =	sadd.s32 $0x40, s30;
	v2 =	vld [tilespmem:s31+$0x4000];
	v7 =	vmax.f32 v7, v9  }
0x242: {  	v8 =	vld [tilespmem:s31+$0xC080];
	v3 =	vmax.f32 v7, v3  }
0x243: {  	v27 =	vld [tilespmem:s31+$0x14100];
	v3 =	vmax.f32 v3, v4  }
0x244: {  	v28 =	vld [tilespmem:s31+$0x4801];
	v3 =	vmax.f32 v3, v5  }
0x245: {  	v29 =	vld [tilespmem:s31+$0xC881];
	v3 =	vmax.f32 v3, v6  }
0x246: {  	v30 =	vld [tilespmem:s31+$0x14901];
	[tilespmem:s16+$0x1C180] =	vst v3  }
0x247: {  	v2 =	vmax.f32 v2, v8;
	v3 =	vld [tilespmem:s31+$0x5002]  }
0x248: {  	v31 =	vld [tilespmem:s31+$0xD082];
	v2 =	vmax.f32 v2, v27  }
0x249: {  	v32 =	vld [tilespmem:s31+$0x15102];
	v2 =	vmax.f32 v2, v28  }
0x24a: {  	v33 =	vld [tilespmem:s31+$0x5803];
	v2 =	vmax.f32 v2, v29  }
0x24b: {  	v34 =	vld [tilespmem:s31+$0xD883];
	v2 =	vmax.f32 v2, v30  }
0x24c: {  	v2 =	vmax.f32 v2, v3;
	v3 =	vld [tilespmem:s31+$0x15903]  }
0x24d: {  	v35 =	vld [tilespmem:s31+$0x6004];
	v2 =	vmax.f32 v2, v31  }
0x24e: {  	v36 =	vld [tilespmem:s31+$0xE084];
	v2 =	vmax.f32 v2, v32  }
0x24f: {  	v37 =	vld [tilespmem:s31+$0x16104];
	v2 =	vmax.f32 v2, v33  }
0x250: {  	v38 =	vld [tilespmem:s31+$0x6805];
	v2 =	vmax.f32 v2, v34  }
0x251: {  	v2 =	vmax.f32 v2, v3;
	v3 =	vld [tilespmem:s31+$0xE885]  }
0x252: {  	v39 =	vld [tilespmem:s31+$0x16905];
	v2 =	vmax.f32 v2, v35  }
0x253: {  	v40 =	vld [tilespmem:s31+$0x7006];
	v2 =	vmax.f32 v2, v36  }
0x254: {  	v41 =	vld [tilespmem:s31+$0xF086];
	v2 =	vmax.f32 v2, v37  }
0x255: {  	v42 =	vld [tilespmem:s31+$0x17106];
	v2 =	vmax.f32 v2, v38  }
0x256: {  	v2 =	vmax.f32 v2, v3;
	v3 =	vld [tilespmem:s31+$0x7807]  }
0x257: {  	v43 =	vld [tilespmem:s31+$0xF887];
	v2 =	vmax.f32 v2, v39  }
0x258: {  	v44 =	vld [tilespmem:s31+$0x17907];
	v2 =	vmax.f32 v2, v40  }
0x259: {  	v45 =	vld [tilespmem:s31+$0x8008];
	v2 =	vmax.f32 v2, v41  }
0x25a: {  	v46 =	vld [tilespmem:s31+$0x10088];
	v2 =	vmax.f32 v2, v42  }
0x25b: {  	v2 =	vmax.f32 v2, v3;
	v3 =	vld [tilespmem:s31+$0x18108]  }
0x25c: {  	v47 =	vld [tilespmem:s31+$0x8809];
	v2 =	vmax.f32 v2, v43  }
0x25d: {  	v48 =	vld [tilespmem:s31+$0x10889];
	v2 =	vmax.f32 v2, v44  }
0x25e: {  	v49 =	vld [tilespmem:s31+$0x18909];
	v2 =	vmax.f32 v2, v45  }
0x25f: {  	v50 =	vld [tilespmem:s31+$0x900A];
	v2 =	vmax.f32 v2, v46  }
0x260: {  	v2 =	vmax.f32 v2, v3;
	v3 =	vld [tilespmem:s31+$0x1108A]  }
0x261: {  	v51 =	vld [tilespmem:s31+$0x1910A];
	v2 =	vmax.f32 v2, v47  }
0x262: {  	v52 =	vld [tilespmem:s31+$0x980B];
	v2 =	vmax.f32 v2, v48  }
0x263: {  	v53 =	vld [tilespmem:s31+$0x1188B];
	v2 =	vmax.f32 v2, v49  }
0x264: {  	v54 =	vld [tilespmem:s31+$0x1990B];
	v2 =	vmax.f32 v2, v50  }
0x265: {  	v2 =	vmax.f32 v2, v3;
	v3 =	vld [tilespmem:s31+$0xA00C]  }
0x266: {  	v55 =	vld [tilespmem:s31+$0x1208C];
	v2 =	vmax.f32 v2, v51  }
0x267: {  	v56 =	vld [tilespmem:s31+$0x1A10C];
	v2 =	vmax.f32 v2, v52  }
0x268: {  	v57 =	vld [tilespmem:s31+$0xA80D];
	v2 =	vmax.f32 v2, v53  }
0x269: {  	v58 =	vld [tilespmem:s31+$0x1288D];
	v2 =	vmax.f32 v2, v54  }
0x26a: {  	v2 =	vmax.f32 v2, v3;
	v3 =	vld [tilespmem:s31+$0x1A90D]  }
0x26b: {  	v59 =	vld [tilespmem:s31+$0xB00E];
	v2 =	vmax.f32 v2, v55  }
0x26c: {  	v60 =	vld [tilespmem:s31+$0x1308E];
	v2 =	vmax.f32 v2, v56  }
0x26d: {  	v61 =	vld [tilespmem:s31+$0x1B10E];
	v2 =	vmax.f32 v2, v57  }
0x26e: {  	v62 =	vld [tilespmem:s31+$0xB80F];
	v2 =	vmax.f32 v2, v58  }
0x26f: {  	v2 =	vmax.f32 v2, v3;
	v3 =	vld [tilespmem:s31+$0x1388F]  }
0x270: {  	v63 =	vld [tilespmem:s31+$0x1B90F];
	v2 =	vmax.f32 v2, v59  }
0x271: {  	v2 =	vmax.f32 v2, v60  }
0x272: {  	v2 =	vmax.f32 v2, v61  }
0x273: {  	v2 =	vmax.f32 v2, v62  }
0x274: {  	v2 =	vmax.f32 v2, v3  }
0x275: {  	s11 =	rddreg [dreg:$0x3];
	s12 =	simm.s32 $0x80;
	v2 =	vmax.f32 v2, v63  }
0x276: {  	s14 =	simm.s32 $0x100;
	s15 =	simm.s32 $0x1C180;
	[tilespmem:s31+$0x1C180] =	vst v2;
	s31 =	simm.s32 $0x3  }
0x277: {  	[hbm4b:s11+s12] =	stream.strided.scatter [tilespmem:s15], [sflag:$0x3], $0x800, s14, s12, $0x38;
	[tilespmem:$0x1C980] =	vst v63  }
0x278: {  	_ =	swait.ge [sflag:s31], $0x800  }
0x279: {  	[sflag:s31] =	ssyncset.done $0x0  }
0x27a: {  	s11 =	simm.s32 $0x40;
	s12 =	simm.s32 $0x0;
	[sflag:s31] =	ssyncadd.s32 $0xFFFFF800  }
.LBB2_40:
0x27b: {  	p1 =	sne.s32 s11, $0x20000;
	[tilespmem:s12+$0x14100] =	vst v0;
	s14 =	smov.u32 s11;
	s11 =	sadd.s32 $0x40, s11  }
.Ltmp22:
0x27c: {  	[tilespmem:s12+$0x4000] =	vst v0;
	(pc) =	sbr.rel @p1 .LBB2_40-.Ltmp22, $2  }
0x27d: {  	[tilespmem:s12+$0xC080] =	vst v0;
	_ =	sdelay $0x2  }
0x27e: {  	s12 =	sshra.s32 s14, $0x2  }
0x27f: {  	[tilespmem:s12+$0x14100] =	vst v0  }
0x280: {  	[tilespmem:s12+$0x4000] =	vst v0;
	s11 =	simm.s32 $0x0  }
0x281: {  	[tilespmem:s12+$0xC080] =	vst v0;
	s12 =	simm.s32 $0x80;
	s15 =	sadd.s32 $0x0, s8;
	s14 =	simm.s32 $0x100  }
.LBB2_42:
0x282: {  	[tilespmem:s11], [sflag:$0x1] =	stream.linear.gather [hbm4b:s15+s0], $0x80, $0x38;
	[tilespmem:$0x1C980] =	vst v63  }
0x283: {  	s15 =	smov.u32 s12;
	s11 =	smov.u32 s14;
	p1 =	sne.s32 s12, $0xF80  }
.Ltmp23:
0x284: {  	s12 =	sadd.s32 $0x80, s12;
	(pc) =	sbr.rel @p1 .LBB2_42-.Ltmp23, $2  }
0x285: {  	_ =	sdelay $0x2  }
0x286: {  	s14 =	sadd.s32 $0x100, s14;
	s15 =	sadd.s32 s15, s8  }
0x287: {  	[tilespmem:s11], [sflag:$0x1] =	stream.linear.gather [hbm4b:s15+s0], $0x80, $0x38;
	[tilespmem:$0x1C980] =	vst v63  }
0x288: {  	s11 =	simm.s32 $0x0;
	s12 =	simm.s32 $0x2000  }
0x289: {  	s14 =	simm.s32 $0x40;
	s16 =	sadd.s32 $0x0, s26;
	s15 =	simm.s32 $0x2100  }
.LBB2_44:
0x28a: {  	[tilespmem:s12], [sflag:$0x2] =	stream.linear.gather [hbm4b:s16+s11], $0x80, $0x38;
	[tilespmem:$0x1C980] =	vst v63  }
0x28b: {  	s16 =	smov.u32 s14;
	s12 =	smov.u32 s15;
	p1 =	sne.s32 s14, $0x7C0  }
.Ltmp24:
0x28c: {  	s14 =	sadd.s32 $0x40, s14;
	(pc) =	sbr.rel @p1 .LBB2_44-.Ltmp24, $2  }
0x28d: {  	_ =	sdelay $0x2  }
0x28e: {  	s15 =	sadd.s32 $0x100, s15;
	s16 =	sadd.s32 s16, s26  }
0x28f: {  	[tilespmem:s12], [sflag:$0x2] =	stream.linear.gather [hbm4b:s16+s11], $0x80, $0x38;
	[tilespmem:$0x1C980] =	vst v63  }
.LBB2_46:
0x290: {  	_ =	swait.ge [sflag:s5], $0x1000;
	p1 =	seq.s32 s11, $0x1F  }
.Ltmp25:
0x291: {  	[sflag:s5] =	ssyncset.done $0x0;
	(pc) =	sbr.rel @!p1 .LBB2_48-.Ltmp25, $4  }
0x292: {  	[sflag:s5] =	ssyncadd.s32 $0xFFFFF000  }
0x293: {  	_ =	swait.ge [sflag:s6], $0x1000  }
0x294: {  	[sflag:s6] =	ssyncset.done $0x0  }
0x295: {  	s16 =	sadd.s32 $0x1, s11;
	[sflag:s6] =	ssyncadd.s32 $0xFFFFF000  }
.Ltmp26:
0x296: {  	(pc) =	sbr.rel .LBB2_53-.Ltmp26, $2  }
0x297: {  	_ =	sdelay $0x2  }
0x298: {  	s30 =	simm.s32 $0x1FF0;
	s31 =	simm.s32 $0x80  }
.LBB2_48:
0x299: {  	s12 =	sshll.u32 s16, $0xC;
	s11 =	sshll.u32 s11, $0x7;
	s14 =	rddreg [dreg:$0xe]  }
0x29a: {  	s15 =	rddreg [dreg:$0x8];
	s14 =	sadd.s32 s14, s12;
	s31 =	sand.u32 $0x80, s11  }
0x29b: {  	s30 =	simm.s32 $0x80;
	s12 =	sxor.u32 $0x80, s31;
	s15 =	sadd.s32 s15, s14  }
0x29c: {  	s25 =	sadd.s32 $0x0, s15;
	s19 =	sadd.s32 $0x100, s12;
	s21 =	smov.u32 s12  }
.LBB2_49:
0x29d: {  	[tilespmem:s21], [sflag:$0x1] =	stream.linear.gather [hbm4b:s25+s0], $0x80, $0x38;
	[tilespmem:$0x1C980] =	vst v63  }
0x29e: {  	s17 =	smov.u32 s30;
	s21 =	smov.u32 s19;
	p1 =	sne.s32 s30, $0xF80  }
.Ltmp27:
0x29f: {  	s30 =	sadd.s32 $0x80, s30;
	(pc) =	sbr.rel @p1 .LBB2_49-.Ltmp27, $2  }
0x2a0: {  	_ =	sdelay $0x2  }
0x2a1: {  	s19 =	sadd.s32 $0x100, s19;
	s25 =	sadd.s32 s17, s15  }
0x2a2: {  	[tilespmem:s21], [sflag:$0x1] =	stream.linear.gather [hbm4b:s25+s0], $0x80, $0x38;
	[tilespmem:$0x1C980] =	vst v63  }
0x2a3: {  	s14 =	sshll.u32 s14, $0x2  }
0x2a4: {  	s14 =	sor.u32 s24, s14  }
0x2a5: {  	s14 =	sshrl.u32 s14, $0x3  }
0x2a6: {  	s12 =	sor.u32 $0x2000, s12;
	s14 =	sadd.s32 s18, s14  }
0x2a7: {  	s15 =	simm.s32 $0x40;
	s19 =	sadd.s32 $0x100, s12;
	s21 =	sadd.s32 $0x0, s14  }
.LBB2_51:
0x2a8: {  	[tilespmem:s12], [sflag:$0x2] =	stream.linear.gather [hbm4b:s21+s0], $0x80, $0x38;
	[tilespmem:$0x1C980] =	vst v63  }
0x2a9: {  	s17 =	smov.u32 s15;
	s12 =	smov.u32 s19;
	p1 =	sne.s32 s15, $0x7C0  }
.Ltmp28:
0x2aa: {  	s15 =	sadd.s32 $0x40, s15;
	(pc) =	sbr.rel @p1 .LBB2_51-.Ltmp28, $2  }
0x2ab: {  	_ =	sdelay $0x2  }
0x2ac: {  	s19 =	sadd.s32 $0x100, s19;
	s21 =	sadd.s32 s17, s14  }
0x2ad: {  	[tilespmem:s12], [sflag:$0x2] =	stream.linear.gather [hbm4b:s21+s0], $0x80, $0x38;
	[tilespmem:$0x1C980] =	vst v63  }
0x2ae: {  	s30 =	sor.u32 $0x1F70, s11  }
.LBB2_53:
0x2af: {  	s11 =	simm.s32 $0x0  }
0x2b0: {  	s12 =	sand.u32 $0x70, s11;
	s11 =	sand.u32 $0x3F00, s11  }
0x2b1: {  	s11 =	sor.u32 s11, s12  }
0x2b2: {  	s11 =	sor.u32 s31, s11  }
0x2b3: {  	v2 =	vld [tilespmem:s11+$0x2000]  }
0x2b4: {  	s19 =	simm.s32 $0x20;
	s17 =	simm.s32 $0x10  }
0x2b5: {  	s14 =	simm.s32 $0x40;
	s17 =	sand.u32 $0x70, s17;
	s12 =	sand.u32 $0x7F00, s19  }
0x2b6: {  	s15 =	sand.u32 $0x70, s19;
	s14 =	sand.u32 $0x7F00, s14;
	s12 =	sor.u32 s12, s17  }
0x2b7: {  	s14 =	sor.u32 s14, s15;
	s12 =	sor.u32 s31, s12  }
0x2b8: {  	s14 =	sor.u32 s31, s14;
	v4 =	vld [tilespmem:s12+$0x2000];
	v3 =	vadd.s32 v1, v2  }
0x2b9: {  	v2 =	vld [tilespmem:s14+$0x2000];
	_ =	sdelay $0x2  }
0x2ba: {  	v6 =	vld [tilespmem:s11+$0x0]  }
0x2bb: {  	v4 =	vadd.s32 v1, v4;
	v5 =	vld.idx.msk [tilespmem:v3+s7+$0x0], $0xffff  }
0x2bc: {  	v2 =	vadd.s32 v1, v2;
	_ =	sdelay $0x3  }
0x2bd: {  	v8 =	vld.idx.msk [tilespmem:v4+s1+$0x0], $0xffff;
	v5 =	vmax.f32 v5, v6  }
0x2be: {  	v7 =	vld.idx.msk [tilespmem:v2+s3+$0x0], $0xffff;
	[tilespmem:v3+s7+$0x0] =	vst.idx.msk $0xffff, v5  }
0x2bf: {  	v3 =	vld [tilespmem:s12+$0x0];
	_ =	sdelay $0x4  }
0x2c0: {  	v3 =	vmax.f32 v8, v3  }
0x2c1: {  	[tilespmem:v4+s1+$0x0] =	vst.idx.msk $0xffff, v3  }
0x2c2: {  	v3 =	vld [tilespmem:s14+$0x0];
	_ =	sdelay $0x2  }
0x2c3: {  	s11 =	simm.s32 $0x60;
	s12 =	simm.s32 $0x30  }
0x2c4: {  	s21 =	simm.s32 $0x50;
	s25 =	sand.u32 $0x3F00, s11;
	s23 =	sand.u32 $0x70, s12  }
0x2c5: {  	s19 =	simm.s32 $0x60;
	s14 =	sand.u32 $0x70, s21;
	s21 =	sor.u32 s25, s23;
	v3 =	vmax.f32 v7, v3  }
.LBB2_54:
0x2c6: {  	s17 =	sadd.s32 $0x20, s19  }
0x2c7: {  	s21 =	sor.u32 s31, s21;
	[tilespmem:v2+s3+$0x0] =	vst.idx.msk $0xffff, v3;
	s23 =	smov.u32 s19;
	s15 =	sadd.s32 $0x30, s19  }
0x2c8: {  	p1 =	sne.s32 s19, $0xFC0;
	s17 =	sand.u32 $0x70, s17;
	v2 =	vld [tilespmem:s21+$0x2000]  }
0x2c9: {  	s19 =	sadd.s32 $0x40, s11  }
0x2ca: {  	s12 =	sadd.s32 $0x10, s12;
	s25 =	sadd.s32 $0x20, s11;
	s19 =	sand.u32 $0x7F00, s19  }
0x2cb: {  	s12 =	sand.u32 $0x70, s12;
	s25 =	sand.u32 $0x7F00, s25;
	s14 =	sor.u32 s19, s14  }
0x2cc: {  	s19 =	sor.u32 s25, s12;
	s12 =	smov.u32 s23;
	s25 =	sor.u32 s31, s14  }
0x2cd: {  	s19 =	sor.u32 s31, s19;
	s14 =	smov.u32 s17;
	v3 =	vadd.s32 v1, v2;
	v2 =	vld [tilespmem:s25+$0x2000]  }
0x2ce: {  	v4 =	vld [tilespmem:s19+$0x2000];
	_ =	sdelay $0x3  }
0x2cf: {  	v5 =	vld.idx.msk [tilespmem:v3+s7+$0x0], $0xffff;
	v2 =	vadd.s32 v1, v2  }
0x2d0: {  	v4 =	vadd.s32 v1, v4;
	v6 =	vld [tilespmem:s21+$0x0];
	_ =	sdelay $0x3  }
0x2d1: {  	v7 =	vld.idx.msk [tilespmem:v2+s3+$0x0], $0xffff  }
0x2d2: {  	v8 =	vld.idx.msk [tilespmem:v4+s1+$0x0], $0xffff;
	v5 =	vmax.f32 v5, v6  }
0x2d3: {  	[tilespmem:v3+s7+$0x0] =	vst.idx.msk $0xffff, v5  }
0x2d4: {  	v3 =	vld [tilespmem:s19+$0x0];
	_ =	sdelay $0x4  }
0x2d5: {  	v3 =	vmax.f32 v8, v3  }
0x2d6: {  	[tilespmem:v4+s1+$0x0] =	vst.idx.msk $0xffff, v3  }
0x2d7: {  	v3 =	vld [tilespmem:s25+$0x0]  }
.Ltmp29:
0x2d8: {  	(pc) =	sbr.rel @p1 .LBB2_54-.Ltmp29, $4  }
0x2d9: {  	_ = 	snop  }
0x2da: {  	s11 =	sadd.s32 $0x60, s11  }
0x2db: {  	s17 =	sand.u32 $0x70, s12;
	s19 =	sand.u32 $0x3F00, s11  }
0x2dc: {  	s21 =	sor.u32 s19, s17;
	s19 =	smov.u32 s15;
	v3 =	vmax.f32 v7, v3  }
0x2dd: {  	_ =	sdelay $0x3  }
0x2de: {  	s15 =	sor.u32 s31, s21;
	[tilespmem:v2+s3+$0x0] =	vst.idx.msk $0xffff, v3  }
0x2df: {  	v2 =	vld [tilespmem:s15+$0x2000]  }
0x2e0: {  	s17 =	sadd.s32 $0x40, s11  }
0x2e1: {  	s12 =	sadd.s32 $0x10, s12;
	s23 =	sadd.s32 $0x20, s11;
	s17 =	sand.u32 $0x7F00, s17  }
0x2e2: {  	s12 =	sand.u32 $0x70, s12;
	s11 =	sand.u32 $0x7F00, s23;
	s14 =	sor.u32 s17, s14  }
0x2e3: {  	s11 =	sor.u32 s11, s12;
	s25 =	sor.u32 s31, s14  }
0x2e4: {  	s11 =	sor.u32 s31, s11;
	v3 =	vld [tilespmem:s25+$0x2000];
	v2 =	vadd.s32 v1, v2  }
0x2e5: {  	v4 =	vld [tilespmem:s11+$0x2000];
	_ =	sdelay $0x2  }
0x2e6: {  	v6 =	vld [tilespmem:s15+$0x0]  }
0x2e7: {  	v3 =	vadd.s32 v1, v3;
	v5 =	vld.idx.msk [tilespmem:v2+s7+$0x0], $0xffff  }
0x2e8: {  	v4 =	vadd.s32 v1, v4;
	_ =	sdelay $0x3  }
0x2e9: {  	v7 =	vld.idx.msk [tilespmem:v3+s3+$0x0], $0xffff;
	v5 =	vmax.f32 v5, v6  }
0x2ea: {  	v8 =	vld.idx.msk [tilespmem:v4+s1+$0x0], $0xffff;
	[tilespmem:v2+s7+$0x0] =	vst.idx.msk $0xffff, v5  }
0x2eb: {  	v2 =	vld [tilespmem:s11+$0x0];
	_ =	sdelay $0x4  }
0x2ec: {  	v2 =	vmax.f32 v8, v2  }
0x2ed: {  	[tilespmem:v4+s1+$0x0] =	vst.idx.msk $0xffff, v2  }
0x2ee: {  	v2 =	vld [tilespmem:s25+$0x0];
	_ =	sdelay $0x4  }
0x2ef: {  	v2 =	vmax.f32 v7, v2  }
0x2f0: {  	[tilespmem:v3+s3+$0x0] =	vst.idx.msk $0xffff, v2  }
0x2f1: {  	v2 =	vld [tilespmem:s30+$0x2000];
	_ =	sdelay $0x4  }
0x2f2: {  	v2 =	vadd.s32 v1, v2;
	_ =	sdelay $0x3  }
0x2f3: {  	v4 =	vld [tilespmem:s30+$0x0]  }
0x2f4: {  	v3 =	vld.idx.msk [tilespmem:v2+s7+$0x0], $0xffff  }
0x2f5: {  	p1 =	sne.s32 s16, $0x20  }
.Ltmp30:
0x2f6: {  	_ = 	snop;
	(pc) =	sbr.rel @p1 .LBB2_46-.Ltmp30, $3  }
0x2f7: {  	_ =	sdelay $0x1  }
0x2f8: {  	v3 =	vmax.f32 v3, v4  }
0x2f9: {  	s11 =	smov.u32 s16;
	[tilespmem:v2+s7+$0x0] =	vst.idx.msk $0xffff, v3  }
0x2fa: {  	s16 =	simm.s32 $0x0  }
0x2fb: {  	v2 =	vld [tilespmem:s16+$0x4000]  }
0x2fc: {  	v3 =	vld [tilespmem:s16+$0xC080]  }
0x2fd: {  	v4 =	vld [tilespmem:s16+$0x14100]  }
0x2fe: {  	v5 =	vld [tilespmem:s16+$0x4801]  }
0x2ff: {  	v6 =	vld [tilespmem:s16+$0xC881]  }
0x300: {  	v7 =	vld [tilespmem:s16+$0x14901]  }
0x301: {  	v2 =	vmax.f32 v2, v3;
	v3 =	vld [tilespmem:s16+$0x5002]  }
0x302: {  	v2 =	vmax.f32 v2, v4;
	v4 =	vld [tilespmem:s16+$0xD082]  }
0x303: {  	v2 =	vmax.f32 v2, v5;
	v5 =	vld [tilespmem:s16+$0x15102]  }
0x304: {  	v2 =	vmax.f32 v2, v6;
	v6 =	vld [tilespmem:s16+$0x5803]  }
0x305: {  	v2 =	vmax.f32 v2, v7;
	v7 =	vld [tilespmem:s16+$0xD883]  }
0x306: {  	v2 =	vmax.f32 v2, v3;
	v3 =	vld [tilespmem:s16+$0x15903]  }
0x307: {  	v2 =	vmax.f32 v2, v4;
	v4 =	vld [tilespmem:s16+$0x6004]  }
0x308: {  	v2 =	vmax.f32 v2, v5;
	v5 =	vld [tilespmem:s16+$0xE084]  }
0x309: {  	v2 =	vmax.f32 v2, v6;
	v6 =	vld [tilespmem:s16+$0x16104]  }
0x30a: {  	v2 =	vmax.f32 v2, v7;
	v7 =	vld [tilespmem:s16+$0x6805]  }
0x30b: {  	v2 =	vmax.f32 v2, v3;
	v3 =	vld [tilespmem:s16+$0xE885]  }
0x30c: {  	v2 =	vmax.f32 v2, v4;
	v4 =	vld [tilespmem:s16+$0x16905]  }
0x30d: {  	v2 =	vmax.f32 v2, v5;
	v5 =	vld [tilespmem:s16+$0x7006]  }
0x30e: {  	v2 =	vmax.f32 v2, v6;
	v6 =	vld [tilespmem:s16+$0xF086]  }
0x30f: {  	v2 =	vmax.f32 v2, v7;
	v7 =	vld [tilespmem:s16+$0x17106]  }
0x310: {  	v2 =	vmax.f32 v2, v3;
	v3 =	vld [tilespmem:s16+$0x7807]  }
0x311: {  	v2 =	vmax.f32 v2, v4;
	v4 =	vld [tilespmem:s16+$0xF887]  }
0x312: {  	v2 =	vmax.f32 v2, v5;
	v5 =	vld [tilespmem:s16+$0x17907]  }
0x313: {  	v2 =	vmax.f32 v2, v6;
	v6 =	vld [tilespmem:s16+$0x8008]  }
0x314: {  	v2 =	vmax.f32 v2, v7;
	v7 =	vld [tilespmem:s16+$0x10088]  }
0x315: {  	v2 =	vmax.f32 v2, v3;
	v3 =	vld [tilespmem:s16+$0x18108]  }
0x316: {  	v2 =	vmax.f32 v2, v4;
	v4 =	vld [tilespmem:s16+$0x8809]  }
0x317: {  	v2 =	vmax.f32 v2, v5;
	v5 =	vld [tilespmem:s16+$0x10889]  }
0x318: {  	v2 =	vmax.f32 v2, v6;
	v6 =	vld [tilespmem:s16+$0x18909]  }
0x319: {  	v2 =	vmax.f32 v2, v7;
	v7 =	vld [tilespmem:s16+$0x900A]  }
0x31a: {  	v2 =	vmax.f32 v2, v3;
	v3 =	vld [tilespmem:s16+$0x1108A]  }
0x31b: {  	v2 =	vmax.f32 v2, v4;
	v4 =	vld [tilespmem:s16+$0x1910A]  }
0x31c: {  	v2 =	vmax.f32 v2, v5;
	v5 =	vld [tilespmem:s16+$0x980B]  }
0x31d: {  	v2 =	vmax.f32 v2, v6;
	v6 =	vld [tilespmem:s16+$0x1188B]  }
0x31e: {  	v2 =	vmax.f32 v2, v7;
	v7 =	vld [tilespmem:s16+$0x1990B]  }
0x31f: {  	v2 =	vmax.f32 v2, v3;
	v3 =	vld [tilespmem:s16+$0xA00C]  }
0x320: {  	v2 =	vmax.f32 v2, v4;
	v4 =	vld [tilespmem:s16+$0x1208C]  }
0x321: {  	v2 =	vmax.f32 v2, v5;
	v5 =	vld [tilespmem:s16+$0x1A10C]  }
0x322: {  	v2 =	vmax.f32 v2, v6;
	v6 =	vld [tilespmem:s16+$0xA80D]  }
0x323: {  	v2 =	vmax.f32 v2, v7;
	v7 =	vld [tilespmem:s16+$0x1288D]  }
0x324: {  	v8 =	vld [tilespmem:s16+$0x1A90D];
	v2 =	vmax.f32 v2, v3  }
0x325: {  	v9 =	vld [tilespmem:s16+$0xB00E];
	v2 =	vmax.f32 v2, v4  }
0x326: {  	v10 =	vld [tilespmem:s16+$0x1308E];
	v2 =	vmax.f32 v2, v5  }
0x327: {  	v3 =	vld [tilespmem:s16+$0x1B10E];
	v2 =	vmax.f32 v2, v6  }
0x328: {  	v4 =	vld [tilespmem:s16+$0xB80F];
	v2 =	vmax.f32 v2, v7  }
0x329: {  	v5 =	vld [tilespmem:s16+$0x1388F];
	v2 =	vmax.f32 v2, v8  }
0x32a: {  	s31 =	simm.s32 $0x10;
	v6 =	vld [tilespmem:s16+$0x1B90F];
	v7 =	vmax.f32 v2, v9  }
0x32b: {  	s30 =	simm.s32 $0x80;
	v2 =	vld [tilespmem:s31+$0x4000];
	v7 =	vmax.f32 v7, v10  }
.LBB2_57:
0x32c: {  	p1 =	sne.s32 s30, $0x1FC0;
	v8 =	vld [tilespmem:s31+$0xC080];
	v3 =	vmax.f32 v7, v3  }
0x32d: {  	v7 =	vld [tilespmem:s31+$0x14100];
	v3 =	vmax.f32 v3, v4  }
0x32e: {  	v4 =	vld [tilespmem:s31+$0x4801];
	v3 =	vmax.f32 v3, v5  }
0x32f: {  	v5 =	vld [tilespmem:s31+$0xC881];
	v3 =	vmax.f32 v3, v6  }
0x330: {  	v6 =	vld [tilespmem:s31+$0x14901];
	[tilespmem:s16+$0x1C180] =	vst v3;
	s16 =	smov.u32 s31  }
0x331: {  	v2 =	vmax.f32 v2, v8;
	v3 =	vld [tilespmem:s16+$0x5002]  }
0x332: {  	v2 =	vmax.f32 v2, v7;
	v7 =	vld [tilespmem:s16+$0xD082]  }
0x333: {  	v2 =	vmax.f32 v2, v4;
	v4 =	vld [tilespmem:s16+$0x15102]  }
0x334: {  	v2 =	vmax.f32 v2, v5;
	v5 =	vld [tilespmem:s16+$0x5803]  }
0x335: {  	v2 =	vmax.f32 v2, v6;
	v6 =	vld [tilespmem:s16+$0xD883]  }
0x336: {  	v2 =	vmax.f32 v2, v3;
	v3 =	vld [tilespmem:s16+$0x15903]  }
0x337: {  	v2 =	vmax.f32 v2, v7;
	v7 =	vld [tilespmem:s16+$0x6004]  }
0x338: {  	v2 =	vmax.f32 v2, v4;
	v4 =	vld [tilespmem:s16+$0xE084]  }
0x339: {  	v2 =	vmax.f32 v2, v5;
	v5 =	vld [tilespmem:s16+$0x16104]  }
0x33a: {  	v2 =	vmax.f32 v2, v6;
	v6 =	vld [tilespmem:s16+$0x6805]  }
0x33b: {  	v2 =	vmax.f32 v2, v3;
	v3 =	vld [tilespmem:s16+$0xE885]  }
0x33c: {  	v2 =	vmax.f32 v2, v7;
	v7 =	vld [tilespmem:s16+$0x16905]  }
0x33d: {  	v2 =	vmax.f32 v2, v4;
	v4 =	vld [tilespmem:s16+$0x7006]  }
0x33e: {  	v2 =	vmax.f32 v2, v5;
	v5 =	vld [tilespmem:s16+$0xF086]  }
0x33f: {  	v2 =	vmax.f32 v2, v6;
	v6 =	vld [tilespmem:s16+$0x17106]  }
0x340: {  	v2 =	vmax.f32 v2, v3;
	v3 =	vld [tilespmem:s16+$0x7807]  }
0x341: {  	v2 =	vmax.f32 v2, v7;
	v7 =	vld [tilespmem:s16+$0xF887]  }
0x342: {  	v2 =	vmax.f32 v2, v4;
	v4 =	vld [tilespmem:s16+$0x17907]  }
0x343: {  	v2 =	vmax.f32 v2, v5;
	v5 =	vld [tilespmem:s16+$0x8008]  }
0x344: {  	v2 =	vmax.f32 v2, v6;
	v6 =	vld [tilespmem:s16+$0x10088]  }
0x345: {  	v2 =	vmax.f32 v2, v3;
	v3 =	vld [tilespmem:s16+$0x18108]  }
0x346: {  	v2 =	vmax.f32 v2, v7;
	v7 =	vld [tilespmem:s16+$0x8809]  }
0x347: {  	v2 =	vmax.f32 v2, v4;
	v4 =	vld [tilespmem:s16+$0x10889]  }
0x348: {  	v2 =	vmax.f32 v2, v5;
	v5 =	vld [tilespmem:s16+$0x18909]  }
0x349: {  	v2 =	vmax.f32 v2, v6;
	v6 =	vld [tilespmem:s16+$0x900A]  }
0x34a: {  	v2 =	vmax.f32 v2, v3;
	v3 =	vld [tilespmem:s16+$0x1108A]  }
0x34b: {  	v2 =	vmax.f32 v2, v7;
	v7 =	vld [tilespmem:s16+$0x1910A]  }
0x34c: {  	v2 =	vmax.f32 v2, v4;
	v4 =	vld [tilespmem:s16+$0x980B]  }
0x34d: {  	v2 =	vmax.f32 v2, v5;
	v5 =	vld [tilespmem:s16+$0x1188B]  }
0x34e: {  	v2 =	vmax.f32 v2, v6;
	v6 =	vld [tilespmem:s16+$0x1990B]  }
0x34f: {  	v2 =	vmax.f32 v2, v3;
	v3 =	vld [tilespmem:s16+$0xA00C]  }
0x350: {  	v2 =	vmax.f32 v2, v7;
	v7 =	vld [tilespmem:s16+$0x1208C]  }
0x351: {  	v2 =	vmax.f32 v2, v4;
	v4 =	vld [tilespmem:s16+$0x1A10C]  }
0x352: {  	v2 =	vmax.f32 v2, v5;
	v5 =	vld [tilespmem:s16+$0xA80D]  }
0x353: {  	v2 =	vmax.f32 v2, v6;
	v6 =	vld [tilespmem:s16+$0x1288D]  }
0x354: {  	v2 =	vmax.f32 v2, v3;
	v8 =	vld [tilespmem:s16+$0x1A90D]  }
0x355: {  	v2 =	vmax.f32 v2, v7;
	v7 =	vld [tilespmem:s16+$0xB00E]  }
0x356: {  	v2 =	vmax.f32 v2, v4;
	v9 =	vld [tilespmem:s16+$0x1308E]  }
.Ltmp31:
0x357: {  	v2 =	vmax.f32 v2, v5;
	v3 =	vld [tilespmem:s16+$0x1B10E];
	(pc) =	sbr.rel @p1 .LBB2_57-.Ltmp31, $4  }
0x358: {  	v2 =	vmax.f32 v2, v6;
	v4 =	vld [tilespmem:s16+$0xB80F]  }
0x359: {  	v2 =	vmax.f32 v2, v8;
	v5 =	vld [tilespmem:s16+$0x1388F]  }
0x35a: {  	s31 =	sshra.s32 s30, $0x2;
	v7 =	vmax.f32 v2, v7;
	v6 =	vld [tilespmem:s16+$0x1B90F]  }
0x35b: {  	s30 =	sadd.s32 $0x40, s30;
	v2 =	vld [tilespmem:s31+$0x4000];
	v7 =	vmax.f32 v7, v9  }
0x35c: {  	v8 =	vld [tilespmem:s31+$0xC080];
	v3 =	vmax.f32 v7, v3  }
0x35d: {  	v27 =	vld [tilespmem:s31+$0x14100];
	v3 =	vmax.f32 v3, v4  }
0x35e: {  	v28 =	vld [tilespmem:s31+$0x4801];
	v3 =	vmax.f32 v3, v5  }
0x35f: {  	v29 =	vld [tilespmem:s31+$0xC881];
	v3 =	vmax.f32 v3, v6  }
0x360: {  	v30 =	vld [tilespmem:s31+$0x14901];
	[tilespmem:s16+$0x1C180] =	vst v3  }
0x361: {  	v2 =	vmax.f32 v2, v8;
	v3 =	vld [tilespmem:s31+$0x5002]  }
0x362: {  	v31 =	vld [tilespmem:s31+$0xD082];
	v2 =	vmax.f32 v2, v27  }
0x363: {  	v32 =	vld [tilespmem:s31+$0x15102];
	v2 =	vmax.f32 v2, v28  }
0x364: {  	v33 =	vld [tilespmem:s31+$0x5803];
	v2 =	vmax.f32 v2, v29  }
0x365: {  	v34 =	vld [tilespmem:s31+$0xD883];
	v2 =	vmax.f32 v2, v30  }
0x366: {  	v2 =	vmax.f32 v2, v3;
	v3 =	vld [tilespmem:s31+$0x15903]  }
0x367: {  	v35 =	vld [tilespmem:s31+$0x6004];
	v2 =	vmax.f32 v2, v31  }
0x368: {  	v36 =	vld [tilespmem:s31+$0xE084];
	v2 =	vmax.f32 v2, v32  }
0x369: {  	v37 =	vld [tilespmem:s31+$0x16104];
	v2 =	vmax.f32 v2, v33  }
0x36a: {  	v38 =	vld [tilespmem:s31+$0x6805];
	v2 =	vmax.f32 v2, v34  }
0x36b: {  	v2 =	vmax.f32 v2, v3;
	v3 =	vld [tilespmem:s31+$0xE885]  }
0x36c: {  	v39 =	vld [tilespmem:s31+$0x16905];
	v2 =	vmax.f32 v2, v35  }
0x36d: {  	v40 =	vld [tilespmem:s31+$0x7006];
	v2 =	vmax.f32 v2, v36  }
0x36e: {  	v41 =	vld [tilespmem:s31+$0xF086];
	v2 =	vmax.f32 v2, v37  }
0x36f: {  	v42 =	vld [tilespmem:s31+$0x17106];
	v2 =	vmax.f32 v2, v38  }
0x370: {  	v2 =	vmax.f32 v2, v3;
	v3 =	vld [tilespmem:s31+$0x7807]  }
0x371: {  	v43 =	vld [tilespmem:s31+$0xF887];
	v2 =	vmax.f32 v2, v39  }
0x372: {  	v44 =	vld [tilespmem:s31+$0x17907];
	v2 =	vmax.f32 v2, v40  }
0x373: {  	v45 =	vld [tilespmem:s31+$0x8008];
	v2 =	vmax.f32 v2, v41  }
0x374: {  	v46 =	vld [tilespmem:s31+$0x10088];
	v2 =	vmax.f32 v2, v42  }
0x375: {  	v2 =	vmax.f32 v2, v3;
	v3 =	vld [tilespmem:s31+$0x18108]  }
0x376: {  	v47 =	vld [tilespmem:s31+$0x8809];
	v2 =	vmax.f32 v2, v43  }
0x377: {  	v48 =	vld [tilespmem:s31+$0x10889];
	v2 =	vmax.f32 v2, v44  }
0x378: {  	v49 =	vld [tilespmem:s31+$0x18909];
	v2 =	vmax.f32 v2, v45  }
0x379: {  	v50 =	vld [tilespmem:s31+$0x900A];
	v2 =	vmax.f32 v2, v46  }
0x37a: {  	v2 =	vmax.f32 v2, v3;
	v3 =	vld [tilespmem:s31+$0x1108A]  }
0x37b: {  	v51 =	vld [tilespmem:s31+$0x1910A];
	v2 =	vmax.f32 v2, v47  }
0x37c: {  	v52 =	vld [tilespmem:s31+$0x980B];
	v2 =	vmax.f32 v2, v48  }
0x37d: {  	v53 =	vld [tilespmem:s31+$0x1188B];
	v2 =	vmax.f32 v2, v49  }
0x37e: {  	v54 =	vld [tilespmem:s31+$0x1990B];
	v2 =	vmax.f32 v2, v50  }
0x37f: {  	v2 =	vmax.f32 v2, v3;
	v3 =	vld [tilespmem:s31+$0xA00C]  }
0x380: {  	v55 =	vld [tilespmem:s31+$0x1208C];
	v2 =	vmax.f32 v2, v51  }
0x381: {  	v56 =	vld [tilespmem:s31+$0x1A10C];
	v2 =	vmax.f32 v2, v52  }
0x382: {  	v57 =	vld [tilespmem:s31+$0xA80D];
	v2 =	vmax.f32 v2, v53  }
0x383: {  	v58 =	vld [tilespmem:s31+$0x1288D];
	v2 =	vmax.f32 v2, v54  }
0x384: {  	v2 =	vmax.f32 v2, v3;
	v3 =	vld [tilespmem:s31+$0x1A90D]  }
0x385: {  	v59 =	vld [tilespmem:s31+$0xB00E];
	v2 =	vmax.f32 v2, v55  }
0x386: {  	v60 =	vld [tilespmem:s31+$0x1308E];
	v2 =	vmax.f32 v2, v56  }
0x387: {  	v61 =	vld [tilespmem:s31+$0x1B10E];
	v2 =	vmax.f32 v2, v57  }
0x388: {  	v62 =	vld [tilespmem:s31+$0xB80F];
	v2 =	vmax.f32 v2, v58  }
0x389: {  	v2 =	vmax.f32 v2, v3;
	v3 =	vld [tilespmem:s31+$0x1388F]  }
0x38a: {  	v63 =	vld [tilespmem:s31+$0x1B90F];
	v2 =	vmax.f32 v2, v59  }
0x38b: {  	v2 =	vmax.f32 v2, v60  }
0x38c: {  	v2 =	vmax.f32 v2, v61  }
0x38d: {  	v2 =	vmax.f32 v2, v62  }
0x38e: {  	v2 =	vmax.f32 v2, v3  }
0x38f: {  	s11 =	rddreg [dreg:$0x4];
	s12 =	simm.s32 $0x80;
	v2 =	vmax.f32 v2, v63  }
0x390: {  	s14 =	simm.s32 $0x100;
	s15 =	simm.s32 $0x1C180;
	[tilespmem:s31+$0x1C180] =	vst v2;
	s31 =	simm.s32 $0x3  }
0x391: {  	[hbm4b:s11+s12] =	stream.strided.scatter [tilespmem:s15], [sflag:$0x3], $0x800, s14, s12, $0x38;
	[tilespmem:$0x1C980] =	vst v63  }
0x392: {  	_ =	swait.ge [sflag:s31], $0x800  }
0x393: {  	[sflag:s31] =	ssyncset.done $0x0  }
0x394: {  	s11 =	simm.s32 $0x40;
	s12 =	simm.s32 $0x0;
	[sflag:s31] =	ssyncadd.s32 $0xFFFFF800  }
.LBB2_59:
0x395: {  	p1 =	sne.s32 s11, $0x20000;
	[tilespmem:s12+$0x14100] =	vst v0;
	s14 =	smov.u32 s11;
	s11 =	sadd.s32 $0x40, s11  }
.Ltmp32:
0x396: {  	[tilespmem:s12+$0x4000] =	vst v0;
	(pc) =	sbr.rel @p1 .LBB2_59-.Ltmp32, $2  }
0x397: {  	[tilespmem:s12+$0xC080] =	vst v0;
	_ =	sdelay $0x2  }
0x398: {  	s12 =	sshra.s32 s14, $0x2  }
0x399: {  	[tilespmem:s12+$0x14100] =	vst v0  }
0x39a: {  	[tilespmem:s12+$0x4000] =	vst v0;
	s11 =	simm.s32 $0x0  }
0x39b: {  	[tilespmem:s12+$0xC080] =	vst v0;
	s12 =	simm.s32 $0x80;
	s15 =	sadd.s32 $0x0, s9;
	s14 =	simm.s32 $0x100  }
.LBB2_61:
0x39c: {  	[tilespmem:s11], [sflag:$0x1] =	stream.linear.gather [hbm4b:s15+s0], $0x80, $0x38;
	[tilespmem:$0x1C980] =	vst v63  }
0x39d: {  	s15 =	smov.u32 s12;
	s11 =	smov.u32 s14;
	p1 =	sne.s32 s12, $0xF80  }
.Ltmp33:
0x39e: {  	s12 =	sadd.s32 $0x80, s12;
	(pc) =	sbr.rel @p1 .LBB2_61-.Ltmp33, $2  }
0x39f: {  	_ =	sdelay $0x2  }
0x3a0: {  	s14 =	sadd.s32 $0x100, s14;
	s15 =	sadd.s32 s15, s9  }
0x3a1: {  	[tilespmem:s11], [sflag:$0x1] =	stream.linear.gather [hbm4b:s15+s0], $0x80, $0x38;
	[tilespmem:$0x1C980] =	vst v63  }
0x3a2: {  	s11 =	simm.s32 $0x0;
	s12 =	simm.s32 $0x2000  }
0x3a3: {  	s14 =	simm.s32 $0x40;
	s16 =	sadd.s32 $0x0, s29;
	s15 =	simm.s32 $0x2100  }
.LBB2_63:
0x3a4: {  	[tilespmem:s12], [sflag:$0x2] =	stream.linear.gather [hbm4b:s16+s11], $0x80, $0x38;
	[tilespmem:$0x1C980] =	vst v63  }
0x3a5: {  	s16 =	smov.u32 s14;
	s12 =	smov.u32 s15;
	p1 =	sne.s32 s14, $0x7C0  }
.Ltmp34:
0x3a6: {  	s14 =	sadd.s32 $0x40, s14;
	(pc) =	sbr.rel @p1 .LBB2_63-.Ltmp34, $2  }
0x3a7: {  	_ =	sdelay $0x2  }
0x3a8: {  	s15 =	sadd.s32 $0x100, s15;
	s16 =	sadd.s32 s16, s29  }
0x3a9: {  	[tilespmem:s12], [sflag:$0x2] =	stream.linear.gather [hbm4b:s16+s11], $0x80, $0x38;
	[tilespmem:$0x1C980] =	vst v63  }
.LBB2_65:
0x3aa: {  	_ =	swait.ge [sflag:s5], $0x1000;
	p1 =	seq.s32 s11, $0x1F  }
.Ltmp35:
0x3ab: {  	[sflag:s5] =	ssyncset.done $0x0;
	(pc) =	sbr.rel @!p1 .LBB2_67-.Ltmp35, $4  }
0x3ac: {  	[sflag:s5] =	ssyncadd.s32 $0xFFFFF000  }
0x3ad: {  	_ =	swait.ge [sflag:s6], $0x1000  }
0x3ae: {  	[sflag:s6] =	ssyncset.done $0x0  }
0x3af: {  	s16 =	sadd.s32 $0x1, s11;
	[sflag:s6] =	ssyncadd.s32 $0xFFFFF000  }
.Ltmp36:
0x3b0: {  	(pc) =	sbr.rel .LBB2_72-.Ltmp36, $2  }
0x3b1: {  	_ =	sdelay $0x2  }
0x3b2: {  	s30 =	simm.s32 $0x1FF0;
	s31 =	simm.s32 $0x80  }
.LBB2_67:
0x3b3: {  	s12 =	sshll.u32 s16, $0xC;
	s11 =	sshll.u32 s11, $0x7;
	s14 =	rddreg [dreg:$0xf]  }
0x3b4: {  	s15 =	rddreg [dreg:$0x9];
	s14 =	sadd.s32 s14, s12;
	s31 =	sand.u32 $0x80, s11  }
0x3b5: {  	s30 =	simm.s32 $0x80;
	s12 =	sxor.u32 $0x80, s31;
	s15 =	sadd.s32 s15, s14  }
0x3b6: {  	s25 =	sadd.s32 $0x0, s15;
	s19 =	sadd.s32 $0x100, s12;
	s21 =	smov.u32 s12  }
.LBB2_68:
0x3b7: {  	[tilespmem:s21], [sflag:$0x1] =	stream.linear.gather [hbm4b:s25+s0], $0x80, $0x38;
	[tilespmem:$0x1C980] =	vst v63  }
0x3b8: {  	s17 =	smov.u32 s30;
	s21 =	smov.u32 s19;
	p1 =	sne.s32 s30, $0xF80  }
.Ltmp37:
0x3b9: {  	s30 =	sadd.s32 $0x80, s30;
	(pc) =	sbr.rel @p1 .LBB2_68-.Ltmp37, $2  }
0x3ba: {  	_ =	sdelay $0x2  }
0x3bb: {  	s19 =	sadd.s32 $0x100, s19;
	s25 =	sadd.s32 s17, s15  }
0x3bc: {  	[tilespmem:s21], [sflag:$0x1] =	stream.linear.gather [hbm4b:s25+s0], $0x80, $0x38;
	[tilespmem:$0x1C980] =	vst v63  }
0x3bd: {  	s14 =	sshll.u32 s14, $0x2  }
0x3be: {  	s14 =	sor.u32 s28, s14  }
0x3bf: {  	s14 =	sshrl.u32 s14, $0x3  }
0x3c0: {  	s12 =	sor.u32 $0x2000, s12;
	s14 =	sadd.s32 s18, s14  }
0x3c1: {  	s15 =	simm.s32 $0x40;
	s19 =	sadd.s32 $0x100, s12;
	s21 =	sadd.s32 $0x0, s14  }
.LBB2_70:
0x3c2: {  	[tilespmem:s12], [sflag:$0x2] =	stream.linear.gather [hbm4b:s21+s0], $0x80, $0x38;
	[tilespmem:$0x1C980] =	vst v63  }
0x3c3: {  	s17 =	smov.u32 s15;
	s12 =	smov.u32 s19;
	p1 =	sne.s32 s15, $0x7C0  }
.Ltmp38:
0x3c4: {  	s15 =	sadd.s32 $0x40, s15;
	(pc) =	sbr.rel @p1 .LBB2_70-.Ltmp38, $2  }
0x3c5: {  	_ =	sdelay $0x2  }
0x3c6: {  	s19 =	sadd.s32 $0x100, s19;
	s21 =	sadd.s32 s17, s14  }
0x3c7: {  	[tilespmem:s12], [sflag:$0x2] =	stream.linear.gather [hbm4b:s21+s0], $0x80, $0x38;
	[tilespmem:$0x1C980] =	vst v63  }
0x3c8: {  	s30 =	sor.u32 $0x1F70, s11  }
.LBB2_72:
0x3c9: {  	s11 =	simm.s32 $0x0  }
0x3ca: {  	s12 =	sand.u32 $0x70, s11;
	s11 =	sand.u32 $0x3F00, s11  }
0x3cb: {  	s11 =	sor.u32 s11, s12  }
0x3cc: {  	s11 =	sor.u32 s31, s11  }
0x3cd: {  	v2 =	vld [tilespmem:s11+$0x2000]  }
0x3ce: {  	s19 =	simm.s32 $0x20;
	s17 =	simm.s32 $0x10  }
0x3cf: {  	s14 =	simm.s32 $0x40;
	s17 =	sand.u32 $0x70, s17;
	s12 =	sand.u32 $0x7F00, s19  }
0x3d0: {  	s15 =	sand.u32 $0x70, s19;
	s14 =	sand.u32 $0x7F00, s14;
	s12 =	sor.u32 s12, s17  }
0x3d1: {  	s14 =	sor.u32 s14, s15;
	s12 =	sor.u32 s31, s12  }
0x3d2: {  	s14 =	sor.u32 s31, s14;
	v4 =	vld [tilespmem:s12+$0x2000];
	v3 =	vadd.s32 v1, v2  }
0x3d3: {  	v2 =	vld [tilespmem:s14+$0x2000];
	_ =	sdelay $0x2  }
0x3d4: {  	v6 =	vld [tilespmem:s11+$0x0]  }
0x3d5: {  	v4 =	vadd.s32 v1, v4;
	v5 =	vld.idx.msk [tilespmem:v3+s7+$0x0], $0xffff  }
0x3d6: {  	v2 =	vadd.s32 v1, v2;
	_ =	sdelay $0x3  }
0x3d7: {  	v8 =	vld.idx.msk [tilespmem:v4+s1+$0x0], $0xffff;
	v5 =	vmax.f32 v5, v6  }
0x3d8: {  	v7 =	vld.idx.msk [tilespmem:v2+s3+$0x0], $0xffff;
	[tilespmem:v3+s7+$0x0] =	vst.idx.msk $0xffff, v5  }
0x3d9: {  	v3 =	vld [tilespmem:s12+$0x0];
	_ =	sdelay $0x4  }
0x3da: {  	v3 =	vmax.f32 v8, v3  }
0x3db: {  	[tilespmem:v4+s1+$0x0] =	vst.idx.msk $0xffff, v3  }
0x3dc: {  	v3 =	vld [tilespmem:s14+$0x0];
	_ =	sdelay $0x2  }
0x3dd: {  	s11 =	simm.s32 $0x60;
	s12 =	simm.s32 $0x30  }
0x3de: {  	s21 =	simm.s32 $0x50;
	s25 =	sand.u32 $0x3F00, s11;
	s23 =	sand.u32 $0x70, s12  }
0x3df: {  	s19 =	simm.s32 $0x60;
	s14 =	sand.u32 $0x70, s21;
	s21 =	sor.u32 s25, s23;
	v3 =	vmax.f32 v7, v3  }
.LBB2_73:
0x3e0: {  	s17 =	sadd.s32 $0x20, s19  }
0x3e1: {  	s21 =	sor.u32 s31, s21;
	[tilespmem:v2+s3+$0x0] =	vst.idx.msk $0xffff, v3;
	s23 =	smov.u32 s19;
	s15 =	sadd.s32 $0x30, s19  }
0x3e2: {  	p1 =	sne.s32 s19, $0xFC0;
	s17 =	sand.u32 $0x70, s17;
	v2 =	vld [tilespmem:s21+$0x2000]  }
0x3e3: {  	s19 =	sadd.s32 $0x40, s11  }
0x3e4: {  	s12 =	sadd.s32 $0x10, s12;
	s25 =	sadd.s32 $0x20, s11;
	s19 =	sand.u32 $0x7F00, s19  }
0x3e5: {  	s12 =	sand.u32 $0x70, s12;
	s25 =	sand.u32 $0x7F00, s25;
	s14 =	sor.u32 s19, s14  }
0x3e6: {  	s19 =	sor.u32 s25, s12;
	s12 =	smov.u32 s23;
	s25 =	sor.u32 s31, s14  }
0x3e7: {  	s19 =	sor.u32 s31, s19;
	s14 =	smov.u32 s17;
	v3 =	vadd.s32 v1, v2;
	v2 =	vld [tilespmem:s25+$0x2000]  }
0x3e8: {  	v4 =	vld [tilespmem:s19+$0x2000];
	_ =	sdelay $0x3  }
0x3e9: {  	v5 =	vld.idx.msk [tilespmem:v3+s7+$0x0], $0xffff;
	v2 =	vadd.s32 v1, v2  }
0x3ea: {  	v4 =	vadd.s32 v1, v4;
	v6 =	vld [tilespmem:s21+$0x0];
	_ =	sdelay $0x3  }
0x3eb: {  	v7 =	vld.idx.msk [tilespmem:v2+s3+$0x0], $0xffff  }
0x3ec: {  	v8 =	vld.idx.msk [tilespmem:v4+s1+$0x0], $0xffff;
	v5 =	vmax.f32 v5, v6  }
0x3ed: {  	[tilespmem:v3+s7+$0x0] =	vst.idx.msk $0xffff, v5  }
0x3ee: {  	v3 =	vld [tilespmem:s19+$0x0];
	_ =	sdelay $0x4  }
0x3ef: {  	v3 =	vmax.f32 v8, v3  }
0x3f0: {  	[tilespmem:v4+s1+$0x0] =	vst.idx.msk $0xffff, v3  }
0x3f1: {  	v3 =	vld [tilespmem:s25+$0x0]  }
.Ltmp39:
0x3f2: {  	(pc) =	sbr.rel @p1 .LBB2_73-.Ltmp39, $4  }
0x3f3: {  	_ = 	snop  }
0x3f4: {  	s11 =	sadd.s32 $0x60, s11  }
0x3f5: {  	s17 =	sand.u32 $0x70, s12;
	s19 =	sand.u32 $0x3F00, s11  }
0x3f6: {  	s21 =	sor.u32 s19, s17;
	s19 =	smov.u32 s15;
	v3 =	vmax.f32 v7, v3  }
0x3f7: {  	_ =	sdelay $0x3  }
0x3f8: {  	s15 =	sor.u32 s31, s21;
	[tilespmem:v2+s3+$0x0] =	vst.idx.msk $0xffff, v3  }
0x3f9: {  	v2 =	vld [tilespmem:s15+$0x2000]  }
0x3fa: {  	s17 =	sadd.s32 $0x40, s11  }
0x3fb: {  	s12 =	sadd.s32 $0x10, s12;
	s23 =	sadd.s32 $0x20, s11;
	s17 =	sand.u32 $0x7F00, s17  }
0x3fc: {  	s12 =	sand.u32 $0x70, s12;
	s11 =	sand.u32 $0x7F00, s23;
	s14 =	sor.u32 s17, s14  }
0x3fd: {  	s11 =	sor.u32 s11, s12;
	s25 =	sor.u32 s31, s14  }
0x3fe: {  	s11 =	sor.u32 s31, s11;
	v3 =	vld [tilespmem:s25+$0x2000];
	v2 =	vadd.s32 v1, v2  }
0x3ff: {  	v4 =	vld [tilespmem:s11+$0x2000];
	_ =	sdelay $0x2  }
0x400: {  	v6 =	vld [tilespmem:s15+$0x0]  }
0x401: {  	v3 =	vadd.s32 v1, v3;
	v5 =	vld.idx.msk [tilespmem:v2+s7+$0x0], $0xffff  }
0x402: {  	v4 =	vadd.s32 v1, v4;
	_ =	sdelay $0x3  }
0x403: {  	v7 =	vld.idx.msk [tilespmem:v3+s3+$0x0], $0xffff;
	v5 =	vmax.f32 v5, v6  }
0x404: {  	v8 =	vld.idx.msk [tilespmem:v4+s1+$0x0], $0xffff;
	[tilespmem:v2+s7+$0x0] =	vst.idx.msk $0xffff, v5  }
0x405: {  	v2 =	vld [tilespmem:s11+$0x0];
	_ =	sdelay $0x4  }
0x406: {  	v2 =	vmax.f32 v8, v2  }
0x407: {  	[tilespmem:v4+s1+$0x0] =	vst.idx.msk $0xffff, v2  }
0x408: {  	v2 =	vld [tilespmem:s25+$0x0];
	_ =	sdelay $0x4  }
0x409: {  	v2 =	vmax.f32 v7, v2  }
0x40a: {  	[tilespmem:v3+s3+$0x0] =	vst.idx.msk $0xffff, v2  }
0x40b: {  	v2 =	vld [tilespmem:s30+$0x2000];
	_ =	sdelay $0x4  }
0x40c: {  	v2 =	vadd.s32 v1, v2;
	_ =	sdelay $0x3  }
0x40d: {  	v4 =	vld [tilespmem:s30+$0x0]  }
0x40e: {  	v3 =	vld.idx.msk [tilespmem:v2+s7+$0x0], $0xffff  }
0x40f: {  	p1 =	sne.s32 s16, $0x20  }
.Ltmp40:
0x410: {  	_ = 	snop;
	(pc) =	sbr.rel @p1 .LBB2_65-.Ltmp40, $3  }
0x411: {  	_ =	sdelay $0x1  }
0x412: {  	v3 =	vmax.f32 v3, v4  }
0x413: {  	s11 =	smov.u32 s16;
	[tilespmem:v2+s7+$0x0] =	vst.idx.msk $0xffff, v3  }
0x414: {  	s16 =	simm.s32 $0x0  }
0x415: {  	v2 =	vld [tilespmem:s16+$0x4000]  }
0x416: {  	v3 =	vld [tilespmem:s16+$0xC080]  }
0x417: {  	v4 =	vld [tilespmem:s16+$0x14100]  }
0x418: {  	v5 =	vld [tilespmem:s16+$0x4801]  }
0x419: {  	v6 =	vld [tilespmem:s16+$0xC881]  }
0x41a: {  	v7 =	vld [tilespmem:s16+$0x14901]  }
0x41b: {  	v2 =	vmax.f32 v2, v3;
	v3 =	vld [tilespmem:s16+$0x5002]  }
0x41c: {  	v2 =	vmax.f32 v2, v4;
	v4 =	vld [tilespmem:s16+$0xD082]  }
0x41d: {  	v2 =	vmax.f32 v2, v5;
	v5 =	vld [tilespmem:s16+$0x15102]  }
0x41e: {  	v2 =	vmax.f32 v2, v6;
	v6 =	vld [tilespmem:s16+$0x5803]  }
0x41f: {  	v2 =	vmax.f32 v2, v7;
	v7 =	vld [tilespmem:s16+$0xD883]  }
0x420: {  	v2 =	vmax.f32 v2, v3;
	v3 =	vld [tilespmem:s16+$0x15903]  }
0x421: {  	v2 =	vmax.f32 v2, v4;
	v4 =	vld [tilespmem:s16+$0x6004]  }
0x422: {  	v2 =	vmax.f32 v2, v5;
	v5 =	vld [tilespmem:s16+$0xE084]  }
0x423: {  	v2 =	vmax.f32 v2, v6;
	v6 =	vld [tilespmem:s16+$0x16104]  }
0x424: {  	v2 =	vmax.f32 v2, v7;
	v7 =	vld [tilespmem:s16+$0x6805]  }
0x425: {  	v2 =	vmax.f32 v2, v3;
	v3 =	vld [tilespmem:s16+$0xE885]  }
0x426: {  	v2 =	vmax.f32 v2, v4;
	v4 =	vld [tilespmem:s16+$0x16905]  }
0x427: {  	v2 =	vmax.f32 v2, v5;
	v5 =	vld [tilespmem:s16+$0x7006]  }
0x428: {  	v2 =	vmax.f32 v2, v6;
	v6 =	vld [tilespmem:s16+$0xF086]  }
0x429: {  	v2 =	vmax.f32 v2, v7;
	v7 =	vld [tilespmem:s16+$0x17106]  }
0x42a: {  	v2 =	vmax.f32 v2, v3;
	v3 =	vld [tilespmem:s16+$0x7807]  }
0x42b: {  	v2 =	vmax.f32 v2, v4;
	v4 =	vld [tilespmem:s16+$0xF887]  }
0x42c: {  	v2 =	vmax.f32 v2, v5;
	v5 =	vld [tilespmem:s16+$0x17907]  }
0x42d: {  	v2 =	vmax.f32 v2, v6;
	v6 =	vld [tilespmem:s16+$0x8008]  }
0x42e: {  	v2 =	vmax.f32 v2, v7;
	v7 =	vld [tilespmem:s16+$0x10088]  }
0x42f: {  	v2 =	vmax.f32 v2, v3;
	v3 =	vld [tilespmem:s16+$0x18108]  }
0x430: {  	v2 =	vmax.f32 v2, v4;
	v4 =	vld [tilespmem:s16+$0x8809]  }
0x431: {  	v2 =	vmax.f32 v2, v5;
	v5 =	vld [tilespmem:s16+$0x10889]  }
0x432: {  	v2 =	vmax.f32 v2, v6;
	v6 =	vld [tilespmem:s16+$0x18909]  }
0x433: {  	v2 =	vmax.f32 v2, v7;
	v7 =	vld [tilespmem:s16+$0x900A]  }
0x434: {  	v2 =	vmax.f32 v2, v3;
	v3 =	vld [tilespmem:s16+$0x1108A]  }
0x435: {  	v2 =	vmax.f32 v2, v4;
	v4 =	vld [tilespmem:s16+$0x1910A]  }
0x436: {  	v2 =	vmax.f32 v2, v5;
	v5 =	vld [tilespmem:s16+$0x980B]  }
0x437: {  	v2 =	vmax.f32 v2, v6;
	v6 =	vld [tilespmem:s16+$0x1188B]  }
0x438: {  	v2 =	vmax.f32 v2, v7;
	v7 =	vld [tilespmem:s16+$0x1990B]  }
0x439: {  	v2 =	vmax.f32 v2, v3;
	v3 =	vld [tilespmem:s16+$0xA00C]  }
0x43a: {  	v2 =	vmax.f32 v2, v4;
	v4 =	vld [tilespmem:s16+$0x1208C]  }
0x43b: {  	v2 =	vmax.f32 v2, v5;
	v5 =	vld [tilespmem:s16+$0x1A10C]  }
0x43c: {  	v2 =	vmax.f32 v2, v6;
	v6 =	vld [tilespmem:s16+$0xA80D]  }
0x43d: {  	v2 =	vmax.f32 v2, v7;
	v7 =	vld [tilespmem:s16+$0x1288D]  }
0x43e: {  	v8 =	vld [tilespmem:s16+$0x1A90D];
	v2 =	vmax.f32 v2, v3  }
0x43f: {  	v9 =	vld [tilespmem:s16+$0xB00E];
	v2 =	vmax.f32 v2, v4  }
0x440: {  	v10 =	vld [tilespmem:s16+$0x1308E];
	v2 =	vmax.f32 v2, v5  }
0x441: {  	v3 =	vld [tilespmem:s16+$0x1B10E];
	v2 =	vmax.f32 v2, v6  }
0x442: {  	v4 =	vld [tilespmem:s16+$0xB80F];
	v2 =	vmax.f32 v2, v7  }
0x443: {  	v5 =	vld [tilespmem:s16+$0x1388F];
	v2 =	vmax.f32 v2, v8  }
0x444: {  	s31 =	simm.s32 $0x10;
	v6 =	vld [tilespmem:s16+$0x1B90F];
	v7 =	vmax.f32 v2, v9  }
0x445: {  	s30 =	simm.s32 $0x80;
	v2 =	vld [tilespmem:s31+$0x4000];
	v7 =	vmax.f32 v7, v10  }
.LBB2_76:
0x446: {  	p1 =	sne.s32 s30, $0x1FC0;
	v8 =	vld [tilespmem:s31+$0xC080];
	v3 =	vmax.f32 v7, v3  }
0x447: {  	v7 =	vld [tilespmem:s31+$0x14100];
	v3 =	vmax.f32 v3, v4  }
0x448: {  	v4 =	vld [tilespmem:s31+$0x4801];
	v3 =	vmax.f32 v3, v5  }
0x449: {  	v5 =	vld [tilespmem:s31+$0xC881];
	v3 =	vmax.f32 v3, v6  }
0x44a: {  	v6 =	vld [tilespmem:s31+$0x14901];
	[tilespmem:s16+$0x1C180] =	vst v3;
	s16 =	smov.u32 s31  }
0x44b: {  	v2 =	vmax.f32 v2, v8;
	v3 =	vld [tilespmem:s16+$0x5002]  }
0x44c: {  	v2 =	vmax.f32 v2, v7;
	v7 =	vld [tilespmem:s16+$0xD082]  }
0x44d: {  	v2 =	vmax.f32 v2, v4;
	v4 =	vld [tilespmem:s16+$0x15102]  }
0x44e: {  	v2 =	vmax.f32 v2, v5;
	v5 =	vld [tilespmem:s16+$0x5803]  }
0x44f: {  	v2 =	vmax.f32 v2, v6;
	v6 =	vld [tilespmem:s16+$0xD883]  }
0x450: {  	v2 =	vmax.f32 v2, v3;
	v3 =	vld [tilespmem:s16+$0x15903]  }
0x451: {  	v2 =	vmax.f32 v2, v7;
	v7 =	vld [tilespmem:s16+$0x6004]  }
0x452: {  	v2 =	vmax.f32 v2, v4;
	v4 =	vld [tilespmem:s16+$0xE084]  }
0x453: {  	v2 =	vmax.f32 v2, v5;
	v5 =	vld [tilespmem:s16+$0x16104]  }
0x454: {  	v2 =	vmax.f32 v2, v6;
	v6 =	vld [tilespmem:s16+$0x6805]  }
0x455: {  	v2 =	vmax.f32 v2, v3;
	v3 =	vld [tilespmem:s16+$0xE885]  }
0x456: {  	v2 =	vmax.f32 v2, v7;
	v7 =	vld [tilespmem:s16+$0x16905]  }
0x457: {  	v2 =	vmax.f32 v2, v4;
	v4 =	vld [tilespmem:s16+$0x7006]  }
0x458: {  	v2 =	vmax.f32 v2, v5;
	v5 =	vld [tilespmem:s16+$0xF086]  }
0x459: {  	v2 =	vmax.f32 v2, v6;
	v6 =	vld [tilespmem:s16+$0x17106]  }
0x45a: {  	v2 =	vmax.f32 v2, v3;
	v3 =	vld [tilespmem:s16+$0x7807]  }
0x45b: {  	v2 =	vmax.f32 v2, v7;
	v7 =	vld [tilespmem:s16+$0xF887]  }
0x45c: {  	v2 =	vmax.f32 v2, v4;
	v4 =	vld [tilespmem:s16+$0x17907]  }
0x45d: {  	v2 =	vmax.f32 v2, v5;
	v5 =	vld [tilespmem:s16+$0x8008]  }
0x45e: {  	v2 =	vmax.f32 v2, v6;
	v6 =	vld [tilespmem:s16+$0x10088]  }
0x45f: {  	v2 =	vmax.f32 v2, v3;
	v3 =	vld [tilespmem:s16+$0x18108]  }
0x460: {  	v2 =	vmax.f32 v2, v7;
	v7 =	vld [tilespmem:s16+$0x8809]  }
0x461: {  	v2 =	vmax.f32 v2, v4;
	v4 =	vld [tilespmem:s16+$0x10889]  }
0x462: {  	v2 =	vmax.f32 v2, v5;
	v5 =	vld [tilespmem:s16+$0x18909]  }
0x463: {  	v2 =	vmax.f32 v2, v6;
	v6 =	vld [tilespmem:s16+$0x900A]  }
0x464: {  	v2 =	vmax.f32 v2, v3;
	v3 =	vld [tilespmem:s16+$0x1108A]  }
0x465: {  	v2 =	vmax.f32 v2, v7;
	v7 =	vld [tilespmem:s16+$0x1910A]  }
0x466: {  	v2 =	vmax.f32 v2, v4;
	v4 =	vld [tilespmem:s16+$0x980B]  }
0x467: {  	v2 =	vmax.f32 v2, v5;
	v5 =	vld [tilespmem:s16+$0x1188B]  }
0x468: {  	v2 =	vmax.f32 v2, v6;
	v6 =	vld [tilespmem:s16+$0x1990B]  }
0x469: {  	v2 =	vmax.f32 v2, v3;
	v3 =	vld [tilespmem:s16+$0xA00C]  }
0x46a: {  	v2 =	vmax.f32 v2, v7;
	v7 =	vld [tilespmem:s16+$0x1208C]  }
0x46b: {  	v2 =	vmax.f32 v2, v4;
	v4 =	vld [tilespmem:s16+$0x1A10C]  }
0x46c: {  	v2 =	vmax.f32 v2, v5;
	v5 =	vld [tilespmem:s16+$0xA80D]  }
0x46d: {  	v2 =	vmax.f32 v2, v6;
	v6 =	vld [tilespmem:s16+$0x1288D]  }
0x46e: {  	v2 =	vmax.f32 v2, v3;
	v8 =	vld [tilespmem:s16+$0x1A90D]  }
0x46f: {  	v2 =	vmax.f32 v2, v7;
	v7 =	vld [tilespmem:s16+$0xB00E]  }
0x470: {  	v2 =	vmax.f32 v2, v4;
	v9 =	vld [tilespmem:s16+$0x1308E]  }
.Ltmp41:
0x471: {  	v2 =	vmax.f32 v2, v5;
	v3 =	vld [tilespmem:s16+$0x1B10E];
	(pc) =	sbr.rel @p1 .LBB2_76-.Ltmp41, $4  }
0x472: {  	v2 =	vmax.f32 v2, v6;
	v4 =	vld [tilespmem:s16+$0xB80F]  }
0x473: {  	v2 =	vmax.f32 v2, v8;
	v5 =	vld [tilespmem:s16+$0x1388F]  }
0x474: {  	s31 =	sshra.s32 s30, $0x2;
	v7 =	vmax.f32 v2, v7;
	v6 =	vld [tilespmem:s16+$0x1B90F]  }
0x475: {  	s30 =	sadd.s32 $0x40, s30;
	v2 =	vld [tilespmem:s31+$0x4000];
	v7 =	vmax.f32 v7, v9  }
0x476: {  	v8 =	vld [tilespmem:s31+$0xC080];
	v3 =	vmax.f32 v7, v3  }
0x477: {  	v27 =	vld [tilespmem:s31+$0x14100];
	v3 =	vmax.f32 v3, v4  }
0x478: {  	v28 =	vld [tilespmem:s31+$0x4801];
	v3 =	vmax.f32 v3, v5  }
0x479: {  	v29 =	vld [tilespmem:s31+$0xC881];
	v3 =	vmax.f32 v3, v6  }
0x47a: {  	v30 =	vld [tilespmem:s31+$0x14901];
	[tilespmem:s16+$0x1C180] =	vst v3  }
0x47b: {  	v2 =	vmax.f32 v2, v8;
	v3 =	vld [tilespmem:s31+$0x5002]  }
0x47c: {  	v31 =	vld [tilespmem:s31+$0xD082];
	v2 =	vmax.f32 v2, v27  }
0x47d: {  	v32 =	vld [tilespmem:s31+$0x15102];
	v2 =	vmax.f32 v2, v28  }
0x47e: {  	v33 =	vld [tilespmem:s31+$0x5803];
	v2 =	vmax.f32 v2, v29  }
0x47f: {  	v34 =	vld [tilespmem:s31+$0xD883];
	v2 =	vmax.f32 v2, v30  }
0x480: {  	v2 =	vmax.f32 v2, v3;
	v3 =	vld [tilespmem:s31+$0x15903]  }
0x481: {  	v35 =	vld [tilespmem:s31+$0x6004];
	v2 =	vmax.f32 v2, v31  }
0x482: {  	v36 =	vld [tilespmem:s31+$0xE084];
	v2 =	vmax.f32 v2, v32  }
0x483: {  	v37 =	vld [tilespmem:s31+$0x16104];
	v2 =	vmax.f32 v2, v33  }
0x484: {  	v38 =	vld [tilespmem:s31+$0x6805];
	v2 =	vmax.f32 v2, v34  }
0x485: {  	v2 =	vmax.f32 v2, v3;
	v3 =	vld [tilespmem:s31+$0xE885]  }
0x486: {  	v39 =	vld [tilespmem:s31+$0x16905];
	v2 =	vmax.f32 v2, v35  }
0x487: {  	v40 =	vld [tilespmem:s31+$0x7006];
	v2 =	vmax.f32 v2, v36  }
0x488: {  	v41 =	vld [tilespmem:s31+$0xF086];
	v2 =	vmax.f32 v2, v37  }
0x489: {  	v42 =	vld [tilespmem:s31+$0x17106];
	v2 =	vmax.f32 v2, v38  }
0x48a: {  	v2 =	vmax.f32 v2, v3;
	v3 =	vld [tilespmem:s31+$0x7807]  }
0x48b: {  	v43 =	vld [tilespmem:s31+$0xF887];
	v2 =	vmax.f32 v2, v39  }
0x48c: {  	v44 =	vld [tilespmem:s31+$0x17907];
	v2 =	vmax.f32 v2, v40  }
0x48d: {  	v45 =	vld [tilespmem:s31+$0x8008];
	v2 =	vmax.f32 v2, v41  }
0x48e: {  	v46 =	vld [tilespmem:s31+$0x10088];
	v2 =	vmax.f32 v2, v42  }
0x48f: {  	v2 =	vmax.f32 v2, v3;
	v3 =	vld [tilespmem:s31+$0x18108]  }
0x490: {  	v47 =	vld [tilespmem:s31+$0x8809];
	v2 =	vmax.f32 v2, v43  }
0x491: {  	v48 =	vld [tilespmem:s31+$0x10889];
	v2 =	vmax.f32 v2, v44  }
0x492: {  	v49 =	vld [tilespmem:s31+$0x18909];
	v2 =	vmax.f32 v2, v45  }
0x493: {  	v50 =	vld [tilespmem:s31+$0x900A];
	v2 =	vmax.f32 v2, v46  }
0x494: {  	v2 =	vmax.f32 v2, v3;
	v3 =	vld [tilespmem:s31+$0x1108A]  }
0x495: {  	v51 =	vld [tilespmem:s31+$0x1910A];
	v2 =	vmax.f32 v2, v47  }
0x496: {  	v52 =	vld [tilespmem:s31+$0x980B];
	v2 =	vmax.f32 v2, v48  }
0x497: {  	v53 =	vld [tilespmem:s31+$0x1188B];
	v2 =	vmax.f32 v2, v49  }
0x498: {  	v54 =	vld [tilespmem:s31+$0x1990B];
	v2 =	vmax.f32 v2, v50  }
0x499: {  	v2 =	vmax.f32 v2, v3;
	v3 =	vld [tilespmem:s31+$0xA00C]  }
0x49a: {  	v55 =	vld [tilespmem:s31+$0x1208C];
	v2 =	vmax.f32 v2, v51  }
0x49b: {  	v56 =	vld [tilespmem:s31+$0x1A10C];
	v2 =	vmax.f32 v2, v52  }
0x49c: {  	v57 =	vld [tilespmem:s31+$0xA80D];
	v2 =	vmax.f32 v2, v53  }
0x49d: {  	v58 =	vld [tilespmem:s31+$0x1288D];
	v2 =	vmax.f32 v2, v54  }
0x49e: {  	v2 =	vmax.f32 v2, v3;
	v3 =	vld [tilespmem:s31+$0x1A90D]  }
0x49f: {  	v59 =	vld [tilespmem:s31+$0xB00E];
	v2 =	vmax.f32 v2, v55  }
0x4a0: {  	v60 =	vld [tilespmem:s31+$0x1308E];
	v2 =	vmax.f32 v2, v56  }
0x4a1: {  	v61 =	vld [tilespmem:s31+$0x1B10E];
	v2 =	vmax.f32 v2, v57  }
0x4a2: {  	v62 =	vld [tilespmem:s31+$0xB80F];
	v2 =	vmax.f32 v2, v58  }
0x4a3: {  	v2 =	vmax.f32 v2, v3;
	v3 =	vld [tilespmem:s31+$0x1388F]  }
0x4a4: {  	v63 =	vld [tilespmem:s31+$0x1B90F];
	v2 =	vmax.f32 v2, v59  }
0x4a5: {  	v2 =	vmax.f32 v2, v60  }
0x4a6: {  	v2 =	vmax.f32 v2, v61  }
0x4a7: {  	v2 =	vmax.f32 v2, v62  }
0x4a8: {  	v2 =	vmax.f32 v2, v3  }
0x4a9: {  	s11 =	rddreg [dreg:$0x5];
	s12 =	simm.s32 $0x80;
	s14 =	simm.s32 $0x100;
	v2 =	vmax.f32 v2, v63  }
.Ltmp42:
0x4aa: {  	s15 =	simm.s32 $0x1C180;
	[tilespmem:s31+$0x1C180] =	vst v2;
	s31 =	simm.s32 $0x3;
	(pc) =	sbr.rel @p0 .LBB2_98-.Ltmp42, $4  }
0x4ab: {  	[hbm4b:s11+s12] =	stream.strided.scatter [tilespmem:s15], [sflag:$0x3], $0x800, s14, s12, $0x38;
	[tilespmem:$0x1C980] =	vst v63  }
0x4ac: {  	_ =	swait.ge [sflag:s31], $0x800  }
0x4ad: {  	[sflag:s31] =	ssyncset.done $0x0  }
0x4ae: {  	s12 =	rddreg [dreg:$0x14];
	[sflag:s31] =	ssyncadd.s32 $0xFFFFF800  }
0x4af: {  	s11 =	simm.s32 $0x40;
	s12 =	simm.s32 $0x0  }
.LBB2_79:
0x4b0: {  	p1 =	sne.s32 s11, $0x20000;
	[tilespmem:s12+$0x14100] =	vst v0;
	s14 =	smov.u32 s11;
	s11 =	sadd.s32 $0x40, s11  }
.Ltmp43:
0x4b1: {  	[tilespmem:s12+$0x4000] =	vst v0;
	(pc) =	sbr.rel @p1 .LBB2_79-.Ltmp43, $2  }
0x4b2: {  	[tilespmem:s12+$0xC080] =	vst v0;
	_ =	sdelay $0x2  }
0x4b3: {  	s12 =	sshra.s32 s14, $0x2  }
0x4b4: {  	[tilespmem:s12+$0x14100] =	vst v0  }
0x4b5: {  	[tilespmem:s12+$0x4000] =	vst v0;
	s11 =	simm.s32 $0x0  }
0x4b6: {  	[tilespmem:s12+$0xC080] =	vst v0;
	s12 =	simm.s32 $0x80;
	s15 =	sadd.s32 $0x0, s10;
	s14 =	simm.s32 $0x100  }
.LBB2_81:
0x4b7: {  	[tilespmem:s11], [sflag:$0x1] =	stream.linear.gather [hbm4b:s15+s0], $0x80, $0x38;
	[tilespmem:$0x1C980] =	vst v63  }
0x4b8: {  	s15 =	smov.u32 s12;
	s11 =	smov.u32 s14;
	p1 =	sne.s32 s12, $0xF80  }
.Ltmp44:
0x4b9: {  	s12 =	sadd.s32 $0x80, s12;
	(pc) =	sbr.rel @p1 .LBB2_81-.Ltmp44, $2  }
0x4ba: {  	_ =	sdelay $0x2  }
0x4bb: {  	s14 =	sadd.s32 $0x100, s14;
	s15 =	sadd.s32 s15, s10  }
0x4bc: {  	[tilespmem:s11], [sflag:$0x1] =	stream.linear.gather [hbm4b:s15+s0], $0x80, $0x38;
	[tilespmem:$0x1C980] =	vst v63  }
0x4bd: {  	s11 =	simm.s32 $0x0;
	s12 =	simm.s32 $0x2000  }
0x4be: {  	s14 =	simm.s32 $0x40;
	s16 =	sadd.s32 $0x0, s13;
	s15 =	simm.s32 $0x2100  }
.LBB2_83:
0x4bf: {  	[tilespmem:s12], [sflag:$0x2] =	stream.linear.gather [hbm4b:s16+s11], $0x80, $0x38;
	[tilespmem:$0x1C980] =	vst v63  }
0x4c0: {  	s16 =	smov.u32 s14;
	s12 =	smov.u32 s15;
	p1 =	sne.s32 s14, $0x7C0  }
.Ltmp45:
0x4c1: {  	s14 =	sadd.s32 $0x40, s14;
	(pc) =	sbr.rel @p1 .LBB2_83-.Ltmp45, $2  }
0x4c2: {  	_ =	sdelay $0x2  }
0x4c3: {  	s15 =	sadd.s32 $0x100, s15;
	s16 =	sadd.s32 s16, s13  }
0x4c4: {  	[tilespmem:s12], [sflag:$0x2] =	stream.linear.gather [hbm4b:s16+s11], $0x80, $0x38;
	[tilespmem:$0x1C980] =	vst v63  }
.LBB2_85:
0x4c5: {  	_ =	swait.ge [sflag:s5], $0x1000;
	p1 =	seq.s32 s11, $0x1F  }
.Ltmp46:
0x4c6: {  	[sflag:s5] =	ssyncset.done $0x0;
	(pc) =	sbr.rel @!p1 .LBB2_87-.Ltmp46, $4  }
0x4c7: {  	[sflag:s5] =	ssyncadd.s32 $0xFFFFF000  }
0x4c8: {  	_ =	swait.ge [sflag:s6], $0x1000  }
0x4c9: {  	[sflag:s6] =	ssyncset.done $0x0  }
0x4ca: {  	s16 =	sadd.s32 $0x1, s11;
	[sflag:s6] =	ssyncadd.s32 $0xFFFFF000  }
.Ltmp47:
0x4cb: {  	(pc) =	sbr.rel .LBB2_92-.Ltmp47, $2  }
0x4cc: {  	_ =	sdelay $0x2  }
0x4cd: {  	s30 =	simm.s32 $0x1FF0;
	s31 =	simm.s32 $0x80  }
.LBB2_87:
0x4ce: {  	s12 =	sshll.u32 s16, $0xC;
	s11 =	sshll.u32 s11, $0x7;
	s14 =	rddreg [dreg:$0x11]  }
0x4cf: {  	s15 =	rddreg [dreg:$0xa];
	s12 =	sadd.s32 s14, s12;
	s31 =	sand.u32 $0x80, s11  }
0x4d0: {  	s30 =	simm.s32 $0x80;
	s14 =	sxor.u32 $0x80, s31;
	s15 =	sadd.s32 s15, s12  }
0x4d1: {  	s25 =	sadd.s32 $0x0, s15;
	s19 =	sadd.s32 $0x100, s14;
	s21 =	smov.u32 s14  }
.LBB2_88:
0x4d2: {  	[tilespmem:s21], [sflag:$0x1] =	stream.linear.gather [hbm4b:s25+s0], $0x80, $0x38;
	[tilespmem:$0x1C980] =	vst v63  }
0x4d3: {  	s17 =	smov.u32 s30;
	s21 =	smov.u32 s19;
	p1 =	sne.s32 s30, $0xF80  }
.Ltmp48:
0x4d4: {  	s30 =	sadd.s32 $0x80, s30;
	(pc) =	sbr.rel @p1 .LBB2_88-.Ltmp48, $2  }
0x4d5: {  	_ =	sdelay $0x2  }
0x4d6: {  	s19 =	sadd.s32 $0x100, s19;
	s25 =	sadd.s32 s17, s15  }
0x4d7: {  	[tilespmem:s21], [sflag:$0x1] =	stream.linear.gather [hbm4b:s25+s0], $0x80, $0x38;
	[tilespmem:$0x1C980] =	vst v63  }
0x4d8: {  	s15 =	sshrl.u32 s12, $0x1;
	s30 =	rddreg [dreg:$0x10]  }
0x4d9: {  	s12 =	sor.u32 $0x2000, s14;
	s14 =	sadd.s32 s15, s30  }
0x4da: {  	s15 =	simm.s32 $0x40;
	s19 =	sadd.s32 $0x100, s12;
	s21 =	sadd.s32 $0x0, s14  }
.LBB2_90:
0x4db: {  	[tilespmem:s12], [sflag:$0x2] =	stream.linear.gather [hbm4b:s21+s0], $0x80, $0x38;
	[tilespmem:$0x1C980] =	vst v63  }
0x4dc: {  	s17 =	smov.u32 s15;
	s12 =	smov.u32 s19;
	p1 =	sne.s32 s15, $0x7C0  }
.Ltmp49:
0x4dd: {  	s15 =	sadd.s32 $0x40, s15;
	(pc) =	sbr.rel @p1 .LBB2_90-.Ltmp49, $2  }
0x4de: {  	_ =	sdelay $0x2  }
0x4df: {  	s19 =	sadd.s32 $0x100, s19;
	s21 =	sadd.s32 s17, s14  }
0x4e0: {  	[tilespmem:s12], [sflag:$0x2] =	stream.linear.gather [hbm4b:s21+s0], $0x80, $0x38;
	[tilespmem:$0x1C980] =	vst v63  }
0x4e1: {  	s30 =	sor.u32 $0x1F70, s11  }
.LBB2_92:
0x4e2: {  	s11 =	simm.s32 $0x0  }
0x4e3: {  	s12 =	sand.u32 $0x70, s11;
	s11 =	sand.u32 $0x3F00, s11  }
0x4e4: {  	s11 =	sor.u32 s11, s12  }
0x4e5: {  	s11 =	sor.u32 s31, s11  }
0x4e6: {  	v2 =	vld [tilespmem:s11+$0x2000]  }
0x4e7: {  	s19 =	simm.s32 $0x20;
	s17 =	simm.s32 $0x10  }
0x4e8: {  	s14 =	simm.s32 $0x40;
	s17 =	sand.u32 $0x70, s17;
	s12 =	sand.u32 $0x7F00, s19  }
0x4e9: {  	s15 =	sand.u32 $0x70, s19;
	s14 =	sand.u32 $0x7F00, s14;
	s12 =	sor.u32 s12, s17  }
0x4ea: {  	s14 =	sor.u32 s14, s15;
	s12 =	sor.u32 s31, s12  }
0x4eb: {  	s14 =	sor.u32 s31, s14;
	v4 =	vld [tilespmem:s12+$0x2000];
	v3 =	vadd.s32 v1, v2  }
0x4ec: {  	v2 =	vld [tilespmem:s14+$0x2000];
	_ =	sdelay $0x2  }
0x4ed: {  	v6 =	vld [tilespmem:s11+$0x0]  }
0x4ee: {  	v4 =	vadd.s32 v1, v4;
	v5 =	vld.idx.msk [tilespmem:v3+s7+$0x0], $0xffff  }
0x4ef: {  	v2 =	vadd.s32 v1, v2;
	_ =	sdelay $0x3  }
0x4f0: {  	v8 =	vld.idx.msk [tilespmem:v4+s1+$0x0], $0xffff;
	v5 =	vmax.f32 v5, v6  }
0x4f1: {  	v7 =	vld.idx.msk [tilespmem:v2+s3+$0x0], $0xffff;
	[tilespmem:v3+s7+$0x0] =	vst.idx.msk $0xffff, v5  }
0x4f2: {  	v3 =	vld [tilespmem:s12+$0x0];
	_ =	sdelay $0x4  }
0x4f3: {  	v3 =	vmax.f32 v8, v3  }
0x4f4: {  	[tilespmem:v4+s1+$0x0] =	vst.idx.msk $0xffff, v3  }
0x4f5: {  	v3 =	vld [tilespmem:s14+$0x0];
	_ =	sdelay $0x2  }
0x4f6: {  	s11 =	simm.s32 $0x60;
	s12 =	simm.s32 $0x30  }
0x4f7: {  	s21 =	simm.s32 $0x50;
	s25 =	sand.u32 $0x3F00, s11;
	s23 =	sand.u32 $0x70, s12  }
0x4f8: {  	s19 =	simm.s32 $0x60;
	s14 =	sand.u32 $0x70, s21;
	s21 =	sor.u32 s25, s23;
	v3 =	vmax.f32 v7, v3  }
.LBB2_93:
0x4f9: {  	s17 =	sadd.s32 $0x20, s19  }
0x4fa: {  	s21 =	sor.u32 s31, s21;
	[tilespmem:v2+s3+$0x0] =	vst.idx.msk $0xffff, v3;
	s23 =	smov.u32 s19;
	s15 =	sadd.s32 $0x30, s19  }
0x4fb: {  	p1 =	sne.s32 s19, $0xFC0;
	s17 =	sand.u32 $0x70, s17;
	v2 =	vld [tilespmem:s21+$0x2000]  }
0x4fc: {  	s19 =	sadd.s32 $0x40, s11  }
0x4fd: {  	s12 =	sadd.s32 $0x10, s12;
	s25 =	sadd.s32 $0x20, s11;
	s19 =	sand.u32 $0x7F00, s19  }
0x4fe: {  	s12 =	sand.u32 $0x70, s12;
	s25 =	sand.u32 $0x7F00, s25;
	s14 =	sor.u32 s19, s14  }
0x4ff: {  	s19 =	sor.u32 s25, s12;
	s12 =	smov.u32 s23;
	s25 =	sor.u32 s31, s14  }
0x500: {  	s19 =	sor.u32 s31, s19;
	s14 =	smov.u32 s17;
	v3 =	vadd.s32 v1, v2;
	v2 =	vld [tilespmem:s25+$0x2000]  }
0x501: {  	v4 =	vld [tilespmem:s19+$0x2000];
	_ =	sdelay $0x3  }
0x502: {  	v5 =	vld.idx.msk [tilespmem:v3+s7+$0x0], $0xffff;
	v2 =	vadd.s32 v1, v2  }
0x503: {  	v4 =	vadd.s32 v1, v4;
	v6 =	vld [tilespmem:s21+$0x0];
	_ =	sdelay $0x3  }
0x504: {  	v7 =	vld.idx.msk [tilespmem:v2+s3+$0x0], $0xffff  }
0x505: {  	v8 =	vld.idx.msk [tilespmem:v4+s1+$0x0], $0xffff;
	v5 =	vmax.f32 v5, v6  }
0x506: {  	[tilespmem:v3+s7+$0x0] =	vst.idx.msk $0xffff, v5  }
0x507: {  	v3 =	vld [tilespmem:s19+$0x0];
	_ =	sdelay $0x4  }
0x508: {  	v3 =	vmax.f32 v8, v3  }
0x509: {  	[tilespmem:v4+s1+$0x0] =	vst.idx.msk $0xffff, v3  }
0x50a: {  	v3 =	vld [tilespmem:s25+$0x0]  }
.Ltmp50:
0x50b: {  	(pc) =	sbr.rel @p1 .LBB2_93-.Ltmp50, $4  }
0x50c: {  	_ = 	snop  }
0x50d: {  	s11 =	sadd.s32 $0x60, s11  }
0x50e: {  	s17 =	sand.u32 $0x70, s12;
	s19 =	sand.u32 $0x3F00, s11  }
0x50f: {  	s21 =	sor.u32 s19, s17;
	s19 =	smov.u32 s15;
	v3 =	vmax.f32 v7, v3  }
0x510: {  	_ =	sdelay $0x3  }
0x511: {  	s15 =	sor.u32 s31, s21;
	[tilespmem:v2+s3+$0x0] =	vst.idx.msk $0xffff, v3  }
0x512: {  	v2 =	vld [tilespmem:s15+$0x2000]  }
0x513: {  	s17 =	sadd.s32 $0x40, s11  }
0x514: {  	s12 =	sadd.s32 $0x10, s12;
	s23 =	sadd.s32 $0x20, s11;
	s17 =	sand.u32 $0x7F00, s17  }
0x515: {  	s12 =	sand.u32 $0x70, s12;
	s11 =	sand.u32 $0x7F00, s23;
	s14 =	sor.u32 s17, s14  }
0x516: {  	s11 =	sor.u32 s11, s12;
	s25 =	sor.u32 s31, s14  }
0x517: {  	s11 =	sor.u32 s31, s11;
	v3 =	vld [tilespmem:s25+$0x2000];
	v2 =	vadd.s32 v1, v2  }
0x518: {  	v4 =	vld [tilespmem:s11+$0x2000];
	_ =	sdelay $0x2  }
0x519: {  	v6 =	vld [tilespmem:s15+$0x0]  }
0x51a: {  	v3 =	vadd.s32 v1, v3;
	v5 =	vld.idx.msk [tilespmem:v2+s7+$0x0], $0xffff  }
0x51b: {  	v4 =	vadd.s32 v1, v4;
	_ =	sdelay $0x3  }
0x51c: {  	v7 =	vld.idx.msk [tilespmem:v3+s3+$0x0], $0xffff;
	v5 =	vmax.f32 v5, v6  }
0x51d: {  	v8 =	vld.idx.msk [tilespmem:v4+s1+$0x0], $0xffff;
	[tilespmem:v2+s7+$0x0] =	vst.idx.msk $0xffff, v5  }
0x51e: {  	v2 =	vld [tilespmem:s11+$0x0];
	_ =	sdelay $0x4  }
0x51f: {  	v2 =	vmax.f32 v8, v2  }
0x520: {  	[tilespmem:v4+s1+$0x0] =	vst.idx.msk $0xffff, v2  }
0x521: {  	v2 =	vld [tilespmem:s25+$0x0];
	_ =	sdelay $0x4  }
0x522: {  	v2 =	vmax.f32 v7, v2  }
0x523: {  	[tilespmem:v3+s3+$0x0] =	vst.idx.msk $0xffff, v2  }
0x524: {  	v2 =	vld [tilespmem:s30+$0x2000];
	_ =	sdelay $0x4  }
0x525: {  	v2 =	vadd.s32 v1, v2;
	_ =	sdelay $0x3  }
0x526: {  	v4 =	vld [tilespmem:s30+$0x0]  }
0x527: {  	v3 =	vld.idx.msk [tilespmem:v2+s7+$0x0], $0xffff  }
0x528: {  	p1 =	sne.s32 s16, $0x20  }
.Ltmp51:
0x529: {  	_ = 	snop;
	(pc) =	sbr.rel @p1 .LBB2_85-.Ltmp51, $3  }
0x52a: {  	_ =	sdelay $0x1  }
0x52b: {  	v3 =	vmax.f32 v3, v4  }
0x52c: {  	s11 =	smov.u32 s16;
	[tilespmem:v2+s7+$0x0] =	vst.idx.msk $0xffff, v3  }
0x52d: {  	s16 =	simm.s32 $0x0  }
0x52e: {  	v2 =	vld [tilespmem:s16+$0x4000]  }
0x52f: {  	v3 =	vld [tilespmem:s16+$0xC080]  }
0x530: {  	v4 =	vld [tilespmem:s16+$0x14100]  }
0x531: {  	v5 =	vld [tilespmem:s16+$0x4801]  }
0x532: {  	v6 =	vld [tilespmem:s16+$0xC881]  }
0x533: {  	v7 =	vld [tilespmem:s16+$0x14901]  }
0x534: {  	v2 =	vmax.f32 v2, v3;
	v3 =	vld [tilespmem:s16+$0x5002]  }
0x535: {  	v2 =	vmax.f32 v2, v4;
	v4 =	vld [tilespmem:s16+$0xD082]  }
0x536: {  	v2 =	vmax.f32 v2, v5;
	v5 =	vld [tilespmem:s16+$0x15102]  }
0x537: {  	v2 =	vmax.f32 v2, v6;
	v6 =	vld [tilespmem:s16+$0x5803]  }
0x538: {  	v2 =	vmax.f32 v2, v7;
	v7 =	vld [tilespmem:s16+$0xD883]  }
0x539: {  	v2 =	vmax.f32 v2, v3;
	v3 =	vld [tilespmem:s16+$0x15903]  }
0x53a: {  	v2 =	vmax.f32 v2, v4;
	v4 =	vld [tilespmem:s16+$0x6004]  }
0x53b: {  	v2 =	vmax.f32 v2, v5;
	v5 =	vld [tilespmem:s16+$0xE084]  }
0x53c: {  	v2 =	vmax.f32 v2, v6;
	v6 =	vld [tilespmem:s16+$0x16104]  }
0x53d: {  	v2 =	vmax.f32 v2, v7;
	v7 =	vld [tilespmem:s16+$0x6805]  }
0x53e: {  	v2 =	vmax.f32 v2, v3;
	v3 =	vld [tilespmem:s16+$0xE885]  }
0x53f: {  	v2 =	vmax.f32 v2, v4;
	v4 =	vld [tilespmem:s16+$0x16905]  }
0x540: {  	v2 =	vmax.f32 v2, v5;
	v5 =	vld [tilespmem:s16+$0x7006]  }
0x541: {  	v2 =	vmax.f32 v2, v6;
	v6 =	vld [tilespmem:s16+$0xF086]  }
0x542: {  	v2 =	vmax.f32 v2, v7;
	v7 =	vld [tilespmem:s16+$0x17106]  }
0x543: {  	v2 =	vmax.f32 v2, v3;
	v3 =	vld [tilespmem:s16+$0x7807]  }
0x544: {  	v2 =	vmax.f32 v2, v4;
	v4 =	vld [tilespmem:s16+$0xF887]  }
0x545: {  	v2 =	vmax.f32 v2, v5;
	v5 =	vld [tilespmem:s16+$0x17907]  }
0x546: {  	v2 =	vmax.f32 v2, v6;
	v6 =	vld [tilespmem:s16+$0x8008]  }
0x547: {  	v2 =	vmax.f32 v2, v7;
	v7 =	vld [tilespmem:s16+$0x10088]  }
0x548: {  	v2 =	vmax.f32 v2, v3;
	v3 =	vld [tilespmem:s16+$0x18108]  }
0x549: {  	v2 =	vmax.f32 v2, v4;
	v4 =	vld [tilespmem:s16+$0x8809]  }
0x54a: {  	v2 =	vmax.f32 v2, v5;
	v5 =	vld [tilespmem:s16+$0x10889]  }
0x54b: {  	v2 =	vmax.f32 v2, v6;
	v6 =	vld [tilespmem:s16+$0x18909]  }
0x54c: {  	v2 =	vmax.f32 v2, v7;
	v7 =	vld [tilespmem:s16+$0x900A]  }
0x54d: {  	v2 =	vmax.f32 v2, v3;
	v3 =	vld [tilespmem:s16+$0x1108A]  }
0x54e: {  	v2 =	vmax.f32 v2, v4;
	v4 =	vld [tilespmem:s16+$0x1910A]  }
0x54f: {  	v2 =	vmax.f32 v2, v5;
	v5 =	vld [tilespmem:s16+$0x980B]  }
0x550: {  	v2 =	vmax.f32 v2, v6;
	v6 =	vld [tilespmem:s16+$0x1188B]  }
0x551: {  	v2 =	vmax.f32 v2, v7;
	v7 =	vld [tilespmem:s16+$0x1990B]  }
0x552: {  	v2 =	vmax.f32 v2, v3;
	v3 =	vld [tilespmem:s16+$0xA00C]  }
0x553: {  	v2 =	vmax.f32 v2, v4;
	v4 =	vld [tilespmem:s16+$0x1208C]  }
0x554: {  	v2 =	vmax.f32 v2, v5;
	v5 =	vld [tilespmem:s16+$0x1A10C]  }
0x555: {  	v2 =	vmax.f32 v2, v6;
	v6 =	vld [tilespmem:s16+$0xA80D]  }
0x556: {  	v2 =	vmax.f32 v2, v7;
	v7 =	vld [tilespmem:s16+$0x1288D]  }
0x557: {  	v8 =	vld [tilespmem:s16+$0x1A90D];
	v2 =	vmax.f32 v2, v3  }
0x558: {  	v9 =	vld [tilespmem:s16+$0xB00E];
	v2 =	vmax.f32 v2, v4  }
0x559: {  	v10 =	vld [tilespmem:s16+$0x1308E];
	v2 =	vmax.f32 v2, v5  }
0x55a: {  	v3 =	vld [tilespmem:s16+$0x1B10E];
	v2 =	vmax.f32 v2, v6  }
0x55b: {  	v4 =	vld [tilespmem:s16+$0xB80F];
	v2 =	vmax.f32 v2, v7  }
0x55c: {  	v5 =	vld [tilespmem:s16+$0x1388F];
	v2 =	vmax.f32 v2, v8  }
0x55d: {  	s31 =	simm.s32 $0x10;
	v6 =	vld [tilespmem:s16+$0x1B90F];
	v7 =	vmax.f32 v2, v9  }
0x55e: {  	s30 =	simm.s32 $0x80;
	v2 =	vld [tilespmem:s31+$0x4000];
	v7 =	vmax.f32 v7, v10  }
.LBB2_96:
0x55f: {  	p1 =	sne.s32 s30, $0x1FC0;
	v8 =	vld [tilespmem:s31+$0xC080];
	v3 =	vmax.f32 v7, v3  }
0x560: {  	v7 =	vld [tilespmem:s31+$0x14100];
	v3 =	vmax.f32 v3, v4  }
0x561: {  	v4 =	vld [tilespmem:s31+$0x4801];
	v3 =	vmax.f32 v3, v5  }
0x562: {  	v5 =	vld [tilespmem:s31+$0xC881];
	v3 =	vmax.f32 v3, v6  }
0x563: {  	v6 =	vld [tilespmem:s31+$0x14901];
	[tilespmem:s16+$0x1C180] =	vst v3;
	s16 =	smov.u32 s31  }
0x564: {  	v2 =	vmax.f32 v2, v8;
	v3 =	vld [tilespmem:s16+$0x5002]  }
0x565: {  	v2 =	vmax.f32 v2, v7;
	v7 =	vld [tilespmem:s16+$0xD082]  }
0x566: {  	v2 =	vmax.f32 v2, v4;
	v4 =	vld [tilespmem:s16+$0x15102]  }
0x567: {  	v2 =	vmax.f32 v2, v5;
	v5 =	vld [tilespmem:s16+$0x5803]  }
0x568: {  	v2 =	vmax.f32 v2, v6;
	v6 =	vld [tilespmem:s16+$0xD883]  }
0x569: {  	v2 =	vmax.f32 v2, v3;
	v3 =	vld [tilespmem:s16+$0x15903]  }
0x56a: {  	v2 =	vmax.f32 v2, v7;
	v7 =	vld [tilespmem:s16+$0x6004]  }
0x56b: {  	v2 =	vmax.f32 v2, v4;
	v4 =	vld [tilespmem:s16+$0xE084]  }
0x56c: {  	v2 =	vmax.f32 v2, v5;
	v5 =	vld [tilespmem:s16+$0x16104]  }
0x56d: {  	v2 =	vmax.f32 v2, v6;
	v6 =	vld [tilespmem:s16+$0x6805]  }
0x56e: {  	v2 =	vmax.f32 v2, v3;
	v3 =	vld [tilespmem:s16+$0xE885]  }
0x56f: {  	v2 =	vmax.f32 v2, v7;
	v7 =	vld [tilespmem:s16+$0x16905]  }
0x570: {  	v2 =	vmax.f32 v2, v4;
	v4 =	vld [tilespmem:s16+$0x7006]  }
0x571: {  	v2 =	vmax.f32 v2, v5;
	v5 =	vld [tilespmem:s16+$0xF086]  }
0x572: {  	v2 =	vmax.f32 v2, v6;
	v6 =	vld [tilespmem:s16+$0x17106]  }
0x573: {  	v2 =	vmax.f32 v2, v3;
	v3 =	vld [tilespmem:s16+$0x7807]  }
0x574: {  	v2 =	vmax.f32 v2, v7;
	v7 =	vld [tilespmem:s16+$0xF887]  }
0x575: {  	v2 =	vmax.f32 v2, v4;
	v4 =	vld [tilespmem:s16+$0x17907]  }
0x576: {  	v2 =	vmax.f32 v2, v5;
	v5 =	vld [tilespmem:s16+$0x8008]  }
0x577: {  	v2 =	vmax.f32 v2, v6;
	v6 =	vld [tilespmem:s16+$0x10088]  }
0x578: {  	v2 =	vmax.f32 v2, v3;
	v3 =	vld [tilespmem:s16+$0x18108]  }
0x579: {  	v2 =	vmax.f32 v2, v7;
	v7 =	vld [tilespmem:s16+$0x8809]  }
0x57a: {  	v2 =	vmax.f32 v2, v4;
	v4 =	vld [tilespmem:s16+$0x10889]  }
0x57b: {  	v2 =	vmax.f32 v2, v5;
	v5 =	vld [tilespmem:s16+$0x18909]  }
0x57c: {  	v2 =	vmax.f32 v2, v6;
	v6 =	vld [tilespmem:s16+$0x900A]  }
0x57d: {  	v2 =	vmax.f32 v2, v3;
	v3 =	vld [tilespmem:s16+$0x1108A]  }
0x57e: {  	v2 =	vmax.f32 v2, v7;
	v7 =	vld [tilespmem:s16+$0x1910A]  }
0x57f: {  	v2 =	vmax.f32 v2, v4;
	v4 =	vld [tilespmem:s16+$0x980B]  }
0x580: {  	v2 =	vmax.f32 v2, v5;
	v5 =	vld [tilespmem:s16+$0x1188B]  }
0x581: {  	v2 =	vmax.f32 v2, v6;
	v6 =	vld [tilespmem:s16+$0x1990B]  }
0x582: {  	v2 =	vmax.f32 v2, v3;
	v3 =	vld [tilespmem:s16+$0xA00C]  }
0x583: {  	v2 =	vmax.f32 v2, v7;
	v7 =	vld [tilespmem:s16+$0x1208C]  }
0x584: {  	v2 =	vmax.f32 v2, v4;
	v4 =	vld [tilespmem:s16+$0x1A10C]  }
0x585: {  	v2 =	vmax.f32 v2, v5;
	v5 =	vld [tilespmem:s16+$0xA80D]  }
0x586: {  	v2 =	vmax.f32 v2, v6;
	v6 =	vld [tilespmem:s16+$0x1288D]  }
0x587: {  	v2 =	vmax.f32 v2, v3;
	v8 =	vld [tilespmem:s16+$0x1A90D]  }
0x588: {  	v2 =	vmax.f32 v2, v7;
	v7 =	vld [tilespmem:s16+$0xB00E]  }
0x589: {  	v2 =	vmax.f32 v2, v4;
	v9 =	vld [tilespmem:s16+$0x1308E]  }
.Ltmp52:
0x58a: {  	v2 =	vmax.f32 v2, v5;
	v3 =	vld [tilespmem:s16+$0x1B10E];
	(pc) =	sbr.rel @p1 .LBB2_96-.Ltmp52, $4  }
0x58b: {  	v2 =	vmax.f32 v2, v6;
	v4 =	vld [tilespmem:s16+$0xB80F]  }
0x58c: {  	v2 =	vmax.f32 v2, v8;
	v5 =	vld [tilespmem:s16+$0x1388F]  }
0x58d: {  	s31 =	sshra.s32 s30, $0x2;
	v7 =	vmax.f32 v2, v7;
	v6 =	vld [tilespmem:s16+$0x1B90F]  }
0x58e: {  	s30 =	sadd.s32 $0x40, s30;
	v2 =	vld [tilespmem:s31+$0x4000];
	v7 =	vmax.f32 v7, v9  }
0x58f: {  	v8 =	vld [tilespmem:s31+$0xC080];
	v3 =	vmax.f32 v7, v3  }
0x590: {  	v27 =	vld [tilespmem:s31+$0x14100];
	v3 =	vmax.f32 v3, v4  }
0x591: {  	v28 =	vld [tilespmem:s31+$0x4801];
	v3 =	vmax.f32 v3, v5  }
0x592: {  	v29 =	vld [tilespmem:s31+$0xC881];
	v3 =	vmax.f32 v3, v6  }
0x593: {  	v30 =	vld [tilespmem:s31+$0x14901];
	[tilespmem:s16+$0x1C180] =	vst v3  }
0x594: {  	v2 =	vmax.f32 v2, v8;
	v3 =	vld [tilespmem:s31+$0x5002]  }
0x595: {  	v31 =	vld [tilespmem:s31+$0xD082];
	v2 =	vmax.f32 v2, v27  }
0x596: {  	v32 =	vld [tilespmem:s31+$0x15102];
	v2 =	vmax.f32 v2, v28  }
0x597: {  	v33 =	vld [tilespmem:s31+$0x5803];
	v2 =	vmax.f32 v2, v29  }
0x598: {  	v34 =	vld [tilespmem:s31+$0xD883];
	v2 =	vmax.f32 v2, v30  }
0x599: {  	v2 =	vmax.f32 v2, v3;
	v3 =	vld [tilespmem:s31+$0x15903]  }
0x59a: {  	v35 =	vld [tilespmem:s31+$0x6004];
	v2 =	vmax.f32 v2, v31  }
0x59b: {  	v36 =	vld [tilespmem:s31+$0xE084];
	v2 =	vmax.f32 v2, v32  }
0x59c: {  	v37 =	vld [tilespmem:s31+$0x16104];
	v2 =	vmax.f32 v2, v33  }
0x59d: {  	v38 =	vld [tilespmem:s31+$0x6805];
	v2 =	vmax.f32 v2, v34  }
0x59e: {  	v2 =	vmax.f32 v2, v3;
	v3 =	vld [tilespmem:s31+$0xE885]  }
0x59f: {  	v39 =	vld [tilespmem:s31+$0x16905];
	v2 =	vmax.f32 v2, v35  }
0x5a0: {  	v40 =	vld [tilespmem:s31+$0x7006];
	v2 =	vmax.f32 v2, v36  }
0x5a1: {  	v41 =	vld [tilespmem:s31+$0xF086];
	v2 =	vmax.f32 v2, v37  }
0x5a2: {  	v42 =	vld [tilespmem:s31+$0x17106];
	v2 =	vmax.f32 v2, v38  }
0x5a3: {  	v2 =	vmax.f32 v2, v3;
	v3 =	vld [tilespmem:s31+$0x7807]  }
0x5a4: {  	v43 =	vld [tilespmem:s31+$0xF887];
	v2 =	vmax.f32 v2, v39  }
0x5a5: {  	v44 =	vld [tilespmem:s31+$0x17907];
	v2 =	vmax.f32 v2, v40  }
0x5a6: {  	v45 =	vld [tilespmem:s31+$0x8008];
	v2 =	vmax.f32 v2, v41  }
0x5a7: {  	v46 =	vld [tilespmem:s31+$0x10088];
	v2 =	vmax.f32 v2, v42  }
0x5a8: {  	v2 =	vmax.f32 v2, v3;
	v3 =	vld [tilespmem:s31+$0x18108]  }
0x5a9: {  	v47 =	vld [tilespmem:s31+$0x8809];
	v2 =	vmax.f32 v2, v43  }
0x5aa: {  	v48 =	vld [tilespmem:s31+$0x10889];
	v2 =	vmax.f32 v2, v44  }
0x5ab: {  	v49 =	vld [tilespmem:s31+$0x18909];
	v2 =	vmax.f32 v2, v45  }
0x5ac: {  	v50 =	vld [tilespmem:s31+$0x900A];
	v2 =	vmax.f32 v2, v46  }
0x5ad: {  	v2 =	vmax.f32 v2, v3;
	v3 =	vld [tilespmem:s31+$0x1108A]  }
0x5ae: {  	v51 =	vld [tilespmem:s31+$0x1910A];
	v2 =	vmax.f32 v2, v47  }
0x5af: {  	v52 =	vld [tilespmem:s31+$0x980B];
	v2 =	vmax.f32 v2, v48  }
0x5b0: {  	v53 =	vld [tilespmem:s31+$0x1188B];
	v2 =	vmax.f32 v2, v49  }
0x5b1: {  	v54 =	vld [tilespmem:s31+$0x1990B];
	v2 =	vmax.f32 v2, v50  }
0x5b2: {  	v2 =	vmax.f32 v2, v3;
	v3 =	vld [tilespmem:s31+$0xA00C]  }
0x5b3: {  	v55 =	vld [tilespmem:s31+$0x1208C];
	v2 =	vmax.f32 v2, v51  }
0x5b4: {  	v56 =	vld [tilespmem:s31+$0x1A10C];
	v2 =	vmax.f32 v2, v52  }
0x5b5: {  	v57 =	vld [tilespmem:s31+$0xA80D];
	v2 =	vmax.f32 v2, v53  }
0x5b6: {  	v58 =	vld [tilespmem:s31+$0x1288D];
	v2 =	vmax.f32 v2, v54  }
0x5b7: {  	v2 =	vmax.f32 v2, v3;
	v3 =	vld [tilespmem:s31+$0x1A90D]  }
0x5b8: {  	v59 =	vld [tilespmem:s31+$0xB00E];
	v2 =	vmax.f32 v2, v55  }
0x5b9: {  	v60 =	vld [tilespmem:s31+$0x1308E];
	v2 =	vmax.f32 v2, v56  }
0x5ba: {  	v61 =	vld [tilespmem:s31+$0x1B10E];
	v2 =	vmax.f32 v2, v57  }
0x5bb: {  	v62 =	vld [tilespmem:s31+$0xB80F];
	v2 =	vmax.f32 v2, v58  }
0x5bc: {  	v2 =	vmax.f32 v2, v3;
	v3 =	vld [tilespmem:s31+$0x1388F]  }
0x5bd: {  	v63 =	vld [tilespmem:s31+$0x1B90F];
	v2 =	vmax.f32 v2, v59  }
0x5be: {  	v2 =	vmax.f32 v2, v60  }
0x5bf: {  	v2 =	vmax.f32 v2, v61  }
0x5c0: {  	v2 =	vmax.f32 v2, v62  }
0x5c1: {  	v2 =	vmax.f32 v2, v3  }
0x5c2: {  	s11 =	rddreg [dreg:$0x12];
	s12 =	simm.s32 $0x80;
	s14 =	simm.s32 $0x100;
	v2 =	vmax.f32 v2, v63  }
.Ltmp53:
0x5c3: {  	s15 =	simm.s32 $0x1C180;
	[tilespmem:s31+$0x1C180] =	vst v2;
	s31 =	simm.s32 $0x3;
	(pc) =	sbr.rel .LBB2_98-.Ltmp53, $4  }
0x5c4: {  	[hbm4b:s11+s12] =	stream.strided.scatter [tilespmem:s15], [sflag:$0x3], $0x800, s14, s12, $0x38;
	[tilespmem:$0x1C980] =	vst v63  }
0x5c5: {  	_ =	swait.ge [sflag:s31], $0x800  }
0x5c6: {  	[sflag:s31] =	ssyncset.done $0x0  }
0x5c7: {  	s12 =	rddreg [dreg:$0x14];
	[sflag:s31] =	ssyncadd.s32 $0xFFFFF800  }
.LBB2_99:
0x5c8: {  	_ =	sfence.sel $0x180000  }
0x5c9: {  	[bflag:$0x0] =	sbarrier.arrive $0xFFFF  }
0x5ca: {  	_ =	strace $0x90000047  }
0x5cb: {  	s0 =	stileid.u32;
	[bflag:$0x2] =	sbarrier.arrive $0xFFFF  }
0x5cc: {  	p0 =	sne.s32 s0, $0x0;
	s0 =	rddreg [dreg:$0x1]  }
0x5cd: {  	s0 =	sadd.s32 @!p0 $0x100000, s0  }
0x5ce: {  	[sflag:s0] =	ssyncadd.tile.s32 @!p0 $0x1;
	_ =	shalt  }
.Lfunc_end2:
_tile_overlayer_lowered:
.L_overlay_start_2:
0x5cf: {  	(tag) =	ssettag $0x2  }
0x5d0: {  	s0 =	rddreg [dreg:$0x0];
	s2 =	stileid.u32  }
0x5d1: {  	s1 =	rddreg [dreg:$0x1];
	p0 =	sne.s32 s2, $0x0  }
0x5d2: {  	s3 =	rddreg [dreg:$0x2];
	[bflag:$0x3] =	sbarrier.arrive $0xFFFF;
	s2 =	simm.s32 @!p0 $0x1C03  }
0x5d3: {  	[timem:s3], [sflag:s2] =	dma.local @!p0 [hbm:s0], s1  }
0x5d4: {  	s0 =	simm.s32 @!p0 $0x3  }
0x5d5: {  	_ =	swait.ge @!p0 [sflag:s0], s1  }
0x5d6: {  	s1 =	ssub.s32 @!p0 $0x0, s1;
	[sflag:s0] =	ssyncset.done @!p0 $0x0  }
0x5d7: {  	[sflag:s0] =	ssyncadd.s32 @!p0 s1  }
0x5d8: {  	[bflag:$0x3] =	sbarrier.arrive $0xFFFF  }
0x5d9: {  	_ =	shalt  }

</sc_bundles>
